<compile_context>
chip_gen: v7x
topology: tpu7x:2x2x1
jax: 0.10.2.dev20260603
libtpu: 0.0.44.dev20260713+nightly
codegen_flags: <defaults>
</compile_context>

<pallas_src>
import functools

import jax
import jax.numpy as jnp
from jax import lax
from jax.experimental import pallas as pl
from jax.experimental.pallas import tpu as pltpu
from jax.experimental.pallas import tpu_sc as plsc


def _splat(vreg, lane):
    return jnp.broadcast_to(lax.slice(vreg, (lane,), (lane + 1,)), (16,))


def _sc_body(V, D, H, x_hbm, emb_hbm, w1_hbm, b1_hbm, w2_hbm, b2_hbm,
             out_hbm, idx_v, rows_v, ec_v, w1c_v, b1c_v, hpub_v, h_v,
             w2c_v, b2c_v, out_v, ec_sh, h_sh, sem, sem2):
    cid = lax.axis_index("c")
    sid = lax.axis_index("s")
    on_core0 = cid == 0
    it = lax.iota(jnp.int32, 16)
    n_o = V // 16 + 1

    @pl.when(on_core0 & (sid < n_o))
    def _prefetch():
        pltpu.make_async_copy(
            w2_hbm.at[pl.ds(sid * 16 * H, 16 * H)], w2c_v, sem2).start()

    @pl.when(on_core0 & (sid == 0))
    def _gather():
        idx_v[...] = jnp.zeros((16,), jnp.int32)
        pltpu.sync_copy(x_hbm, idx_v.at[pl.ds(0, 2)])
        pltpu.async_copy(emb_hbm.at[idx_v], rows_v, sem).wait()
        pltpu.sync_copy(rows_v.at[pl.ds(0, 2)], ec_sh)

    plsc.subcore_barrier()

    def _h_chunk(c):
        pltpu.sync_copy(w1_hbm.at[pl.ds(c * 16 * 2 * D, 16 * 2 * D)], w1c_v)
        pltpu.sync_copy(b1_hbm.at[pl.ds(c * 16, 16)], b1c_v)
        ec = [(ec_v[r, pl.ds(0, 16)], ec_v[r, pl.ds(D - 16, 16)])
              for r in range(2)]
        acc = b1c_v[...]
        for k in range(2 * D):
            r, d = k // D, k % D
            if d < 16:
                s = _splat(ec[r][0], d)
            else:
                s = _splat(ec[r][1], d - (D - 16))
            acc = acc + s * w1c_v[pl.ds(k * 16, 16)]
        acc = jnp.maximum(acc, 0.0)
        acc = jnp.where(it < H - c * 16, acc, 0.0)
        hpub_v[...] = acc
        pltpu.sync_copy(hpub_v, h_sh.at[pl.ds(c * 16, 16)])

    @pl.when(on_core0)
    def _stage1():
        pltpu.sync_copy(ec_sh, ec_v)
        _h_chunk(sid)

        @pl.when(sid < (H + 15) // 16 - 16)
        def _round2():
            _h_chunk(sid + 16)

    plsc.subcore_barrier()

    @pl.when(on_core0 & (sid < n_o))
    def _stage2():
        pltpu.sync_copy(h_sh, h_v)
        pltpu.sync_copy(b2_hbm.at[pl.ds(sid * 16, 16)], b2c_v)
        pltpu.make_async_copy(
            w2_hbm.at[pl.ds(sid * 16 * H, 16 * H)], w2c_v, sem2).wait()
        hq = [h_v[pl.ds(q * 16, 16)] for q in range((H + 15) // 16)]
        acc = b2c_v[...]
        for j in range(H):
            s = _splat(hq[j // 16], j % 16)
            acc = acc + s * w2c_v[pl.ds(j * 16, 16)]
        out_v[...] = acc
        pltpu.sync_copy(out_v, out_hbm.at[pl.ds(sid * 16, 16)])


def kernel(x, embed, W1, b1, W2, b2):
    V, D = embed.shape
    H = W1.shape[0]
    n_h = (H + 15) // 16
    n_o = (V + 15) // 16
    Hp, Vp = n_h * 16, n_o * 16
    embp = jnp.pad(embed, ((0, 0), (0, 128 - D)))
    w1f = jnp.pad(W1, ((0, Hp - H), (0, 0))).reshape(n_h, 16, 2 * D)
    w1f = w1f.transpose(0, 2, 1).reshape(-1)
    w2f = jnp.pad(W2, ((0, Vp - V), (0, 0))).reshape(n_o, 16, H)
    w2f = w2f.transpose(0, 2, 1).reshape(-1)
    b1f = jnp.pad(b1, (0, Hp - H))
    b2f = jnp.pad(b2, (0, Vp - V))

    mesh = plsc.VectorSubcoreMesh(core_axis_name="c", subcore_axis_name="s")
    body = functools.partial(_sc_body, V, D, H)
    k = pl.kernel(
        body,
        mesh=mesh,
        out_type=jax.ShapeDtypeStruct((Vp,), jnp.float32),
        scratch_types=[
            pltpu.VMEM((16,), jnp.int32),
            pltpu.VMEM((16, 128), jnp.float32),
            pltpu.VMEM((2, 128), jnp.float32),
            pltpu.VMEM((16 * 2 * D,), jnp.float32),
            pltpu.VMEM((16,), jnp.float32),
            pltpu.VMEM((16,), jnp.float32),
            pltpu.VMEM((Hp,), jnp.float32),
            pltpu.VMEM((16 * H,), jnp.float32),
            pltpu.VMEM((16,), jnp.float32),
            pltpu.VMEM((16,), jnp.float32),
            pltpu.VMEM_SHARED((2, 128), jnp.float32),
            pltpu.VMEM_SHARED((Hp,), jnp.float32),
            pltpu.SemaphoreType.DMA,
            pltpu.SemaphoreType.DMA,
        ],
    )
    out = k(x.astype(jnp.int32), embp, w1f, b1f, w2f, b2f)
    return out[:V].reshape(1, V)

# --- scband reference (transcript-rebuilt; emitter-appended) ---
"""Pipeline reference for scband-ngram-24558622999203 (READ-ONLY COPY).

The authoritative reference and input builder live on the scoring server;
editing this copy changes nothing except your own understanding.
"""

import jax, jax.numpy as jnp
import numpy as np

TEXT = 'In my dual profession as an educator and health care provider, I have worked with numerous children infected with the virus that causes AIDS. The relationships that I have had with these special kids have been gifts in my life. They have taught me so many things, but I have especially learned that great courage can be found in the smallest of packages. Let me tell you about Tyler.\n\nTyler was born infected with HIV: his mother was also infected. From the very beginning of his life, he was dependent on medications to enable him to survive. When he was five, he had a tube surgically inserted in a vein in his chest. This tube was connected to a pump, which he carried in a small backpack on his back. Medications were hooked up to this pump and were continuously supplied through this tube to his bloodstream. At times, he also needed supplemented oxygen to support his breathing.\n\nTyler wasn\u2019t willing to give up one single moment of his childhood to this deadly disease. It was not unusual to find him playing and racing around his backyard, wearing his medicine-laden backpack and dragging his tank of oxygen behind him in his little wagon. All of us who knew Tyler marveled at his pure joy in being alive and the energy it gave him. Tyler\u2019s mom often teased him by telling him that he moved so fast she needed to dress him in red. That way, when she peered through the window to check on him playing in the yard, she could quickly spot him.\n\nThis dreaded disease eventually wore down even the likes of a little dynamo like Tyler. He grew quite ill and, unfortunately, so did his HIV-infected mother. When it became apparent that he wasn\u2019t going to survive, Tyler\u2019s mom talked to him about death. She comforted him by telling Tyler that she was dying too, and that she would be with him soon in heaven.\n\nA few days before his death, Tyler beckoned me over to his hospital bed and whispered, \u201cI might die soon. I\u2019m not scared. When I die, please dress me in red. Mom promised she\u2019s coming to heaven, too. I\u2019ll be playing when she gets there, and I want to make sure she can find me.\u201d'
VOCB_SIZE = len(set(TEXT.split()))
EMBEDDING_DIM = 20
CONTEXT_SIZE = 2

def setup_inputs(seed: int = 0) -> dict:
    key = jax.random.key(seed)
    ks = jax.random.split(key, 6)
    x = jax.random.randint(ks[0], (CONTEXT_SIZE,), 0, 100)
    embed = jax.random.normal(ks[1], (VOCB_SIZE, EMBEDDING_DIM), dtype=jnp.float32)
    W1 = jax.random.normal(ks[2], (300, CONTEXT_SIZE * EMBEDDING_DIM), dtype=jnp.float32) * 0.05
    b1 = jnp.zeros((300,), dtype=jnp.float32)
    W2 = jax.random.normal(ks[3], (VOCB_SIZE, 300), dtype=jnp.float32) * 0.05
    b2 = jnp.zeros((VOCB_SIZE,), dtype=jnp.float32)
    return {"x": x, "embed": embed, "W1": W1, "b1": b1, "W2": W2, "b2": b2}

def reference(x, embed, W1, b1, W2, b2):
    # nn.Embedding lookup -> gather
    e = jnp.take(embed, x, axis=0)            # [CONTEXT_SIZE, EMBEDDING_DIM]
    h = e.reshape(1, -1)                       # [1, CONTEXT_SIZE*EMBEDDING_DIM]
    # dropout is identity in eval mode
    h = h @ W1.T + b1
    h = jnp.maximum(h, 0.0)
    out = h @ W2.T + b2                        # [1, VOCB_SIZE]
    return out

if __name__ == "__main__":
    import jax
    _d = setup_inputs()
    print(jax.jit(kernel)(*tuple(_d.values())))

</pallas_src>

<mosaic_0001>
#map = affine_map<(d0, d1) -> (0)>
#map1 = affine_map<(d0, d1) -> (0, 0)>
module attributes {stable_mosaic.version = 14 : i64} {
  func.func @_sc_body(%arg0: i32, %arg1: i32, %arg2: memref<2xi32, #tpu.memory_space<hbm>>, %arg3: memref<229x128xf32, #tpu.memory_space<hbm>>, %arg4: memref<12160xf32, #tpu.memory_space<hbm>>, %arg5: memref<304xf32, #tpu.memory_space<hbm>>, %arg6: memref<72000xf32, #tpu.memory_space<hbm>>, %arg7: memref<240xf32, #tpu.memory_space<hbm>>, %arg8: memref<240xf32, #tpu.memory_space<hbm>>, %arg9: memref<16xi32, #tpu.memory_space<vmem>>, %arg10: memref<16x128xf32, #tpu.memory_space<vmem>>, %arg11: memref<2x128xf32, #tpu.memory_space<vmem>>, %arg12: memref<640xf32, #tpu.memory_space<vmem>>, %arg13: memref<16xf32, #tpu.memory_space<vmem>>, %arg14: memref<16xf32, #tpu.memory_space<vmem>>, %arg15: memref<304xf32, #tpu.memory_space<vmem>>, %arg16: memref<4800xf32, #tpu.memory_space<vmem>>, %arg17: memref<16xf32, #tpu.memory_space<vmem>>, %arg18: memref<16xf32, #tpu.memory_space<vmem>>, %arg19: memref<2x128xf32, #tpu.memory_space<vmem_shared>>, %arg20: memref<304xf32, #tpu.memory_space<vmem_shared>>, %arg21: memref<!tpu.dma_semaphore, #tpu.memory_space<semaphore_mem>>, %arg22: memref<!tpu.dma_semaphore, #tpu.memory_space<semaphore_mem>>) attributes {dimension_semantics = [#tpu.dimension_semantics<core_parallel>, #tpu.dimension_semantics<subcore_parallel>], iteration_bounds = array<i64: 2, 16>, scalar_prefetch = 0 : i64, scratch_operands = 14 : i64, tpu.core_type = #tpu.core_type<sc_vector_subcore>, window_params = [{transform_indices = #map}, {transform_indices = #map1}, {transform_indices = #map}, {transform_indices = #map}, {transform_indices = #map}, {transform_indices = #map}, {transform_indices = #map}]} {
    %eq3A = arith.constant 0 : i32
    %eq3A_0 = arith.cmpi eq, %arg0, %eq3A : i32
    %iota3A = tpu.iota {dimensions = array<i32: 0>} : vector<16xi32>
    %lt3A = arith.constant 15 : i32
    %lt3A_1 = arith.cmpi slt, %arg1, %lt3A : i32
    %and3A = arith.andi %eq3A_0, %lt3A_1 : i1
    %convert_element_type3A = arith.extui %and3A : i1 to i32
    %cond3A = arith.constant 0 : i32
    %cond3A_2 = arith.cmpi ne, %convert_element_type3A, %cond3A : i32
    scf.if %cond3A_2 {
      %mul3A = arith.constant 16 : i32
      %mul3A_19 = arith.muli %arg1, %mul3A : i32
      %mul3A_20 = arith.constant 300 : i32
      %mul3A_21 = arith.muli %mul3A_19, %mul3A_20 : i32
      %dma_start3A = tpu.memref_slice %arg6[%mul3A_21] : memref<72000xf32, #tpu.memory_space<hbm>> -> memref<4800xf32, #tpu.memory_space<hbm>>
      %dma_start3A_22 = tpu.memref_slice %arg6[%mul3A_21] : memref<72000xf32, #tpu.memory_space<hbm>> -> memref<4800xf32, #tpu.memory_space<hbm>>
      tpu.enqueue_dma source(%dma_start3A_22 : memref<4800xf32, #tpu.memory_space<hbm>>) target(%arg16 : memref<4800xf32, #tpu.memory_space<vmem>>) target_semaphore(%arg22 : memref<!tpu.dma_semaphore, #tpu.memory_space<semaphore_mem>>)
    } else {
    }
    %eq3A_3 = arith.constant 0 : i32
    %eq3A_4 = arith.cmpi eq, %arg1, %eq3A_3 : i32
    %and3A_5 = arith.andi %eq3A_0, %eq3A_4 : i1
    %convert_element_type3A_6 = arith.extui %and3A_5 : i1 to i32
    %cond3A_7 = arith.constant 0 : i32
    %cond3A_8 = arith.cmpi ne, %convert_element_type3A_6, %cond3A_7 : i32
    scf.if %cond3A_8 {
      %broadcast_in_dim3A = arith.constant 0 : i32
      %broadcast_in_dim3A_19 = vector.broadcast %broadcast_in_dim3A : i32 to vector<16xi32>
      %swap3A = arith.constant 0 : index
      %swap3A_20 = tpu.vector_load %arg9[%swap3A] {strides = array<i32>} : memref<16xi32, #tpu.memory_space<vmem>>, vector<16xi32>,
      %swap3A_21 = vector.shape_cast %swap3A_20 : vector<16xi32> to vector<16xi32>
      %swap3A_22 = vector.shape_cast %broadcast_in_dim3A_19 : vector<16xi32> to vector<16xi32>
      tpu.vector_store %arg9[%swap3A], %swap3A_22 {strides = array<i32>} : memref<16xi32, #tpu.memory_space<vmem>>, vector<16xi32>,
      "tpu.region"() ({
        %run_scoped3A = tpu.sem_alloc : memref<!tpu.dma_semaphore, #tpu.memory_space<semaphore_mem>>
        %dma_start3A_27 = arith.constant 0 : i32
        %dma_start3A_28 = tpu.memref_slice %arg9[%dma_start3A_27] : memref<16xi32, #tpu.memory_space<vmem>> -> memref<2xi32, #tpu.memory_space<vmem>>
        %dma_start3A_29 = arith.constant 0 : i32
        %dma_start3A_30 = tpu.memref_slice %arg9[%dma_start3A_29] : memref<16xi32, #tpu.memory_space<vmem>> -> memref<2xi32, #tpu.memory_space<vmem>>
        tpu.enqueue_dma source(%arg2 : memref<2xi32, #tpu.memory_space<hbm>>) target(%dma_start3A_30 : memref<2xi32, #tpu.memory_space<vmem>>) target_semaphore(%run_scoped3A : memref<!tpu.dma_semaphore, #tpu.memory_space<semaphore_mem>>)
        %dma_wait3A_31 = arith.constant 0 : i32
        %dma_wait3A_32 = tpu.memref_slice %arg9[%dma_wait3A_31] : memref<16xi32, #tpu.memory_space<vmem>> -> memref<2xi32, #tpu.memory_space<vmem>>
        %dma_wait3A_33 = arith.constant 0 : i32
        %dma_wait3A_34 = tpu.memref_slice %arg9[%dma_wait3A_33] : memref<16xi32, #tpu.memory_space<vmem>> -> memref<2xi32, #tpu.memory_space<vmem>>
        tpu.wait_dma2 semaphore(%run_scoped3A : memref<!tpu.dma_semaphore, #tpu.memory_space<semaphore_mem>>) src(%arg2 : memref<2xi32, #tpu.memory_space<hbm>>) dst(%dma_wait3A_34 : memref<2xi32, #tpu.memory_space<vmem>>)
        tpu.yield
      }) : () -> ()
      %dma_start3A = arith.constant 0 : i32
      %dma_start3A_23 = arith.constant 0 : i32
      %dma_start3A_24 = tpu.memref_slice %arg3[%dma_start3A, %dma_start3A_23] : memref<229x128xf32, #tpu.memory_space<hbm>> -> memref<229x128xf32, #tpu.memory_space<hbm>>
      tpu.enqueue_indirect_dma source(%dma_start3A_24 : memref<229x128xf32, #tpu.memory_space<hbm>>) target(%arg10 : memref<16x128xf32, #tpu.memory_space<vmem>>) offsets(%arg9 : memref<16xi32, #tpu.memory_space<vmem>>) semaphore(%arg21 : memref<!tpu.dma_semaphore, #tpu.memory_space<semaphore_mem>>)
      %dma_wait3A = arith.constant 0 : i32
      %dma_wait3A_25 = arith.constant 0 : i32
      %dma_wait3A_26 = tpu.memref_slice %arg3[%dma_wait3A, %dma_wait3A_25] : memref<229x128xf32, #tpu.memory_space<hbm>> -> memref<229x128xf32, #tpu.memory_space<hbm>>
      tpu.wait_indirect_dma semaphore(%arg21 : memref<!tpu.dma_semaphore, #tpu.memory_space<semaphore_mem>>) src(%dma_wait3A_26 : memref<229x128xf32, #tpu.memory_space<hbm>>) dst(%arg10 : memref<16x128xf32, #tpu.memory_space<vmem>>)
      "tpu.region"() ({
        %run_scoped3A = tpu.sem_alloc : memref<!tpu.dma_semaphore, #tpu.memory_space<semaphore_mem>>
        %dma_start3A_27 = arith.constant 0 : i32
        %dma_start3A_28 = arith.constant 0 : i32
        %dma_start3A_29 = tpu.memref_slice %arg10[%dma_start3A_27, %dma_start3A_28] : memref<16x128xf32, #tpu.memory_space<vmem>> -> memref<2x128xf32, #tpu.memory_space<vmem>>
        %dma_start3A_30 = arith.constant 0 : i32
        %dma_start3A_31 = arith.constant 0 : i32
        %dma_start3A_32 = tpu.memref_slice %arg10[%dma_start3A_30, %dma_start3A_31] : memref<16x128xf32, #tpu.memory_space<vmem>> -> memref<2x128xf32, #tpu.memory_space<vmem>>
        tpu.enqueue_dma source(%dma_start3A_32 : memref<2x128xf32, #tpu.memory_space<vmem>>) target(%arg19 : memref<2x128xf32, #tpu.memory_space<vmem_shared>>) target_semaphore(%run_scoped3A : memref<!tpu.dma_semaphore, #tpu.memory_space<semaphore_mem>>)
        %dma_wait3A_33 = arith.constant 0 : i32
        %dma_wait3A_34 = arith.constant 0 : i32
        %dma_wait3A_35 = tpu.memref_slice %arg10[%dma_wait3A_33, %dma_wait3A_34] : memref<16x128xf32, #tpu.memory_space<vmem>> -> memref<2x128xf32, #tpu.memory_space<vmem>>
        %dma_wait3A_36 = arith.constant 0 : i32
        %dma_wait3A_37 = arith.constant 0 : i32
        %dma_wait3A_38 = tpu.memref_slice %arg10[%dma_wait3A_36, %dma_wait3A_37] : memref<16x128xf32, #tpu.memory_space<vmem>> -> memref<2x128xf32, #tpu.memory_space<vmem>>
        tpu.wait_dma2 semaphore(%run_scoped3A : memref<!tpu.dma_semaphore, #tpu.memory_space<semaphore_mem>>) src(%dma_wait3A_38 : memref<2x128xf32, #tpu.memory_space<vmem>>) dst(%arg19 : memref<2x128xf32, #tpu.memory_space<vmem_shared>>)
        tpu.yield
      }) : () -> ()
    } else {
    }
    %barrier3A = arith.constant 0 : index
    tpu.barrier barrier_id(%barrier3A)
    %convert_element_type3A_9 = arith.extui %eq3A_0 : i1 to i32
    %cond3A_10 = arith.constant 0 : i32
    %cond3A_11 = arith.cmpi ne, %convert_element_type3A_9, %cond3A_10 : i32
    scf.if %cond3A_11 {
      "tpu.region"() ({
        %run_scoped3A = tpu.sem_alloc : memref<!tpu.dma_semaphore, #tpu.memory_space<semaphore_mem>>
        tpu.enqueue_dma source(%arg19 : memref<2x128xf32, #tpu.memory_space<vmem_shared>>) target(%arg11 : memref<2x128xf32, #tpu.memory_space<vmem>>) target_semaphore(%run_scoped3A : memref<!tpu.dma_semaphore, #tpu.memory_space<semaphore_mem>>)
        tpu.wait_dma2 semaphore(%run_scoped3A : memref<!tpu.dma_semaphore, #tpu.memory_space<semaphore_mem>>) src(%arg19 : memref<2x128xf32, #tpu.memory_space<vmem_shared>>) dst(%arg11 : memref<2x128xf32, #tpu.memory_space<vmem>>)
        tpu.yield
      }) : () -> ()
      %mul3A = arith.constant 16 : i32
      %mul3A_19 = arith.muli %arg1, %mul3A : i32
      %mul3A_20 = arith.constant 2 : i32
      %mul3A_21 = arith.muli %mul3A_19, %mul3A_20 : i32
      %mul3A_22 = arith.constant 20 : i32
      %mul3A_23 = arith.muli %mul3A_21, %mul3A_22 : i32
      "tpu.region"() ({
        %run_scoped3A = tpu.sem_alloc : memref<!tpu.dma_semaphore, #tpu.memory_space<semaphore_mem>>
        %dma_start3A = tpu.memref_slice %arg4[%mul3A_23] : memref<12160xf32, #tpu.memory_space<hbm>> -> memref<640xf32, #tpu.memory_space<hbm>>
        %dma_start3A_383 = tpu.memref_slice %arg4[%mul3A_23] : memref<12160xf32, #tpu.memory_space<hbm>> -> memref<640xf32, #tpu.memory_space<hbm>>
        tpu.enqueue_dma source(%dma_start3A_383 : memref<640xf32, #tpu.memory_space<hbm>>) target(%arg12 : memref<640xf32, #tpu.memory_space<vmem>>) target_semaphore(%run_scoped3A : memref<!tpu.dma_semaphore, #tpu.memory_space<semaphore_mem>>)
        %dma_wait3A = tpu.memref_slice %arg4[%mul3A_23] : memref<12160xf32, #tpu.memory_space<hbm>> -> memref<640xf32, #tpu.memory_space<hbm>>
        %dma_wait3A_384 = tpu.memref_slice %arg4[%mul3A_23] : memref<12160xf32, #tpu.memory_space<hbm>> -> memref<640xf32, #tpu.memory_space<hbm>>
        tpu.wait_dma2 semaphore(%run_scoped3A : memref<!tpu.dma_semaphore, #tpu.memory_space<semaphore_mem>>) src(%dma_wait3A_384 : memref<640xf32, #tpu.memory_space<hbm>>) dst(%arg12 : memref<640xf32, #tpu.memory_space<vmem>>)
        tpu.yield
      }) : () -> ()
      %mul3A_24 = arith.constant 16 : i32
      %mul3A_25 = arith.muli %arg1, %mul3A_24 : i32
      "tpu.region"() ({
        %run_scoped3A = tpu.sem_alloc : memref<!tpu.dma_semaphore, #tpu.memory_space<semaphore_mem>>
        %dma_start3A = tpu.memref_slice %arg5[%mul3A_25] : memref<304xf32, #tpu.memory_space<hbm>> -> memref<16xf32, #tpu.memory_space<hbm>>
        %dma_start3A_383 = tpu.memref_slice %arg5[%mul3A_25] : memref<304xf32, #tpu.memory_space<hbm>> -> memref<16xf32, #tpu.memory_space<hbm>>
        tpu.enqueue_dma source(%dma_start3A_383 : memref<16xf32, #tpu.memory_space<hbm>>) target(%arg13 : memref<16xf32, #tpu.memory_space<vmem>>) target_semaphore(%run_scoped3A : memref<!tpu.dma_semaphore, #tpu.memory_space<semaphore_mem>>)
        %dma_wait3A = tpu.memref_slice %arg5[%mul3A_25] : memref<304xf32, #tpu.memory_space<hbm>> -> memref<16xf32, #tpu.memory_space<hbm>>
        %dma_wait3A_384 = tpu.memref_slice %arg5[%mul3A_25] : memref<304xf32, #tpu.memory_space<hbm>> -> memref<16xf32, #tpu.memory_space<hbm>>
        tpu.wait_dma2 semaphore(%run_scoped3A : memref<!tpu.dma_semaphore, #tpu.memory_space<semaphore_mem>>) src(%dma_wait3A_384 : memref<16xf32, #tpu.memory_space<hbm>>) dst(%arg13 : memref<16xf32, #tpu.memory_space<vmem>>)
        tpu.yield
      }) : () -> ()
      %get3A = arith.constant 0 : i32
      %get3A_26 = arith.index_cast %get3A : i32 to index
      %get3A_27 = arith.constant 0 : index
      %get3A_28 = tpu.vector_load %arg11[%get3A_26, %get3A_27] {strides = array<i32>} : memref<2x128xf32, #tpu.memory_space<vmem>>, vector<1x16xf32>,
      %get3A_29 = vector.shape_cast %get3A_28 : vector<1x16xf32> to vector<16xf32>
      %get3A_30 = arith.constant 0 : i32
      %get3A_31 = arith.index_cast %get3A_30 : i32 to index
      %get3A_32 = arith.constant 4 : index
      %get3A_33 = tpu.vector_load %arg11[%get3A_31, %get3A_32] {strides = array<i32>} : memref<2x128xf32, #tpu.memory_space<vmem>>, vector<1x16xf32>,
      %get3A_34 = vector.shape_cast %get3A_33 : vector<1x16xf32> to vector<16xf32>
      %get3A_35 = arith.constant 1 : i32
      %get3A_36 = arith.index_cast %get3A_35 : i32 to index
      %get3A_37 = arith.constant 0 : index
      %get3A_38 = tpu.vector_load %arg11[%get3A_36, %get3A_37] {strides = array<i32>} : memref<2x128xf32, #tpu.memory_space<vmem>>, vector<1x16xf32>,
      %get3A_39 = vector.shape_cast %get3A_38 : vector<1x16xf32> to vector<16xf32>
      %get3A_40 = arith.constant 1 : i32
      %get3A_41 = arith.index_cast %get3A_40 : i32 to index
      %get3A_42 = arith.constant 4 : index
      %get3A_43 = tpu.vector_load %arg11[%get3A_41, %get3A_42] {strides = array<i32>} : memref<2x128xf32, #tpu.memory_space<vmem>>, vector<1x16xf32>,
      %get3A_44 = vector.shape_cast %get3A_43 : vector<1x16xf32> to vector<16xf32>
      %get3A_45 = arith.constant 0 : index
      %get3A_46 = tpu.vector_load %arg13[%get3A_45] {strides = array<i32>} : memref<16xf32, #tpu.memory_space<vmem>>, vector<16xf32>,
      %get3A_47 = vector.shape_cast %get3A_46 : vector<16xf32> to vector<16xf32>
      %slice3A = vector.extract_strided_slice %get3A_29 {offsets = [0], sizes = [1], strides = [1]} : vector<16xf32> to vector<1xf32>
      %broadcast_in_dim3A = vector.shape_cast %slice3A : vector<1xf32> to vector<1xf32>
      %broadcast_in_dim3A_48 = vector.broadcast %broadcast_in_dim3A : vector<1xf32> to vector<16xf32>
      %get3A_49 = arith.constant 0 : index
      %get3A_50 = tpu.vector_load %arg12[%get3A_49] {strides = array<i32>} : memref<640xf32, #tpu.memory_space<vmem>>, vector<16xf32>,
      %get3A_51 = vector.shape_cast %get3A_50 : vector<16xf32> to vector<16xf32>
      %mul3A_52 = arith.mulf %broadcast_in_dim3A_48, %get3A_51 : vector<16xf32>
      %add3A = arith.addf %get3A_47, %mul3A_52 : vector<16xf32>
      %slice3A_53 = vector.extract_strided_slice %get3A_29 {offsets = [1], sizes = [1], strides = [1]} : vector<16xf32> to vector<1xf32>
      %broadcast_in_dim3A_54 = vector.shape_cast %slice3A_53 : vector<1xf32> to vector<1xf32>
      %broadcast_in_dim3A_55 = vector.broadcast %broadcast_in_dim3A_54 : vector<1xf32> to vector<16xf32>
      %get3A_56 = arith.constant 16 : index
      %get3A_57 = tpu.vector_load %arg12[%get3A_56] {strides = array<i32>} : memref<640xf32, #tpu.memory_space<vmem>>, vector<16xf32>,
      %get3A_58 = vector.shape_cast %get3A_57 : vector<16xf32> to vector<16xf32>
      %mul3A_59 = arith.mulf %broadcast_in_dim3A_55, %get3A_58 : vector<16xf32>
      %add3A_60 = arith.addf %add3A, %mul3A_59 : vector<16xf32>
      %slice3A_61 = vector.extract_strided_slice %get3A_29 {offsets = [2], sizes = [1], strides = [1]} : vector<16xf32> to vector<1xf32>
      %broadcast_in_dim3A_62 = vector.shape_cast %slice3A_61 : vector<1xf32> to vector<1xf32>
      %broadcast_in_dim3A_63 = vector.broadcast %broadcast_in_dim3A_62 : vector<1xf32> to vector<16xf32>
      %get3A_64 = arith.constant 32 : index
      %get3A_65 = tpu.vector_load %arg12[%get3A_64] {strides = array<i32>} : memref<640xf32, #tpu.memory_space<vmem>>, vector<16xf32>,
      %get3A_66 = vector.shape_cast %get3A_65 : vector<16xf32> to vector<16xf32>
      %mul3A_67 = arith.mulf %broadcast_in_dim3A_63, %get3A_66 : vector<16xf32>
      %add3A_68 = arith.addf %add3A_60, %mul3A_67 : vector<16xf32>
      %slice3A_69 = vector.extract_strided_slice %get3A_29 {offsets = [3], sizes = [1], strides = [1]} : vector<16xf32> to vector<1xf32>
      %broadcast_in_dim3A_70 = vector.shape_cast %slice3A_69 : vector<1xf32> to vector<1xf32>
      %broadcast_in_dim3A_71 = vector.broadcast %broadcast_in_dim3A_70 : vector<1xf32> to vector<16xf32>
      %get3A_72 = arith.constant 48 : index
      %get3A_73 = tpu.vector_load %arg12[%get3A_72] {strides = array<i32>} : memref<640xf32, #tpu.memory_space<vmem>>, vector<16xf32>,
      %get3A_74 = vector.shape_cast %get3A_73 : vector<16xf32> to vector<16xf32>
      %mul3A_75 = arith.mulf %broadcast_in_dim3A_71, %get3A_74 : vector<16xf32>
      %add3A_76 = arith.addf %add3A_68, %mul3A_75 : vector<16xf32>
      %slice3A_77 = vector.extract_strided_slice %get3A_29 {offsets = [4], sizes = [1], strides = [1]} : vector<16xf32> to vector<1xf32>
      %broadcast_in_dim3A_78 = vector.shape_cast %slice3A_77 : vector<1xf32> to vector<1xf32>
      %broadcast_in_dim3A_79 = vector.broadcast %broadcast_in_dim3A_78 : vector<1xf32> to vector<16xf32>
      %get3A_80 = arith.constant 64 : index
      %get3A_81 = tpu.vector_load %arg12[%get3A_80] {strides = array<i32>} : memref<640xf32, #tpu.memory_space<vmem>>, vector<16xf32>,
      %get3A_82 = vector.shape_cast %get3A_81 : vector<16xf32> to vector<16xf32>
      %mul3A_83 = arith.mulf %broadcast_in_dim3A_79, %get3A_82 : vector<16xf32>
      %add3A_84 = arith.addf %add3A_76, %mul3A_83 : vector<16xf32>
      %slice3A_85 = vector.extract_strided_slice %get3A_29 {offsets = [5], sizes = [1], strides = [1]} : vector<16xf32> to vector<1xf32>
      %broadcast_in_dim3A_86 = vector.shape_cast %slice3A_85 : vector<1xf32> to vector<1xf32>
      %broadcast_in_dim3A_87 = vector.broadcast %broadcast_in_dim3A_86 : vector<1xf32> to vector<16xf32>
      %get3A_88 = arith.constant 80 : index
      %get3A_89 = tpu.vector_load %arg12[%get3A_88] {strides = array<i32>} : memref<640xf32, #tpu.memory_space<vmem>>, vector<16xf32>,
      %get3A_90 = vector.shape_cast %get3A_89 : vector<16xf32> to vector<16xf32>
      %mul3A_91 = arith.mulf %broadcast_in_dim3A_87, %get3A_90 : vector<16xf32>
      %add3A_92 = arith.addf %add3A_84, %mul3A_91 : vector<16xf32>
      %slice3A_93 = vector.extract_strided_slice %get3A_29 {offsets = [6], sizes = [1], strides = [1]} : vector<16xf32> to vector<1xf32>
      %broadcast_in_dim3A_94 = vector.shape_cast %slice3A_93 : vector<1xf32> to vector<1xf32>
      %broadcast_in_dim3A_95 = vector.broadcast %broadcast_in_dim3A_94 : vector<1xf32> to vector<16xf32>
      %get3A_96 = arith.constant 96 : index
      %get3A_97 = tpu.vector_load %arg12[%get3A_96] {strides = array<i32>} : memref<640xf32, #tpu.memory_space<vmem>>, vector<16xf32>,
      %get3A_98 = vector.shape_cast %get3A_97 : vector<16xf32> to vector<16xf32>
      %mul3A_99 = arith.mulf %broadcast_in_dim3A_95, %get3A_98 : vector<16xf32>
      %add3A_100 = arith.addf %add3A_92, %mul3A_99 : vector<16xf32>
      %slice3A_101 = vector.extract_strided_slice %get3A_29 {offsets = [7], sizes = [1], strides = [1]} : vector<16xf32> to vector<1xf32>
      %broadcast_in_dim3A_102 = vector.shape_cast %slice3A_101 : vector<1xf32> to vector<1xf32>
      %broadcast_in_dim3A_103 = vector.broadcast %broadcast_in_dim3A_102 : vector<1xf32> to vector<16xf32>
      %get3A_104 = arith.constant 112 : index
      %get3A_105 = tpu.vector_load %arg12[%get3A_104] {strides = array<i32>} : memref<640xf32, #tpu.memory_space<vmem>>, vector<16xf32>,
      %get3A_106 = vector.shape_cast %get3A_105 : vector<16xf32> to vector<16xf32>
      %mul3A_107 = arith.mulf %broadcast_in_dim3A_103, %get3A_106 : vector<16xf32>
      %add3A_108 = arith.addf %add3A_100, %mul3A_107 : vector<16xf32>
      %slice3A_109 = vector.extract_strided_slice %get3A_29 {offsets = [8], sizes = [1], strides = [1]} : vector<16xf32> to vector<1xf32>
      %broadcast_in_dim3A_110 = vector.shape_cast %slice3A_109 : vector<1xf32> to vector<1xf32>
      %broadcast_in_dim3A_111 = vector.broadcast %broadcast_in_dim3A_110 : vector<1xf32> to vector<16xf32>
      %get3A_112 = arith.constant 128 : index
      %get3A_113 = tpu.vector_load %arg12[%get3A_112] {strides = array<i32>} : memref<640xf32, #tpu.memory_space<vmem>>, vector<16xf32>,
      %get3A_114 = vector.shape_cast %get3A_113 : vector<16xf32> to vector<16xf32>
      %mul3A_115 = arith.mulf %broadcast_in_dim3A_111, %get3A_114 : vector<16xf32>
      %add3A_116 = arith.addf %add3A_108, %mul3A_115 : vector<16xf32>
      %slice3A_117 = vector.extract_strided_slice %get3A_29 {offsets = [9], sizes = [1], strides = [1]} : vector<16xf32> to vector<1xf32>
      %broadcast_in_dim3A_118 = vector.shape_cast %slice3A_117 : vector<1xf32> to vector<1xf32>
      %broadcast_in_dim3A_119 = vector.broadcast %broadcast_in_dim3A_118 : vector<1xf32> to vector<16xf32>
      %get3A_120 = arith.constant 144 : index
      %get3A_121 = tpu.vector_load %arg12[%get3A_120] {strides = array<i32>} : memref<640xf32, #tpu.memory_space<vmem>>, vector<16xf32>,
      %get3A_122 = vector.shape_cast %get3A_121 : vector<16xf32> to vector<16xf32>
      %mul3A_123 = arith.mulf %broadcast_in_dim3A_119, %get3A_122 : vector<16xf32>
      %add3A_124 = arith.addf %add3A_116, %mul3A_123 : vector<16xf32>
      %slice3A_125 = vector.extract_strided_slice %get3A_29 {offsets = [10], sizes = [1], strides = [1]} : vector<16xf32> to vector<1xf32>
      %broadcast_in_dim3A_126 = vector.shape_cast %slice3A_125 : vector<1xf32> to vector<1xf32>
      %broadcast_in_dim3A_127 = vector.broadcast %broadcast_in_dim3A_126 : vector<1xf32> to vector<16xf32>
      %get3A_128 = arith.constant 160 : index
      %get3A_129 = tpu.vector_load %arg12[%get3A_128] {strides = array<i32>} : memref<640xf32, #tpu.memory_space<vmem>>, vector<16xf32>,
      %get3A_130 = vector.shape_cast %get3A_129 : vector<16xf32> to vector<16xf32>
      %mul3A_131 = arith.mulf %broadcast_in_dim3A_127, %get3A_130 : vector<16xf32>
      %add3A_132 = arith.addf %add3A_124, %mul3A_131 : vector<16xf32>
      %slice3A_133 = vector.extract_strided_slice %get3A_29 {offsets = [11], sizes = [1], strides = [1]} : vector<16xf32> to vector<1xf32>
      %broadcast_in_dim3A_134 = vector.shape_cast %slice3A_133 : vector<1xf32> to vector<1xf32>
      %broadcast_in_dim3A_135 = vector.broadcast %broadcast_in_dim3A_134 : vector<1xf32> to vector<16xf32>
      %get3A_136 = arith.constant 176 : index
      %get3A_137 = tpu.vector_load %arg12[%get3A_136] {strides = array<i32>} : memref<640xf32, #tpu.memory_space<vmem>>, vector<16xf32>,
      %get3A_138 = vector.shape_cast %get3A_137 : vector<16xf32> to vector<16xf32>
      %mul3A_139 = arith.mulf %broadcast_in_dim3A_135, %get3A_138 : vector<16xf32>
      %add3A_140 = arith.addf %add3A_132, %mul3A_139 : vector<16xf32>
      %slice3A_141 = vector.extract_strided_slice %get3A_29 {offsets = [12], sizes = [1], strides = [1]} : vector<16xf32> to vector<1xf32>
      %broadcast_in_dim3A_142 = vector.shape_cast %slice3A_141 : vector<1xf32> to vector<1xf32>
      %broadcast_in_dim3A_143 = vector.broadcast %broadcast_in_dim3A_142 : vector<1xf32> to vector<16xf32>
      %get3A_144 = arith.constant 192 : index
      %get3A_145 = tpu.vector_load %arg12[%get3A_144] {strides = array<i32>} : memref<640xf32, #tpu.memory_space<vmem>>, vector<16xf32>,
      %get3A_146 = vector.shape_cast %get3A_145 : vector<16xf32> to vector<16xf32>
      %mul3A_147 = arith.mulf %broadcast_in_dim3A_143, %get3A_146 : vector<16xf32>
      %add3A_148 = arith.addf %add3A_140, %mul3A_147 : vector<16xf32>
      %slice3A_149 = vector.extract_strided_slice %get3A_29 {offsets = [13], sizes = [1], strides = [1]} : vector<16xf32> to vector<1xf32>
      %broadcast_in_dim3A_150 = vector.shape_cast %slice3A_149 : vector<1xf32> to vector<1xf32>
      %broadcast_in_dim3A_151 = vector.broadcast %broadcast_in_dim3A_150 : vector<1xf32> to vector<16xf32>
      %get3A_152 = arith.constant 208 : index
      %get3A_153 = tpu.vector_load %arg12[%get3A_152] {strides = array<i32>} : memref<640xf32, #tpu.memory_space<vmem>>, vector<16xf32>,
      %get3A_154 = vector.shape_cast %get3A_153 : vector<16xf32> to vector<16xf32>
      %mul3A_155 = arith.mulf %broadcast_in_dim3A_151, %get3A_154 : vector<16xf32>
      %add3A_156 = arith.addf %add3A_148, %mul3A_155 : vector<16xf32>
      %slice3A_157 = vector.extract_strided_slice %get3A_29 {offsets = [14], sizes = [1], strides = [1]} : vector<16xf32> to vector<1xf32>
      %broadcast_in_dim3A_158 = vector.shape_cast %slice3A_157 : vector<1xf32> to vector<1xf32>
      %broadcast_in_dim3A_159 = vector.broadcast %broadcast_in_dim3A_158 : vector<1xf32> to vector<16xf32>
      %get3A_160 = arith.constant 224 : index
      %get3A_161 = tpu.vector_load %arg12[%get3A_160] {strides = array<i32>} : memref<640xf32, #tpu.memory_space<vmem>>, vector<16xf32>,
      %get3A_162 = vector.shape_cast %get3A_161 : vector<16xf32> to vector<16xf32>
      %mul3A_163 = arith.mulf %broadcast_in_dim3A_159, %get3A_162 : vector<16xf32>
      %add3A_164 = arith.addf %add3A_156, %mul3A_163 : vector<16xf32>
      %slice3A_165 = vector.extract_strided_slice %get3A_29 {offsets = [15], sizes = [1], strides = [1]} : vector<16xf32> to vector<1xf32>
      %broadcast_in_dim3A_166 = vector.shape_cast %slice3A_165 : vector<1xf32> to vector<1xf32>
      %broadcast_in_dim3A_167 = vector.broadcast %broadcast_in_dim3A_166 : vector<1xf32> to vector<16xf32>
      %get3A_168 = arith.constant 240 : index
      %get3A_169 = tpu.vector_load %arg12[%get3A_168] {strides = array<i32>} : memref<640xf32, #tpu.memory_space<vmem>>, vector<16xf32>,
      %get3A_170 = vector.shape_cast %get3A_169 : vector<16xf32> to vector<16xf32>
      %mul3A_171 = arith.mulf %broadcast_in_dim3A_167, %get3A_170 : vector<16xf32>
      %add3A_172 = arith.addf %add3A_164, %mul3A_171 : vector<16xf32>
      %slice3A_173 = vector.extract_strided_slice %get3A_34 {offsets = [12], sizes = [1], strides = [1]} : vector<16xf32> to vector<1xf32>
      %broadcast_in_dim3A_174 = vector.shape_cast %slice3A_173 : vector<1xf32> to vector<1xf32>
      %broadcast_in_dim3A_175 = vector.broadcast %broadcast_in_dim3A_174 : vector<1xf32> to vector<16xf32>
      %get3A_176 = arith.constant 256 : index
      %get3A_177 = tpu.vector_load %arg12[%get3A_176] {strides = array<i32>} : memref<640xf32, #tpu.memory_space<vmem>>, vector<16xf32>,
      %get3A_178 = vector.shape_cast %get3A_177 : vector<16xf32> to vector<16xf32>
      %mul3A_179 = arith.mulf %broadcast_in_dim3A_175, %get3A_178 : vector<16xf32>
      %add3A_180 = arith.addf %add3A_172, %mul3A_179 : vector<16xf32>
      %slice3A_181 = vector.extract_strided_slice %get3A_34 {offsets = [13], sizes = [1], strides = [1]} : vector<16xf32> to vector<1xf32>
      %broadcast_in_dim3A_182 = vector.shape_cast %slice3A_181 : vector<1xf32> to vector<1xf32>
      %broadcast_in_dim3A_183 = vector.broadcast %broadcast_in_dim3A_182 : vector<1xf32> to vector<16xf32>
      %get3A_184 = arith.constant 272 : index
      %get3A_185 = tpu.vector_load %arg12[%get3A_184] {strides = array<i32>} : memref<640xf32, #tpu.memory_space<vmem>>, vector<16xf32>,
      %get3A_186 = vector.shape_cast %get3A_185 : vector<16xf32> to vector<16xf32>
      %mul3A_187 = arith.mulf %broadcast_in_dim3A_183, %get3A_186 : vector<16xf32>
      %add3A_188 = arith.addf %add3A_180, %mul3A_187 : vector<16xf32>
      %slice3A_189 = vector.extract_strided_slice %get3A_34 {offsets = [14], sizes = [1], strides = [1]} : vector<16xf32> to vector<1xf32>
      %broadcast_in_dim3A_190 = vector.shape_cast %slice3A_189 : vector<1xf32> to vector<1xf32>
      %broadcast_in_dim3A_191 = vector.broadcast %broadcast_in_dim3A_190 : vector<1xf32> to vector<16xf32>
      %get3A_192 = arith.constant 288 : index
      %get3A_193 = tpu.vector_load %arg12[%get3A_192] {strides = array<i32>} : memref<640xf32, #tpu.memory_space<vmem>>, vector<16xf32>,
      %get3A_194 = vector.shape_cast %get3A_193 : vector<16xf32> to vector<16xf32>
      %mul3A_195 = arith.mulf %broadcast_in_dim3A_191, %get3A_194 : vector<16xf32>
      %add3A_196 = arith.addf %add3A_188, %mul3A_195 : vector<16xf32>
      %slice3A_197 = vector.extract_strided_slice %get3A_34 {offsets = [15], sizes = [1], strides = [1]} : vector<16xf32> to vector<1xf32>
      %broadcast_in_dim3A_198 = vector.shape_cast %slice3A_197 : vector<1xf32> to vector<1xf32>
      %broadcast_in_dim3A_199 = vector.broadcast %broadcast_in_dim3A_198 : vector<1xf32> to vector<16xf32>
      %get3A_200 = arith.constant 304 : index
      %get3A_201 = tpu.vector_load %arg12[%get3A_200] {strides = array<i32>} : memref<640xf32, #tpu.memory_space<vmem>>, vector<16xf32>,
      %get3A_202 = vector.shape_cast %get3A_201 : vector<16xf32> to vector<16xf32>
      %mul3A_203 = arith.mulf %broadcast_in_dim3A_199, %get3A_202 : vector<16xf32>
      %add3A_204 = arith.addf %add3A_196, %mul3A_203 : vector<16xf32>
      %slice3A_205 = vector.extract_strided_slice %get3A_39 {offsets = [0], sizes = [1], strides = [1]} : vector<16xf32> to vector<1xf32>
      %broadcast_in_dim3A_206 = vector.shape_cast %slice3A_205 : vector<1xf32> to vector<1xf32>
      %broadcast_in_dim3A_207 = vector.broadcast %broadcast_in_dim3A_206 : vector<1xf32> to vector<16xf32>
      %get3A_208 = arith.constant 320 : index
      %get3A_209 = tpu.vector_load %arg12[%get3A_208] {strides = array<i32>} : memref<640xf32, #tpu.memory_space<vmem>>, vector<16xf32>,
      %get3A_210 = vector.shape_cast %get3A_209 : vector<16xf32> to vector<16xf32>
      %mul3A_211 = arith.mulf %broadcast_in_dim3A_207, %get3A_210 : vector<16xf32>
      %add3A_212 = arith.addf %add3A_204, %mul3A_211 : vector<16xf32>
      %slice3A_213 = vector.extract_strided_slice %get3A_39 {offsets = [1], sizes = [1], strides = [1]} : vector<16xf32> to vector<1xf32>
      %broadcast_in_dim3A_214 = vector.shape_cast %slice3A_213 : vector<1xf32> to vector<1xf32>
      %broadcast_in_dim3A_215 = vector.broadcast %broadcast_in_dim3A_214 : vector<1xf32> to vector<16xf32>
      %get3A_216 = arith.constant 336 : index
      %get3A_217 = tpu.vector_load %arg12[%get3A_216] {strides = array<i32>} : memref<640xf32, #tpu.memory_space<vmem>>, vector<16xf32>,
      %get3A_218 = vector.shape_cast %get3A_217 : vector<16xf32> to vector<16xf32>
      %mul3A_219 = arith.mulf %broadcast_in_dim3A_215, %get3A_218 : vector<16xf32>
      %add3A_220 = arith.addf %add3A_212, %mul3A_219 : vector<16xf32>
      %slice3A_221 = vector.extract_strided_slice %get3A_39 {offsets = [2], sizes = [1], strides = [1]} : vector<16xf32> to vector<1xf32>
      %broadcast_in_dim3A_222 = vector.shape_cast %slice3A_221 : vector<1xf32> to vector<1xf32>
      %broadcast_in_dim3A_223 = vector.broadcast %broadcast_in_dim3A_222 : vector<1xf32> to vector<16xf32>
      %get3A_224 = arith.constant 352 : index
      %get3A_225 = tpu.vector_load %arg12[%get3A_224] {strides = array<i32>} : memref<640xf32, #tpu.memory_space<vmem>>, vector<16xf32>,
      %get3A_226 = vector.shape_cast %get3A_225 : vector<16xf32> to vector<16xf32>
      %mul3A_227 = arith.mulf %broadcast_in_dim3A_223, %get3A_226 : vector<16xf32>
      %add3A_228 = arith.addf %add3A_220, %mul3A_227 : vector<16xf32>
      %slice3A_229 = vector.extract_strided_slice %get3A_39 {offsets = [3], sizes = [1], strides = [1]} : vector<16xf32> to vector<1xf32>
      %broadcast_in_dim3A_230 = vector.shape_cast %slice3A_229 : vector<1xf32> to vector<1xf32>
      %broadcast_in_dim3A_231 = vector.broadcast %broadcast_in_dim3A_230 : vector<1xf32> to vector<16xf32>
      %get3A_232 = arith.constant 368 : index
      %get3A_233 = tpu.vector_load %arg12[%get3A_232] {strides = array<i32>} : memref<640xf32, #tpu.memory_space<vmem>>, vector<16xf32>,
      %get3A_234 = vector.shape_cast %get3A_233 : vector<16xf32> to vector<16xf32>
      %mul3A_235 = arith.mulf %broadcast_in_dim3A_231, %get3A_234 : vector<16xf32>
      %add3A_236 = arith.addf %add3A_228, %mul3A_235 : vector<16xf32>
      %slice3A_237 = vector.extract_strided_slice %get3A_39 {offsets = [4], sizes = [1], strides = [1]} : vector<16xf32> to vector<1xf32>
      %broadcast_in_dim3A_238 = vector.shape_cast %slice3A_237 : vector<1xf32> to vector<1xf32>
      %broadcast_in_dim3A_239 = vector.broadcast %broadcast_in_dim3A_238 : vector<1xf32> to vector<16xf32>
      %get3A_240 = arith.constant 384 : index
      %get3A_241 = tpu.vector_load %arg12[%get3A_240] {strides = array<i32>} : memref<640xf32, #tpu.memory_space<vmem>>, vector<16xf32>,
      %get3A_242 = vector.shape_cast %get3A_241 : vector<16xf32> to vector<16xf32>
      %mul3A_243 = arith.mulf %broadcast_in_dim3A_239, %get3A_242 : vector<16xf32>
      %add3A_244 = arith.addf %add3A_236, %mul3A_243 : vector<16xf32>
      %slice3A_245 = vector.extract_strided_slice %get3A_39 {offsets = [5], sizes = [1], strides = [1]} : vector<16xf32> to vector<1xf32>
      %broadcast_in_dim3A_246 = vector.shape_cast %slice3A_245 : vector<1xf32> to vector<1xf32>
      %broadcast_in_dim3A_247 = vector.broadcast %broadcast_in_dim3A_246 : vector<1xf32> to vector<16xf32>
      %get3A_248 = arith.constant 400 : index
      %get3A_249 = tpu.vector_load %arg12[%get3A_248] {strides = array<i32>} : memref<640xf32, #tpu.memory_space<vmem>>, vector<16xf32>,
      %get3A_250 = vector.shape_cast %get3A_249 : vector<16xf32> to vector<16xf32>
      %mul3A_251 = arith.mulf %broadcast_in_dim3A_247, %get3A_250 : vector<16xf32>
      %add3A_252 = arith.addf %add3A_244, %mul3A_251 : vector<16xf32>
      %slice3A_253 = vector.extract_strided_slice %get3A_39 {offsets = [6], sizes = [1], strides = [1]} : vector<16xf32> to vector<1xf32>
      %broadcast_in_dim3A_254 = vector.shape_cast %slice3A_253 : vector<1xf32> to vector<1xf32>
      %broadcast_in_dim3A_255 = vector.broadcast %broadcast_in_dim3A_254 : vector<1xf32> to vector<16xf32>
      %get3A_256 = arith.constant 416 : index
      %get3A_257 = tpu.vector_load %arg12[%get3A_256] {strides = array<i32>} : memref<640xf32, #tpu.memory_space<vmem>>, vector<16xf32>,
      %get3A_258 = vector.shape_cast %get3A_257 : vector<16xf32> to vector<16xf32>
      %mul3A_259 = arith.mulf %broadcast_in_dim3A_255, %get3A_258 : vector<16xf32>
      %add3A_260 = arith.addf %add3A_252, %mul3A_259 : vector<16xf32>
      %slice3A_261 = vector.extract_strided_slice %get3A_39 {offsets = [7], sizes = [1], strides = [1]} : vector<16xf32> to vector<1xf32>
      %broadcast_in_dim3A_262 = vector.shape_cast %slice3A_261 : vector<1xf32> to vector<1xf32>
      %broadcast_in_dim3A_263 = vector.broadcast %broadcast_in_dim3A_262 : vector<1xf32> to vector<16xf32>
      %get3A_264 = arith.constant 432 : index
      %get3A_265 = tpu.vector_load %arg12[%get3A_264] {strides = array<i32>} : memref<640xf32, #tpu.memory_space<vmem>>, vector<16xf32>,
      %get3A_266 = vector.shape_cast %get3A_265 : vector<16xf32> to vector<16xf32>
      %mul3A_267 = arith.mulf %broadcast_in_dim3A_263, %get3A_266 : vector<16xf32>
      %add3A_268 = arith.addf %add3A_260, %mul3A_267 : vector<16xf32>
      %slice3A_269 = vector.extract_strided_slice %get3A_39 {offsets = [8], sizes = [1], strides = [1]} : vector<16xf32> to vector<1xf32>
      %broadcast_in_dim3A_270 = vector.shape_cast %slice3A_269 : vector<1xf32> to vector<1xf32>
      %broadcast_in_dim3A_271 = vector.broadcast %broadcast_in_dim3A_270 : vector<1xf32> to vector<16xf32>
      %get3A_272 = arith.constant 448 : index
      %get3A_273 = tpu.vector_load %arg12[%get3A_272] {strides = array<i32>} : memref<640xf32, #tpu.memory_space<vmem>>, vector<16xf32>,
      %get3A_274 = vector.shape_cast %get3A_273 : vector<16xf32> to vector<16xf32>
      %mul3A_275 = arith.mulf %broadcast_in_dim3A_271, %get3A_274 : vector<16xf32>
      %add3A_276 = arith.addf %add3A_268, %mul3A_275 : vector<16xf32>
      %slice3A_277 = vector.extract_strided_slice %get3A_39 {offsets = [9], sizes = [1], strides = [1]} : vector<16xf32> to vector<1xf32>
      %broadcast_in_dim3A_278 = vector.shape_cast %slice3A_277 : vector<1xf32> to vector<1xf32>
      %broadcast_in_dim3A_279 = vector.broadcast %broadcast_in_dim3A_278 : vector<1xf32> to vector<16xf32>
      %get3A_280 = arith.constant 464 : index
      %get3A_281 = tpu.vector_load %arg12[%get3A_280] {strides = array<i32>} : memref<640xf32, #tpu.memory_space<vmem>>, vector<16xf32>,
      %get3A_282 = vector.shape_cast %get3A_281 : vector<16xf32> to vector<16xf32>
      %mul3A_283 = arith.mulf %broadcast_in_dim3A_279, %get3A_282 : vector<16xf32>
      %add3A_284 = arith.addf %add3A_276, %mul3A_283 : vector<16xf32>
      %slice3A_285 = vector.extract_strided_slice %get3A_39 {offsets = [10], sizes = [1], strides = [1]} : vector<16xf32> to vector<1xf32>
      %broadcast_in_dim3A_286 = vector.shape_cast %slice3A_285 : vector<1xf32> to vector<1xf32>
      %broadcast_in_dim3A_287 = vector.broadcast %broadcast_in_dim3A_286 : vector<1xf32> to vector<16xf32>
      %get3A_288 = arith.constant 480 : index
      %get3A_289 = tpu.vector_load %arg12[%get3A_288] {strides = array<i32>} : memref<640xf32, #tpu.memory_space<vmem>>, vector<16xf32>,
      %get3A_290 = vector.shape_cast %get3A_289 : vector<16xf32> to vector<16xf32>
      %mul3A_291 = arith.mulf %broadcast_in_dim3A_287, %get3A_290 : vector<16xf32>
      %add3A_292 = arith.addf %add3A_284, %mul3A_291 : vector<16xf32>
      %slice3A_293 = vector.extract_strided_slice %get3A_39 {offsets = [11], sizes = [1], strides = [1]} : vector<16xf32> to vector<1xf32>
      %broadcast_in_dim3A_294 = vector.shape_cast %slice3A_293 : vector<1xf32> to vector<1xf32>
      %broadcast_in_dim3A_295 = vector.broadcast %broadcast_in_dim3A_294 : vector<1xf32> to vector<16xf32>
      %get3A_296 = arith.constant 496 : index
      %get3A_297 = tpu.vector_load %arg12[%get3A_296] {strides = array<i32>} : memref<640xf32, #tpu.memory_space<vmem>>, vector<16xf32>,
      %get3A_298 = vector.shape_cast %get3A_297 : vector<16xf32> to vector<16xf32>
      %mul3A_299 = arith.mulf %broadcast_in_dim3A_295, %get3A_298 : vector<16xf32>
      %add3A_300 = arith.addf %add3A_292, %mul3A_299 : vector<16xf32>
      %slice3A_301 = vector.extract_strided_slice %get3A_39 {offsets = [12], sizes = [1], strides = [1]} : vector<16xf32> to vector<1xf32>
      %broadcast_in_dim3A_302 = vector.shape_cast %slice3A_301 : vector<1xf32> to vector<1xf32>
      %broadcast_in_dim3A_303 = vector.broadcast %broadcast_in_dim3A_302 : vector<1xf32> to vector<16xf32>
      %get3A_304 = arith.constant 512 : index
      %get3A_305 = tpu.vector_load %arg12[%get3A_304] {strides = array<i32>} : memref<640xf32, #tpu.memory_space<vmem>>, vector<16xf32>,
      %get3A_306 = vector.shape_cast %get3A_305 : vector<16xf32> to vector<16xf32>
      %mul3A_307 = arith.mulf %broadcast_in_dim3A_303, %get3A_306 : vector<16xf32>
      %add3A_308 = arith.addf %add3A_300, %mul3A_307 : vector<16xf32>
      %slice3A_309 = vector.extract_strided_slice %get3A_39 {offsets = [13], sizes = [1], strides = [1]} : vector<16xf32> to vector<1xf32>
      %broadcast_in_dim3A_310 = vector.shape_cast %slice3A_309 : vector<1xf32> to vector<1xf32>
      %broadcast_in_dim3A_311 = vector.broadcast %broadcast_in_dim3A_310 : vector<1xf32> to vector<16xf32>
      %get3A_312 = arith.constant 528 : index
      %get3A_313 = tpu.vector_load %arg12[%get3A_312] {strides = array<i32>} : memref<640xf32, #tpu.memory_space<vmem>>, vector<16xf32>,
      %get3A_314 = vector.shape_cast %get3A_313 : vector<16xf32> to vector<16xf32>
      %mul3A_315 = arith.mulf %broadcast_in_dim3A_311, %get3A_314 : vector<16xf32>
      %add3A_316 = arith.addf %add3A_308, %mul3A_315 : vector<16xf32>
      %slice3A_317 = vector.extract_strided_slice %get3A_39 {offsets = [14], sizes = [1], strides = [1]} : vector<16xf32> to vector<1xf32>
      %broadcast_in_dim3A_318 = vector.shape_cast %slice3A_317 : vector<1xf32> to vector<1xf32>
      %broadcast_in_dim3A_319 = vector.broadcast %broadcast_in_dim3A_318 : vector<1xf32> to vector<16xf32>
      %get3A_320 = arith.constant 544 : index
      %get3A_321 = tpu.vector_load %arg12[%get3A_320] {strides = array<i32>} : memref<640xf32, #tpu.memory_space<vmem>>, vector<16xf32>,
      %get3A_322 = vector.shape_cast %get3A_321 : vector<16xf32> to vector<16xf32>
      %mul3A_323 = arith.mulf %broadcast_in_dim3A_319, %get3A_322 : vector<16xf32>
      %add3A_324 = arith.addf %add3A_316, %mul3A_323 : vector<16xf32>
      %slice3A_325 = vector.extract_strided_slice %get3A_39 {offsets = [15], sizes = [1], strides = [1]} : vector<16xf32> to vector<1xf32>
      %broadcast_in_dim3A_326 = vector.shape_cast %slice3A_325 : vector<1xf32> to vector<1xf32>
      %broadcast_in_dim3A_327 = vector.broadcast %broadcast_in_dim3A_326 : vector<1xf32> to vector<16xf32>
      %get3A_328 = arith.constant 560 : index
      %get3A_329 = tpu.vector_load %arg12[%get3A_328] {strides = array<i32>} : memref<640xf32, #tpu.memory_space<vmem>>, vector<16xf32>,
      %get3A_330 = vector.shape_cast %get3A_329 : vector<16xf32> to vector<16xf32>
      %mul3A_331 = arith.mulf %broadcast_in_dim3A_327, %get3A_330 : vector<16xf32>
      %add3A_332 = arith.addf %add3A_324, %mul3A_331 : vector<16xf32>
      %slice3A_333 = vector.extract_strided_slice %get3A_44 {offsets = [12], sizes = [1], strides = [1]} : vector<16xf32> to vector<1xf32>
      %broadcast_in_dim3A_334 = vector.shape_cast %slice3A_333 : vector<1xf32> to vector<1xf32>
      %broadcast_in_dim3A_335 = vector.broadcast %broadcast_in_dim3A_334 : vector<1xf32> to vector<16xf32>
      %get3A_336 = arith.constant 576 : index
      %get3A_337 = tpu.vector_load %arg12[%get3A_336] {strides = array<i32>} : memref<640xf32, #tpu.memory_space<vmem>>, vector<16xf32>,
      %get3A_338 = vector.shape_cast %get3A_337 : vector<16xf32> to vector<16xf32>
      %mul3A_339 = arith.mulf %broadcast_in_dim3A_335, %get3A_338 : vector<16xf32>
      %add3A_340 = arith.addf %add3A_332, %mul3A_339 : vector<16xf32>
      %slice3A_341 = vector.extract_strided_slice %get3A_44 {offsets = [13], sizes = [1], strides = [1]} : vector<16xf32> to vector<1xf32>
      %broadcast_in_dim3A_342 = vector.shape_cast %slice3A_341 : vector<1xf32> to vector<1xf32>
      %broadcast_in_dim3A_343 = vector.broadcast %broadcast_in_dim3A_342 : vector<1xf32> to vector<16xf32>
      %get3A_344 = arith.constant 592 : index
      %get3A_345 = tpu.vector_load %arg12[%get3A_344] {strides = array<i32>} : memref<640xf32, #tpu.memory_space<vmem>>, vector<16xf32>,
      %get3A_346 = vector.shape_cast %get3A_345 : vector<16xf32> to vector<16xf32>
      %mul3A_347 = arith.mulf %broadcast_in_dim3A_343, %get3A_346 : vector<16xf32>
      %add3A_348 = arith.addf %add3A_340, %mul3A_347 : vector<16xf32>
      %slice3A_349 = vector.extract_strided_slice %get3A_44 {offsets = [14], sizes = [1], strides = [1]} : vector<16xf32> to vector<1xf32>
      %broadcast_in_dim3A_350 = vector.shape_cast %slice3A_349 : vector<1xf32> to vector<1xf32>
      %broadcast_in_dim3A_351 = vector.broadcast %broadcast_in_dim3A_350 : vector<1xf32> to vector<16xf32>
      %get3A_352 = arith.constant 608 : index
      %get3A_353 = tpu.vector_load %arg12[%get3A_352] {strides = array<i32>} : memref<640xf32, #tpu.memory_space<vmem>>, vector<16xf32>,
      %get3A_354 = vector.shape_cast %get3A_353 : vector<16xf32> to vector<16xf32>
      %mul3A_355 = arith.mulf %broadcast_in_dim3A_351, %get3A_354 : vector<16xf32>
      %add3A_356 = arith.addf %add3A_348, %mul3A_355 : vector<16xf32>
      %slice3A_357 = vector.extract_strided_slice %get3A_44 {offsets = [15], sizes = [1], strides = [1]} : vector<16xf32> to vector<1xf32>
      %broadcast_in_dim3A_358 = vector.shape_cast %slice3A_357 : vector<1xf32> to vector<1xf32>
      %broadcast_in_dim3A_359 = vector.broadcast %broadcast_in_dim3A_358 : vector<1xf32> to vector<16xf32>
      %get3A_360 = arith.constant 624 : index
      %get3A_361 = tpu.vector_load %arg12[%get3A_360] {strides = array<i32>} : memref<640xf32, #tpu.memory_space<vmem>>, vector<16xf32>,
      %get3A_362 = vector.shape_cast %get3A_361 : vector<16xf32> to vector<16xf32>
      %mul3A_363 = arith.mulf %broadcast_in_dim3A_359, %get3A_362 : vector<16xf32>
      %add3A_364 = arith.addf %add3A_356, %mul3A_363 : vector<16xf32>
      %max3A = arith.constant 0.000000e+00 : f32
      %max3A_365 = vector.broadcast %max3A : f32 to vector<16xf32>
      %max3A_366 = arith.maximumf %add3A_364, %max3A_365 : vector<16xf32>
      %mul3A_367 = arith.constant 16 : i32
      %mul3A_368 = arith.muli %arg1, %mul3A_367 : i32
      %sub3A = arith.constant 300 : i32
      %sub3A_369 = arith.subi %sub3A, %mul3A_368 : i32
      %lt3A_370 = vector.broadcast %sub3A_369 : i32 to vector<16xi32>
      %lt3A_371 = arith.cmpi slt, %iota3A, %lt3A_370 : vector<16xi32>
      %jit3A = arith.constant 0.000000e+00 : f32
      %broadcast_in_dim3A_372 = vector.broadcast %jit3A : f32 to vector<16xf32>
      %select_n3A = arith.select %lt3A_371, %max3A_366, %broadcast_in_dim3A_372 : vector<16xi1>, vector<16xf32>
      %swap3A = arith.constant 0 : index
      %swap3A_373 = tpu.vector_load %arg14[%swap3A] {strides = array<i32>} : memref<16xf32, #tpu.memory_space<vmem>>, vector<16xf32>,
      %swap3A_374 = vector.shape_cast %swap3A_373 : vector<16xf32> to vector<16xf32>
      %swap3A_375 = vector.shape_cast %select_n3A : vector<16xf32> to vector<16xf32>
      tpu.vector_store %arg14[%swap3A], %swap3A_375 {strides = array<i32>} : memref<16xf32, #tpu.memory_space<vmem>>, vector<16xf32>,
      %mul3A_376 = arith.constant 16 : i32
      %mul3A_377 = arith.muli %arg1, %mul3A_376 : i32
      "tpu.region"() ({
        %run_scoped3A = tpu.sem_alloc : memref<!tpu.dma_semaphore, #tpu.memory_space<semaphore_mem>>
        %dma_start3A = tpu.memref_slice %arg20[%mul3A_377] : memref<304xf32, #tpu.memory_space<vmem_shared>> -> memref<16xf32, #tpu.memory_space<vmem_shared>>
        %dma_start3A_383 = tpu.memref_slice %arg20[%mul3A_377] : memref<304xf32, #tpu.memory_space<vmem_shared>> -> memref<16xf32, #tpu.memory_space<vmem_shared>>
        tpu.enqueue_dma source(%arg14 : memref<16xf32, #tpu.memory_space<vmem>>) target(%dma_start3A_383 : memref<16xf32, #tpu.memory_space<vmem_shared>>) target_semaphore(%run_scoped3A : memref<!tpu.dma_semaphore, #tpu.memory_space<semaphore_mem>>)
        %dma_wait3A = tpu.memref_slice %arg20[%mul3A_377] : memref<304xf32, #tpu.memory_space<vmem_shared>> -> memref<16xf32, #tpu.memory_space<vmem_shared>>
        %dma_wait3A_384 = tpu.memref_slice %arg20[%mul3A_377] : memref<304xf32, #tpu.memory_space<vmem_shared>> -> memref<16xf32, #tpu.memory_space<vmem_shared>>
        tpu.wait_dma2 semaphore(%run_scoped3A : memref<!tpu.dma_semaphore, #tpu.memory_space<semaphore_mem>>) src(%arg14 : memref<16xf32, #tpu.memory_space<vmem>>) dst(%dma_wait3A_384 : memref<16xf32, #tpu.memory_space<vmem_shared>>)
        tpu.yield
      }) : () -> ()
      %lt3A_378 = arith.constant 3 : i32
      %lt3A_379 = arith.cmpi slt, %arg1, %lt3A_378 : i32
      %convert_element_type3A_380 = arith.extui %lt3A_379 : i1 to i32
      %cond3A_381 = arith.constant 0 : i32
      %cond3A_382 = arith.cmpi ne, %convert_element_type3A_380, %cond3A_381 : i32
      scf.if %cond3A_382 {
        %add3A_383 = arith.constant 16 : i32
        %add3A_384 = arith.addi %arg1, %add3A_383 : i32
        %mul3A_385 = arith.constant 16 : i32
        %mul3A_386 = arith.muli %add3A_384, %mul3A_385 : i32
        %mul3A_387 = arith.constant 2 : i32
        %mul3A_388 = arith.muli %mul3A_386, %mul3A_387 : i32
        %mul3A_389 = arith.constant 20 : i32
        %mul3A_390 = arith.muli %mul3A_388, %mul3A_389 : i32
        "tpu.region"() ({
          %run_scoped3A = tpu.sem_alloc : memref<!tpu.dma_semaphore, #tpu.memory_space<semaphore_mem>>
          %dma_start3A = tpu.memref_slice %arg4[%mul3A_390] : memref<12160xf32, #tpu.memory_space<hbm>> -> memref<640xf32, #tpu.memory_space<hbm>>
          %dma_start3A_754 = tpu.memref_slice %arg4[%mul3A_390] : memref<12160xf32, #tpu.memory_space<hbm>> -> memref<640xf32, #tpu.memory_space<hbm>>
          tpu.enqueue_dma source(%dma_start3A_754 : memref<640xf32, #tpu.memory_space<hbm>>) target(%arg12 : memref<640xf32, #tpu.memory_space<vmem>>) target_semaphore(%run_scoped3A : memref<!tpu.dma_semaphore, #tpu.memory_space<semaphore_mem>>)
          %dma_wait3A = tpu.memref_slice %arg4[%mul3A_390] : memref<12160xf32, #tpu.memory_space<hbm>> -> memref<640xf32, #tpu.memory_space<hbm>>
          %dma_wait3A_755 = tpu.memref_slice %arg4[%mul3A_390] : memref<12160xf32, #tpu.memory_space<hbm>> -> memref<640xf32, #tpu.memory_space<hbm>>
          tpu.wait_dma2 semaphore(%run_scoped3A : memref<!tpu.dma_semaphore, #tpu.memory_space<semaphore_mem>>) src(%dma_wait3A_755 : memref<640xf32, #tpu.memory_space<hbm>>) dst(%arg12 : memref<640xf32, #tpu.memory_space<vmem>>)
          tpu.yield
        }) : () -> ()
        %mul3A_391 = arith.constant 16 : i32
        %mul3A_392 = arith.muli %add3A_384, %mul3A_391 : i32
        "tpu.region"() ({
          %run_scoped3A = tpu.sem_alloc : memref<!tpu.dma_semaphore, #tpu.memory_space<semaphore_mem>>
          %dma_start3A = tpu.memref_slice %arg5[%mul3A_392] : memref<304xf32, #tpu.memory_space<hbm>> -> memref<16xf32, #tpu.memory_space<hbm>>
          %dma_start3A_754 = tpu.memref_slice %arg5[%mul3A_392] : memref<304xf32, #tpu.memory_space<hbm>> -> memref<16xf32, #tpu.memory_space<hbm>>
          tpu.enqueue_dma source(%dma_start3A_754 : memref<16xf32, #tpu.memory_space<hbm>>) target(%arg13 : memref<16xf32, #tpu.memory_space<vmem>>) target_semaphore(%run_scoped3A : memref<!tpu.dma_semaphore, #tpu.memory_space<semaphore_mem>>)
          %dma_wait3A = tpu.memref_slice %arg5[%mul3A_392] : memref<304xf32, #tpu.memory_space<hbm>> -> memref<16xf32, #tpu.memory_space<hbm>>
          %dma_wait3A_755 = tpu.memref_slice %arg5[%mul3A_392] : memref<304xf32, #tpu.memory_space<hbm>> -> memref<16xf32, #tpu.memory_space<hbm>>
          tpu.wait_dma2 semaphore(%run_scoped3A : memref<!tpu.dma_semaphore, #tpu.memory_space<semaphore_mem>>) src(%dma_wait3A_755 : memref<16xf32, #tpu.memory_space<hbm>>) dst(%arg13 : memref<16xf32, #tpu.memory_space<vmem>>)
          tpu.yield
        }) : () -> ()
        %get3A_393 = arith.constant 0 : i32
        %get3A_394 = arith.index_cast %get3A_393 : i32 to index
        %get3A_395 = arith.constant 0 : index
        %get3A_396 = tpu.vector_load %arg11[%get3A_394, %get3A_395] {strides = array<i32>} : memref<2x128xf32, #tpu.memory_space<vmem>>, vector<1x16xf32>,
        %get3A_397 = vector.shape_cast %get3A_396 : vector<1x16xf32> to vector<16xf32>
        %get3A_398 = arith.constant 0 : i32
        %get3A_399 = arith.index_cast %get3A_398 : i32 to index
        %get3A_400 = arith.constant 4 : index
        %get3A_401 = tpu.vector_load %arg11[%get3A_399, %get3A_400] {strides = array<i32>} : memref<2x128xf32, #tpu.memory_space<vmem>>, vector<1x16xf32>,
        %get3A_402 = vector.shape_cast %get3A_401 : vector<1x16xf32> to vector<16xf32>
        %get3A_403 = arith.constant 1 : i32
        %get3A_404 = arith.index_cast %get3A_403 : i32 to index
        %get3A_405 = arith.constant 0 : index
        %get3A_406 = tpu.vector_load %arg11[%get3A_404, %get3A_405] {strides = array<i32>} : memref<2x128xf32, #tpu.memory_space<vmem>>, vector<1x16xf32>,
        %get3A_407 = vector.shape_cast %get3A_406 : vector<1x16xf32> to vector<16xf32>
        %get3A_408 = arith.constant 1 : i32
        %get3A_409 = arith.index_cast %get3A_408 : i32 to index
        %get3A_410 = arith.constant 4 : index
        %get3A_411 = tpu.vector_load %arg11[%get3A_409, %get3A_410] {strides = array<i32>} : memref<2x128xf32, #tpu.memory_space<vmem>>, vector<1x16xf32>,
        %get3A_412 = vector.shape_cast %get3A_411 : vector<1x16xf32> to vector<16xf32>
        %get3A_413 = arith.constant 0 : index
        %get3A_414 = tpu.vector_load %arg13[%get3A_413] {strides = array<i32>} : memref<16xf32, #tpu.memory_space<vmem>>, vector<16xf32>,
        %get3A_415 = vector.shape_cast %get3A_414 : vector<16xf32> to vector<16xf32>
        %slice3A_416 = vector.extract_strided_slice %get3A_397 {offsets = [0], sizes = [1], strides = [1]} : vector<16xf32> to vector<1xf32>
        %broadcast_in_dim3A_417 = vector.shape_cast %slice3A_416 : vector<1xf32> to vector<1xf32>
        %broadcast_in_dim3A_418 = vector.broadcast %broadcast_in_dim3A_417 : vector<1xf32> to vector<16xf32>
        %get3A_419 = arith.constant 0 : index
        %get3A_420 = tpu.vector_load %arg12[%get3A_419] {strides = array<i32>} : memref<640xf32, #tpu.memory_space<vmem>>, vector<16xf32>,
        %get3A_421 = vector.shape_cast %get3A_420 : vector<16xf32> to vector<16xf32>
        %mul3A_422 = arith.mulf %broadcast_in_dim3A_418, %get3A_421 : vector<16xf32>
        %add3A_423 = arith.addf %get3A_415, %mul3A_422 : vector<16xf32>
        %slice3A_424 = vector.extract_strided_slice %get3A_397 {offsets = [1], sizes = [1], strides = [1]} : vector<16xf32> to vector<1xf32>
        %broadcast_in_dim3A_425 = vector.shape_cast %slice3A_424 : vector<1xf32> to vector<1xf32>
        %broadcast_in_dim3A_426 = vector.broadcast %broadcast_in_dim3A_425 : vector<1xf32> to vector<16xf32>
        %get3A_427 = arith.constant 16 : index
        %get3A_428 = tpu.vector_load %arg12[%get3A_427] {strides = array<i32>} : memref<640xf32, #tpu.memory_space<vmem>>, vector<16xf32>,
        %get3A_429 = vector.shape_cast %get3A_428 : vector<16xf32> to vector<16xf32>
        %mul3A_430 = arith.mulf %broadcast_in_dim3A_426, %get3A_429 : vector<16xf32>
        %add3A_431 = arith.addf %add3A_423, %mul3A_430 : vector<16xf32>
        %slice3A_432 = vector.extract_strided_slice %get3A_397 {offsets = [2], sizes = [1], strides = [1]} : vector<16xf32> to vector<1xf32>
        %broadcast_in_dim3A_433 = vector.shape_cast %slice3A_432 : vector<1xf32> to vector<1xf32>
        %broadcast_in_dim3A_434 = vector.broadcast %broadcast_in_dim3A_433 : vector<1xf32> to vector<16xf32>
        %get3A_435 = arith.constant 32 : index
        %get3A_436 = tpu.vector_load %arg12[%get3A_435] {strides = array<i32>} : memref<640xf32, #tpu.memory_space<vmem>>, vector<16xf32>,
        %get3A_437 = vector.shape_cast %get3A_436 : vector<16xf32> to vector<16xf32>
        %mul3A_438 = arith.mulf %broadcast_in_dim3A_434, %get3A_437 : vector<16xf32>
        %add3A_439 = arith.addf %add3A_431, %mul3A_438 : vector<16xf32>
        %slice3A_440 = vector.extract_strided_slice %get3A_397 {offsets = [3], sizes = [1], strides = [1]} : vector<16xf32> to vector<1xf32>
        %broadcast_in_dim3A_441 = vector.shape_cast %slice3A_440 : vector<1xf32> to vector<1xf32>
        %broadcast_in_dim3A_442 = vector.broadcast %broadcast_in_dim3A_441 : vector<1xf32> to vector<16xf32>
        %get3A_443 = arith.constant 48 : index
        %get3A_444 = tpu.vector_load %arg12[%get3A_443] {strides = array<i32>} : memref<640xf32, #tpu.memory_space<vmem>>, vector<16xf32>,
        %get3A_445 = vector.shape_cast %get3A_444 : vector<16xf32> to vector<16xf32>
        %mul3A_446 = arith.mulf %broadcast_in_dim3A_442, %get3A_445 : vector<16xf32>
        %add3A_447 = arith.addf %add3A_439, %mul3A_446 : vector<16xf32>
        %slice3A_448 = vector.extract_strided_slice %get3A_397 {offsets = [4], sizes = [1], strides = [1]} : vector<16xf32> to vector<1xf32>
        %broadcast_in_dim3A_449 = vector.shape_cast %slice3A_448 : vector<1xf32> to vector<1xf32>
        %broadcast_in_dim3A_450 = vector.broadcast %broadcast_in_dim3A_449 : vector<1xf32> to vector<16xf32>
        %get3A_451 = arith.constant 64 : index
        %get3A_452 = tpu.vector_load %arg12[%get3A_451] {strides = array<i32>} : memref<640xf32, #tpu.memory_space<vmem>>, vector<16xf32>,
        %get3A_453 = vector.shape_cast %get3A_452 : vector<16xf32> to vector<16xf32>
        %mul3A_454 = arith.mulf %broadcast_in_dim3A_450, %get3A_453 : vector<16xf32>
        %add3A_455 = arith.addf %add3A_447, %mul3A_454 : vector<16xf32>
        %slice3A_456 = vector.extract_strided_slice %get3A_397 {offsets = [5], sizes = [1], strides = [1]} : vector<16xf32> to vector<1xf32>
        %broadcast_in_dim3A_457 = vector.shape_cast %slice3A_456 : vector<1xf32> to vector<1xf32>
        %broadcast_in_dim3A_458 = vector.broadcast %broadcast_in_dim3A_457 : vector<1xf32> to vector<16xf32>
        %get3A_459 = arith.constant 80 : index
        %get3A_460 = tpu.vector_load %arg12[%get3A_459] {strides = array<i32>} : memref<640xf32, #tpu.memory_space<vmem>>, vector<16xf32>,
        %get3A_461 = vector.shape_cast %get3A_460 : vector<16xf32> to vector<16xf32>
        %mul3A_462 = arith.mulf %broadcast_in_dim3A_458, %get3A_461 : vector<16xf32>
        %add3A_463 = arith.addf %add3A_455, %mul3A_462 : vector<16xf32>
        %slice3A_464 = vector.extract_strided_slice %get3A_397 {offsets = [6], sizes = [1], strides = [1]} : vector<16xf32> to vector<1xf32>
        %broadcast_in_dim3A_465 = vector.shape_cast %slice3A_464 : vector<1xf32> to vector<1xf32>
        %broadcast_in_dim3A_466 = vector.broadcast %broadcast_in_dim3A_465 : vector<1xf32> to vector<16xf32>
        %get3A_467 = arith.constant 96 : index
        %get3A_468 = tpu.vector_load %arg12[%get3A_467] {strides = array<i32>} : memref<640xf32, #tpu.memory_space<vmem>>, vector<16xf32>,
        %get3A_469 = vector.shape_cast %get3A_468 : vector<16xf32> to vector<16xf32>
        %mul3A_470 = arith.mulf %broadcast_in_dim3A_466, %get3A_469 : vector<16xf32>
        %add3A_471 = arith.addf %add3A_463, %mul3A_470 : vector<16xf32>
        %slice3A_472 = vector.extract_strided_slice %get3A_397 {offsets = [7], sizes = [1], strides = [1]} : vector<16xf32> to vector<1xf32>
        %broadcast_in_dim3A_473 = vector.shape_cast %slice3A_472 : vector<1xf32> to vector<1xf32>
        %broadcast_in_dim3A_474 = vector.broadcast %broadcast_in_dim3A_473 : vector<1xf32> to vector<16xf32>
        %get3A_475 = arith.constant 112 : index
        %get3A_476 = tpu.vector_load %arg12[%get3A_475] {strides = array<i32>} : memref<640xf32, #tpu.memory_space<vmem>>, vector<16xf32>,
        %get3A_477 = vector.shape_cast %get3A_476 : vector<16xf32> to vector<16xf32>
        %mul3A_478 = arith.mulf %broadcast_in_dim3A_474, %get3A_477 : vector<16xf32>
        %add3A_479 = arith.addf %add3A_471, %mul3A_478 : vector<16xf32>
        %slice3A_480 = vector.extract_strided_slice %get3A_397 {offsets = [8], sizes = [1], strides = [1]} : vector<16xf32> to vector<1xf32>
        %broadcast_in_dim3A_481 = vector.shape_cast %slice3A_480 : vector<1xf32> to vector<1xf32>
        %broadcast_in_dim3A_482 = vector.broadcast %broadcast_in_dim3A_481 : vector<1xf32> to vector<16xf32>
        %get3A_483 = arith.constant 128 : index
        %get3A_484 = tpu.vector_load %arg12[%get3A_483] {strides = array<i32>} : memref<640xf32, #tpu.memory_space<vmem>>, vector<16xf32>,
        %get3A_485 = vector.shape_cast %get3A_484 : vector<16xf32> to vector<16xf32>
        %mul3A_486 = arith.mulf %broadcast_in_dim3A_482, %get3A_485 : vector<16xf32>
        %add3A_487 = arith.addf %add3A_479, %mul3A_486 : vector<16xf32>
        %slice3A_488 = vector.extract_strided_slice %get3A_397 {offsets = [9], sizes = [1], strides = [1]} : vector<16xf32> to vector<1xf32>
        %broadcast_in_dim3A_489 = vector.shape_cast %slice3A_488 : vector<1xf32> to vector<1xf32>
        %broadcast_in_dim3A_490 = vector.broadcast %broadcast_in_dim3A_489 : vector<1xf32> to vector<16xf32>
        %get3A_491 = arith.constant 144 : index
        %get3A_492 = tpu.vector_load %arg12[%get3A_491] {strides = array<i32>} : memref<640xf32, #tpu.memory_space<vmem>>, vector<16xf32>,
        %get3A_493 = vector.shape_cast %get3A_492 : vector<16xf32> to vector<16xf32>
        %mul3A_494 = arith.mulf %broadcast_in_dim3A_490, %get3A_493 : vector<16xf32>
        %add3A_495 = arith.addf %add3A_487, %mul3A_494 : vector<16xf32>
        %slice3A_496 = vector.extract_strided_slice %get3A_397 {offsets = [10], sizes = [1], strides = [1]} : vector<16xf32> to vector<1xf32>
        %broadcast_in_dim3A_497 = vector.shape_cast %slice3A_496 : vector<1xf32> to vector<1xf32>
        %broadcast_in_dim3A_498 = vector.broadcast %broadcast_in_dim3A_497 : vector<1xf32> to vector<16xf32>
        %get3A_499 = arith.constant 160 : index
        %get3A_500 = tpu.vector_load %arg12[%get3A_499] {strides = array<i32>} : memref<640xf32, #tpu.memory_space<vmem>>, vector<16xf32>,
        %get3A_501 = vector.shape_cast %get3A_500 : vector<16xf32> to vector<16xf32>
        %mul3A_502 = arith.mulf %broadcast_in_dim3A_498, %get3A_501 : vector<16xf32>
        %add3A_503 = arith.addf %add3A_495, %mul3A_502 : vector<16xf32>
        %slice3A_504 = vector.extract_strided_slice %get3A_397 {offsets = [11], sizes = [1], strides = [1]} : vector<16xf32> to vector<1xf32>
        %broadcast_in_dim3A_505 = vector.shape_cast %slice3A_504 : vector<1xf32> to vector<1xf32>
        %broadcast_in_dim3A_506 = vector.broadcast %broadcast_in_dim3A_505 : vector<1xf32> to vector<16xf32>
        %get3A_507 = arith.constant 176 : index
        %get3A_508 = tpu.vector_load %arg12[%get3A_507] {strides = array<i32>} : memref<640xf32, #tpu.memory_space<vmem>>, vector<16xf32>,
        %get3A_509 = vector.shape_cast %get3A_508 : vector<16xf32> to vector<16xf32>
        %mul3A_510 = arith.mulf %broadcast_in_dim3A_506, %get3A_509 : vector<16xf32>
        %add3A_511 = arith.addf %add3A_503, %mul3A_510 : vector<16xf32>
        %slice3A_512 = vector.extract_strided_slice %get3A_397 {offsets = [12], sizes = [1], strides = [1]} : vector<16xf32> to vector<1xf32>
        %broadcast_in_dim3A_513 = vector.shape_cast %slice3A_512 : vector<1xf32> to vector<1xf32>
        %broadcast_in_dim3A_514 = vector.broadcast %broadcast_in_dim3A_513 : vector<1xf32> to vector<16xf32>
        %get3A_515 = arith.constant 192 : index
        %get3A_516 = tpu.vector_load %arg12[%get3A_515] {strides = array<i32>} : memref<640xf32, #tpu.memory_space<vmem>>, vector<16xf32>,
        %get3A_517 = vector.shape_cast %get3A_516 : vector<16xf32> to vector<16xf32>
        %mul3A_518 = arith.mulf %broadcast_in_dim3A_514, %get3A_517 : vector<16xf32>
        %add3A_519 = arith.addf %add3A_511, %mul3A_518 : vector<16xf32>
        %slice3A_520 = vector.extract_strided_slice %get3A_397 {offsets = [13], sizes = [1], strides = [1]} : vector<16xf32> to vector<1xf32>
        %broadcast_in_dim3A_521 = vector.shape_cast %slice3A_520 : vector<1xf32> to vector<1xf32>
        %broadcast_in_dim3A_522 = vector.broadcast %broadcast_in_dim3A_521 : vector<1xf32> to vector<16xf32>
        %get3A_523 = arith.constant 208 : index
        %get3A_524 = tpu.vector_load %arg12[%get3A_523] {strides = array<i32>} : memref<640xf32, #tpu.memory_space<vmem>>, vector<16xf32>,
        %get3A_525 = vector.shape_cast %get3A_524 : vector<16xf32> to vector<16xf32>
        %mul3A_526 = arith.mulf %broadcast_in_dim3A_522, %get3A_525 : vector<16xf32>
        %add3A_527 = arith.addf %add3A_519, %mul3A_526 : vector<16xf32>
        %slice3A_528 = vector.extract_strided_slice %get3A_397 {offsets = [14], sizes = [1], strides = [1]} : vector<16xf32> to vector<1xf32>
        %broadcast_in_dim3A_529 = vector.shape_cast %slice3A_528 : vector<1xf32> to vector<1xf32>
        %broadcast_in_dim3A_530 = vector.broadcast %broadcast_in_dim3A_529 : vector<1xf32> to vector<16xf32>
        %get3A_531 = arith.constant 224 : index
        %get3A_532 = tpu.vector_load %arg12[%get3A_531] {strides = array<i32>} : memref<640xf32, #tpu.memory_space<vmem>>, vector<16xf32>,
        %get3A_533 = vector.shape_cast %get3A_532 : vector<16xf32> to vector<16xf32>
        %mul3A_534 = arith.mulf %broadcast_in_dim3A_530, %get3A_533 : vector<16xf32>
        %add3A_535 = arith.addf %add3A_527, %mul3A_534 : vector<16xf32>
        %slice3A_536 = vector.extract_strided_slice %get3A_397 {offsets = [15], sizes = [1], strides = [1]} : vector<16xf32> to vector<1xf32>
        %broadcast_in_dim3A_537 = vector.shape_cast %slice3A_536 : vector<1xf32> to vector<1xf32>
        %broadcast_in_dim3A_538 = vector.broadcast %broadcast_in_dim3A_537 : vector<1xf32> to vector<16xf32>
        %get3A_539 = arith.constant 240 : index
        %get3A_540 = tpu.vector_load %arg12[%get3A_539] {strides = array<i32>} : memref<640xf32, #tpu.memory_space<vmem>>, vector<16xf32>,
        %get3A_541 = vector.shape_cast %get3A_540 : vector<16xf32> to vector<16xf32>
        %mul3A_542 = arith.mulf %broadcast_in_dim3A_538, %get3A_541 : vector<16xf32>
        %add3A_543 = arith.addf %add3A_535, %mul3A_542 : vector<16xf32>
        %slice3A_544 = vector.extract_strided_slice %get3A_402 {offsets = [12], sizes = [1], strides = [1]} : vector<16xf32> to vector<1xf32>
        %broadcast_in_dim3A_545 = vector.shape_cast %slice3A_544 : vector<1xf32> to vector<1xf32>
        %broadcast_in_dim3A_546 = vector.broadcast %broadcast_in_dim3A_545 : vector<1xf32> to vector<16xf32>
        %get3A_547 = arith.constant 256 : index
        %get3A_548 = tpu.vector_load %arg12[%get3A_547] {strides = array<i32>} : memref<640xf32, #tpu.memory_space<vmem>>, vector<16xf32>,
        %get3A_549 = vector.shape_cast %get3A_548 : vector<16xf32> to vector<16xf32>
        %mul3A_550 = arith.mulf %broadcast_in_dim3A_546, %get3A_549 : vector<16xf32>
        %add3A_551 = arith.addf %add3A_543, %mul3A_550 : vector<16xf32>
        %slice3A_552 = vector.extract_strided_slice %get3A_402 {offsets = [13], sizes = [1], strides = [1]} : vector<16xf32> to vector<1xf32>
        %broadcast_in_dim3A_553 = vector.shape_cast %slice3A_552 : vector<1xf32> to vector<1xf32>
        %broadcast_in_dim3A_554 = vector.broadcast %broadcast_in_dim3A_553 : vector<1xf32> to vector<16xf32>
        %get3A_555 = arith.constant 272 : index
        %get3A_556 = tpu.vector_load %arg12[%get3A_555] {strides = array<i32>} : memref<640xf32, #tpu.memory_space<vmem>>, vector<16xf32>,
        %get3A_557 = vector.shape_cast %get3A_556 : vector<16xf32> to vector<16xf32>
        %mul3A_558 = arith.mulf %broadcast_in_dim3A_554, %get3A_557 : vector<16xf32>
        %add3A_559 = arith.addf %add3A_551, %mul3A_558 : vector<16xf32>
        %slice3A_560 = vector.extract_strided_slice %get3A_402 {offsets = [14], sizes = [1], strides = [1]} : vector<16xf32> to vector<1xf32>
        %broadcast_in_dim3A_561 = vector.shape_cast %slice3A_560 : vector<1xf32> to vector<1xf32>
        %broadcast_in_dim3A_562 = vector.broadcast %broadcast_in_dim3A_561 : vector<1xf32> to vector<16xf32>
        %get3A_563 = arith.constant 288 : index
        %get3A_564 = tpu.vector_load %arg12[%get3A_563] {strides = array<i32>} : memref<640xf32, #tpu.memory_space<vmem>>, vector<16xf32>,
        %get3A_565 = vector.shape_cast %get3A_564 : vector<16xf32> to vector<16xf32>
        %mul3A_566 = arith.mulf %broadcast_in_dim3A_562, %get3A_565 : vector<16xf32>
        %add3A_567 = arith.addf %add3A_559, %mul3A_566 : vector<16xf32>
        %slice3A_568 = vector.extract_strided_slice %get3A_402 {offsets = [15], sizes = [1], strides = [1]} : vector<16xf32> to vector<1xf32>
        %broadcast_in_dim3A_569 = vector.shape_cast %slice3A_568 : vector<1xf32> to vector<1xf32>
        %broadcast_in_dim3A_570 = vector.broadcast %broadcast_in_dim3A_569 : vector<1xf32> to vector<16xf32>
        %get3A_571 = arith.constant 304 : index
        %get3A_572 = tpu.vector_load %arg12[%get3A_571] {strides = array<i32>} : memref<640xf32, #tpu.memory_space<vmem>>, vector<16xf32>,
        %get3A_573 = vector.shape_cast %get3A_572 : vector<16xf32> to vector<16xf32>
        %mul3A_574 = arith.mulf %broadcast_in_dim3A_570, %get3A_573 : vector<16xf32>
        %add3A_575 = arith.addf %add3A_567, %mul3A_574 : vector<16xf32>
        %slice3A_576 = vector.extract_strided_slice %get3A_407 {offsets = [0], sizes = [1], strides = [1]} : vector<16xf32> to vector<1xf32>
        %broadcast_in_dim3A_577 = vector.shape_cast %slice3A_576 : vector<1xf32> to vector<1xf32>
        %broadcast_in_dim3A_578 = vector.broadcast %broadcast_in_dim3A_577 : vector<1xf32> to vector<16xf32>
        %get3A_579 = arith.constant 320 : index
        %get3A_580 = tpu.vector_load %arg12[%get3A_579] {strides = array<i32>} : memref<640xf32, #tpu.memory_space<vmem>>, vector<16xf32>,
        %get3A_581 = vector.shape_cast %get3A_580 : vector<16xf32> to vector<16xf32>
        %mul3A_582 = arith.mulf %broadcast_in_dim3A_578, %get3A_581 : vector<16xf32>
        %add3A_583 = arith.addf %add3A_575, %mul3A_582 : vector<16xf32>
        %slice3A_584 = vector.extract_strided_slice %get3A_407 {offsets = [1], sizes = [1], strides = [1]} : vector<16xf32> to vector<1xf32>
        %broadcast_in_dim3A_585 = vector.shape_cast %slice3A_584 : vector<1xf32> to vector<1xf32>
        %broadcast_in_dim3A_586 = vector.broadcast %broadcast_in_dim3A_585 : vector<1xf32> to vector<16xf32>
        %get3A_587 = arith.constant 336 : index
        %get3A_588 = tpu.vector_load %arg12[%get3A_587] {strides = array<i32>} : memref<640xf32, #tpu.memory_space<vmem>>, vector<16xf32>,
        %get3A_589 = vector.shape_cast %get3A_588 : vector<16xf32> to vector<16xf32>
        %mul3A_590 = arith.mulf %broadcast_in_dim3A_586, %get3A_589 : vector<16xf32>
        %add3A_591 = arith.addf %add3A_583, %mul3A_590 : vector<16xf32>
        %slice3A_592 = vector.extract_strided_slice %get3A_407 {offsets = [2], sizes = [1], strides = [1]} : vector<16xf32> to vector<1xf32>
        %broadcast_in_dim3A_593 = vector.shape_cast %slice3A_592 : vector<1xf32> to vector<1xf32>
        %broadcast_in_dim3A_594 = vector.broadcast %broadcast_in_dim3A_593 : vector<1xf32> to vector<16xf32>
        %get3A_595 = arith.constant 352 : index
        %get3A_596 = tpu.vector_load %arg12[%get3A_595] {strides = array<i32>} : memref<640xf32, #tpu.memory_space<vmem>>, vector<16xf32>,
        %get3A_597 = vector.shape_cast %get3A_596 : vector<16xf32> to vector<16xf32>
        %mul3A_598 = arith.mulf %broadcast_in_dim3A_594, %get3A_597 : vector<16xf32>
        %add3A_599 = arith.addf %add3A_591, %mul3A_598 : vector<16xf32>
        %slice3A_600 = vector.extract_strided_slice %get3A_407 {offsets = [3], sizes = [1], strides = [1]} : vector<16xf32> to vector<1xf32>
        %broadcast_in_dim3A_601 = vector.shape_cast %slice3A_600 : vector<1xf32> to vector<1xf32>
        %broadcast_in_dim3A_602 = vector.broadcast %broadcast_in_dim3A_601 : vector<1xf32> to vector<16xf32>
        %get3A_603 = arith.constant 368 : index
        %get3A_604 = tpu.vector_load %arg12[%get3A_603] {strides = array<i32>} : memref<640xf32, #tpu.memory_space<vmem>>, vector<16xf32>,
        %get3A_605 = vector.shape_cast %get3A_604 : vector<16xf32> to vector<16xf32>
        %mul3A_606 = arith.mulf %broadcast_in_dim3A_602, %get3A_605 : vector<16xf32>
        %add3A_607 = arith.addf %add3A_599, %mul3A_606 : vector<16xf32>
        %slice3A_608 = vector.extract_strided_slice %get3A_407 {offsets = [4], sizes = [1], strides = [1]} : vector<16xf32> to vector<1xf32>
        %broadcast_in_dim3A_609 = vector.shape_cast %slice3A_608 : vector<1xf32> to vector<1xf32>
        %broadcast_in_dim3A_610 = vector.broadcast %broadcast_in_dim3A_609 : vector<1xf32> to vector<16xf32>
        %get3A_611 = arith.constant 384 : index
        %get3A_612 = tpu.vector_load %arg12[%get3A_611] {strides = array<i32>} : memref<640xf32, #tpu.memory_space<vmem>>, vector<16xf32>,
        %get3A_613 = vector.shape_cast %get3A_612 : vector<16xf32> to vector<16xf32>
        %mul3A_614 = arith.mulf %broadcast_in_dim3A_610, %get3A_613 : vector<16xf32>
        %add3A_615 = arith.addf %add3A_607, %mul3A_614 : vector<16xf32>
        %slice3A_616 = vector.extract_strided_slice %get3A_407 {offsets = [5], sizes = [1], strides = [1]} : vector<16xf32> to vector<1xf32>
        %broadcast_in_dim3A_617 = vector.shape_cast %slice3A_616 : vector<1xf32> to vector<1xf32>
        %broadcast_in_dim3A_618 = vector.broadcast %broadcast_in_dim3A_617 : vector<1xf32> to vector<16xf32>
        %get3A_619 = arith.constant 400 : index
        %get3A_620 = tpu.vector_load %arg12[%get3A_619] {strides = array<i32>} : memref<640xf32, #tpu.memory_space<vmem>>, vector<16xf32>,
        %get3A_621 = vector.shape_cast %get3A_620 : vector<16xf32> to vector<16xf32>
        %mul3A_622 = arith.mulf %broadcast_in_dim3A_618, %get3A_621 : vector<16xf32>
        %add3A_623 = arith.addf %add3A_615, %mul3A_622 : vector<16xf32>
        %slice3A_624 = vector.extract_strided_slice %get3A_407 {offsets = [6], sizes = [1], strides = [1]} : vector<16xf32> to vector<1xf32>
        %broadcast_in_dim3A_625 = vector.shape_cast %slice3A_624 : vector<1xf32> to vector<1xf32>
        %broadcast_in_dim3A_626 = vector.broadcast %broadcast_in_dim3A_625 : vector<1xf32> to vector<16xf32>
        %get3A_627 = arith.constant 416 : index
        %get3A_628 = tpu.vector_load %arg12[%get3A_627] {strides = array<i32>} : memref<640xf32, #tpu.memory_space<vmem>>, vector<16xf32>,
        %get3A_629 = vector.shape_cast %get3A_628 : vector<16xf32> to vector<16xf32>
        %mul3A_630 = arith.mulf %broadcast_in_dim3A_626, %get3A_629 : vector<16xf32>
        %add3A_631 = arith.addf %add3A_623, %mul3A_630 : vector<16xf32>
        %slice3A_632 = vector.extract_strided_slice %get3A_407 {offsets = [7], sizes = [1], strides = [1]} : vector<16xf32> to vector<1xf32>
        %broadcast_in_dim3A_633 = vector.shape_cast %slice3A_632 : vector<1xf32> to vector<1xf32>
        %broadcast_in_dim3A_634 = vector.broadcast %broadcast_in_dim3A_633 : vector<1xf32> to vector<16xf32>
        %get3A_635 = arith.constant 432 : index
        %get3A_636 = tpu.vector_load %arg12[%get3A_635] {strides = array<i32>} : memref<640xf32, #tpu.memory_space<vmem>>, vector<16xf32>,
        %get3A_637 = vector.shape_cast %get3A_636 : vector<16xf32> to vector<16xf32>
        %mul3A_638 = arith.mulf %broadcast_in_dim3A_634, %get3A_637 : vector<16xf32>
        %add3A_639 = arith.addf %add3A_631, %mul3A_638 : vector<16xf32>
        %slice3A_640 = vector.extract_strided_slice %get3A_407 {offsets = [8], sizes = [1], strides = [1]} : vector<16xf32> to vector<1xf32>
        %broadcast_in_dim3A_641 = vector.shape_cast %slice3A_640 : vector<1xf32> to vector<1xf32>
        %broadcast_in_dim3A_642 = vector.broadcast %broadcast_in_dim3A_641 : vector<1xf32> to vector<16xf32>
        %get3A_643 = arith.constant 448 : index
        %get3A_644 = tpu.vector_load %arg12[%get3A_643] {strides = array<i32>} : memref<640xf32, #tpu.memory_space<vmem>>, vector<16xf32>,
        %get3A_645 = vector.shape_cast %get3A_644 : vector<16xf32> to vector<16xf32>
        %mul3A_646 = arith.mulf %broadcast_in_dim3A_642, %get3A_645 : vector<16xf32>
        %add3A_647 = arith.addf %add3A_639, %mul3A_646 : vector<16xf32>
        %slice3A_648 = vector.extract_strided_slice %get3A_407 {offsets = [9], sizes = [1], strides = [1]} : vector<16xf32> to vector<1xf32>
        %broadcast_in_dim3A_649 = vector.shape_cast %slice3A_648 : vector<1xf32> to vector<1xf32>
        %broadcast_in_dim3A_650 = vector.broadcast %broadcast_in_dim3A_649 : vector<1xf32> to vector<16xf32>
        %get3A_651 = arith.constant 464 : index
        %get3A_652 = tpu.vector_load %arg12[%get3A_651] {strides = array<i32>} : memref<640xf32, #tpu.memory_space<vmem>>, vector<16xf32>,
        %get3A_653 = vector.shape_cast %get3A_652 : vector<16xf32> to vector<16xf32>
        %mul3A_654 = arith.mulf %broadcast_in_dim3A_650, %get3A_653 : vector<16xf32>
        %add3A_655 = arith.addf %add3A_647, %mul3A_654 : vector<16xf32>
        %slice3A_656 = vector.extract_strided_slice %get3A_407 {offsets = [10], sizes = [1], strides = [1]} : vector<16xf32> to vector<1xf32>
        %broadcast_in_dim3A_657 = vector.shape_cast %slice3A_656 : vector<1xf32> to vector<1xf32>
        %broadcast_in_dim3A_658 = vector.broadcast %broadcast_in_dim3A_657 : vector<1xf32> to vector<16xf32>
        %get3A_659 = arith.constant 480 : index
        %get3A_660 = tpu.vector_load %arg12[%get3A_659] {strides = array<i32>} : memref<640xf32, #tpu.memory_space<vmem>>, vector<16xf32>,
        %get3A_661 = vector.shape_cast %get3A_660 : vector<16xf32> to vector<16xf32>
        %mul3A_662 = arith.mulf %broadcast_in_dim3A_658, %get3A_661 : vector<16xf32>
        %add3A_663 = arith.addf %add3A_655, %mul3A_662 : vector<16xf32>
        %slice3A_664 = vector.extract_strided_slice %get3A_407 {offsets = [11], sizes = [1], strides = [1]} : vector<16xf32> to vector<1xf32>
        %broadcast_in_dim3A_665 = vector.shape_cast %slice3A_664 : vector<1xf32> to vector<1xf32>
        %broadcast_in_dim3A_666 = vector.broadcast %broadcast_in_dim3A_665 : vector<1xf32> to vector<16xf32>
        %get3A_667 = arith.constant 496 : index
        %get3A_668 = tpu.vector_load %arg12[%get3A_667] {strides = array<i32>} : memref<640xf32, #tpu.memory_space<vmem>>, vector<16xf32>,
        %get3A_669 = vector.shape_cast %get3A_668 : vector<16xf32> to vector<16xf32>
        %mul3A_670 = arith.mulf %broadcast_in_dim3A_666, %get3A_669 : vector<16xf32>
        %add3A_671 = arith.addf %add3A_663, %mul3A_670 : vector<16xf32>
        %slice3A_672 = vector.extract_strided_slice %get3A_407 {offsets = [12], sizes = [1], strides = [1]} : vector<16xf32> to vector<1xf32>
        %broadcast_in_dim3A_673 = vector.shape_cast %slice3A_672 : vector<1xf32> to vector<1xf32>
        %broadcast_in_dim3A_674 = vector.broadcast %broadcast_in_dim3A_673 : vector<1xf32> to vector<16xf32>
        %get3A_675 = arith.constant 512 : index
        %get3A_676 = tpu.vector_load %arg12[%get3A_675] {strides = array<i32>} : memref<640xf32, #tpu.memory_space<vmem>>, vector<16xf32>,
        %get3A_677 = vector.shape_cast %get3A_676 : vector<16xf32> to vector<16xf32>
        %mul3A_678 = arith.mulf %broadcast_in_dim3A_674, %get3A_677 : vector<16xf32>
        %add3A_679 = arith.addf %add3A_671, %mul3A_678 : vector<16xf32>
        %slice3A_680 = vector.extract_strided_slice %get3A_407 {offsets = [13], sizes = [1], strides = [1]} : vector<16xf32> to vector<1xf32>
        %broadcast_in_dim3A_681 = vector.shape_cast %slice3A_680 : vector<1xf32> to vector<1xf32>
        %broadcast_in_dim3A_682 = vector.broadcast %broadcast_in_dim3A_681 : vector<1xf32> to vector<16xf32>
        %get3A_683 = arith.constant 528 : index
        %get3A_684 = tpu.vector_load %arg12[%get3A_683] {strides = array<i32>} : memref<640xf32, #tpu.memory_space<vmem>>, vector<16xf32>,
        %get3A_685 = vector.shape_cast %get3A_684 : vector<16xf32> to vector<16xf32>
        %mul3A_686 = arith.mulf %broadcast_in_dim3A_682, %get3A_685 : vector<16xf32>
        %add3A_687 = arith.addf %add3A_679, %mul3A_686 : vector<16xf32>
        %slice3A_688 = vector.extract_strided_slice %get3A_407 {offsets = [14], sizes = [1], strides = [1]} : vector<16xf32> to vector<1xf32>
        %broadcast_in_dim3A_689 = vector.shape_cast %slice3A_688 : vector<1xf32> to vector<1xf32>
        %broadcast_in_dim3A_690 = vector.broadcast %broadcast_in_dim3A_689 : vector<1xf32> to vector<16xf32>
        %get3A_691 = arith.constant 544 : index
        %get3A_692 = tpu.vector_load %arg12[%get3A_691] {strides = array<i32>} : memref<640xf32, #tpu.memory_space<vmem>>, vector<16xf32>,
        %get3A_693 = vector.shape_cast %get3A_692 : vector<16xf32> to vector<16xf32>
        %mul3A_694 = arith.mulf %broadcast_in_dim3A_690, %get3A_693 : vector<16xf32>
        %add3A_695 = arith.addf %add3A_687, %mul3A_694 : vector<16xf32>
        %slice3A_696 = vector.extract_strided_slice %get3A_407 {offsets = [15], sizes = [1], strides = [1]} : vector<16xf32> to vector<1xf32>
        %broadcast_in_dim3A_697 = vector.shape_cast %slice3A_696 : vector<1xf32> to vector<1xf32>
        %broadcast_in_dim3A_698 = vector.broadcast %broadcast_in_dim3A_697 : vector<1xf32> to vector<16xf32>
        %get3A_699 = arith.constant 560 : index
        %get3A_700 = tpu.vector_load %arg12[%get3A_699] {strides = array<i32>} : memref<640xf32, #tpu.memory_space<vmem>>, vector<16xf32>,
        %get3A_701 = vector.shape_cast %get3A_700 : vector<16xf32> to vector<16xf32>
        %mul3A_702 = arith.mulf %broadcast_in_dim3A_698, %get3A_701 : vector<16xf32>
        %add3A_703 = arith.addf %add3A_695, %mul3A_702 : vector<16xf32>
        %slice3A_704 = vector.extract_strided_slice %get3A_412 {offsets = [12], sizes = [1], strides = [1]} : vector<16xf32> to vector<1xf32>
        %broadcast_in_dim3A_705 = vector.shape_cast %slice3A_704 : vector<1xf32> to vector<1xf32>
        %broadcast_in_dim3A_706 = vector.broadcast %broadcast_in_dim3A_705 : vector<1xf32> to vector<16xf32>
        %get3A_707 = arith.constant 576 : index
        %get3A_708 = tpu.vector_load %arg12[%get3A_707] {strides = array<i32>} : memref<640xf32, #tpu.memory_space<vmem>>, vector<16xf32>,
        %get3A_709 = vector.shape_cast %get3A_708 : vector<16xf32> to vector<16xf32>
        %mul3A_710 = arith.mulf %broadcast_in_dim3A_706, %get3A_709 : vector<16xf32>
        %add3A_711 = arith.addf %add3A_703, %mul3A_710 : vector<16xf32>
        %slice3A_712 = vector.extract_strided_slice %get3A_412 {offsets = [13], sizes = [1], strides = [1]} : vector<16xf32> to vector<1xf32>
        %broadcast_in_dim3A_713 = vector.shape_cast %slice3A_712 : vector<1xf32> to vector<1xf32>
        %broadcast_in_dim3A_714 = vector.broadcast %broadcast_in_dim3A_713 : vector<1xf32> to vector<16xf32>
        %get3A_715 = arith.constant 592 : index
        %get3A_716 = tpu.vector_load %arg12[%get3A_715] {strides = array<i32>} : memref<640xf32, #tpu.memory_space<vmem>>, vector<16xf32>,
        %get3A_717 = vector.shape_cast %get3A_716 : vector<16xf32> to vector<16xf32>
        %mul3A_718 = arith.mulf %broadcast_in_dim3A_714, %get3A_717 : vector<16xf32>
        %add3A_719 = arith.addf %add3A_711, %mul3A_718 : vector<16xf32>
        %slice3A_720 = vector.extract_strided_slice %get3A_412 {offsets = [14], sizes = [1], strides = [1]} : vector<16xf32> to vector<1xf32>
        %broadcast_in_dim3A_721 = vector.shape_cast %slice3A_720 : vector<1xf32> to vector<1xf32>
        %broadcast_in_dim3A_722 = vector.broadcast %broadcast_in_dim3A_721 : vector<1xf32> to vector<16xf32>
        %get3A_723 = arith.constant 608 : index
        %get3A_724 = tpu.vector_load %arg12[%get3A_723] {strides = array<i32>} : memref<640xf32, #tpu.memory_space<vmem>>, vector<16xf32>,
        %get3A_725 = vector.shape_cast %get3A_724 : vector<16xf32> to vector<16xf32>
        %mul3A_726 = arith.mulf %broadcast_in_dim3A_722, %get3A_725 : vector<16xf32>
        %add3A_727 = arith.addf %add3A_719, %mul3A_726 : vector<16xf32>
        %slice3A_728 = vector.extract_strided_slice %get3A_412 {offsets = [15], sizes = [1], strides = [1]} : vector<16xf32> to vector<1xf32>
        %broadcast_in_dim3A_729 = vector.shape_cast %slice3A_728 : vector<1xf32> to vector<1xf32>
        %broadcast_in_dim3A_730 = vector.broadcast %broadcast_in_dim3A_729 : vector<1xf32> to vector<16xf32>
        %get3A_731 = arith.constant 624 : index
        %get3A_732 = tpu.vector_load %arg12[%get3A_731] {strides = array<i32>} : memref<640xf32, #tpu.memory_space<vmem>>, vector<16xf32>,
        %get3A_733 = vector.shape_cast %get3A_732 : vector<16xf32> to vector<16xf32>
        %mul3A_734 = arith.mulf %broadcast_in_dim3A_730, %get3A_733 : vector<16xf32>
        %add3A_735 = arith.addf %add3A_727, %mul3A_734 : vector<16xf32>
        %max3A_736 = arith.constant 0.000000e+00 : f32
        %max3A_737 = vector.broadcast %max3A_736 : f32 to vector<16xf32>
        %max3A_738 = arith.maximumf %add3A_735, %max3A_737 : vector<16xf32>
        %mul3A_739 = arith.constant 16 : i32
        %mul3A_740 = arith.muli %add3A_384, %mul3A_739 : i32
        %sub3A_741 = arith.constant 300 : i32
        %sub3A_742 = arith.subi %sub3A_741, %mul3A_740 : i32
        %lt3A_743 = vector.broadcast %sub3A_742 : i32 to vector<16xi32>
        %lt3A_744 = arith.cmpi slt, %iota3A, %lt3A_743 : vector<16xi32>
        %jit3A_745 = arith.constant 0.000000e+00 : f32
        %broadcast_in_dim3A_746 = vector.broadcast %jit3A_745 : f32 to vector<16xf32>
        %select_n3A_747 = arith.select %lt3A_744, %max3A_738, %broadcast_in_dim3A_746 : vector<16xi1>, vector<16xf32>
        %swap3A_748 = arith.constant 0 : index
        %swap3A_749 = tpu.vector_load %arg14[%swap3A_748] {strides = array<i32>} : memref<16xf32, #tpu.memory_space<vmem>>, vector<16xf32>,
        %swap3A_750 = vector.shape_cast %swap3A_749 : vector<16xf32> to vector<16xf32>
        %swap3A_751 = vector.shape_cast %select_n3A_747 : vector<16xf32> to vector<16xf32>
        tpu.vector_store %arg14[%swap3A_748], %swap3A_751 {strides = array<i32>} : memref<16xf32, #tpu.memory_space<vmem>>, vector<16xf32>,
        %mul3A_752 = arith.constant 16 : i32
        %mul3A_753 = arith.muli %add3A_384, %mul3A_752 : i32
        "tpu.region"() ({
          %run_scoped3A = tpu.sem_alloc : memref<!tpu.dma_semaphore, #tpu.memory_space<semaphore_mem>>
          %dma_start3A = tpu.memref_slice %arg20[%mul3A_753] : memref<304xf32, #tpu.memory_space<vmem_shared>> -> memref<16xf32, #tpu.memory_space<vmem_shared>>
          %dma_start3A_754 = tpu.memref_slice %arg20[%mul3A_753] : memref<304xf32, #tpu.memory_space<vmem_shared>> -> memref<16xf32, #tpu.memory_space<vmem_shared>>
          tpu.enqueue_dma source(%arg14 : memref<16xf32, #tpu.memory_space<vmem>>) target(%dma_start3A_754 : memref<16xf32, #tpu.memory_space<vmem_shared>>) target_semaphore(%run_scoped3A : memref<!tpu.dma_semaphore, #tpu.memory_space<semaphore_mem>>)
          %dma_wait3A = tpu.memref_slice %arg20[%mul3A_753] : memref<304xf32, #tpu.memory_space<vmem_shared>> -> memref<16xf32, #tpu.memory_space<vmem_shared>>
          %dma_wait3A_755 = tpu.memref_slice %arg20[%mul3A_753] : memref<304xf32, #tpu.memory_space<vmem_shared>> -> memref<16xf32, #tpu.memory_space<vmem_shared>>
          tpu.wait_dma2 semaphore(%run_scoped3A : memref<!tpu.dma_semaphore, #tpu.memory_space<semaphore_mem>>) src(%arg14 : memref<16xf32, #tpu.memory_space<vmem>>) dst(%dma_wait3A_755 : memref<16xf32, #tpu.memory_space<vmem_shared>>)
          tpu.yield
        }) : () -> ()
      } else {
      }
    } else {
    }
    %barrier3A_12 = arith.constant 0 : index
    tpu.barrier barrier_id(%barrier3A_12)
    %lt3A_13 = arith.constant 15 : i32
    %lt3A_14 = arith.cmpi slt, %arg1, %lt3A_13 : i32
    %and3A_15 = arith.andi %eq3A_0, %lt3A_14 : i1
    %convert_element_type3A_16 = arith.extui %and3A_15 : i1 to i32
    %cond3A_17 = arith.constant 0 : i32
    %cond3A_18 = arith.cmpi ne, %convert_element_type3A_16, %cond3A_17 : i32
    scf.if %cond3A_18 {
      "tpu.region"() ({
        %run_scoped3A = tpu.sem_alloc : memref<!tpu.dma_semaphore, #tpu.memory_space<semaphore_mem>>
        tpu.enqueue_dma source(%arg20 : memref<304xf32, #tpu.memory_space<vmem_shared>>) target(%arg15 : memref<304xf32, #tpu.memory_space<vmem>>) target_semaphore(%run_scoped3A : memref<!tpu.dma_semaphore, #tpu.memory_space<semaphore_mem>>)
        tpu.wait_dma2 semaphore(%run_scoped3A : memref<!tpu.dma_semaphore, #tpu.memory_space<semaphore_mem>>) src(%arg20 : memref<304xf32, #tpu.memory_space<vmem_shared>>) dst(%arg15 : memref<304xf32, #tpu.memory_space<vmem>>)
        tpu.yield
      }) : () -> ()
      %mul3A = arith.constant 16 : i32
      %mul3A_19 = arith.muli %arg1, %mul3A : i32
      "tpu.region"() ({
        %run_scoped3A = tpu.sem_alloc : memref<!tpu.dma_semaphore, #tpu.memory_space<semaphore_mem>>
        %dma_start3A = tpu.memref_slice %arg7[%mul3A_19] : memref<240xf32, #tpu.memory_space<hbm>> -> memref<16xf32, #tpu.memory_space<hbm>>
        %dma_start3A_2486 = tpu.memref_slice %arg7[%mul3A_19] : memref<240xf32, #tpu.memory_space<hbm>> -> memref<16xf32, #tpu.memory_space<hbm>>
        tpu.enqueue_dma source(%dma_start3A_2486 : memref<16xf32, #tpu.memory_space<hbm>>) target(%arg17 : memref<16xf32, #tpu.memory_space<vmem>>) target_semaphore(%run_scoped3A : memref<!tpu.dma_semaphore, #tpu.memory_space<semaphore_mem>>)
        %dma_wait3A_2487 = tpu.memref_slice %arg7[%mul3A_19] : memref<240xf32, #tpu.memory_space<hbm>> -> memref<16xf32, #tpu.memory_space<hbm>>
        %dma_wait3A_2488 = tpu.memref_slice %arg7[%mul3A_19] : memref<240xf32, #tpu.memory_space<hbm>> -> memref<16xf32, #tpu.memory_space<hbm>>
        tpu.wait_dma2 semaphore(%run_scoped3A : memref<!tpu.dma_semaphore, #tpu.memory_space<semaphore_mem>>) src(%dma_wait3A_2488 : memref<16xf32, #tpu.memory_space<hbm>>) dst(%arg17 : memref<16xf32, #tpu.memory_space<vmem>>)
        tpu.yield
      }) : () -> ()
      %mul3A_20 = arith.constant 16 : i32
      %mul3A_21 = arith.muli %arg1, %mul3A_20 : i32
      %mul3A_22 = arith.constant 300 : i32
      %mul3A_23 = arith.muli %mul3A_21, %mul3A_22 : i32
      %dma_wait3A = tpu.memref_slice %arg6[%mul3A_23] : memref<72000xf32, #tpu.memory_space<hbm>> -> memref<4800xf32, #tpu.memory_space<hbm>>
      %dma_wait3A_24 = tpu.memref_slice %arg6[%mul3A_23] : memref<72000xf32, #tpu.memory_space<hbm>> -> memref<4800xf32, #tpu.memory_space<hbm>>
      tpu.wait_dma2 semaphore(%arg22 : memref<!tpu.dma_semaphore, #tpu.memory_space<semaphore_mem>>) src(%dma_wait3A_24 : memref<4800xf32, #tpu.memory_space<hbm>>) dst(%arg16 : memref<4800xf32, #tpu.memory_space<vmem>>)
      %get3A = arith.constant 0 : index
      %get3A_25 = tpu.vector_load %arg15[%get3A] {strides = array<i32>} : memref<304xf32, #tpu.memory_space<vmem>>, vector<16xf32>,
      %get3A_26 = vector.shape_cast %get3A_25 : vector<16xf32> to vector<16xf32>
      %get3A_27 = arith.constant 16 : index
      %get3A_28 = tpu.vector_load %arg15[%get3A_27] {strides = array<i32>} : memref<304xf32, #tpu.memory_space<vmem>>, vector<16xf32>,
      %get3A_29 = vector.shape_cast %get3A_28 : vector<16xf32> to vector<16xf32>
      %get3A_30 = arith.constant 32 : index
      %get3A_31 = tpu.vector_load %arg15[%get3A_30] {strides = array<i32>} : memref<304xf32, #tpu.memory_space<vmem>>, vector<16xf32>,
      %get3A_32 = vector.shape_cast %get3A_31 : vector<16xf32> to vector<16xf32>
      %get3A_33 = arith.constant 48 : index
      %get3A_34 = tpu.vector_load %arg15[%get3A_33] {strides = array<i32>} : memref<304xf32, #tpu.memory_space<vmem>>, vector<16xf32>,
      %get3A_35 = vector.shape_cast %get3A_34 : vector<16xf32> to vector<16xf32>
      %get3A_36 = arith.constant 64 : index
      %get3A_37 = tpu.vector_load %arg15[%get3A_36] {strides = array<i32>} : memref<304xf32, #tpu.memory_space<vmem>>, vector<16xf32>,
      %get3A_38 = vector.shape_cast %get3A_37 : vector<16xf32> to vector<16xf32>
      %get3A_39 = arith.constant 80 : index
      %get3A_40 = tpu.vector_load %arg15[%get3A_39] {strides = array<i32>} : memref<304xf32, #tpu.memory_space<vmem>>, vector<16xf32>,
      %get3A_41 = vector.shape_cast %get3A_40 : vector<16xf32> to vector<16xf32>
      %get3A_42 = arith.constant 96 : index
      %get3A_43 = tpu.vector_load %arg15[%get3A_42] {strides = array<i32>} : memref<304xf32, #tpu.memory_space<vmem>>, vector<16xf32>,
      %get3A_44 = vector.shape_cast %get3A_43 : vector<16xf32> to vector<16xf32>
      %get3A_45 = arith.constant 112 : index
      %get3A_46 = tpu.vector_load %arg15[%get3A_45] {strides = array<i32>} : memref<304xf32, #tpu.memory_space<vmem>>, vector<16xf32>,
      %get3A_47 = vector.shape_cast %get3A_46 : vector<16xf32> to vector<16xf32>
      %get3A_48 = arith.constant 128 : index
      %get3A_49 = tpu.vector_load %arg15[%get3A_48] {strides = array<i32>} : memref<304xf32, #tpu.memory_space<vmem>>, vector<16xf32>,
      %get3A_50 = vector.shape_cast %get3A_49 : vector<16xf32> to vector<16xf32>
      %get3A_51 = arith.constant 144 : index
      %get3A_52 = tpu.vector_load %arg15[%get3A_51] {strides = array<i32>} : memref<304xf32, #tpu.memory_space<vmem>>, vector<16xf32>,
      %get3A_53 = vector.shape_cast %get3A_52 : vector<16xf32> to vector<16xf32>
      %get3A_54 = arith.constant 160 : index
      %get3A_55 = tpu.vector_load %arg15[%get3A_54] {strides = array<i32>} : memref<304xf32, #tpu.memory_space<vmem>>, vector<16xf32>,
      %get3A_56 = vector.shape_cast %get3A_55 : vector<16xf32> to vector<16xf32>
      %get3A_57 = arith.constant 176 : index
      %get3A_58 = tpu.vector_load %arg15[%get3A_57] {strides = array<i32>} : memref<304xf32, #tpu.memory_space<vmem>>, vector<16xf32>,
      %get3A_59 = vector.shape_cast %get3A_58 : vector<16xf32> to vector<16xf32>
      %get3A_60 = arith.constant 192 : index
      %get3A_61 = tpu.vector_load %arg15[%get3A_60] {strides = array<i32>} : memref<304xf32, #tpu.memory_space<vmem>>, vector<16xf32>,
      %get3A_62 = vector.shape_cast %get3A_61 : vector<16xf32> to vector<16xf32>
      %get3A_63 = arith.constant 208 : index
      %get3A_64 = tpu.vector_load %arg15[%get3A_63] {strides = array<i32>} : memref<304xf32, #tpu.memory_space<vmem>>, vector<16xf32>,
      %get3A_65 = vector.shape_cast %get3A_64 : vector<16xf32> to vector<16xf32>
      %get3A_66 = arith.constant 224 : index
      %get3A_67 = tpu.vector_load %arg15[%get3A_66] {strides = array<i32>} : memref<304xf32, #tpu.memory_space<vmem>>, vector<16xf32>,
      %get3A_68 = vector.shape_cast %get3A_67 : vector<16xf32> to vector<16xf32>
      %get3A_69 = arith.constant 240 : index
      %get3A_70 = tpu.vector_load %arg15[%get3A_69] {strides = array<i32>} : memref<304xf32, #tpu.memory_space<vmem>>, vector<16xf32>,
      %get3A_71 = vector.shape_cast %get3A_70 : vector<16xf32> to vector<16xf32>
      %get3A_72 = arith.constant 256 : index
      %get3A_73 = tpu.vector_load %arg15[%get3A_72] {strides = array<i32>} : memref<304xf32, #tpu.memory_space<vmem>>, vector<16xf32>,
      %get3A_74 = vector.shape_cast %get3A_73 : vector<16xf32> to vector<16xf32>
      %get3A_75 = arith.constant 272 : index
      %get3A_76 = tpu.vector_load %arg15[%get3A_75] {strides = array<i32>} : memref<304xf32, #tpu.memory_space<vmem>>, vector<16xf32>,
      %get3A_77 = vector.shape_cast %get3A_76 : vector<16xf32> to vector<16xf32>
      %get3A_78 = arith.constant 288 : index
      %get3A_79 = tpu.vector_load %arg15[%get3A_78] {strides = array<i32>} : memref<304xf32, #tpu.memory_space<vmem>>, vector<16xf32>,
      %get3A_80 = vector.shape_cast %get3A_79 : vector<16xf32> to vector<16xf32>
      %get3A_81 = arith.constant 0 : index
      %get3A_82 = tpu.vector_load %arg17[%get3A_81] {strides = array<i32>} : memref<16xf32, #tpu.memory_space<vmem>>, vector<16xf32>,
      %get3A_83 = vector.shape_cast %get3A_82 : vector<16xf32> to vector<16xf32>
      %slice3A = vector.extract_strided_slice %get3A_26 {offsets = [0], sizes = [1], strides = [1]} : vector<16xf32> to vector<1xf32>
      %broadcast_in_dim3A = vector.shape_cast %slice3A : vector<1xf32> to vector<1xf32>
      %broadcast_in_dim3A_84 = vector.broadcast %broadcast_in_dim3A : vector<1xf32> to vector<16xf32>
      %get3A_85 = arith.constant 0 : index
      %get3A_86 = tpu.vector_load %arg16[%get3A_85] {strides = array<i32>} : memref<4800xf32, #tpu.memory_space<vmem>>, vector<16xf32>,
      %get3A_87 = vector.shape_cast %get3A_86 : vector<16xf32> to vector<16xf32>
      %mul3A_88 = arith.mulf %broadcast_in_dim3A_84, %get3A_87 : vector<16xf32>
      %add3A = arith.addf %get3A_83, %mul3A_88 : vector<16xf32>
      %slice3A_89 = vector.extract_strided_slice %get3A_26 {offsets = [1], sizes = [1], strides = [1]} : vector<16xf32> to vector<1xf32>
      %broadcast_in_dim3A_90 = vector.shape_cast %slice3A_89 : vector<1xf32> to vector<1xf32>
      %broadcast_in_dim3A_91 = vector.broadcast %broadcast_in_dim3A_90 : vector<1xf32> to vector<16xf32>
      %get3A_92 = arith.constant 16 : index
      %get3A_93 = tpu.vector_load %arg16[%get3A_92] {strides = array<i32>} : memref<4800xf32, #tpu.memory_space<vmem>>, vector<16xf32>,
      %get3A_94 = vector.shape_cast %get3A_93 : vector<16xf32> to vector<16xf32>
      %mul3A_95 = arith.mulf %broadcast_in_dim3A_91, %get3A_94 : vector<16xf32>
      %add3A_96 = arith.addf %add3A, %mul3A_95 : vector<16xf32>
      %slice3A_97 = vector.extract_strided_slice %get3A_26 {offsets = [2], sizes = [1], strides = [1]} : vector<16xf32> to vector<1xf32>
      %broadcast_in_dim3A_98 = vector.shape_cast %slice3A_97 : vector<1xf32> to vector<1xf32>
      %broadcast_in_dim3A_99 = vector.broadcast %broadcast_in_dim3A_98 : vector<1xf32> to vector<16xf32>
      %get3A_100 = arith.constant 32 : index
      %get3A_101 = tpu.vector_load %arg16[%get3A_100] {strides = array<i32>} : memref<4800xf32, #tpu.memory_space<vmem>>, vector<16xf32>,
      %get3A_102 = vector.shape_cast %get3A_101 : vector<16xf32> to vector<16xf32>
      %mul3A_103 = arith.mulf %broadcast_in_dim3A_99, %get3A_102 : vector<16xf32>
      %add3A_104 = arith.addf %add3A_96, %mul3A_103 : vector<16xf32>
      %slice3A_105 = vector.extract_strided_slice %get3A_26 {offsets = [3], sizes = [1], strides = [1]} : vector<16xf32> to vector<1xf32>
      %broadcast_in_dim3A_106 = vector.shape_cast %slice3A_105 : vector<1xf32> to vector<1xf32>
      %broadcast_in_dim3A_107 = vector.broadcast %broadcast_in_dim3A_106 : vector<1xf32> to vector<16xf32>
      %get3A_108 = arith.constant 48 : index
      %get3A_109 = tpu.vector_load %arg16[%get3A_108] {strides = array<i32>} : memref<4800xf32, #tpu.memory_space<vmem>>, vector<16xf32>,
      %get3A_110 = vector.shape_cast %get3A_109 : vector<16xf32> to vector<16xf32>
      %mul3A_111 = arith.mulf %broadcast_in_dim3A_107, %get3A_110 : vector<16xf32>
      %add3A_112 = arith.addf %add3A_104, %mul3A_111 : vector<16xf32>
      %slice3A_113 = vector.extract_strided_slice %get3A_26 {offsets = [4], sizes = [1], strides = [1]} : vector<16xf32> to vector<1xf32>
      %broadcast_in_dim3A_114 = vector.shape_cast %slice3A_113 : vector<1xf32> to vector<1xf32>
      %broadcast_in_dim3A_115 = vector.broadcast %broadcast_in_dim3A_114 : vector<1xf32> to vector<16xf32>
      %get3A_116 = arith.constant 64 : index
      %get3A_117 = tpu.vector_load %arg16[%get3A_116] {strides = array<i32>} : memref<4800xf32, #tpu.memory_space<vmem>>, vector<16xf32>,
      %get3A_118 = vector.shape_cast %get3A_117 : vector<16xf32> to vector<16xf32>
      %mul3A_119 = arith.mulf %broadcast_in_dim3A_115, %get3A_118 : vector<16xf32>
      %add3A_120 = arith.addf %add3A_112, %mul3A_119 : vector<16xf32>
      %slice3A_121 = vector.extract_strided_slice %get3A_26 {offsets = [5], sizes = [1], strides = [1]} : vector<16xf32> to vector<1xf32>
      %broadcast_in_dim3A_122 = vector.shape_cast %slice3A_121 : vector<1xf32> to vector<1xf32>
      %broadcast_in_dim3A_123 = vector.broadcast %broadcast_in_dim3A_122 : vector<1xf32> to vector<16xf32>
      %get3A_124 = arith.constant 80 : index
      %get3A_125 = tpu.vector_load %arg16[%get3A_124] {strides = array<i32>} : memref<4800xf32, #tpu.memory_space<vmem>>, vector<16xf32>,
      %get3A_126 = vector.shape_cast %get3A_125 : vector<16xf32> to vector<16xf32>
      %mul3A_127 = arith.mulf %broadcast_in_dim3A_123, %get3A_126 : vector<16xf32>
      %add3A_128 = arith.addf %add3A_120, %mul3A_127 : vector<16xf32>
      %slice3A_129 = vector.extract_strided_slice %get3A_26 {offsets = [6], sizes = [1], strides = [1]} : vector<16xf32> to vector<1xf32>
      %broadcast_in_dim3A_130 = vector.shape_cast %slice3A_129 : vector<1xf32> to vector<1xf32>
      %broadcast_in_dim3A_131 = vector.broadcast %broadcast_in_dim3A_130 : vector<1xf32> to vector<16xf32>
      %get3A_132 = arith.constant 96 : index
      %get3A_133 = tpu.vector_load %arg16[%get3A_132] {strides = array<i32>} : memref<4800xf32, #tpu.memory_space<vmem>>, vector<16xf32>,
      %get3A_134 = vector.shape_cast %get3A_133 : vector<16xf32> to vector<16xf32>
      %mul3A_135 = arith.mulf %broadcast_in_dim3A_131, %get3A_134 : vector<16xf32>
      %add3A_136 = arith.addf %add3A_128, %mul3A_135 : vector<16xf32>
      %slice3A_137 = vector.extract_strided_slice %get3A_26 {offsets = [7], sizes = [1], strides = [1]} : vector<16xf32> to vector<1xf32>
      %broadcast_in_dim3A_138 = vector.shape_cast %slice3A_137 : vector<1xf32> to vector<1xf32>
      %broadcast_in_dim3A_139 = vector.broadcast %broadcast_in_dim3A_138 : vector<1xf32> to vector<16xf32>
      %get3A_140 = arith.constant 112 : index
      %get3A_141 = tpu.vector_load %arg16[%get3A_140] {strides = array<i32>} : memref<4800xf32, #tpu.memory_space<vmem>>, vector<16xf32>,
      %get3A_142 = vector.shape_cast %get3A_141 : vector<16xf32> to vector<16xf32>
      %mul3A_143 = arith.mulf %broadcast_in_dim3A_139, %get3A_142 : vector<16xf32>
      %add3A_144 = arith.addf %add3A_136, %mul3A_143 : vector<16xf32>
      %slice3A_145 = vector.extract_strided_slice %get3A_26 {offsets = [8], sizes = [1], strides = [1]} : vector<16xf32> to vector<1xf32>
      %broadcast_in_dim3A_146 = vector.shape_cast %slice3A_145 : vector<1xf32> to vector<1xf32>
      %broadcast_in_dim3A_147 = vector.broadcast %broadcast_in_dim3A_146 : vector<1xf32> to vector<16xf32>
      %get3A_148 = arith.constant 128 : index
      %get3A_149 = tpu.vector_load %arg16[%get3A_148] {strides = array<i32>} : memref<4800xf32, #tpu.memory_space<vmem>>, vector<16xf32>,
      %get3A_150 = vector.shape_cast %get3A_149 : vector<16xf32> to vector<16xf32>
      %mul3A_151 = arith.mulf %broadcast_in_dim3A_147, %get3A_150 : vector<16xf32>
      %add3A_152 = arith.addf %add3A_144, %mul3A_151 : vector<16xf32>
      %slice3A_153 = vector.extract_strided_slice %get3A_26 {offsets = [9], sizes = [1], strides = [1]} : vector<16xf32> to vector<1xf32>
      %broadcast_in_dim3A_154 = vector.shape_cast %slice3A_153 : vector<1xf32> to vector<1xf32>
      %broadcast_in_dim3A_155 = vector.broadcast %broadcast_in_dim3A_154 : vector<1xf32> to vector<16xf32>
      %get3A_156 = arith.constant 144 : index
      %get3A_157 = tpu.vector_load %arg16[%get3A_156] {strides = array<i32>} : memref<4800xf32, #tpu.memory_space<vmem>>, vector<16xf32>,
      %get3A_158 = vector.shape_cast %get3A_157 : vector<16xf32> to vector<16xf32>
      %mul3A_159 = arith.mulf %broadcast_in_dim3A_155, %get3A_158 : vector<16xf32>
      %add3A_160 = arith.addf %add3A_152, %mul3A_159 : vector<16xf32>
      %slice3A_161 = vector.extract_strided_slice %get3A_26 {offsets = [10], sizes = [1], strides = [1]} : vector<16xf32> to vector<1xf32>
      %broadcast_in_dim3A_162 = vector.shape_cast %slice3A_161 : vector<1xf32> to vector<1xf32>
      %broadcast_in_dim3A_163 = vector.broadcast %broadcast_in_dim3A_162 : vector<1xf32> to vector<16xf32>
      %get3A_164 = arith.constant 160 : index
      %get3A_165 = tpu.vector_load %arg16[%get3A_164] {strides = array<i32>} : memref<4800xf32, #tpu.memory_space<vmem>>, vector<16xf32>,
      %get3A_166 = vector.shape_cast %get3A_165 : vector<16xf32> to vector<16xf32>
      %mul3A_167 = arith.mulf %broadcast_in_dim3A_163, %get3A_166 : vector<16xf32>
      %add3A_168 = arith.addf %add3A_160, %mul3A_167 : vector<16xf32>
      %slice3A_169 = vector.extract_strided_slice %get3A_26 {offsets = [11], sizes = [1], strides = [1]} : vector<16xf32> to vector<1xf32>
      %broadcast_in_dim3A_170 = vector.shape_cast %slice3A_169 : vector<1xf32> to vector<1xf32>
      %broadcast_in_dim3A_171 = vector.broadcast %broadcast_in_dim3A_170 : vector<1xf32> to vector<16xf32>
      %get3A_172 = arith.constant 176 : index
      %get3A_173 = tpu.vector_load %arg16[%get3A_172] {strides = array<i32>} : memref<4800xf32, #tpu.memory_space<vmem>>, vector<16xf32>,
      %get3A_174 = vector.shape_cast %get3A_173 : vector<16xf32> to vector<16xf32>
      %mul3A_175 = arith.mulf %broadcast_in_dim3A_171, %get3A_174 : vector<16xf32>
      %add3A_176 = arith.addf %add3A_168, %mul3A_175 : vector<16xf32>
      %slice3A_177 = vector.extract_strided_slice %get3A_26 {offsets = [12], sizes = [1], strides = [1]} : vector<16xf32> to vector<1xf32>
      %broadcast_in_dim3A_178 = vector.shape_cast %slice3A_177 : vector<1xf32> to vector<1xf32>
      %broadcast_in_dim3A_179 = vector.broadcast %broadcast_in_dim3A_178 : vector<1xf32> to vector<16xf32>
      %get3A_180 = arith.constant 192 : index
      %get3A_181 = tpu.vector_load %arg16[%get3A_180] {strides = array<i32>} : memref<4800xf32, #tpu.memory_space<vmem>>, vector<16xf32>,
      %get3A_182 = vector.shape_cast %get3A_181 : vector<16xf32> to vector<16xf32>
      %mul3A_183 = arith.mulf %broadcast_in_dim3A_179, %get3A_182 : vector<16xf32>
      %add3A_184 = arith.addf %add3A_176, %mul3A_183 : vector<16xf32>
      %slice3A_185 = vector.extract_strided_slice %get3A_26 {offsets = [13], sizes = [1], strides = [1]} : vector<16xf32> to vector<1xf32>
      %broadcast_in_dim3A_186 = vector.shape_cast %slice3A_185 : vector<1xf32> to vector<1xf32>
      %broadcast_in_dim3A_187 = vector.broadcast %broadcast_in_dim3A_186 : vector<1xf32> to vector<16xf32>
      %get3A_188 = arith.constant 208 : index
      %get3A_189 = tpu.vector_load %arg16[%get3A_188] {strides = array<i32>} : memref<4800xf32, #tpu.memory_space<vmem>>, vector<16xf32>,
      %get3A_190 = vector.shape_cast %get3A_189 : vector<16xf32> to vector<16xf32>
      %mul3A_191 = arith.mulf %broadcast_in_dim3A_187, %get3A_190 : vector<16xf32>
      %add3A_192 = arith.addf %add3A_184, %mul3A_191 : vector<16xf32>
      %slice3A_193 = vector.extract_strided_slice %get3A_26 {offsets = [14], sizes = [1], strides = [1]} : vector<16xf32> to vector<1xf32>
      %broadcast_in_dim3A_194 = vector.shape_cast %slice3A_193 : vector<1xf32> to vector<1xf32>
      %broadcast_in_dim3A_195 = vector.broadcast %broadcast_in_dim3A_194 : vector<1xf32> to vector<16xf32>
      %get3A_196 = arith.constant 224 : index
      %get3A_197 = tpu.vector_load %arg16[%get3A_196] {strides = array<i32>} : memref<4800xf32, #tpu.memory_space<vmem>>, vector<16xf32>,
      %get3A_198 = vector.shape_cast %get3A_197 : vector<16xf32> to vector<16xf32>
      %mul3A_199 = arith.mulf %broadcast_in_dim3A_195, %get3A_198 : vector<16xf32>
      %add3A_200 = arith.addf %add3A_192, %mul3A_199 : vector<16xf32>
      %slice3A_201 = vector.extract_strided_slice %get3A_26 {offsets = [15], sizes = [1], strides = [1]} : vector<16xf32> to vector<1xf32>
      %broadcast_in_dim3A_202 = vector.shape_cast %slice3A_201 : vector<1xf32> to vector<1xf32>
      %broadcast_in_dim3A_203 = vector.broadcast %broadcast_in_dim3A_202 : vector<1xf32> to vector<16xf32>
      %get3A_204 = arith.constant 240 : index
      %get3A_205 = tpu.vector_load %arg16[%get3A_204] {strides = array<i32>} : memref<4800xf32, #tpu.memory_space<vmem>>, vector<16xf32>,
      %get3A_206 = vector.shape_cast %get3A_205 : vector<16xf32> to vector<16xf32>
      %mul3A_207 = arith.mulf %broadcast_in_dim3A_203, %get3A_206 : vector<16xf32>
      %add3A_208 = arith.addf %add3A_200, %mul3A_207 : vector<16xf32>
      %slice3A_209 = vector.extract_strided_slice %get3A_29 {offsets = [0], sizes = [1], strides = [1]} : vector<16xf32> to vector<1xf32>
      %broadcast_in_dim3A_210 = vector.shape_cast %slice3A_209 : vector<1xf32> to vector<1xf32>
      %broadcast_in_dim3A_211 = vector.broadcast %broadcast_in_dim3A_210 : vector<1xf32> to vector<16xf32>
      %get3A_212 = arith.constant 256 : index
      %get3A_213 = tpu.vector_load %arg16[%get3A_212] {strides = array<i32>} : memref<4800xf32, #tpu.memory_space<vmem>>, vector<16xf32>,
      %get3A_214 = vector.shape_cast %get3A_213 : vector<16xf32> to vector<16xf32>
      %mul3A_215 = arith.mulf %broadcast_in_dim3A_211, %get3A_214 : vector<16xf32>
      %add3A_216 = arith.addf %add3A_208, %mul3A_215 : vector<16xf32>
      %slice3A_217 = vector.extract_strided_slice %get3A_29 {offsets = [1], sizes = [1], strides = [1]} : vector<16xf32> to vector<1xf32>
      %broadcast_in_dim3A_218 = vector.shape_cast %slice3A_217 : vector<1xf32> to vector<1xf32>
      %broadcast_in_dim3A_219 = vector.broadcast %broadcast_in_dim3A_218 : vector<1xf32> to vector<16xf32>
      %get3A_220 = arith.constant 272 : index
      %get3A_221 = tpu.vector_load %arg16[%get3A_220] {strides = array<i32>} : memref<4800xf32, #tpu.memory_space<vmem>>, vector<16xf32>,
      %get3A_222 = vector.shape_cast %get3A_221 : vector<16xf32> to vector<16xf32>
      %mul3A_223 = arith.mulf %broadcast_in_dim3A_219, %get3A_222 : vector<16xf32>
      %add3A_224 = arith.addf %add3A_216, %mul3A_223 : vector<16xf32>
      %slice3A_225 = vector.extract_strided_slice %get3A_29 {offsets = [2], sizes = [1], strides = [1]} : vector<16xf32> to vector<1xf32>
      %broadcast_in_dim3A_226 = vector.shape_cast %slice3A_225 : vector<1xf32> to vector<1xf32>
      %broadcast_in_dim3A_227 = vector.broadcast %broadcast_in_dim3A_226 : vector<1xf32> to vector<16xf32>
      %get3A_228 = arith.constant 288 : index
      %get3A_229 = tpu.vector_load %arg16[%get3A_228] {strides = array<i32>} : memref<4800xf32, #tpu.memory_space<vmem>>, vector<16xf32>,
      %get3A_230 = vector.shape_cast %get3A_229 : vector<16xf32> to vector<16xf32>
      %mul3A_231 = arith.mulf %broadcast_in_dim3A_227, %get3A_230 : vector<16xf32>
      %add3A_232 = arith.addf %add3A_224, %mul3A_231 : vector<16xf32>
      %slice3A_233 = vector.extract_strided_slice %get3A_29 {offsets = [3], sizes = [1], strides = [1]} : vector<16xf32> to vector<1xf32>
      %broadcast_in_dim3A_234 = vector.shape_cast %slice3A_233 : vector<1xf32> to vector<1xf32>
      %broadcast_in_dim3A_235 = vector.broadcast %broadcast_in_dim3A_234 : vector<1xf32> to vector<16xf32>
      %get3A_236 = arith.constant 304 : index
      %get3A_237 = tpu.vector_load %arg16[%get3A_236] {strides = array<i32>} : memref<4800xf32, #tpu.memory_space<vmem>>, vector<16xf32>,
      %get3A_238 = vector.shape_cast %get3A_237 : vector<16xf32> to vector<16xf32>
      %mul3A_239 = arith.mulf %broadcast_in_dim3A_235, %get3A_238 : vector<16xf32>
      %add3A_240 = arith.addf %add3A_232, %mul3A_239 : vector<16xf32>
      %slice3A_241 = vector.extract_strided_slice %get3A_29 {offsets = [4], sizes = [1], strides = [1]} : vector<16xf32> to vector<1xf32>
      %broadcast_in_dim3A_242 = vector.shape_cast %slice3A_241 : vector<1xf32> to vector<1xf32>
      %broadcast_in_dim3A_243 = vector.broadcast %broadcast_in_dim3A_242 : vector<1xf32> to vector<16xf32>
      %get3A_244 = arith.constant 320 : index
      %get3A_245 = tpu.vector_load %arg16[%get3A_244] {strides = array<i32>} : memref<4800xf32, #tpu.memory_space<vmem>>, vector<16xf32>,
      %get3A_246 = vector.shape_cast %get3A_245 : vector<16xf32> to vector<16xf32>
      %mul3A_247 = arith.mulf %broadcast_in_dim3A_243, %get3A_246 : vector<16xf32>
      %add3A_248 = arith.addf %add3A_240, %mul3A_247 : vector<16xf32>
      %slice3A_249 = vector.extract_strided_slice %get3A_29 {offsets = [5], sizes = [1], strides = [1]} : vector<16xf32> to vector<1xf32>
      %broadcast_in_dim3A_250 = vector.shape_cast %slice3A_249 : vector<1xf32> to vector<1xf32>
      %broadcast_in_dim3A_251 = vector.broadcast %broadcast_in_dim3A_250 : vector<1xf32> to vector<16xf32>
      %get3A_252 = arith.constant 336 : index
      %get3A_253 = tpu.vector_load %arg16[%get3A_252] {strides = array<i32>} : memref<4800xf32, #tpu.memory_space<vmem>>, vector<16xf32>,
      %get3A_254 = vector.shape_cast %get3A_253 : vector<16xf32> to vector<16xf32>
      %mul3A_255 = arith.mulf %broadcast_in_dim3A_251, %get3A_254 : vector<16xf32>
      %add3A_256 = arith.addf %add3A_248, %mul3A_255 : vector<16xf32>
      %slice3A_257 = vector.extract_strided_slice %get3A_29 {offsets = [6], sizes = [1], strides = [1]} : vector<16xf32> to vector<1xf32>
      %broadcast_in_dim3A_258 = vector.shape_cast %slice3A_257 : vector<1xf32> to vector<1xf32>
      %broadcast_in_dim3A_259 = vector.broadcast %broadcast_in_dim3A_258 : vector<1xf32> to vector<16xf32>
      %get3A_260 = arith.constant 352 : index
      %get3A_261 = tpu.vector_load %arg16[%get3A_260] {strides = array<i32>} : memref<4800xf32, #tpu.memory_space<vmem>>, vector<16xf32>,
      %get3A_262 = vector.shape_cast %get3A_261 : vector<16xf32> to vector<16xf32>
      %mul3A_263 = arith.mulf %broadcast_in_dim3A_259, %get3A_262 : vector<16xf32>
      %add3A_264 = arith.addf %add3A_256, %mul3A_263 : vector<16xf32>
      %slice3A_265 = vector.extract_strided_slice %get3A_29 {offsets = [7], sizes = [1], strides = [1]} : vector<16xf32> to vector<1xf32>
      %broadcast_in_dim3A_266 = vector.shape_cast %slice3A_265 : vector<1xf32> to vector<1xf32>
      %broadcast_in_dim3A_267 = vector.broadcast %broadcast_in_dim3A_266 : vector<1xf32> to vector<16xf32>
      %get3A_268 = arith.constant 368 : index
      %get3A_269 = tpu.vector_load %arg16[%get3A_268] {strides = array<i32>} : memref<4800xf32, #tpu.memory_space<vmem>>, vector<16xf32>,
      %get3A_270 = vector.shape_cast %get3A_269 : vector<16xf32> to vector<16xf32>
      %mul3A_271 = arith.mulf %broadcast_in_dim3A_267, %get3A_270 : vector<16xf32>
      %add3A_272 = arith.addf %add3A_264, %mul3A_271 : vector<16xf32>
      %slice3A_273 = vector.extract_strided_slice %get3A_29 {offsets = [8], sizes = [1], strides = [1]} : vector<16xf32> to vector<1xf32>
      %broadcast_in_dim3A_274 = vector.shape_cast %slice3A_273 : vector<1xf32> to vector<1xf32>
      %broadcast_in_dim3A_275 = vector.broadcast %broadcast_in_dim3A_274 : vector<1xf32> to vector<16xf32>
      %get3A_276 = arith.constant 384 : index
      %get3A_277 = tpu.vector_load %arg16[%get3A_276] {strides = array<i32>} : memref<4800xf32, #tpu.memory_space<vmem>>, vector<16xf32>,
      %get3A_278 = vector.shape_cast %get3A_277 : vector<16xf32> to vector<16xf32>
      %mul3A_279 = arith.mulf %broadcast_in_dim3A_275, %get3A_278 : vector<16xf32>
      %add3A_280 = arith.addf %add3A_272, %mul3A_279 : vector<16xf32>
      %slice3A_281 = vector.extract_strided_slice %get3A_29 {offsets = [9], sizes = [1], strides = [1]} : vector<16xf32> to vector<1xf32>
      %broadcast_in_dim3A_282 = vector.shape_cast %slice3A_281 : vector<1xf32> to vector<1xf32>
      %broadcast_in_dim3A_283 = vector.broadcast %broadcast_in_dim3A_282 : vector<1xf32> to vector<16xf32>
      %get3A_284 = arith.constant 400 : index
      %get3A_285 = tpu.vector_load %arg16[%get3A_284] {strides = array<i32>} : memref<4800xf32, #tpu.memory_space<vmem>>, vector<16xf32>,
      %get3A_286 = vector.shape_cast %get3A_285 : vector<16xf32> to vector<16xf32>
      %mul3A_287 = arith.mulf %broadcast_in_dim3A_283, %get3A_286 : vector<16xf32>
      %add3A_288 = arith.addf %add3A_280, %mul3A_287 : vector<16xf32>
      %slice3A_289 = vector.extract_strided_slice %get3A_29 {offsets = [10], sizes = [1], strides = [1]} : vector<16xf32> to vector<1xf32>
      %broadcast_in_dim3A_290 = vector.shape_cast %slice3A_289 : vector<1xf32> to vector<1xf32>
      %broadcast_in_dim3A_291 = vector.broadcast %broadcast_in_dim3A_290 : vector<1xf32> to vector<16xf32>
      %get3A_292 = arith.constant 416 : index
      %get3A_293 = tpu.vector_load %arg16[%get3A_292] {strides = array<i32>} : memref<4800xf32, #tpu.memory_space<vmem>>, vector<16xf32>,
      %get3A_294 = vector.shape_cast %get3A_293 : vector<16xf32> to vector<16xf32>
      %mul3A_295 = arith.mulf %broadcast_in_dim3A_291, %get3A_294 : vector<16xf32>
      %add3A_296 = arith.addf %add3A_288, %mul3A_295 : vector<16xf32>
      %slice3A_297 = vector.extract_strided_slice %get3A_29 {offsets = [11], sizes = [1], strides = [1]} : vector<16xf32> to vector<1xf32>
      %broadcast_in_dim3A_298 = vector.shape_cast %slice3A_297 : vector<1xf32> to vector<1xf32>
      %broadcast_in_dim3A_299 = vector.broadcast %broadcast_in_dim3A_298 : vector<1xf32> to vector<16xf32>
      %get3A_300 = arith.constant 432 : index
      %get3A_301 = tpu.vector_load %arg16[%get3A_300] {strides = array<i32>} : memref<4800xf32, #tpu.memory_space<vmem>>, vector<16xf32>,
      %get3A_302 = vector.shape_cast %get3A_301 : vector<16xf32> to vector<16xf32>
      %mul3A_303 = arith.mulf %broadcast_in_dim3A_299, %get3A_302 : vector<16xf32>
      %add3A_304 = arith.addf %add3A_296, %mul3A_303 : vector<16xf32>
      %slice3A_305 = vector.extract_strided_slice %get3A_29 {offsets = [12], sizes = [1], strides = [1]} : vector<16xf32> to vector<1xf32>
      %broadcast_in_dim3A_306 = vector.shape_cast %slice3A_305 : vector<1xf32> to vector<1xf32>
      %broadcast_in_dim3A_307 = vector.broadcast %broadcast_in_dim3A_306 : vector<1xf32> to vector<16xf32>
      %get3A_308 = arith.constant 448 : index
      %get3A_309 = tpu.vector_load %arg16[%get3A_308] {strides = array<i32>} : memref<4800xf32, #tpu.memory_space<vmem>>, vector<16xf32>,
      %get3A_310 = vector.shape_cast %get3A_309 : vector<16xf32> to vector<16xf32>
      %mul3A_311 = arith.mulf %broadcast_in_dim3A_307, %get3A_310 : vector<16xf32>
      %add3A_312 = arith.addf %add3A_304, %mul3A_311 : vector<16xf32>
      %slice3A_313 = vector.extract_strided_slice %get3A_29 {offsets = [13], sizes = [1], strides = [1]} : vector<16xf32> to vector<1xf32>
      %broadcast_in_dim3A_314 = vector.shape_cast %slice3A_313 : vector<1xf32> to vector<1xf32>
      %broadcast_in_dim3A_315 = vector.broadcast %broadcast_in_dim3A_314 : vector<1xf32> to vector<16xf32>
      %get3A_316 = arith.constant 464 : index
      %get3A_317 = tpu.vector_load %arg16[%get3A_316] {strides = array<i32>} : memref<4800xf32, #tpu.memory_space<vmem>>, vector<16xf32>,
      %get3A_318 = vector.shape_cast %get3A_317 : vector<16xf32> to vector<16xf32>
      %mul3A_319 = arith.mulf %broadcast_in_dim3A_315, %get3A_318 : vector<16xf32>
      %add3A_320 = arith.addf %add3A_312, %mul3A_319 : vector<16xf32>
      %slice3A_321 = vector.extract_strided_slice %get3A_29 {offsets = [14], sizes = [1], strides = [1]} : vector<16xf32> to vector<1xf32>
      %broadcast_in_dim3A_322 = vector.shape_cast %slice3A_321 : vector<1xf32> to vector<1xf32>
      %broadcast_in_dim3A_323 = vector.broadcast %broadcast_in_dim3A_322 : vector<1xf32> to vector<16xf32>
      %get3A_324 = arith.constant 480 : index
      %get3A_325 = tpu.vector_load %arg16[%get3A_324] {strides = array<i32>} : memref<4800xf32, #tpu.memory_space<vmem>>, vector<16xf32>,
      %get3A_326 = vector.shape_cast %get3A_325 : vector<16xf32> to vector<16xf32>
      %mul3A_327 = arith.mulf %broadcast_in_dim3A_323, %get3A_326 : vector<16xf32>
      %add3A_328 = arith.addf %add3A_320, %mul3A_327 : vector<16xf32>
      %slice3A_329 = vector.extract_strided_slice %get3A_29 {offsets = [15], sizes = [1], strides = [1]} : vector<16xf32> to vector<1xf32>
      %broadcast_in_dim3A_330 = vector.shape_cast %slice3A_329 : vector<1xf32> to vector<1xf32>
      %broadcast_in_dim3A_331 = vector.broadcast %broadcast_in_dim3A_330 : vector<1xf32> to vector<16xf32>
      %get3A_332 = arith.constant 496 : index
      %get3A_333 = tpu.vector_load %arg16[%get3A_332] {strides = array<i32>} : memref<4800xf32, #tpu.memory_space<vmem>>, vector<16xf32>,
      %get3A_334 = vector.shape_cast %get3A_333 : vector<16xf32> to vector<16xf32>
      %mul3A_335 = arith.mulf %broadcast_in_dim3A_331, %get3A_334 : vector<16xf32>
      %add3A_336 = arith.addf %add3A_328, %mul3A_335 : vector<16xf32>
      %slice3A_337 = vector.extract_strided_slice %get3A_32 {offsets = [0], sizes = [1], strides = [1]} : vector<16xf32> to vector<1xf32>
      %broadcast_in_dim3A_338 = vector.shape_cast %slice3A_337 : vector<1xf32> to vector<1xf32>
      %broadcast_in_dim3A_339 = vector.broadcast %broadcast_in_dim3A_338 : vector<1xf32> to vector<16xf32>
      %get3A_340 = arith.constant 512 : index
      %get3A_341 = tpu.vector_load %arg16[%get3A_340] {strides = array<i32>} : memref<4800xf32, #tpu.memory_space<vmem>>, vector<16xf32>,
      %get3A_342 = vector.shape_cast %get3A_341 : vector<16xf32> to vector<16xf32>
      %mul3A_343 = arith.mulf %broadcast_in_dim3A_339, %get3A_342 : vector<16xf32>
      %add3A_344 = arith.addf %add3A_336, %mul3A_343 : vector<16xf32>
      %slice3A_345 = vector.extract_strided_slice %get3A_32 {offsets = [1], sizes = [1], strides = [1]} : vector<16xf32> to vector<1xf32>
      %broadcast_in_dim3A_346 = vector.shape_cast %slice3A_345 : vector<1xf32> to vector<1xf32>
      %broadcast_in_dim3A_347 = vector.broadcast %broadcast_in_dim3A_346 : vector<1xf32> to vector<16xf32>
      %get3A_348 = arith.constant 528 : index
      %get3A_349 = tpu.vector_load %arg16[%get3A_348] {strides = array<i32>} : memref<4800xf32, #tpu.memory_space<vmem>>, vector<16xf32>,
      %get3A_350 = vector.shape_cast %get3A_349 : vector<16xf32> to vector<16xf32>
      %mul3A_351 = arith.mulf %broadcast_in_dim3A_347, %get3A_350 : vector<16xf32>
      %add3A_352 = arith.addf %add3A_344, %mul3A_351 : vector<16xf32>
      %slice3A_353 = vector.extract_strided_slice %get3A_32 {offsets = [2], sizes = [1], strides = [1]} : vector<16xf32> to vector<1xf32>
      %broadcast_in_dim3A_354 = vector.shape_cast %slice3A_353 : vector<1xf32> to vector<1xf32>
      %broadcast_in_dim3A_355 = vector.broadcast %broadcast_in_dim3A_354 : vector<1xf32> to vector<16xf32>
      %get3A_356 = arith.constant 544 : index
      %get3A_357 = tpu.vector_load %arg16[%get3A_356] {strides = array<i32>} : memref<4800xf32, #tpu.memory_space<vmem>>, vector<16xf32>,
      %get3A_358 = vector.shape_cast %get3A_357 : vector<16xf32> to vector<16xf32>
      %mul3A_359 = arith.mulf %broadcast_in_dim3A_355, %get3A_358 : vector<16xf32>
      %add3A_360 = arith.addf %add3A_352, %mul3A_359 : vector<16xf32>
      %slice3A_361 = vector.extract_strided_slice %get3A_32 {offsets = [3], sizes = [1], strides = [1]} : vector<16xf32> to vector<1xf32>
      %broadcast_in_dim3A_362 = vector.shape_cast %slice3A_361 : vector<1xf32> to vector<1xf32>
      %broadcast_in_dim3A_363 = vector.broadcast %broadcast_in_dim3A_362 : vector<1xf32> to vector<16xf32>
      %get3A_364 = arith.constant 560 : index
      %get3A_365 = tpu.vector_load %arg16[%get3A_364] {strides = array<i32>} : memref<4800xf32, #tpu.memory_space<vmem>>, vector<16xf32>,
      %get3A_366 = vector.shape_cast %get3A_365 : vector<16xf32> to vector<16xf32>
      %mul3A_367 = arith.mulf %broadcast_in_dim3A_363, %get3A_366 : vector<16xf32>
      %add3A_368 = arith.addf %add3A_360, %mul3A_367 : vector<16xf32>
      %slice3A_369 = vector.extract_strided_slice %get3A_32 {offsets = [4], sizes = [1], strides = [1]} : vector<16xf32> to vector<1xf32>
      %broadcast_in_dim3A_370 = vector.shape_cast %slice3A_369 : vector<1xf32> to vector<1xf32>
      %broadcast_in_dim3A_371 = vector.broadcast %broadcast_in_dim3A_370 : vector<1xf32> to vector<16xf32>
      %get3A_372 = arith.constant 576 : index
      %get3A_373 = tpu.vector_load %arg16[%get3A_372] {strides = array<i32>} : memref<4800xf32, #tpu.memory_space<vmem>>, vector<16xf32>,
      %get3A_374 = vector.shape_cast %get3A_373 : vector<16xf32> to vector<16xf32>
      %mul3A_375 = arith.mulf %broadcast_in_dim3A_371, %get3A_374 : vector<16xf32>
      %add3A_376 = arith.addf %add3A_368, %mul3A_375 : vector<16xf32>
      %slice3A_377 = vector.extract_strided_slice %get3A_32 {offsets = [5], sizes = [1], strides = [1]} : vector<16xf32> to vector<1xf32>
      %broadcast_in_dim3A_378 = vector.shape_cast %slice3A_377 : vector<1xf32> to vector<1xf32>
      %broadcast_in_dim3A_379 = vector.broadcast %broadcast_in_dim3A_378 : vector<1xf32> to vector<16xf32>
      %get3A_380 = arith.constant 592 : index
      %get3A_381 = tpu.vector_load %arg16[%get3A_380] {strides = array<i32>} : memref<4800xf32, #tpu.memory_space<vmem>>, vector<16xf32>,
      %get3A_382 = vector.shape_cast %get3A_381 : vector<16xf32> to vector<16xf32>
      %mul3A_383 = arith.mulf %broadcast_in_dim3A_379, %get3A_382 : vector<16xf32>
      %add3A_384 = arith.addf %add3A_376, %mul3A_383 : vector<16xf32>
      %slice3A_385 = vector.extract_strided_slice %get3A_32 {offsets = [6], sizes = [1], strides = [1]} : vector<16xf32> to vector<1xf32>
      %broadcast_in_dim3A_386 = vector.shape_cast %slice3A_385 : vector<1xf32> to vector<1xf32>
      %broadcast_in_dim3A_387 = vector.broadcast %broadcast_in_dim3A_386 : vector<1xf32> to vector<16xf32>
      %get3A_388 = arith.constant 608 : index
      %get3A_389 = tpu.vector_load %arg16[%get3A_388] {strides = array<i32>} : memref<4800xf32, #tpu.memory_space<vmem>>, vector<16xf32>,
      %get3A_390 = vector.shape_cast %get3A_389 : vector<16xf32> to vector<16xf32>
      %mul3A_391 = arith.mulf %broadcast_in_dim3A_387, %get3A_390 : vector<16xf32>
      %add3A_392 = arith.addf %add3A_384, %mul3A_391 : vector<16xf32>
      %slice3A_393 = vector.extract_strided_slice %get3A_32 {offsets = [7], sizes = [1], strides = [1]} : vector<16xf32> to vector<1xf32>
      %broadcast_in_dim3A_394 = vector.shape_cast %slice3A_393 : vector<1xf32> to vector<1xf32>
      %broadcast_in_dim3A_395 = vector.broadcast %broadcast_in_dim3A_394 : vector<1xf32> to vector<16xf32>
      %get3A_396 = arith.constant 624 : index
      %get3A_397 = tpu.vector_load %arg16[%get3A_396] {strides = array<i32>} : memref<4800xf32, #tpu.memory_space<vmem>>, vector<16xf32>,
      %get3A_398 = vector.shape_cast %get3A_397 : vector<16xf32> to vector<16xf32>
      %mul3A_399 = arith.mulf %broadcast_in_dim3A_395, %get3A_398 : vector<16xf32>
      %add3A_400 = arith.addf %add3A_392, %mul3A_399 : vector<16xf32>
      %slice3A_401 = vector.extract_strided_slice %get3A_32 {offsets = [8], sizes = [1], strides = [1]} : vector<16xf32> to vector<1xf32>
      %broadcast_in_dim3A_402 = vector.shape_cast %slice3A_401 : vector<1xf32> to vector<1xf32>
      %broadcast_in_dim3A_403 = vector.broadcast %broadcast_in_dim3A_402 : vector<1xf32> to vector<16xf32>
      %get3A_404 = arith.constant 640 : index
      %get3A_405 = tpu.vector_load %arg16[%get3A_404] {strides = array<i32>} : memref<4800xf32, #tpu.memory_space<vmem>>, vector<16xf32>,
      %get3A_406 = vector.shape_cast %get3A_405 : vector<16xf32> to vector<16xf32>
      %mul3A_407 = arith.mulf %broadcast_in_dim3A_403, %get3A_406 : vector<16xf32>
      %add3A_408 = arith.addf %add3A_400, %mul3A_407 : vector<16xf32>
      %slice3A_409 = vector.extract_strided_slice %get3A_32 {offsets = [9], sizes = [1], strides = [1]} : vector<16xf32> to vector<1xf32>
      %broadcast_in_dim3A_410 = vector.shape_cast %slice3A_409 : vector<1xf32> to vector<1xf32>
      %broadcast_in_dim3A_411 = vector.broadcast %broadcast_in_dim3A_410 : vector<1xf32> to vector<16xf32>
      %get3A_412 = arith.constant 656 : index
      %get3A_413 = tpu.vector_load %arg16[%get3A_412] {strides = array<i32>} : memref<4800xf32, #tpu.memory_space<vmem>>, vector<16xf32>,
      %get3A_414 = vector.shape_cast %get3A_413 : vector<16xf32> to vector<16xf32>
      %mul3A_415 = arith.mulf %broadcast_in_dim3A_411, %get3A_414 : vector<16xf32>
      %add3A_416 = arith.addf %add3A_408, %mul3A_415 : vector<16xf32>
      %slice3A_417 = vector.extract_strided_slice %get3A_32 {offsets = [10], sizes = [1], strides = [1]} : vector<16xf32> to vector<1xf32>
      %broadcast_in_dim3A_418 = vector.shape_cast %slice3A_417 : vector<1xf32> to vector<1xf32>
      %broadcast_in_dim3A_419 = vector.broadcast %broadcast_in_dim3A_418 : vector<1xf32> to vector<16xf32>
      %get3A_420 = arith.constant 672 : index
      %get3A_421 = tpu.vector_load %arg16[%get3A_420] {strides = array<i32>} : memref<4800xf32, #tpu.memory_space<vmem>>, vector<16xf32>,
      %get3A_422 = vector.shape_cast %get3A_421 : vector<16xf32> to vector<16xf32>
      %mul3A_423 = arith.mulf %broadcast_in_dim3A_419, %get3A_422 : vector<16xf32>
      %add3A_424 = arith.addf %add3A_416, %mul3A_423 : vector<16xf32>
      %slice3A_425 = vector.extract_strided_slice %get3A_32 {offsets = [11], sizes = [1], strides = [1]} : vector<16xf32> to vector<1xf32>
      %broadcast_in_dim3A_426 = vector.shape_cast %slice3A_425 : vector<1xf32> to vector<1xf32>
      %broadcast_in_dim3A_427 = vector.broadcast %broadcast_in_dim3A_426 : vector<1xf32> to vector<16xf32>
      %get3A_428 = arith.constant 688 : index
      %get3A_429 = tpu.vector_load %arg16[%get3A_428] {strides = array<i32>} : memref<4800xf32, #tpu.memory_space<vmem>>, vector<16xf32>,
      %get3A_430 = vector.shape_cast %get3A_429 : vector<16xf32> to vector<16xf32>
      %mul3A_431 = arith.mulf %broadcast_in_dim3A_427, %get3A_430 : vector<16xf32>
      %add3A_432 = arith.addf %add3A_424, %mul3A_431 : vector<16xf32>
      %slice3A_433 = vector.extract_strided_slice %get3A_32 {offsets = [12], sizes = [1], strides = [1]} : vector<16xf32> to vector<1xf32>
      %broadcast_in_dim3A_434 = vector.shape_cast %slice3A_433 : vector<1xf32> to vector<1xf32>
      %broadcast_in_dim3A_435 = vector.broadcast %broadcast_in_dim3A_434 : vector<1xf32> to vector<16xf32>
      %get3A_436 = arith.constant 704 : index
      %get3A_437 = tpu.vector_load %arg16[%get3A_436] {strides = array<i32>} : memref<4800xf32, #tpu.memory_space<vmem>>, vector<16xf32>,
      %get3A_438 = vector.shape_cast %get3A_437 : vector<16xf32> to vector<16xf32>
      %mul3A_439 = arith.mulf %broadcast_in_dim3A_435, %get3A_438 : vector<16xf32>
      %add3A_440 = arith.addf %add3A_432, %mul3A_439 : vector<16xf32>
      %slice3A_441 = vector.extract_strided_slice %get3A_32 {offsets = [13], sizes = [1], strides = [1]} : vector<16xf32> to vector<1xf32>
      %broadcast_in_dim3A_442 = vector.shape_cast %slice3A_441 : vector<1xf32> to vector<1xf32>
      %broadcast_in_dim3A_443 = vector.broadcast %broadcast_in_dim3A_442 : vector<1xf32> to vector<16xf32>
      %get3A_444 = arith.constant 720 : index
      %get3A_445 = tpu.vector_load %arg16[%get3A_444] {strides = array<i32>} : memref<4800xf32, #tpu.memory_space<vmem>>, vector<16xf32>,
      %get3A_446 = vector.shape_cast %get3A_445 : vector<16xf32> to vector<16xf32>
      %mul3A_447 = arith.mulf %broadcast_in_dim3A_443, %get3A_446 : vector<16xf32>
      %add3A_448 = arith.addf %add3A_440, %mul3A_447 : vector<16xf32>
      %slice3A_449 = vector.extract_strided_slice %get3A_32 {offsets = [14], sizes = [1], strides = [1]} : vector<16xf32> to vector<1xf32>
      %broadcast_in_dim3A_450 = vector.shape_cast %slice3A_449 : vector<1xf32> to vector<1xf32>
      %broadcast_in_dim3A_451 = vector.broadcast %broadcast_in_dim3A_450 : vector<1xf32> to vector<16xf32>
      %get3A_452 = arith.constant 736 : index
      %get3A_453 = tpu.vector_load %arg16[%get3A_452] {strides = array<i32>} : memref<4800xf32, #tpu.memory_space<vmem>>, vector<16xf32>,
      %get3A_454 = vector.shape_cast %get3A_453 : vector<16xf32> to vector<16xf32>
      %mul3A_455 = arith.mulf %broadcast_in_dim3A_451, %get3A_454 : vector<16xf32>
      %add3A_456 = arith.addf %add3A_448, %mul3A_455 : vector<16xf32>
      %slice3A_457 = vector.extract_strided_slice %get3A_32 {offsets = [15], sizes = [1], strides = [1]} : vector<16xf32> to vector<1xf32>
      %broadcast_in_dim3A_458 = vector.shape_cast %slice3A_457 : vector<1xf32> to vector<1xf32>
      %broadcast_in_dim3A_459 = vector.broadcast %broadcast_in_dim3A_458 : vector<1xf32> to vector<16xf32>
      %get3A_460 = arith.constant 752 : index
      %get3A_461 = tpu.vector_load %arg16[%get3A_460] {strides = array<i32>} : memref<4800xf32, #tpu.memory_space<vmem>>, vector<16xf32>,
      %get3A_462 = vector.shape_cast %get3A_461 : vector<16xf32> to vector<16xf32>
      %mul3A_463 = arith.mulf %broadcast_in_dim3A_459, %get3A_462 : vector<16xf32>
      %add3A_464 = arith.addf %add3A_456, %mul3A_463 : vector<16xf32>
      %slice3A_465 = vector.extract_strided_slice %get3A_35 {offsets = [0], sizes = [1], strides = [1]} : vector<16xf32> to vector<1xf32>
      %broadcast_in_dim3A_466 = vector.shape_cast %slice3A_465 : vector<1xf32> to vector<1xf32>
      %broadcast_in_dim3A_467 = vector.broadcast %broadcast_in_dim3A_466 : vector<1xf32> to vector<16xf32>
      %get3A_468 = arith.constant 768 : index
      %get3A_469 = tpu.vector_load %arg16[%get3A_468] {strides = array<i32>} : memref<4800xf32, #tpu.memory_space<vmem>>, vector<16xf32>,
      %get3A_470 = vector.shape_cast %get3A_469 : vector<16xf32> to vector<16xf32>
      %mul3A_471 = arith.mulf %broadcast_in_dim3A_467, %get3A_470 : vector<16xf32>
      %add3A_472 = arith.addf %add3A_464, %mul3A_471 : vector<16xf32>
      %slice3A_473 = vector.extract_strided_slice %get3A_35 {offsets = [1], sizes = [1], strides = [1]} : vector<16xf32> to vector<1xf32>
      %broadcast_in_dim3A_474 = vector.shape_cast %slice3A_473 : vector<1xf32> to vector<1xf32>
      %broadcast_in_dim3A_475 = vector.broadcast %broadcast_in_dim3A_474 : vector<1xf32> to vector<16xf32>
      %get3A_476 = arith.constant 784 : index
      %get3A_477 = tpu.vector_load %arg16[%get3A_476] {strides = array<i32>} : memref<4800xf32, #tpu.memory_space<vmem>>, vector<16xf32>,
      %get3A_478 = vector.shape_cast %get3A_477 : vector<16xf32> to vector<16xf32>
      %mul3A_479 = arith.mulf %broadcast_in_dim3A_475, %get3A_478 : vector<16xf32>
      %add3A_480 = arith.addf %add3A_472, %mul3A_479 : vector<16xf32>
      %slice3A_481 = vector.extract_strided_slice %get3A_35 {offsets = [2], sizes = [1], strides = [1]} : vector<16xf32> to vector<1xf32>
      %broadcast_in_dim3A_482 = vector.shape_cast %slice3A_481 : vector<1xf32> to vector<1xf32>
      %broadcast_in_dim3A_483 = vector.broadcast %broadcast_in_dim3A_482 : vector<1xf32> to vector<16xf32>
      %get3A_484 = arith.constant 800 : index
      %get3A_485 = tpu.vector_load %arg16[%get3A_484] {strides = array<i32>} : memref<4800xf32, #tpu.memory_space<vmem>>, vector<16xf32>,
      %get3A_486 = vector.shape_cast %get3A_485 : vector<16xf32> to vector<16xf32>
      %mul3A_487 = arith.mulf %broadcast_in_dim3A_483, %get3A_486 : vector<16xf32>
      %add3A_488 = arith.addf %add3A_480, %mul3A_487 : vector<16xf32>
      %slice3A_489 = vector.extract_strided_slice %get3A_35 {offsets = [3], sizes = [1], strides = [1]} : vector<16xf32> to vector<1xf32>
      %broadcast_in_dim3A_490 = vector.shape_cast %slice3A_489 : vector<1xf32> to vector<1xf32>
      %broadcast_in_dim3A_491 = vector.broadcast %broadcast_in_dim3A_490 : vector<1xf32> to vector<16xf32>
      %get3A_492 = arith.constant 816 : index
      %get3A_493 = tpu.vector_load %arg16[%get3A_492] {strides = array<i32>} : memref<4800xf32, #tpu.memory_space<vmem>>, vector<16xf32>,
      %get3A_494 = vector.shape_cast %get3A_493 : vector<16xf32> to vector<16xf32>
      %mul3A_495 = arith.mulf %broadcast_in_dim3A_491, %get3A_494 : vector<16xf32>
      %add3A_496 = arith.addf %add3A_488, %mul3A_495 : vector<16xf32>
      %slice3A_497 = vector.extract_strided_slice %get3A_35 {offsets = [4], sizes = [1], strides = [1]} : vector<16xf32> to vector<1xf32>
      %broadcast_in_dim3A_498 = vector.shape_cast %slice3A_497 : vector<1xf32> to vector<1xf32>
      %broadcast_in_dim3A_499 = vector.broadcast %broadcast_in_dim3A_498 : vector<1xf32> to vector<16xf32>
      %get3A_500 = arith.constant 832 : index
      %get3A_501 = tpu.vector_load %arg16[%get3A_500] {strides = array<i32>} : memref<4800xf32, #tpu.memory_space<vmem>>, vector<16xf32>,
      %get3A_502 = vector.shape_cast %get3A_501 : vector<16xf32> to vector<16xf32>
      %mul3A_503 = arith.mulf %broadcast_in_dim3A_499, %get3A_502 : vector<16xf32>
      %add3A_504 = arith.addf %add3A_496, %mul3A_503 : vector<16xf32>
      %slice3A_505 = vector.extract_strided_slice %get3A_35 {offsets = [5], sizes = [1], strides = [1]} : vector<16xf32> to vector<1xf32>
      %broadcast_in_dim3A_506 = vector.shape_cast %slice3A_505 : vector<1xf32> to vector<1xf32>
      %broadcast_in_dim3A_507 = vector.broadcast %broadcast_in_dim3A_506 : vector<1xf32> to vector<16xf32>
      %get3A_508 = arith.constant 848 : index
      %get3A_509 = tpu.vector_load %arg16[%get3A_508] {strides = array<i32>} : memref<4800xf32, #tpu.memory_space<vmem>>, vector<16xf32>,
      %get3A_510 = vector.shape_cast %get3A_509 : vector<16xf32> to vector<16xf32>
      %mul3A_511 = arith.mulf %broadcast_in_dim3A_507, %get3A_510 : vector<16xf32>
      %add3A_512 = arith.addf %add3A_504, %mul3A_511 : vector<16xf32>
      %slice3A_513 = vector.extract_strided_slice %get3A_35 {offsets = [6], sizes = [1], strides = [1]} : vector<16xf32> to vector<1xf32>
      %broadcast_in_dim3A_514 = vector.shape_cast %slice3A_513 : vector<1xf32> to vector<1xf32>
      %broadcast_in_dim3A_515 = vector.broadcast %broadcast_in_dim3A_514 : vector<1xf32> to vector<16xf32>
      %get3A_516 = arith.constant 864 : index
      %get3A_517 = tpu.vector_load %arg16[%get3A_516] {strides = array<i32>} : memref<4800xf32, #tpu.memory_space<vmem>>, vector<16xf32>,
      %get3A_518 = vector.shape_cast %get3A_517 : vector<16xf32> to vector<16xf32>
      %mul3A_519 = arith.mulf %broadcast_in_dim3A_515, %get3A_518 : vector<16xf32>
      %add3A_520 = arith.addf %add3A_512, %mul3A_519 : vector<16xf32>
      %slice3A_521 = vector.extract_strided_slice %get3A_35 {offsets = [7], sizes = [1], strides = [1]} : vector<16xf32> to vector<1xf32>
      %broadcast_in_dim3A_522 = vector.shape_cast %slice3A_521 : vector<1xf32> to vector<1xf32>
      %broadcast_in_dim3A_523 = vector.broadcast %broadcast_in_dim3A_522 : vector<1xf32> to vector<16xf32>
      %get3A_524 = arith.constant 880 : index
      %get3A_525 = tpu.vector_load %arg16[%get3A_524] {strides = array<i32>} : memref<4800xf32, #tpu.memory_space<vmem>>, vector<16xf32>,
      %get3A_526 = vector.shape_cast %get3A_525 : vector<16xf32> to vector<16xf32>
      %mul3A_527 = arith.mulf %broadcast_in_dim3A_523, %get3A_526 : vector<16xf32>
      %add3A_528 = arith.addf %add3A_520, %mul3A_527 : vector<16xf32>
      %slice3A_529 = vector.extract_strided_slice %get3A_35 {offsets = [8], sizes = [1], strides = [1]} : vector<16xf32> to vector<1xf32>
      %broadcast_in_dim3A_530 = vector.shape_cast %slice3A_529 : vector<1xf32> to vector<1xf32>
      %broadcast_in_dim3A_531 = vector.broadcast %broadcast_in_dim3A_530 : vector<1xf32> to vector<16xf32>
      %get3A_532 = arith.constant 896 : index
      %get3A_533 = tpu.vector_load %arg16[%get3A_532] {strides = array<i32>} : memref<4800xf32, #tpu.memory_space<vmem>>, vector<16xf32>,
      %get3A_534 = vector.shape_cast %get3A_533 : vector<16xf32> to vector<16xf32>
      %mul3A_535 = arith.mulf %broadcast_in_dim3A_531, %get3A_534 : vector<16xf32>
      %add3A_536 = arith.addf %add3A_528, %mul3A_535 : vector<16xf32>
      %slice3A_537 = vector.extract_strided_slice %get3A_35 {offsets = [9], sizes = [1], strides = [1]} : vector<16xf32> to vector<1xf32>
      %broadcast_in_dim3A_538 = vector.shape_cast %slice3A_537 : vector<1xf32> to vector<1xf32>
      %broadcast_in_dim3A_539 = vector.broadcast %broadcast_in_dim3A_538 : vector<1xf32> to vector<16xf32>
      %get3A_540 = arith.constant 912 : index
      %get3A_541 = tpu.vector_load %arg16[%get3A_540] {strides = array<i32>} : memref<4800xf32, #tpu.memory_space<vmem>>, vector<16xf32>,
      %get3A_542 = vector.shape_cast %get3A_541 : vector<16xf32> to vector<16xf32>
      %mul3A_543 = arith.mulf %broadcast_in_dim3A_539, %get3A_542 : vector<16xf32>
      %add3A_544 = arith.addf %add3A_536, %mul3A_543 : vector<16xf32>
      %slice3A_545 = vector.extract_strided_slice %get3A_35 {offsets = [10], sizes = [1], strides = [1]} : vector<16xf32> to vector<1xf32>
      %broadcast_in_dim3A_546 = vector.shape_cast %slice3A_545 : vector<1xf32> to vector<1xf32>
      %broadcast_in_dim3A_547 = vector.broadcast %broadcast_in_dim3A_546 : vector<1xf32> to vector<16xf32>
      %get3A_548 = arith.constant 928 : index
      %get3A_549 = tpu.vector_load %arg16[%get3A_548] {strides = array<i32>} : memref<4800xf32, #tpu.memory_space<vmem>>, vector<16xf32>,
      %get3A_550 = vector.shape_cast %get3A_549 : vector<16xf32> to vector<16xf32>
      %mul3A_551 = arith.mulf %broadcast_in_dim3A_547, %get3A_550 : vector<16xf32>
      %add3A_552 = arith.addf %add3A_544, %mul3A_551 : vector<16xf32>
      %slice3A_553 = vector.extract_strided_slice %get3A_35 {offsets = [11], sizes = [1], strides = [1]} : vector<16xf32> to vector<1xf32>
      %broadcast_in_dim3A_554 = vector.shape_cast %slice3A_553 : vector<1xf32> to vector<1xf32>
      %broadcast_in_dim3A_555 = vector.broadcast %broadcast_in_dim3A_554 : vector<1xf32> to vector<16xf32>
      %get3A_556 = arith.constant 944 : index
      %get3A_557 = tpu.vector_load %arg16[%get3A_556] {strides = array<i32>} : memref<4800xf32, #tpu.memory_space<vmem>>, vector<16xf32>,
      %get3A_558 = vector.shape_cast %get3A_557 : vector<16xf32> to vector<16xf32>
      %mul3A_559 = arith.mulf %broadcast_in_dim3A_555, %get3A_558 : vector<16xf32>
      %add3A_560 = arith.addf %add3A_552, %mul3A_559 : vector<16xf32>
      %slice3A_561 = vector.extract_strided_slice %get3A_35 {offsets = [12], sizes = [1], strides = [1]} : vector<16xf32> to vector<1xf32>
      %broadcast_in_dim3A_562 = vector.shape_cast %slice3A_561 : vector<1xf32> to vector<1xf32>
      %broadcast_in_dim3A_563 = vector.broadcast %broadcast_in_dim3A_562 : vector<1xf32> to vector<16xf32>
      %get3A_564 = arith.constant 960 : index
      %get3A_565 = tpu.vector_load %arg16[%get3A_564] {strides = array<i32>} : memref<4800xf32, #tpu.memory_space<vmem>>, vector<16xf32>,
      %get3A_566 = vector.shape_cast %get3A_565 : vector<16xf32> to vector<16xf32>
      %mul3A_567 = arith.mulf %broadcast_in_dim3A_563, %get3A_566 : vector<16xf32>
      %add3A_568 = arith.addf %add3A_560, %mul3A_567 : vector<16xf32>
      %slice3A_569 = vector.extract_strided_slice %get3A_35 {offsets = [13], sizes = [1], strides = [1]} : vector<16xf32> to vector<1xf32>
      %broadcast_in_dim3A_570 = vector.shape_cast %slice3A_569 : vector<1xf32> to vector<1xf32>
      %broadcast_in_dim3A_571 = vector.broadcast %broadcast_in_dim3A_570 : vector<1xf32> to vector<16xf32>
      %get3A_572 = arith.constant 976 : index
      %get3A_573 = tpu.vector_load %arg16[%get3A_572] {strides = array<i32>} : memref<4800xf32, #tpu.memory_space<vmem>>, vector<16xf32>,
      %get3A_574 = vector.shape_cast %get3A_573 : vector<16xf32> to vector<16xf32>
      %mul3A_575 = arith.mulf %broadcast_in_dim3A_571, %get3A_574 : vector<16xf32>
      %add3A_576 = arith.addf %add3A_568, %mul3A_575 : vector<16xf32>
      %slice3A_577 = vector.extract_strided_slice %get3A_35 {offsets = [14], sizes = [1], strides = [1]} : vector<16xf32> to vector<1xf32>
      %broadcast_in_dim3A_578 = vector.shape_cast %slice3A_577 : vector<1xf32> to vector<1xf32>
      %broadcast_in_dim3A_579 = vector.broadcast %broadcast_in_dim3A_578 : vector<1xf32> to vector<16xf32>
      %get3A_580 = arith.constant 992 : index
      %get3A_581 = tpu.vector_load %arg16[%get3A_580] {strides = array<i32>} : memref<4800xf32, #tpu.memory_space<vmem>>, vector<16xf32>,
      %get3A_582 = vector.shape_cast %get3A_581 : vector<16xf32> to vector<16xf32>
      %mul3A_583 = arith.mulf %broadcast_in_dim3A_579, %get3A_582 : vector<16xf32>
      %add3A_584 = arith.addf %add3A_576, %mul3A_583 : vector<16xf32>
      %slice3A_585 = vector.extract_strided_slice %get3A_35 {offsets = [15], sizes = [1], strides = [1]} : vector<16xf32> to vector<1xf32>
      %broadcast_in_dim3A_586 = vector.shape_cast %slice3A_585 : vector<1xf32> to vector<1xf32>
      %broadcast_in_dim3A_587 = vector.broadcast %broadcast_in_dim3A_586 : vector<1xf32> to vector<16xf32>
      %get3A_588 = arith.constant 1008 : index
      %get3A_589 = tpu.vector_load %arg16[%get3A_588] {strides = array<i32>} : memref<4800xf32, #tpu.memory_space<vmem>>, vector<16xf32>,
      %get3A_590 = vector.shape_cast %get3A_589 : vector<16xf32> to vector<16xf32>
      %mul3A_591 = arith.mulf %broadcast_in_dim3A_587, %get3A_590 : vector<16xf32>
      %add3A_592 = arith.addf %add3A_584, %mul3A_591 : vector<16xf32>
      %slice3A_593 = vector.extract_strided_slice %get3A_38 {offsets = [0], sizes = [1], strides = [1]} : vector<16xf32> to vector<1xf32>
      %broadcast_in_dim3A_594 = vector.shape_cast %slice3A_593 : vector<1xf32> to vector<1xf32>
      %broadcast_in_dim3A_595 = vector.broadcast %broadcast_in_dim3A_594 : vector<1xf32> to vector<16xf32>
      %get3A_596 = arith.constant 1024 : index
      %get3A_597 = tpu.vector_load %arg16[%get3A_596] {strides = array<i32>} : memref<4800xf32, #tpu.memory_space<vmem>>, vector<16xf32>,
      %get3A_598 = vector.shape_cast %get3A_597 : vector<16xf32> to vector<16xf32>
      %mul3A_599 = arith.mulf %broadcast_in_dim3A_595, %get3A_598 : vector<16xf32>
      %add3A_600 = arith.addf %add3A_592, %mul3A_599 : vector<16xf32>
      %slice3A_601 = vector.extract_strided_slice %get3A_38 {offsets = [1], sizes = [1], strides = [1]} : vector<16xf32> to vector<1xf32>
      %broadcast_in_dim3A_602 = vector.shape_cast %slice3A_601 : vector<1xf32> to vector<1xf32>
      %broadcast_in_dim3A_603 = vector.broadcast %broadcast_in_dim3A_602 : vector<1xf32> to vector<16xf32>
      %get3A_604 = arith.constant 1040 : index
      %get3A_605 = tpu.vector_load %arg16[%get3A_604] {strides = array<i32>} : memref<4800xf32, #tpu.memory_space<vmem>>, vector<16xf32>,
      %get3A_606 = vector.shape_cast %get3A_605 : vector<16xf32> to vector<16xf32>
      %mul3A_607 = arith.mulf %broadcast_in_dim3A_603, %get3A_606 : vector<16xf32>
      %add3A_608 = arith.addf %add3A_600, %mul3A_607 : vector<16xf32>
      %slice3A_609 = vector.extract_strided_slice %get3A_38 {offsets = [2], sizes = [1], strides = [1]} : vector<16xf32> to vector<1xf32>
      %broadcast_in_dim3A_610 = vector.shape_cast %slice3A_609 : vector<1xf32> to vector<1xf32>
      %broadcast_in_dim3A_611 = vector.broadcast %broadcast_in_dim3A_610 : vector<1xf32> to vector<16xf32>
      %get3A_612 = arith.constant 1056 : index
      %get3A_613 = tpu.vector_load %arg16[%get3A_612] {strides = array<i32>} : memref<4800xf32, #tpu.memory_space<vmem>>, vector<16xf32>,
      %get3A_614 = vector.shape_cast %get3A_613 : vector<16xf32> to vector<16xf32>
      %mul3A_615 = arith.mulf %broadcast_in_dim3A_611, %get3A_614 : vector<16xf32>
      %add3A_616 = arith.addf %add3A_608, %mul3A_615 : vector<16xf32>
      %slice3A_617 = vector.extract_strided_slice %get3A_38 {offsets = [3], sizes = [1], strides = [1]} : vector<16xf32> to vector<1xf32>
      %broadcast_in_dim3A_618 = vector.shape_cast %slice3A_617 : vector<1xf32> to vector<1xf32>
      %broadcast_in_dim3A_619 = vector.broadcast %broadcast_in_dim3A_618 : vector<1xf32> to vector<16xf32>
      %get3A_620 = arith.constant 1072 : index
      %get3A_621 = tpu.vector_load %arg16[%get3A_620] {strides = array<i32>} : memref<4800xf32, #tpu.memory_space<vmem>>, vector<16xf32>,
      %get3A_622 = vector.shape_cast %get3A_621 : vector<16xf32> to vector<16xf32>
      %mul3A_623 = arith.mulf %broadcast_in_dim3A_619, %get3A_622 : vector<16xf32>
      %add3A_624 = arith.addf %add3A_616, %mul3A_623 : vector<16xf32>
      %slice3A_625 = vector.extract_strided_slice %get3A_38 {offsets = [4], sizes = [1], strides = [1]} : vector<16xf32> to vector<1xf32>
      %broadcast_in_dim3A_626 = vector.shape_cast %slice3A_625 : vector<1xf32> to vector<1xf32>
      %broadcast_in_dim3A_627 = vector.broadcast %broadcast_in_dim3A_626 : vector<1xf32> to vector<16xf32>
      %get3A_628 = arith.constant 1088 : index
      %get3A_629 = tpu.vector_load %arg16[%get3A_628] {strides = array<i32>} : memref<4800xf32, #tpu.memory_space<vmem>>, vector<16xf32>,
      %get3A_630 = vector.shape_cast %get3A_629 : vector<16xf32> to vector<16xf32>
      %mul3A_631 = arith.mulf %broadcast_in_dim3A_627, %get3A_630 : vector<16xf32>
      %add3A_632 = arith.addf %add3A_624, %mul3A_631 : vector<16xf32>
      %slice3A_633 = vector.extract_strided_slice %get3A_38 {offsets = [5], sizes = [1], strides = [1]} : vector<16xf32> to vector<1xf32>
      %broadcast_in_dim3A_634 = vector.shape_cast %slice3A_633 : vector<1xf32> to vector<1xf32>
      %broadcast_in_dim3A_635 = vector.broadcast %broadcast_in_dim3A_634 : vector<1xf32> to vector<16xf32>
      %get3A_636 = arith.constant 1104 : index
      %get3A_637 = tpu.vector_load %arg16[%get3A_636] {strides = array<i32>} : memref<4800xf32, #tpu.memory_space<vmem>>, vector<16xf32>,
      %get3A_638 = vector.shape_cast %get3A_637 : vector<16xf32> to vector<16xf32>
      %mul3A_639 = arith.mulf %broadcast_in_dim3A_635, %get3A_638 : vector<16xf32>
      %add3A_640 = arith.addf %add3A_632, %mul3A_639 : vector<16xf32>
      %slice3A_641 = vector.extract_strided_slice %get3A_38 {offsets = [6], sizes = [1], strides = [1]} : vector<16xf32> to vector<1xf32>
      %broadcast_in_dim3A_642 = vector.shape_cast %slice3A_641 : vector<1xf32> to vector<1xf32>
      %broadcast_in_dim3A_643 = vector.broadcast %broadcast_in_dim3A_642 : vector<1xf32> to vector<16xf32>
      %get3A_644 = arith.constant 1120 : index
      %get3A_645 = tpu.vector_load %arg16[%get3A_644] {strides = array<i32>} : memref<4800xf32, #tpu.memory_space<vmem>>, vector<16xf32>,
      %get3A_646 = vector.shape_cast %get3A_645 : vector<16xf32> to vector<16xf32>
      %mul3A_647 = arith.mulf %broadcast_in_dim3A_643, %get3A_646 : vector<16xf32>
      %add3A_648 = arith.addf %add3A_640, %mul3A_647 : vector<16xf32>
      %slice3A_649 = vector.extract_strided_slice %get3A_38 {offsets = [7], sizes = [1], strides = [1]} : vector<16xf32> to vector<1xf32>
      %broadcast_in_dim3A_650 = vector.shape_cast %slice3A_649 : vector<1xf32> to vector<1xf32>
      %broadcast_in_dim3A_651 = vector.broadcast %broadcast_in_dim3A_650 : vector<1xf32> to vector<16xf32>
      %get3A_652 = arith.constant 1136 : index
      %get3A_653 = tpu.vector_load %arg16[%get3A_652] {strides = array<i32>} : memref<4800xf32, #tpu.memory_space<vmem>>, vector<16xf32>,
      %get3A_654 = vector.shape_cast %get3A_653 : vector<16xf32> to vector<16xf32>
      %mul3A_655 = arith.mulf %broadcast_in_dim3A_651, %get3A_654 : vector<16xf32>
      %add3A_656 = arith.addf %add3A_648, %mul3A_655 : vector<16xf32>
      %slice3A_657 = vector.extract_strided_slice %get3A_38 {offsets = [8], sizes = [1], strides = [1]} : vector<16xf32> to vector<1xf32>
      %broadcast_in_dim3A_658 = vector.shape_cast %slice3A_657 : vector<1xf32> to vector<1xf32>
      %broadcast_in_dim3A_659 = vector.broadcast %broadcast_in_dim3A_658 : vector<1xf32> to vector<16xf32>
      %get3A_660 = arith.constant 1152 : index
      %get3A_661 = tpu.vector_load %arg16[%get3A_660] {strides = array<i32>} : memref<4800xf32, #tpu.memory_space<vmem>>, vector<16xf32>,
      %get3A_662 = vector.shape_cast %get3A_661 : vector<16xf32> to vector<16xf32>
      %mul3A_663 = arith.mulf %broadcast_in_dim3A_659, %get3A_662 : vector<16xf32>
      %add3A_664 = arith.addf %add3A_656, %mul3A_663 : vector<16xf32>
      %slice3A_665 = vector.extract_strided_slice %get3A_38 {offsets = [9], sizes = [1], strides = [1]} : vector<16xf32> to vector<1xf32>
      %broadcast_in_dim3A_666 = vector.shape_cast %slice3A_665 : vector<1xf32> to vector<1xf32>
      %broadcast_in_dim3A_667 = vector.broadcast %broadcast_in_dim3A_666 : vector<1xf32> to vector<16xf32>
      %get3A_668 = arith.constant 1168 : index
      %get3A_669 = tpu.vector_load %arg16[%get3A_668] {strides = array<i32>} : memref<4800xf32, #tpu.memory_space<vmem>>, vector<16xf32>,
      %get3A_670 = vector.shape_cast %get3A_669 : vector<16xf32> to vector<16xf32>
      %mul3A_671 = arith.mulf %broadcast_in_dim3A_667, %get3A_670 : vector<16xf32>
      %add3A_672 = arith.addf %add3A_664, %mul3A_671 : vector<16xf32>
      %slice3A_673 = vector.extract_strided_slice %get3A_38 {offsets = [10], sizes = [1], strides = [1]} : vector<16xf32> to vector<1xf32>
      %broadcast_in_dim3A_674 = vector.shape_cast %slice3A_673 : vector<1xf32> to vector<1xf32>
      %broadcast_in_dim3A_675 = vector.broadcast %broadcast_in_dim3A_674 : vector<1xf32> to vector<16xf32>
      %get3A_676 = arith.constant 1184 : index
      %get3A_677 = tpu.vector_load %arg16[%get3A_676] {strides = array<i32>} : memref<4800xf32, #tpu.memory_space<vmem>>, vector<16xf32>,
      %get3A_678 = vector.shape_cast %get3A_677 : vector<16xf32> to vector<16xf32>
      %mul3A_679 = arith.mulf %broadcast_in_dim3A_675, %get3A_678 : vector<16xf32>
      %add3A_680 = arith.addf %add3A_672, %mul3A_679 : vector<16xf32>
      %slice3A_681 = vector.extract_strided_slice %get3A_38 {offsets = [11], sizes = [1], strides = [1]} : vector<16xf32> to vector<1xf32>
      %broadcast_in_dim3A_682 = vector.shape_cast %slice3A_681 : vector<1xf32> to vector<1xf32>
      %broadcast_in_dim3A_683 = vector.broadcast %broadcast_in_dim3A_682 : vector<1xf32> to vector<16xf32>
      %get3A_684 = arith.constant 1200 : index
      %get3A_685 = tpu.vector_load %arg16[%get3A_684] {strides = array<i32>} : memref<4800xf32, #tpu.memory_space<vmem>>, vector<16xf32>,
      %get3A_686 = vector.shape_cast %get3A_685 : vector<16xf32> to vector<16xf32>
      %mul3A_687 = arith.mulf %broadcast_in_dim3A_683, %get3A_686 : vector<16xf32>
      %add3A_688 = arith.addf %add3A_680, %mul3A_687 : vector<16xf32>
      %slice3A_689 = vector.extract_strided_slice %get3A_38 {offsets = [12], sizes = [1], strides = [1]} : vector<16xf32> to vector<1xf32>
      %broadcast_in_dim3A_690 = vector.shape_cast %slice3A_689 : vector<1xf32> to vector<1xf32>
      %broadcast_in_dim3A_691 = vector.broadcast %broadcast_in_dim3A_690 : vector<1xf32> to vector<16xf32>
      %get3A_692 = arith.constant 1216 : index
      %get3A_693 = tpu.vector_load %arg16[%get3A_692] {strides = array<i32>} : memref<4800xf32, #tpu.memory_space<vmem>>, vector<16xf32>,
      %get3A_694 = vector.shape_cast %get3A_693 : vector<16xf32> to vector<16xf32>
      %mul3A_695 = arith.mulf %broadcast_in_dim3A_691, %get3A_694 : vector<16xf32>
      %add3A_696 = arith.addf %add3A_688, %mul3A_695 : vector<16xf32>
      %slice3A_697 = vector.extract_strided_slice %get3A_38 {offsets = [13], sizes = [1], strides = [1]} : vector<16xf32> to vector<1xf32>
      %broadcast_in_dim3A_698 = vector.shape_cast %slice3A_697 : vector<1xf32> to vector<1xf32>
      %broadcast_in_dim3A_699 = vector.broadcast %broadcast_in_dim3A_698 : vector<1xf32> to vector<16xf32>
      %get3A_700 = arith.constant 1232 : index
      %get3A_701 = tpu.vector_load %arg16[%get3A_700] {strides = array<i32>} : memref<4800xf32, #tpu.memory_space<vmem>>, vector<16xf32>,
      %get3A_702 = vector.shape_cast %get3A_701 : vector<16xf32> to vector<16xf32>
      %mul3A_703 = arith.mulf %broadcast_in_dim3A_699, %get3A_702 : vector<16xf32>
      %add3A_704 = arith.addf %add3A_696, %mul3A_703 : vector<16xf32>
      %slice3A_705 = vector.extract_strided_slice %get3A_38 {offsets = [14], sizes = [1], strides = [1]} : vector<16xf32> to vector<1xf32>
      %broadcast_in_dim3A_706 = vector.shape_cast %slice3A_705 : vector<1xf32> to vector<1xf32>
      %broadcast_in_dim3A_707 = vector.broadcast %broadcast_in_dim3A_706 : vector<1xf32> to vector<16xf32>
      %get3A_708 = arith.constant 1248 : index
      %get3A_709 = tpu.vector_load %arg16[%get3A_708] {strides = array<i32>} : memref<4800xf32, #tpu.memory_space<vmem>>, vector<16xf32>,
      %get3A_710 = vector.shape_cast %get3A_709 : vector<16xf32> to vector<16xf32>
      %mul3A_711 = arith.mulf %broadcast_in_dim3A_707, %get3A_710 : vector<16xf32>
      %add3A_712 = arith.addf %add3A_704, %mul3A_711 : vector<16xf32>
      %slice3A_713 = vector.extract_strided_slice %get3A_38 {offsets = [15], sizes = [1], strides = [1]} : vector<16xf32> to vector<1xf32>
      %broadcast_in_dim3A_714 = vector.shape_cast %slice3A_713 : vector<1xf32> to vector<1xf32>
      %broadcast_in_dim3A_715 = vector.broadcast %broadcast_in_dim3A_714 : vector<1xf32> to vector<16xf32>
      %get3A_716 = arith.constant 1264 : index
      %get3A_717 = tpu.vector_load %arg16[%get3A_716] {strides = array<i32>} : memref<4800xf32, #tpu.memory_space<vmem>>, vector<16xf32>,
      %get3A_718 = vector.shape_cast %get3A_717 : vector<16xf32> to vector<16xf32>
      %mul3A_719 = arith.mulf %broadcast_in_dim3A_715, %get3A_718 : vector<16xf32>
      %add3A_720 = arith.addf %add3A_712, %mul3A_719 : vector<16xf32>
      %slice3A_721 = vector.extract_strided_slice %get3A_41 {offsets = [0], sizes = [1], strides = [1]} : vector<16xf32> to vector<1xf32>
      %broadcast_in_dim3A_722 = vector.shape_cast %slice3A_721 : vector<1xf32> to vector<1xf32>
      %broadcast_in_dim3A_723 = vector.broadcast %broadcast_in_dim3A_722 : vector<1xf32> to vector<16xf32>
      %get3A_724 = arith.constant 1280 : index
      %get3A_725 = tpu.vector_load %arg16[%get3A_724] {strides = array<i32>} : memref<4800xf32, #tpu.memory_space<vmem>>, vector<16xf32>,
      %get3A_726 = vector.shape_cast %get3A_725 : vector<16xf32> to vector<16xf32>
      %mul3A_727 = arith.mulf %broadcast_in_dim3A_723, %get3A_726 : vector<16xf32>
      %add3A_728 = arith.addf %add3A_720, %mul3A_727 : vector<16xf32>
      %slice3A_729 = vector.extract_strided_slice %get3A_41 {offsets = [1], sizes = [1], strides = [1]} : vector<16xf32> to vector<1xf32>
      %broadcast_in_dim3A_730 = vector.shape_cast %slice3A_729 : vector<1xf32> to vector<1xf32>
      %broadcast_in_dim3A_731 = vector.broadcast %broadcast_in_dim3A_730 : vector<1xf32> to vector<16xf32>
      %get3A_732 = arith.constant 1296 : index
      %get3A_733 = tpu.vector_load %arg16[%get3A_732] {strides = array<i32>} : memref<4800xf32, #tpu.memory_space<vmem>>, vector<16xf32>,
      %get3A_734 = vector.shape_cast %get3A_733 : vector<16xf32> to vector<16xf32>
      %mul3A_735 = arith.mulf %broadcast_in_dim3A_731, %get3A_734 : vector<16xf32>
      %add3A_736 = arith.addf %add3A_728, %mul3A_735 : vector<16xf32>
      %slice3A_737 = vector.extract_strided_slice %get3A_41 {offsets = [2], sizes = [1], strides = [1]} : vector<16xf32> to vector<1xf32>
      %broadcast_in_dim3A_738 = vector.shape_cast %slice3A_737 : vector<1xf32> to vector<1xf32>
      %broadcast_in_dim3A_739 = vector.broadcast %broadcast_in_dim3A_738 : vector<1xf32> to vector<16xf32>
      %get3A_740 = arith.constant 1312 : index
      %get3A_741 = tpu.vector_load %arg16[%get3A_740] {strides = array<i32>} : memref<4800xf32, #tpu.memory_space<vmem>>, vector<16xf32>,
      %get3A_742 = vector.shape_cast %get3A_741 : vector<16xf32> to vector<16xf32>
      %mul3A_743 = arith.mulf %broadcast_in_dim3A_739, %get3A_742 : vector<16xf32>
      %add3A_744 = arith.addf %add3A_736, %mul3A_743 : vector<16xf32>
      %slice3A_745 = vector.extract_strided_slice %get3A_41 {offsets = [3], sizes = [1], strides = [1]} : vector<16xf32> to vector<1xf32>
      %broadcast_in_dim3A_746 = vector.shape_cast %slice3A_745 : vector<1xf32> to vector<1xf32>
      %broadcast_in_dim3A_747 = vector.broadcast %broadcast_in_dim3A_746 : vector<1xf32> to vector<16xf32>
      %get3A_748 = arith.constant 1328 : index
      %get3A_749 = tpu.vector_load %arg16[%get3A_748] {strides = array<i32>} : memref<4800xf32, #tpu.memory_space<vmem>>, vector<16xf32>,
      %get3A_750 = vector.shape_cast %get3A_749 : vector<16xf32> to vector<16xf32>
      %mul3A_751 = arith.mulf %broadcast_in_dim3A_747, %get3A_750 : vector<16xf32>
      %add3A_752 = arith.addf %add3A_744, %mul3A_751 : vector<16xf32>
      %slice3A_753 = vector.extract_strided_slice %get3A_41 {offsets = [4], sizes = [1], strides = [1]} : vector<16xf32> to vector<1xf32>
      %broadcast_in_dim3A_754 = vector.shape_cast %slice3A_753 : vector<1xf32> to vector<1xf32>
      %broadcast_in_dim3A_755 = vector.broadcast %broadcast_in_dim3A_754 : vector<1xf32> to vector<16xf32>
      %get3A_756 = arith.constant 1344 : index
      %get3A_757 = tpu.vector_load %arg16[%get3A_756] {strides = array<i32>} : memref<4800xf32, #tpu.memory_space<vmem>>, vector<16xf32>,
      %get3A_758 = vector.shape_cast %get3A_757 : vector<16xf32> to vector<16xf32>
      %mul3A_759 = arith.mulf %broadcast_in_dim3A_755, %get3A_758 : vector<16xf32>
      %add3A_760 = arith.addf %add3A_752, %mul3A_759 : vector<16xf32>
      %slice3A_761 = vector.extract_strided_slice %get3A_41 {offsets = [5], sizes = [1], strides = [1]} : vector<16xf32> to vector<1xf32>
      %broadcast_in_dim3A_762 = vector.shape_cast %slice3A_761 : vector<1xf32> to vector<1xf32>
      %broadcast_in_dim3A_763 = vector.broadcast %broadcast_in_dim3A_762 : vector<1xf32> to vector<16xf32>
      %get3A_764 = arith.constant 1360 : index
      %get3A_765 = tpu.vector_load %arg16[%get3A_764] {strides = array<i32>} : memref<4800xf32, #tpu.memory_space<vmem>>, vector<16xf32>,
      %get3A_766 = vector.shape_cast %get3A_765 : vector<16xf32> to vector<16xf32>
      %mul3A_767 = arith.mulf %broadcast_in_dim3A_763, %get3A_766 : vector<16xf32>
      %add3A_768 = arith.addf %add3A_760, %mul3A_767 : vector<16xf32>
      %slice3A_769 = vector.extract_strided_slice %get3A_41 {offsets = [6], sizes = [1], strides = [1]} : vector<16xf32> to vector<1xf32>
      %broadcast_in_dim3A_770 = vector.shape_cast %slice3A_769 : vector<1xf32> to vector<1xf32>
      %broadcast_in_dim3A_771 = vector.broadcast %broadcast_in_dim3A_770 : vector<1xf32> to vector<16xf32>
      %get3A_772 = arith.constant 1376 : index
      %get3A_773 = tpu.vector_load %arg16[%get3A_772] {strides = array<i32>} : memref<4800xf32, #tpu.memory_space<vmem>>, vector<16xf32>,
      %get3A_774 = vector.shape_cast %get3A_773 : vector<16xf32> to vector<16xf32>
      %mul3A_775 = arith.mulf %broadcast_in_dim3A_771, %get3A_774 : vector<16xf32>
      %add3A_776 = arith.addf %add3A_768, %mul3A_775 : vector<16xf32>
      %slice3A_777 = vector.extract_strided_slice %get3A_41 {offsets = [7], sizes = [1], strides = [1]} : vector<16xf32> to vector<1xf32>
      %broadcast_in_dim3A_778 = vector.shape_cast %slice3A_777 : vector<1xf32> to vector<1xf32>
      %broadcast_in_dim3A_779 = vector.broadcast %broadcast_in_dim3A_778 : vector<1xf32> to vector<16xf32>
      %get3A_780 = arith.constant 1392 : index
      %get3A_781 = tpu.vector_load %arg16[%get3A_780] {strides = array<i32>} : memref<4800xf32, #tpu.memory_space<vmem>>, vector<16xf32>,
      %get3A_782 = vector.shape_cast %get3A_781 : vector<16xf32> to vector<16xf32>
      %mul3A_783 = arith.mulf %broadcast_in_dim3A_779, %get3A_782 : vector<16xf32>
      %add3A_784 = arith.addf %add3A_776, %mul3A_783 : vector<16xf32>
      %slice3A_785 = vector.extract_strided_slice %get3A_41 {offsets = [8], sizes = [1], strides = [1]} : vector<16xf32> to vector<1xf32>
      %broadcast_in_dim3A_786 = vector.shape_cast %slice3A_785 : vector<1xf32> to vector<1xf32>
      %broadcast_in_dim3A_787 = vector.broadcast %broadcast_in_dim3A_786 : vector<1xf32> to vector<16xf32>
      %get3A_788 = arith.constant 1408 : index
      %get3A_789 = tpu.vector_load %arg16[%get3A_788] {strides = array<i32>} : memref<4800xf32, #tpu.memory_space<vmem>>, vector<16xf32>,
      %get3A_790 = vector.shape_cast %get3A_789 : vector<16xf32> to vector<16xf32>
      %mul3A_791 = arith.mulf %broadcast_in_dim3A_787, %get3A_790 : vector<16xf32>
      %add3A_792 = arith.addf %add3A_784, %mul3A_791 : vector<16xf32>
      %slice3A_793 = vector.extract_strided_slice %get3A_41 {offsets = [9], sizes = [1], strides = [1]} : vector<16xf32> to vector<1xf32>
      %broadcast_in_dim3A_794 = vector.shape_cast %slice3A_793 : vector<1xf32> to vector<1xf32>
      %broadcast_in_dim3A_795 = vector.broadcast %broadcast_in_dim3A_794 : vector<1xf32> to vector<16xf32>
      %get3A_796 = arith.constant 1424 : index
      %get3A_797 = tpu.vector_load %arg16[%get3A_796] {strides = array<i32>} : memref<4800xf32, #tpu.memory_space<vmem>>, vector<16xf32>,
      %get3A_798 = vector.shape_cast %get3A_797 : vector<16xf32> to vector<16xf32>
      %mul3A_799 = arith.mulf %broadcast_in_dim3A_795, %get3A_798 : vector<16xf32>
      %add3A_800 = arith.addf %add3A_792, %mul3A_799 : vector<16xf32>
      %slice3A_801 = vector.extract_strided_slice %get3A_41 {offsets = [10], sizes = [1], strides = [1]} : vector<16xf32> to vector<1xf32>
      %broadcast_in_dim3A_802 = vector.shape_cast %slice3A_801 : vector<1xf32> to vector<1xf32>
      %broadcast_in_dim3A_803 = vector.broadcast %broadcast_in_dim3A_802 : vector<1xf32> to vector<16xf32>
      %get3A_804 = arith.constant 1440 : index
      %get3A_805 = tpu.vector_load %arg16[%get3A_804] {strides = array<i32>} : memref<4800xf32, #tpu.memory_space<vmem>>, vector<16xf32>,
      %get3A_806 = vector.shape_cast %get3A_805 : vector<16xf32> to vector<16xf32>
      %mul3A_807 = arith.mulf %broadcast_in_dim3A_803, %get3A_806 : vector<16xf32>
      %add3A_808 = arith.addf %add3A_800, %mul3A_807 : vector<16xf32>
      %slice3A_809 = vector.extract_strided_slice %get3A_41 {offsets = [11], sizes = [1], strides = [1]} : vector<16xf32> to vector<1xf32>
      %broadcast_in_dim3A_810 = vector.shape_cast %slice3A_809 : vector<1xf32> to vector<1xf32>
      %broadcast_in_dim3A_811 = vector.broadcast %broadcast_in_dim3A_810 : vector<1xf32> to vector<16xf32>
      %get3A_812 = arith.constant 1456 : index
      %get3A_813 = tpu.vector_load %arg16[%get3A_812] {strides = array<i32>} : memref<4800xf32, #tpu.memory_space<vmem>>, vector<16xf32>,
      %get3A_814 = vector.shape_cast %get3A_813 : vector<16xf32> to vector<16xf32>
      %mul3A_815 = arith.mulf %broadcast_in_dim3A_811, %get3A_814 : vector<16xf32>
      %add3A_816 = arith.addf %add3A_808, %mul3A_815 : vector<16xf32>
      %slice3A_817 = vector.extract_strided_slice %get3A_41 {offsets = [12], sizes = [1], strides = [1]} : vector<16xf32> to vector<1xf32>
      %broadcast_in_dim3A_818 = vector.shape_cast %slice3A_817 : vector<1xf32> to vector<1xf32>
      %broadcast_in_dim3A_819 = vector.broadcast %broadcast_in_dim3A_818 : vector<1xf32> to vector<16xf32>
      %get3A_820 = arith.constant 1472 : index
      %get3A_821 = tpu.vector_load %arg16[%get3A_820] {strides = array<i32>} : memref<4800xf32, #tpu.memory_space<vmem>>, vector<16xf32>,
      %get3A_822 = vector.shape_cast %get3A_821 : vector<16xf32> to vector<16xf32>
      %mul3A_823 = arith.mulf %broadcast_in_dim3A_819, %get3A_822 : vector<16xf32>
      %add3A_824 = arith.addf %add3A_816, %mul3A_823 : vector<16xf32>
      %slice3A_825 = vector.extract_strided_slice %get3A_41 {offsets = [13], sizes = [1], strides = [1]} : vector<16xf32> to vector<1xf32>
      %broadcast_in_dim3A_826 = vector.shape_cast %slice3A_825 : vector<1xf32> to vector<1xf32>
      %broadcast_in_dim3A_827 = vector.broadcast %broadcast_in_dim3A_826 : vector<1xf32> to vector<16xf32>
      %get3A_828 = arith.constant 1488 : index
      %get3A_829 = tpu.vector_load %arg16[%get3A_828] {strides = array<i32>} : memref<4800xf32, #tpu.memory_space<vmem>>, vector<16xf32>,
      %get3A_830 = vector.shape_cast %get3A_829 : vector<16xf32> to vector<16xf32>
      %mul3A_831 = arith.mulf %broadcast_in_dim3A_827, %get3A_830 : vector<16xf32>
      %add3A_832 = arith.addf %add3A_824, %mul3A_831 : vector<16xf32>
      %slice3A_833 = vector.extract_strided_slice %get3A_41 {offsets = [14], sizes = [1], strides = [1]} : vector<16xf32> to vector<1xf32>
      %broadcast_in_dim3A_834 = vector.shape_cast %slice3A_833 : vector<1xf32> to vector<1xf32>
      %broadcast_in_dim3A_835 = vector.broadcast %broadcast_in_dim3A_834 : vector<1xf32> to vector<16xf32>
      %get3A_836 = arith.constant 1504 : index
      %get3A_837 = tpu.vector_load %arg16[%get3A_836] {strides = array<i32>} : memref<4800xf32, #tpu.memory_space<vmem>>, vector<16xf32>,
      %get3A_838 = vector.shape_cast %get3A_837 : vector<16xf32> to vector<16xf32>
      %mul3A_839 = arith.mulf %broadcast_in_dim3A_835, %get3A_838 : vector<16xf32>
      %add3A_840 = arith.addf %add3A_832, %mul3A_839 : vector<16xf32>
      %slice3A_841 = vector.extract_strided_slice %get3A_41 {offsets = [15], sizes = [1], strides = [1]} : vector<16xf32> to vector<1xf32>
      %broadcast_in_dim3A_842 = vector.shape_cast %slice3A_841 : vector<1xf32> to vector<1xf32>
      %broadcast_in_dim3A_843 = vector.broadcast %broadcast_in_dim3A_842 : vector<1xf32> to vector<16xf32>
      %get3A_844 = arith.constant 1520 : index
      %get3A_845 = tpu.vector_load %arg16[%get3A_844] {strides = array<i32>} : memref<4800xf32, #tpu.memory_space<vmem>>, vector<16xf32>,
      %get3A_846 = vector.shape_cast %get3A_845 : vector<16xf32> to vector<16xf32>
      %mul3A_847 = arith.mulf %broadcast_in_dim3A_843, %get3A_846 : vector<16xf32>
      %add3A_848 = arith.addf %add3A_840, %mul3A_847 : vector<16xf32>
      %slice3A_849 = vector.extract_strided_slice %get3A_44 {offsets = [0], sizes = [1], strides = [1]} : vector<16xf32> to vector<1xf32>
      %broadcast_in_dim3A_850 = vector.shape_cast %slice3A_849 : vector<1xf32> to vector<1xf32>
      %broadcast_in_dim3A_851 = vector.broadcast %broadcast_in_dim3A_850 : vector<1xf32> to vector<16xf32>
      %get3A_852 = arith.constant 1536 : index
      %get3A_853 = tpu.vector_load %arg16[%get3A_852] {strides = array<i32>} : memref<4800xf32, #tpu.memory_space<vmem>>, vector<16xf32>,
      %get3A_854 = vector.shape_cast %get3A_853 : vector<16xf32> to vector<16xf32>
      %mul3A_855 = arith.mulf %broadcast_in_dim3A_851, %get3A_854 : vector<16xf32>
      %add3A_856 = arith.addf %add3A_848, %mul3A_855 : vector<16xf32>
      %slice3A_857 = vector.extract_strided_slice %get3A_44 {offsets = [1], sizes = [1], strides = [1]} : vector<16xf32> to vector<1xf32>
      %broadcast_in_dim3A_858 = vector.shape_cast %slice3A_857 : vector<1xf32> to vector<1xf32>
      %broadcast_in_dim3A_859 = vector.broadcast %broadcast_in_dim3A_858 : vector<1xf32> to vector<16xf32>
      %get3A_860 = arith.constant 1552 : index
      %get3A_861 = tpu.vector_load %arg16[%get3A_860] {strides = array<i32>} : memref<4800xf32, #tpu.memory_space<vmem>>, vector<16xf32>,
      %get3A_862 = vector.shape_cast %get3A_861 : vector<16xf32> to vector<16xf32>
      %mul3A_863 = arith.mulf %broadcast_in_dim3A_859, %get3A_862 : vector<16xf32>
      %add3A_864 = arith.addf %add3A_856, %mul3A_863 : vector<16xf32>
      %slice3A_865 = vector.extract_strided_slice %get3A_44 {offsets = [2], sizes = [1], strides = [1]} : vector<16xf32> to vector<1xf32>
      %broadcast_in_dim3A_866 = vector.shape_cast %slice3A_865 : vector<1xf32> to vector<1xf32>
      %broadcast_in_dim3A_867 = vector.broadcast %broadcast_in_dim3A_866 : vector<1xf32> to vector<16xf32>
      %get3A_868 = arith.constant 1568 : index
      %get3A_869 = tpu.vector_load %arg16[%get3A_868] {strides = array<i32>} : memref<4800xf32, #tpu.memory_space<vmem>>, vector<16xf32>,
      %get3A_870 = vector.shape_cast %get3A_869 : vector<16xf32> to vector<16xf32>
      %mul3A_871 = arith.mulf %broadcast_in_dim3A_867, %get3A_870 : vector<16xf32>
      %add3A_872 = arith.addf %add3A_864, %mul3A_871 : vector<16xf32>
      %slice3A_873 = vector.extract_strided_slice %get3A_44 {offsets = [3], sizes = [1], strides = [1]} : vector<16xf32> to vector<1xf32>
      %broadcast_in_dim3A_874 = vector.shape_cast %slice3A_873 : vector<1xf32> to vector<1xf32>
      %broadcast_in_dim3A_875 = vector.broadcast %broadcast_in_dim3A_874 : vector<1xf32> to vector<16xf32>
      %get3A_876 = arith.constant 1584 : index
      %get3A_877 = tpu.vector_load %arg16[%get3A_876] {strides = array<i32>} : memref<4800xf32, #tpu.memory_space<vmem>>, vector<16xf32>,
      %get3A_878 = vector.shape_cast %get3A_877 : vector<16xf32> to vector<16xf32>
      %mul3A_879 = arith.mulf %broadcast_in_dim3A_875, %get3A_878 : vector<16xf32>
      %add3A_880 = arith.addf %add3A_872, %mul3A_879 : vector<16xf32>
      %slice3A_881 = vector.extract_strided_slice %get3A_44 {offsets = [4], sizes = [1], strides = [1]} : vector<16xf32> to vector<1xf32>
      %broadcast_in_dim3A_882 = vector.shape_cast %slice3A_881 : vector<1xf32> to vector<1xf32>
      %broadcast_in_dim3A_883 = vector.broadcast %broadcast_in_dim3A_882 : vector<1xf32> to vector<16xf32>
      %get3A_884 = arith.constant 1600 : index
      %get3A_885 = tpu.vector_load %arg16[%get3A_884] {strides = array<i32>} : memref<4800xf32, #tpu.memory_space<vmem>>, vector<16xf32>,
      %get3A_886 = vector.shape_cast %get3A_885 : vector<16xf32> to vector<16xf32>
      %mul3A_887 = arith.mulf %broadcast_in_dim3A_883, %get3A_886 : vector<16xf32>
      %add3A_888 = arith.addf %add3A_880, %mul3A_887 : vector<16xf32>
      %slice3A_889 = vector.extract_strided_slice %get3A_44 {offsets = [5], sizes = [1], strides = [1]} : vector<16xf32> to vector<1xf32>
      %broadcast_in_dim3A_890 = vector.shape_cast %slice3A_889 : vector<1xf32> to vector<1xf32>
      %broadcast_in_dim3A_891 = vector.broadcast %broadcast_in_dim3A_890 : vector<1xf32> to vector<16xf32>
      %get3A_892 = arith.constant 1616 : index
      %get3A_893 = tpu.vector_load %arg16[%get3A_892] {strides = array<i32>} : memref<4800xf32, #tpu.memory_space<vmem>>, vector<16xf32>,
      %get3A_894 = vector.shape_cast %get3A_893 : vector<16xf32> to vector<16xf32>
      %mul3A_895 = arith.mulf %broadcast_in_dim3A_891, %get3A_894 : vector<16xf32>
      %add3A_896 = arith.addf %add3A_888, %mul3A_895 : vector<16xf32>
      %slice3A_897 = vector.extract_strided_slice %get3A_44 {offsets = [6], sizes = [1], strides = [1]} : vector<16xf32> to vector<1xf32>
      %broadcast_in_dim3A_898 = vector.shape_cast %slice3A_897 : vector<1xf32> to vector<1xf32>
      %broadcast_in_dim3A_899 = vector.broadcast %broadcast_in_dim3A_898 : vector<1xf32> to vector<16xf32>
      %get3A_900 = arith.constant 1632 : index
      %get3A_901 = tpu.vector_load %arg16[%get3A_900] {strides = array<i32>} : memref<4800xf32, #tpu.memory_space<vmem>>, vector<16xf32>,
      %get3A_902 = vector.shape_cast %get3A_901 : vector<16xf32> to vector<16xf32>
      %mul3A_903 = arith.mulf %broadcast_in_dim3A_899, %get3A_902 : vector<16xf32>
      %add3A_904 = arith.addf %add3A_896, %mul3A_903 : vector<16xf32>
      %slice3A_905 = vector.extract_strided_slice %get3A_44 {offsets = [7], sizes = [1], strides = [1]} : vector<16xf32> to vector<1xf32>
      %broadcast_in_dim3A_906 = vector.shape_cast %slice3A_905 : vector<1xf32> to vector<1xf32>
      %broadcast_in_dim3A_907 = vector.broadcast %broadcast_in_dim3A_906 : vector<1xf32> to vector<16xf32>
      %get3A_908 = arith.constant 1648 : index
      %get3A_909 = tpu.vector_load %arg16[%get3A_908] {strides = array<i32>} : memref<4800xf32, #tpu.memory_space<vmem>>, vector<16xf32>,
      %get3A_910 = vector.shape_cast %get3A_909 : vector<16xf32> to vector<16xf32>
      %mul3A_911 = arith.mulf %broadcast_in_dim3A_907, %get3A_910 : vector<16xf32>
      %add3A_912 = arith.addf %add3A_904, %mul3A_911 : vector<16xf32>
      %slice3A_913 = vector.extract_strided_slice %get3A_44 {offsets = [8], sizes = [1], strides = [1]} : vector<16xf32> to vector<1xf32>
      %broadcast_in_dim3A_914 = vector.shape_cast %slice3A_913 : vector<1xf32> to vector<1xf32>
      %broadcast_in_dim3A_915 = vector.broadcast %broadcast_in_dim3A_914 : vector<1xf32> to vector<16xf32>
      %get3A_916 = arith.constant 1664 : index
      %get3A_917 = tpu.vector_load %arg16[%get3A_916] {strides = array<i32>} : memref<4800xf32, #tpu.memory_space<vmem>>, vector<16xf32>,
      %get3A_918 = vector.shape_cast %get3A_917 : vector<16xf32> to vector<16xf32>
      %mul3A_919 = arith.mulf %broadcast_in_dim3A_915, %get3A_918 : vector<16xf32>
      %add3A_920 = arith.addf %add3A_912, %mul3A_919 : vector<16xf32>
      %slice3A_921 = vector.extract_strided_slice %get3A_44 {offsets = [9], sizes = [1], strides = [1]} : vector<16xf32> to vector<1xf32>
      %broadcast_in_dim3A_922 = vector.shape_cast %slice3A_921 : vector<1xf32> to vector<1xf32>
      %broadcast_in_dim3A_923 = vector.broadcast %broadcast_in_dim3A_922 : vector<1xf32> to vector<16xf32>
      %get3A_924 = arith.constant 1680 : index
      %get3A_925 = tpu.vector_load %arg16[%get3A_924] {strides = array<i32>} : memref<4800xf32, #tpu.memory_space<vmem>>, vector<16xf32>,
      %get3A_926 = vector.shape_cast %get3A_925 : vector<16xf32> to vector<16xf32>
      %mul3A_927 = arith.mulf %broadcast_in_dim3A_923, %get3A_926 : vector<16xf32>
      %add3A_928 = arith.addf %add3A_920, %mul3A_927 : vector<16xf32>
      %slice3A_929 = vector.extract_strided_slice %get3A_44 {offsets = [10], sizes = [1], strides = [1]} : vector<16xf32> to vector<1xf32>
      %broadcast_in_dim3A_930 = vector.shape_cast %slice3A_929 : vector<1xf32> to vector<1xf32>
      %broadcast_in_dim3A_931 = vector.broadcast %broadcast_in_dim3A_930 : vector<1xf32> to vector<16xf32>
      %get3A_932 = arith.constant 1696 : index
      %get3A_933 = tpu.vector_load %arg16[%get3A_932] {strides = array<i32>} : memref<4800xf32, #tpu.memory_space<vmem>>, vector<16xf32>,
      %get3A_934 = vector.shape_cast %get3A_933 : vector<16xf32> to vector<16xf32>
      %mul3A_935 = arith.mulf %broadcast_in_dim3A_931, %get3A_934 : vector<16xf32>
      %add3A_936 = arith.addf %add3A_928, %mul3A_935 : vector<16xf32>
      %slice3A_937 = vector.extract_strided_slice %get3A_44 {offsets = [11], sizes = [1], strides = [1]} : vector<16xf32> to vector<1xf32>
      %broadcast_in_dim3A_938 = vector.shape_cast %slice3A_937 : vector<1xf32> to vector<1xf32>
      %broadcast_in_dim3A_939 = vector.broadcast %broadcast_in_dim3A_938 : vector<1xf32> to vector<16xf32>
      %get3A_940 = arith.constant 1712 : index
      %get3A_941 = tpu.vector_load %arg16[%get3A_940] {strides = array<i32>} : memref<4800xf32, #tpu.memory_space<vmem>>, vector<16xf32>,
      %get3A_942 = vector.shape_cast %get3A_941 : vector<16xf32> to vector<16xf32>
      %mul3A_943 = arith.mulf %broadcast_in_dim3A_939, %get3A_942 : vector<16xf32>
      %add3A_944 = arith.addf %add3A_936, %mul3A_943 : vector<16xf32>
      %slice3A_945 = vector.extract_strided_slice %get3A_44 {offsets = [12], sizes = [1], strides = [1]} : vector<16xf32> to vector<1xf32>
      %broadcast_in_dim3A_946 = vector.shape_cast %slice3A_945 : vector<1xf32> to vector<1xf32>
      %broadcast_in_dim3A_947 = vector.broadcast %broadcast_in_dim3A_946 : vector<1xf32> to vector<16xf32>
      %get3A_948 = arith.constant 1728 : index
      %get3A_949 = tpu.vector_load %arg16[%get3A_948] {strides = array<i32>} : memref<4800xf32, #tpu.memory_space<vmem>>, vector<16xf32>,
      %get3A_950 = vector.shape_cast %get3A_949 : vector<16xf32> to vector<16xf32>
      %mul3A_951 = arith.mulf %broadcast_in_dim3A_947, %get3A_950 : vector<16xf32>
      %add3A_952 = arith.addf %add3A_944, %mul3A_951 : vector<16xf32>
      %slice3A_953 = vector.extract_strided_slice %get3A_44 {offsets = [13], sizes = [1], strides = [1]} : vector<16xf32> to vector<1xf32>
      %broadcast_in_dim3A_954 = vector.shape_cast %slice3A_953 : vector<1xf32> to vector<1xf32>
      %broadcast_in_dim3A_955 = vector.broadcast %broadcast_in_dim3A_954 : vector<1xf32> to vector<16xf32>
      %get3A_956 = arith.constant 1744 : index
      %get3A_957 = tpu.vector_load %arg16[%get3A_956] {strides = array<i32>} : memref<4800xf32, #tpu.memory_space<vmem>>, vector<16xf32>,
      %get3A_958 = vector.shape_cast %get3A_957 : vector<16xf32> to vector<16xf32>
      %mul3A_959 = arith.mulf %broadcast_in_dim3A_955, %get3A_958 : vector<16xf32>
      %add3A_960 = arith.addf %add3A_952, %mul3A_959 : vector<16xf32>
      %slice3A_961 = vector.extract_strided_slice %get3A_44 {offsets = [14], sizes = [1], strides = [1]} : vector<16xf32> to vector<1xf32>
      %broadcast_in_dim3A_962 = vector.shape_cast %slice3A_961 : vector<1xf32> to vector<1xf32>
      %broadcast_in_dim3A_963 = vector.broadcast %broadcast_in_dim3A_962 : vector<1xf32> to vector<16xf32>
      %get3A_964 = arith.constant 1760 : index
      %get3A_965 = tpu.vector_load %arg16[%get3A_964] {strides = array<i32>} : memref<4800xf32, #tpu.memory_space<vmem>>, vector<16xf32>,
      %get3A_966 = vector.shape_cast %get3A_965 : vector<16xf32> to vector<16xf32>
      %mul3A_967 = arith.mulf %broadcast_in_dim3A_963, %get3A_966 : vector<16xf32>
      %add3A_968 = arith.addf %add3A_960, %mul3A_967 : vector<16xf32>
      %slice3A_969 = vector.extract_strided_slice %get3A_44 {offsets = [15], sizes = [1], strides = [1]} : vector<16xf32> to vector<1xf32>
      %broadcast_in_dim3A_970 = vector.shape_cast %slice3A_969 : vector<1xf32> to vector<1xf32>
      %broadcast_in_dim3A_971 = vector.broadcast %broadcast_in_dim3A_970 : vector<1xf32> to vector<16xf32>
      %get3A_972 = arith.constant 1776 : index
      %get3A_973 = tpu.vector_load %arg16[%get3A_972] {strides = array<i32>} : memref<4800xf32, #tpu.memory_space<vmem>>, vector<16xf32>,
      %get3A_974 = vector.shape_cast %get3A_973 : vector<16xf32> to vector<16xf32>
      %mul3A_975 = arith.mulf %broadcast_in_dim3A_971, %get3A_974 : vector<16xf32>
      %add3A_976 = arith.addf %add3A_968, %mul3A_975 : vector<16xf32>
      %slice3A_977 = vector.extract_strided_slice %get3A_47 {offsets = [0], sizes = [1], strides = [1]} : vector<16xf32> to vector<1xf32>
      %broadcast_in_dim3A_978 = vector.shape_cast %slice3A_977 : vector<1xf32> to vector<1xf32>
      %broadcast_in_dim3A_979 = vector.broadcast %broadcast_in_dim3A_978 : vector<1xf32> to vector<16xf32>
      %get3A_980 = arith.constant 1792 : index
      %get3A_981 = tpu.vector_load %arg16[%get3A_980] {strides = array<i32>} : memref<4800xf32, #tpu.memory_space<vmem>>, vector<16xf32>,
      %get3A_982 = vector.shape_cast %get3A_981 : vector<16xf32> to vector<16xf32>
      %mul3A_983 = arith.mulf %broadcast_in_dim3A_979, %get3A_982 : vector<16xf32>
      %add3A_984 = arith.addf %add3A_976, %mul3A_983 : vector<16xf32>
      %slice3A_985 = vector.extract_strided_slice %get3A_47 {offsets = [1], sizes = [1], strides = [1]} : vector<16xf32> to vector<1xf32>
      %broadcast_in_dim3A_986 = vector.shape_cast %slice3A_985 : vector<1xf32> to vector<1xf32>
      %broadcast_in_dim3A_987 = vector.broadcast %broadcast_in_dim3A_986 : vector<1xf32> to vector<16xf32>
      %get3A_988 = arith.constant 1808 : index
      %get3A_989 = tpu.vector_load %arg16[%get3A_988] {strides = array<i32>} : memref<4800xf32, #tpu.memory_space<vmem>>, vector<16xf32>,
      %get3A_990 = vector.shape_cast %get3A_989 : vector<16xf32> to vector<16xf32>
      %mul3A_991 = arith.mulf %broadcast_in_dim3A_987, %get3A_990 : vector<16xf32>
      %add3A_992 = arith.addf %add3A_984, %mul3A_991 : vector<16xf32>
      %slice3A_993 = vector.extract_strided_slice %get3A_47 {offsets = [2], sizes = [1], strides = [1]} : vector<16xf32> to vector<1xf32>
      %broadcast_in_dim3A_994 = vector.shape_cast %slice3A_993 : vector<1xf32> to vector<1xf32>
      %broadcast_in_dim3A_995 = vector.broadcast %broadcast_in_dim3A_994 : vector<1xf32> to vector<16xf32>
      %get3A_996 = arith.constant 1824 : index
      %get3A_997 = tpu.vector_load %arg16[%get3A_996] {strides = array<i32>} : memref<4800xf32, #tpu.memory_space<vmem>>, vector<16xf32>,
      %get3A_998 = vector.shape_cast %get3A_997 : vector<16xf32> to vector<16xf32>
      %mul3A_999 = arith.mulf %broadcast_in_dim3A_995, %get3A_998 : vector<16xf32>
      %add3A_1000 = arith.addf %add3A_992, %mul3A_999 : vector<16xf32>
      %slice3A_1001 = vector.extract_strided_slice %get3A_47 {offsets = [3], sizes = [1], strides = [1]} : vector<16xf32> to vector<1xf32>
      %broadcast_in_dim3A_1002 = vector.shape_cast %slice3A_1001 : vector<1xf32> to vector<1xf32>
      %broadcast_in_dim3A_1003 = vector.broadcast %broadcast_in_dim3A_1002 : vector<1xf32> to vector<16xf32>
      %get3A_1004 = arith.constant 1840 : index
      %get3A_1005 = tpu.vector_load %arg16[%get3A_1004] {strides = array<i32>} : memref<4800xf32, #tpu.memory_space<vmem>>, vector<16xf32>,
      %get3A_1006 = vector.shape_cast %get3A_1005 : vector<16xf32> to vector<16xf32>
      %mul3A_1007 = arith.mulf %broadcast_in_dim3A_1003, %get3A_1006 : vector<16xf32>
      %add3A_1008 = arith.addf %add3A_1000, %mul3A_1007 : vector<16xf32>
      %slice3A_1009 = vector.extract_strided_slice %get3A_47 {offsets = [4], sizes = [1], strides = [1]} : vector<16xf32> to vector<1xf32>
      %broadcast_in_dim3A_1010 = vector.shape_cast %slice3A_1009 : vector<1xf32> to vector<1xf32>
      %broadcast_in_dim3A_1011 = vector.broadcast %broadcast_in_dim3A_1010 : vector<1xf32> to vector<16xf32>
      %get3A_1012 = arith.constant 1856 : index
      %get3A_1013 = tpu.vector_load %arg16[%get3A_1012] {strides = array<i32>} : memref<4800xf32, #tpu.memory_space<vmem>>, vector<16xf32>,
      %get3A_1014 = vector.shape_cast %get3A_1013 : vector<16xf32> to vector<16xf32>
      %mul3A_1015 = arith.mulf %broadcast_in_dim3A_1011, %get3A_1014 : vector<16xf32>
      %add3A_1016 = arith.addf %add3A_1008, %mul3A_1015 : vector<16xf32>
      %slice3A_1017 = vector.extract_strided_slice %get3A_47 {offsets = [5], sizes = [1], strides = [1]} : vector<16xf32> to vector<1xf32>
      %broadcast_in_dim3A_1018 = vector.shape_cast %slice3A_1017 : vector<1xf32> to vector<1xf32>
      %broadcast_in_dim3A_1019 = vector.broadcast %broadcast_in_dim3A_1018 : vector<1xf32> to vector<16xf32>
      %get3A_1020 = arith.constant 1872 : index
      %get3A_1021 = tpu.vector_load %arg16[%get3A_1020] {strides = array<i32>} : memref<4800xf32, #tpu.memory_space<vmem>>, vector<16xf32>,
      %get3A_1022 = vector.shape_cast %get3A_1021 : vector<16xf32> to vector<16xf32>
      %mul3A_1023 = arith.mulf %broadcast_in_dim3A_1019, %get3A_1022 : vector<16xf32>
      %add3A_1024 = arith.addf %add3A_1016, %mul3A_1023 : vector<16xf32>
      %slice3A_1025 = vector.extract_strided_slice %get3A_47 {offsets = [6], sizes = [1], strides = [1]} : vector<16xf32> to vector<1xf32>
      %broadcast_in_dim3A_1026 = vector.shape_cast %slice3A_1025 : vector<1xf32> to vector<1xf32>
      %broadcast_in_dim3A_1027 = vector.broadcast %broadcast_in_dim3A_1026 : vector<1xf32> to vector<16xf32>
      %get3A_1028 = arith.constant 1888 : index
      %get3A_1029 = tpu.vector_load %arg16[%get3A_1028] {strides = array<i32>} : memref<4800xf32, #tpu.memory_space<vmem>>, vector<16xf32>,
      %get3A_1030 = vector.shape_cast %get3A_1029 : vector<16xf32> to vector<16xf32>
      %mul3A_1031 = arith.mulf %broadcast_in_dim3A_1027, %get3A_1030 : vector<16xf32>
      %add3A_1032 = arith.addf %add3A_1024, %mul3A_1031 : vector<16xf32>
      %slice3A_1033 = vector.extract_strided_slice %get3A_47 {offsets = [7], sizes = [1], strides = [1]} : vector<16xf32> to vector<1xf32>
      %broadcast_in_dim3A_1034 = vector.shape_cast %slice3A_1033 : vector<1xf32> to vector<1xf32>
      %broadcast_in_dim3A_1035 = vector.broadcast %broadcast_in_dim3A_1034 : vector<1xf32> to vector<16xf32>
      %get3A_1036 = arith.constant 1904 : index
      %get3A_1037 = tpu.vector_load %arg16[%get3A_1036] {strides = array<i32>} : memref<4800xf32, #tpu.memory_space<vmem>>, vector<16xf32>,
      %get3A_1038 = vector.shape_cast %get3A_1037 : vector<16xf32> to vector<16xf32>
      %mul3A_1039 = arith.mulf %broadcast_in_dim3A_1035, %get3A_1038 : vector<16xf32>
      %add3A_1040 = arith.addf %add3A_1032, %mul3A_1039 : vector<16xf32>
      %slice3A_1041 = vector.extract_strided_slice %get3A_47 {offsets = [8], sizes = [1], strides = [1]} : vector<16xf32> to vector<1xf32>
      %broadcast_in_dim3A_1042 = vector.shape_cast %slice3A_1041 : vector<1xf32> to vector<1xf32>
      %broadcast_in_dim3A_1043 = vector.broadcast %broadcast_in_dim3A_1042 : vector<1xf32> to vector<16xf32>
      %get3A_1044 = arith.constant 1920 : index
      %get3A_1045 = tpu.vector_load %arg16[%get3A_1044] {strides = array<i32>} : memref<4800xf32, #tpu.memory_space<vmem>>, vector<16xf32>,
      %get3A_1046 = vector.shape_cast %get3A_1045 : vector<16xf32> to vector<16xf32>
      %mul3A_1047 = arith.mulf %broadcast_in_dim3A_1043, %get3A_1046 : vector<16xf32>
      %add3A_1048 = arith.addf %add3A_1040, %mul3A_1047 : vector<16xf32>
      %slice3A_1049 = vector.extract_strided_slice %get3A_47 {offsets = [9], sizes = [1], strides = [1]} : vector<16xf32> to vector<1xf32>
      %broadcast_in_dim3A_1050 = vector.shape_cast %slice3A_1049 : vector<1xf32> to vector<1xf32>
      %broadcast_in_dim3A_1051 = vector.broadcast %broadcast_in_dim3A_1050 : vector<1xf32> to vector<16xf32>
      %get3A_1052 = arith.constant 1936 : index
      %get3A_1053 = tpu.vector_load %arg16[%get3A_1052] {strides = array<i32>} : memref<4800xf32, #tpu.memory_space<vmem>>, vector<16xf32>,
      %get3A_1054 = vector.shape_cast %get3A_1053 : vector<16xf32> to vector<16xf32>
      %mul3A_1055 = arith.mulf %broadcast_in_dim3A_1051, %get3A_1054 : vector<16xf32>
      %add3A_1056 = arith.addf %add3A_1048, %mul3A_1055 : vector<16xf32>
      %slice3A_1057 = vector.extract_strided_slice %get3A_47 {offsets = [10], sizes = [1], strides = [1]} : vector<16xf32> to vector<1xf32>
      %broadcast_in_dim3A_1058 = vector.shape_cast %slice3A_1057 : vector<1xf32> to vector<1xf32>
      %broadcast_in_dim3A_1059 = vector.broadcast %broadcast_in_dim3A_1058 : vector<1xf32> to vector<16xf32>
      %get3A_1060 = arith.constant 1952 : index
      %get3A_1061 = tpu.vector_load %arg16[%get3A_1060] {strides = array<i32>} : memref<4800xf32, #tpu.memory_space<vmem>>, vector<16xf32>,
      %get3A_1062 = vector.shape_cast %get3A_1061 : vector<16xf32> to vector<16xf32>
      %mul3A_1063 = arith.mulf %broadcast_in_dim3A_1059, %get3A_1062 : vector<16xf32>
      %add3A_1064 = arith.addf %add3A_1056, %mul3A_1063 : vector<16xf32>
      %slice3A_1065 = vector.extract_strided_slice %get3A_47 {offsets = [11], sizes = [1], strides = [1]} : vector<16xf32> to vector<1xf32>
      %broadcast_in_dim3A_1066 = vector.shape_cast %slice3A_1065 : vector<1xf32> to vector<1xf32>
      %broadcast_in_dim3A_1067 = vector.broadcast %broadcast_in_dim3A_1066 : vector<1xf32> to vector<16xf32>
      %get3A_1068 = arith.constant 1968 : index
      %get3A_1069 = tpu.vector_load %arg16[%get3A_1068] {strides = array<i32>} : memref<4800xf32, #tpu.memory_space<vmem>>, vector<16xf32>,
      %get3A_1070 = vector.shape_cast %get3A_1069 : vector<16xf32> to vector<16xf32>
      %mul3A_1071 = arith.mulf %broadcast_in_dim3A_1067, %get3A_1070 : vector<16xf32>
      %add3A_1072 = arith.addf %add3A_1064, %mul3A_1071 : vector<16xf32>
      %slice3A_1073 = vector.extract_strided_slice %get3A_47 {offsets = [12], sizes = [1], strides = [1]} : vector<16xf32> to vector<1xf32>
      %broadcast_in_dim3A_1074 = vector.shape_cast %slice3A_1073 : vector<1xf32> to vector<1xf32>
      %broadcast_in_dim3A_1075 = vector.broadcast %broadcast_in_dim3A_1074 : vector<1xf32> to vector<16xf32>
      %get3A_1076 = arith.constant 1984 : index
      %get3A_1077 = tpu.vector_load %arg16[%get3A_1076] {strides = array<i32>} : memref<4800xf32, #tpu.memory_space<vmem>>, vector<16xf32>,
      %get3A_1078 = vector.shape_cast %get3A_1077 : vector<16xf32> to vector<16xf32>
      %mul3A_1079 = arith.mulf %broadcast_in_dim3A_1075, %get3A_1078 : vector<16xf32>
      %add3A_1080 = arith.addf %add3A_1072, %mul3A_1079 : vector<16xf32>
      %slice3A_1081 = vector.extract_strided_slice %get3A_47 {offsets = [13], sizes = [1], strides = [1]} : vector<16xf32> to vector<1xf32>
      %broadcast_in_dim3A_1082 = vector.shape_cast %slice3A_1081 : vector<1xf32> to vector<1xf32>
      %broadcast_in_dim3A_1083 = vector.broadcast %broadcast_in_dim3A_1082 : vector<1xf32> to vector<16xf32>
      %get3A_1084 = arith.constant 2000 : index
      %get3A_1085 = tpu.vector_load %arg16[%get3A_1084] {strides = array<i32>} : memref<4800xf32, #tpu.memory_space<vmem>>, vector<16xf32>,
      %get3A_1086 = vector.shape_cast %get3A_1085 : vector<16xf32> to vector<16xf32>
      %mul3A_1087 = arith.mulf %broadcast_in_dim3A_1083, %get3A_1086 : vector<16xf32>
      %add3A_1088 = arith.addf %add3A_1080, %mul3A_1087 : vector<16xf32>
      %slice3A_1089 = vector.extract_strided_slice %get3A_47 {offsets = [14], sizes = [1], strides = [1]} : vector<16xf32> to vector<1xf32>
      %broadcast_in_dim3A_1090 = vector.shape_cast %slice3A_1089 : vector<1xf32> to vector<1xf32>
      %broadcast_in_dim3A_1091 = vector.broadcast %broadcast_in_dim3A_1090 : vector<1xf32> to vector<16xf32>
      %get3A_1092 = arith.constant 2016 : index
      %get3A_1093 = tpu.vector_load %arg16[%get3A_1092] {strides = array<i32>} : memref<4800xf32, #tpu.memory_space<vmem>>, vector<16xf32>,
      %get3A_1094 = vector.shape_cast %get3A_1093 : vector<16xf32> to vector<16xf32>
      %mul3A_1095 = arith.mulf %broadcast_in_dim3A_1091, %get3A_1094 : vector<16xf32>
      %add3A_1096 = arith.addf %add3A_1088, %mul3A_1095 : vector<16xf32>
      %slice3A_1097 = vector.extract_strided_slice %get3A_47 {offsets = [15], sizes = [1], strides = [1]} : vector<16xf32> to vector<1xf32>
      %broadcast_in_dim3A_1098 = vector.shape_cast %slice3A_1097 : vector<1xf32> to vector<1xf32>
      %broadcast_in_dim3A_1099 = vector.broadcast %broadcast_in_dim3A_1098 : vector<1xf32> to vector<16xf32>
      %get3A_1100 = arith.constant 2032 : index
      %get3A_1101 = tpu.vector_load %arg16[%get3A_1100] {strides = array<i32>} : memref<4800xf32, #tpu.memory_space<vmem>>, vector<16xf32>,
      %get3A_1102 = vector.shape_cast %get3A_1101 : vector<16xf32> to vector<16xf32>
      %mul3A_1103 = arith.mulf %broadcast_in_dim3A_1099, %get3A_1102 : vector<16xf32>
      %add3A_1104 = arith.addf %add3A_1096, %mul3A_1103 : vector<16xf32>
      %slice3A_1105 = vector.extract_strided_slice %get3A_50 {offsets = [0], sizes = [1], strides = [1]} : vector<16xf32> to vector<1xf32>
      %broadcast_in_dim3A_1106 = vector.shape_cast %slice3A_1105 : vector<1xf32> to vector<1xf32>
      %broadcast_in_dim3A_1107 = vector.broadcast %broadcast_in_dim3A_1106 : vector<1xf32> to vector<16xf32>
      %get3A_1108 = arith.constant 2048 : index
      %get3A_1109 = tpu.vector_load %arg16[%get3A_1108] {strides = array<i32>} : memref<4800xf32, #tpu.memory_space<vmem>>, vector<16xf32>,
      %get3A_1110 = vector.shape_cast %get3A_1109 : vector<16xf32> to vector<16xf32>
      %mul3A_1111 = arith.mulf %broadcast_in_dim3A_1107, %get3A_1110 : vector<16xf32>
      %add3A_1112 = arith.addf %add3A_1104, %mul3A_1111 : vector<16xf32>
      %slice3A_1113 = vector.extract_strided_slice %get3A_50 {offsets = [1], sizes = [1], strides = [1]} : vector<16xf32> to vector<1xf32>
      %broadcast_in_dim3A_1114 = vector.shape_cast %slice3A_1113 : vector<1xf32> to vector<1xf32>
      %broadcast_in_dim3A_1115 = vector.broadcast %broadcast_in_dim3A_1114 : vector<1xf32> to vector<16xf32>
      %get3A_1116 = arith.constant 2064 : index
      %get3A_1117 = tpu.vector_load %arg16[%get3A_1116] {strides = array<i32>} : memref<4800xf32, #tpu.memory_space<vmem>>, vector<16xf32>,
      %get3A_1118 = vector.shape_cast %get3A_1117 : vector<16xf32> to vector<16xf32>
      %mul3A_1119 = arith.mulf %broadcast_in_dim3A_1115, %get3A_1118 : vector<16xf32>
      %add3A_1120 = arith.addf %add3A_1112, %mul3A_1119 : vector<16xf32>
      %slice3A_1121 = vector.extract_strided_slice %get3A_50 {offsets = [2], sizes = [1], strides = [1]} : vector<16xf32> to vector<1xf32>
      %broadcast_in_dim3A_1122 = vector.shape_cast %slice3A_1121 : vector<1xf32> to vector<1xf32>
      %broadcast_in_dim3A_1123 = vector.broadcast %broadcast_in_dim3A_1122 : vector<1xf32> to vector<16xf32>
      %get3A_1124 = arith.constant 2080 : index
      %get3A_1125 = tpu.vector_load %arg16[%get3A_1124] {strides = array<i32>} : memref<4800xf32, #tpu.memory_space<vmem>>, vector<16xf32>,
      %get3A_1126 = vector.shape_cast %get3A_1125 : vector<16xf32> to vector<16xf32>
      %mul3A_1127 = arith.mulf %broadcast_in_dim3A_1123, %get3A_1126 : vector<16xf32>
      %add3A_1128 = arith.addf %add3A_1120, %mul3A_1127 : vector<16xf32>
      %slice3A_1129 = vector.extract_strided_slice %get3A_50 {offsets = [3], sizes = [1], strides = [1]} : vector<16xf32> to vector<1xf32>
      %broadcast_in_dim3A_1130 = vector.shape_cast %slice3A_1129 : vector<1xf32> to vector<1xf32>
      %broadcast_in_dim3A_1131 = vector.broadcast %broadcast_in_dim3A_1130 : vector<1xf32> to vector<16xf32>
      %get3A_1132 = arith.constant 2096 : index
      %get3A_1133 = tpu.vector_load %arg16[%get3A_1132] {strides = array<i32>} : memref<4800xf32, #tpu.memory_space<vmem>>, vector<16xf32>,
      %get3A_1134 = vector.shape_cast %get3A_1133 : vector<16xf32> to vector<16xf32>
      %mul3A_1135 = arith.mulf %broadcast_in_dim3A_1131, %get3A_1134 : vector<16xf32>
      %add3A_1136 = arith.addf %add3A_1128, %mul3A_1135 : vector<16xf32>
      %slice3A_1137 = vector.extract_strided_slice %get3A_50 {offsets = [4], sizes = [1], strides = [1]} : vector<16xf32> to vector<1xf32>
      %broadcast_in_dim3A_1138 = vector.shape_cast %slice3A_1137 : vector<1xf32> to vector<1xf32>
      %broadcast_in_dim3A_1139 = vector.broadcast %broadcast_in_dim3A_1138 : vector<1xf32> to vector<16xf32>
      %get3A_1140 = arith.constant 2112 : index
      %get3A_1141 = tpu.vector_load %arg16[%get3A_1140] {strides = array<i32>} : memref<4800xf32, #tpu.memory_space<vmem>>, vector<16xf32>,
      %get3A_1142 = vector.shape_cast %get3A_1141 : vector<16xf32> to vector<16xf32>
      %mul3A_1143 = arith.mulf %broadcast_in_dim3A_1139, %get3A_1142 : vector<16xf32>
      %add3A_1144 = arith.addf %add3A_1136, %mul3A_1143 : vector<16xf32>
      %slice3A_1145 = vector.extract_strided_slice %get3A_50 {offsets = [5], sizes = [1], strides = [1]} : vector<16xf32> to vector<1xf32>
      %broadcast_in_dim3A_1146 = vector.shape_cast %slice3A_1145 : vector<1xf32> to vector<1xf32>
      %broadcast_in_dim3A_1147 = vector.broadcast %broadcast_in_dim3A_1146 : vector<1xf32> to vector<16xf32>
      %get3A_1148 = arith.constant 2128 : index
      %get3A_1149 = tpu.vector_load %arg16[%get3A_1148] {strides = array<i32>} : memref<4800xf32, #tpu.memory_space<vmem>>, vector<16xf32>,
      %get3A_1150 = vector.shape_cast %get3A_1149 : vector<16xf32> to vector<16xf32>
      %mul3A_1151 = arith.mulf %broadcast_in_dim3A_1147, %get3A_1150 : vector<16xf32>
      %add3A_1152 = arith.addf %add3A_1144, %mul3A_1151 : vector<16xf32>
      %slice3A_1153 = vector.extract_strided_slice %get3A_50 {offsets = [6], sizes = [1], strides = [1]} : vector<16xf32> to vector<1xf32>
      %broadcast_in_dim3A_1154 = vector.shape_cast %slice3A_1153 : vector<1xf32> to vector<1xf32>
      %broadcast_in_dim3A_1155 = vector.broadcast %broadcast_in_dim3A_1154 : vector<1xf32> to vector<16xf32>
      %get3A_1156 = arith.constant 2144 : index
      %get3A_1157 = tpu.vector_load %arg16[%get3A_1156] {strides = array<i32>} : memref<4800xf32, #tpu.memory_space<vmem>>, vector<16xf32>,
      %get3A_1158 = vector.shape_cast %get3A_1157 : vector<16xf32> to vector<16xf32>
      %mul3A_1159 = arith.mulf %broadcast_in_dim3A_1155, %get3A_1158 : vector<16xf32>
      %add3A_1160 = arith.addf %add3A_1152, %mul3A_1159 : vector<16xf32>
      %slice3A_1161 = vector.extract_strided_slice %get3A_50 {offsets = [7], sizes = [1], strides = [1]} : vector<16xf32> to vector<1xf32>
      %broadcast_in_dim3A_1162 = vector.shape_cast %slice3A_1161 : vector<1xf32> to vector<1xf32>
      %broadcast_in_dim3A_1163 = vector.broadcast %broadcast_in_dim3A_1162 : vector<1xf32> to vector<16xf32>
      %get3A_1164 = arith.constant 2160 : index
      %get3A_1165 = tpu.vector_load %arg16[%get3A_1164] {strides = array<i32>} : memref<4800xf32, #tpu.memory_space<vmem>>, vector<16xf32>,
      %get3A_1166 = vector.shape_cast %get3A_1165 : vector<16xf32> to vector<16xf32>
      %mul3A_1167 = arith.mulf %broadcast_in_dim3A_1163, %get3A_1166 : vector<16xf32>
      %add3A_1168 = arith.addf %add3A_1160, %mul3A_1167 : vector<16xf32>
      %slice3A_1169 = vector.extract_strided_slice %get3A_50 {offsets = [8], sizes = [1], strides = [1]} : vector<16xf32> to vector<1xf32>
      %broadcast_in_dim3A_1170 = vector.shape_cast %slice3A_1169 : vector<1xf32> to vector<1xf32>
      %broadcast_in_dim3A_1171 = vector.broadcast %broadcast_in_dim3A_1170 : vector<1xf32> to vector<16xf32>
      %get3A_1172 = arith.constant 2176 : index
      %get3A_1173 = tpu.vector_load %arg16[%get3A_1172] {strides = array<i32>} : memref<4800xf32, #tpu.memory_space<vmem>>, vector<16xf32>,
      %get3A_1174 = vector.shape_cast %get3A_1173 : vector<16xf32> to vector<16xf32>
      %mul3A_1175 = arith.mulf %broadcast_in_dim3A_1171, %get3A_1174 : vector<16xf32>
      %add3A_1176 = arith.addf %add3A_1168, %mul3A_1175 : vector<16xf32>
      %slice3A_1177 = vector.extract_strided_slice %get3A_50 {offsets = [9], sizes = [1], strides = [1]} : vector<16xf32> to vector<1xf32>
      %broadcast_in_dim3A_1178 = vector.shape_cast %slice3A_1177 : vector<1xf32> to vector<1xf32>
      %broadcast_in_dim3A_1179 = vector.broadcast %broadcast_in_dim3A_1178 : vector<1xf32> to vector<16xf32>
      %get3A_1180 = arith.constant 2192 : index
      %get3A_1181 = tpu.vector_load %arg16[%get3A_1180] {strides = array<i32>} : memref<4800xf32, #tpu.memory_space<vmem>>, vector<16xf32>,
      %get3A_1182 = vector.shape_cast %get3A_1181 : vector<16xf32> to vector<16xf32>
      %mul3A_1183 = arith.mulf %broadcast_in_dim3A_1179, %get3A_1182 : vector<16xf32>
      %add3A_1184 = arith.addf %add3A_1176, %mul3A_1183 : vector<16xf32>
      %slice3A_1185 = vector.extract_strided_slice %get3A_50 {offsets = [10], sizes = [1], strides = [1]} : vector<16xf32> to vector<1xf32>
      %broadcast_in_dim3A_1186 = vector.shape_cast %slice3A_1185 : vector<1xf32> to vector<1xf32>
      %broadcast_in_dim3A_1187 = vector.broadcast %broadcast_in_dim3A_1186 : vector<1xf32> to vector<16xf32>
      %get3A_1188 = arith.constant 2208 : index
      %get3A_1189 = tpu.vector_load %arg16[%get3A_1188] {strides = array<i32>} : memref<4800xf32, #tpu.memory_space<vmem>>, vector<16xf32>,
      %get3A_1190 = vector.shape_cast %get3A_1189 : vector<16xf32> to vector<16xf32>
      %mul3A_1191 = arith.mulf %broadcast_in_dim3A_1187, %get3A_1190 : vector<16xf32>
      %add3A_1192 = arith.addf %add3A_1184, %mul3A_1191 : vector<16xf32>
      %slice3A_1193 = vector.extract_strided_slice %get3A_50 {offsets = [11], sizes = [1], strides = [1]} : vector<16xf32> to vector<1xf32>
      %broadcast_in_dim3A_1194 = vector.shape_cast %slice3A_1193 : vector<1xf32> to vector<1xf32>
      %broadcast_in_dim3A_1195 = vector.broadcast %broadcast_in_dim3A_1194 : vector<1xf32> to vector<16xf32>
      %get3A_1196 = arith.constant 2224 : index
      %get3A_1197 = tpu.vector_load %arg16[%get3A_1196] {strides = array<i32>} : memref<4800xf32, #tpu.memory_space<vmem>>, vector<16xf32>,
      %get3A_1198 = vector.shape_cast %get3A_1197 : vector<16xf32> to vector<16xf32>
      %mul3A_1199 = arith.mulf %broadcast_in_dim3A_1195, %get3A_1198 : vector<16xf32>
      %add3A_1200 = arith.addf %add3A_1192, %mul3A_1199 : vector<16xf32>
      %slice3A_1201 = vector.extract_strided_slice %get3A_50 {offsets = [12], sizes = [1], strides = [1]} : vector<16xf32> to vector<1xf32>
      %broadcast_in_dim3A_1202 = vector.shape_cast %slice3A_1201 : vector<1xf32> to vector<1xf32>
      %broadcast_in_dim3A_1203 = vector.broadcast %broadcast_in_dim3A_1202 : vector<1xf32> to vector<16xf32>
      %get3A_1204 = arith.constant 2240 : index
      %get3A_1205 = tpu.vector_load %arg16[%get3A_1204] {strides = array<i32>} : memref<4800xf32, #tpu.memory_space<vmem>>, vector<16xf32>,
      %get3A_1206 = vector.shape_cast %get3A_1205 : vector<16xf32> to vector<16xf32>
      %mul3A_1207 = arith.mulf %broadcast_in_dim3A_1203, %get3A_1206 : vector<16xf32>
      %add3A_1208 = arith.addf %add3A_1200, %mul3A_1207 : vector<16xf32>
      %slice3A_1209 = vector.extract_strided_slice %get3A_50 {offsets = [13], sizes = [1], strides = [1]} : vector<16xf32> to vector<1xf32>
      %broadcast_in_dim3A_1210 = vector.shape_cast %slice3A_1209 : vector<1xf32> to vector<1xf32>
      %broadcast_in_dim3A_1211 = vector.broadcast %broadcast_in_dim3A_1210 : vector<1xf32> to vector<16xf32>
      %get3A_1212 = arith.constant 2256 : index
      %get3A_1213 = tpu.vector_load %arg16[%get3A_1212] {strides = array<i32>} : memref<4800xf32, #tpu.memory_space<vmem>>, vector<16xf32>,
      %get3A_1214 = vector.shape_cast %get3A_1213 : vector<16xf32> to vector<16xf32>
      %mul3A_1215 = arith.mulf %broadcast_in_dim3A_1211, %get3A_1214 : vector<16xf32>
      %add3A_1216 = arith.addf %add3A_1208, %mul3A_1215 : vector<16xf32>
      %slice3A_1217 = vector.extract_strided_slice %get3A_50 {offsets = [14], sizes = [1], strides = [1]} : vector<16xf32> to vector<1xf32>
      %broadcast_in_dim3A_1218 = vector.shape_cast %slice3A_1217 : vector<1xf32> to vector<1xf32>
      %broadcast_in_dim3A_1219 = vector.broadcast %broadcast_in_dim3A_1218 : vector<1xf32> to vector<16xf32>
      %get3A_1220 = arith.constant 2272 : index
      %get3A_1221 = tpu.vector_load %arg16[%get3A_1220] {strides = array<i32>} : memref<4800xf32, #tpu.memory_space<vmem>>, vector<16xf32>,
      %get3A_1222 = vector.shape_cast %get3A_1221 : vector<16xf32> to vector<16xf32>
      %mul3A_1223 = arith.mulf %broadcast_in_dim3A_1219, %get3A_1222 : vector<16xf32>
      %add3A_1224 = arith.addf %add3A_1216, %mul3A_1223 : vector<16xf32>
      %slice3A_1225 = vector.extract_strided_slice %get3A_50 {offsets = [15], sizes = [1], strides = [1]} : vector<16xf32> to vector<1xf32>
      %broadcast_in_dim3A_1226 = vector.shape_cast %slice3A_1225 : vector<1xf32> to vector<1xf32>
      %broadcast_in_dim3A_1227 = vector.broadcast %broadcast_in_dim3A_1226 : vector<1xf32> to vector<16xf32>
      %get3A_1228 = arith.constant 2288 : index
      %get3A_1229 = tpu.vector_load %arg16[%get3A_1228] {strides = array<i32>} : memref<4800xf32, #tpu.memory_space<vmem>>, vector<16xf32>,
      %get3A_1230 = vector.shape_cast %get3A_1229 : vector<16xf32> to vector<16xf32>
      %mul3A_1231 = arith.mulf %broadcast_in_dim3A_1227, %get3A_1230 : vector<16xf32>
      %add3A_1232 = arith.addf %add3A_1224, %mul3A_1231 : vector<16xf32>
      %slice3A_1233 = vector.extract_strided_slice %get3A_53 {offsets = [0], sizes = [1], strides = [1]} : vector<16xf32> to vector<1xf32>
      %broadcast_in_dim3A_1234 = vector.shape_cast %slice3A_1233 : vector<1xf32> to vector<1xf32>
      %broadcast_in_dim3A_1235 = vector.broadcast %broadcast_in_dim3A_1234 : vector<1xf32> to vector<16xf32>
      %get3A_1236 = arith.constant 2304 : index
      %get3A_1237 = tpu.vector_load %arg16[%get3A_1236] {strides = array<i32>} : memref<4800xf32, #tpu.memory_space<vmem>>, vector<16xf32>,
      %get3A_1238 = vector.shape_cast %get3A_1237 : vector<16xf32> to vector<16xf32>
      %mul3A_1239 = arith.mulf %broadcast_in_dim3A_1235, %get3A_1238 : vector<16xf32>
      %add3A_1240 = arith.addf %add3A_1232, %mul3A_1239 : vector<16xf32>
      %slice3A_1241 = vector.extract_strided_slice %get3A_53 {offsets = [1], sizes = [1], strides = [1]} : vector<16xf32> to vector<1xf32>
      %broadcast_in_dim3A_1242 = vector.shape_cast %slice3A_1241 : vector<1xf32> to vector<1xf32>
      %broadcast_in_dim3A_1243 = vector.broadcast %broadcast_in_dim3A_1242 : vector<1xf32> to vector<16xf32>
      %get3A_1244 = arith.constant 2320 : index
      %get3A_1245 = tpu.vector_load %arg16[%get3A_1244] {strides = array<i32>} : memref<4800xf32, #tpu.memory_space<vmem>>, vector<16xf32>,
      %get3A_1246 = vector.shape_cast %get3A_1245 : vector<16xf32> to vector<16xf32>
      %mul3A_1247 = arith.mulf %broadcast_in_dim3A_1243, %get3A_1246 : vector<16xf32>
      %add3A_1248 = arith.addf %add3A_1240, %mul3A_1247 : vector<16xf32>
      %slice3A_1249 = vector.extract_strided_slice %get3A_53 {offsets = [2], sizes = [1], strides = [1]} : vector<16xf32> to vector<1xf32>
      %broadcast_in_dim3A_1250 = vector.shape_cast %slice3A_1249 : vector<1xf32> to vector<1xf32>
      %broadcast_in_dim3A_1251 = vector.broadcast %broadcast_in_dim3A_1250 : vector<1xf32> to vector<16xf32>
      %get3A_1252 = arith.constant 2336 : index
      %get3A_1253 = tpu.vector_load %arg16[%get3A_1252] {strides = array<i32>} : memref<4800xf32, #tpu.memory_space<vmem>>, vector<16xf32>,
      %get3A_1254 = vector.shape_cast %get3A_1253 : vector<16xf32> to vector<16xf32>
      %mul3A_1255 = arith.mulf %broadcast_in_dim3A_1251, %get3A_1254 : vector<16xf32>
      %add3A_1256 = arith.addf %add3A_1248, %mul3A_1255 : vector<16xf32>
      %slice3A_1257 = vector.extract_strided_slice %get3A_53 {offsets = [3], sizes = [1], strides = [1]} : vector<16xf32> to vector<1xf32>
      %broadcast_in_dim3A_1258 = vector.shape_cast %slice3A_1257 : vector<1xf32> to vector<1xf32>
      %broadcast_in_dim3A_1259 = vector.broadcast %broadcast_in_dim3A_1258 : vector<1xf32> to vector<16xf32>
      %get3A_1260 = arith.constant 2352 : index
      %get3A_1261 = tpu.vector_load %arg16[%get3A_1260] {strides = array<i32>} : memref<4800xf32, #tpu.memory_space<vmem>>, vector<16xf32>,
      %get3A_1262 = vector.shape_cast %get3A_1261 : vector<16xf32> to vector<16xf32>
      %mul3A_1263 = arith.mulf %broadcast_in_dim3A_1259, %get3A_1262 : vector<16xf32>
      %add3A_1264 = arith.addf %add3A_1256, %mul3A_1263 : vector<16xf32>
      %slice3A_1265 = vector.extract_strided_slice %get3A_53 {offsets = [4], sizes = [1], strides = [1]} : vector<16xf32> to vector<1xf32>
      %broadcast_in_dim3A_1266 = vector.shape_cast %slice3A_1265 : vector<1xf32> to vector<1xf32>
      %broadcast_in_dim3A_1267 = vector.broadcast %broadcast_in_dim3A_1266 : vector<1xf32> to vector<16xf32>
      %get3A_1268 = arith.constant 2368 : index
      %get3A_1269 = tpu.vector_load %arg16[%get3A_1268] {strides = array<i32>} : memref<4800xf32, #tpu.memory_space<vmem>>, vector<16xf32>,
      %get3A_1270 = vector.shape_cast %get3A_1269 : vector<16xf32> to vector<16xf32>
      %mul3A_1271 = arith.mulf %broadcast_in_dim3A_1267, %get3A_1270 : vector<16xf32>
      %add3A_1272 = arith.addf %add3A_1264, %mul3A_1271 : vector<16xf32>
      %slice3A_1273 = vector.extract_strided_slice %get3A_53 {offsets = [5], sizes = [1], strides = [1]} : vector<16xf32> to vector<1xf32>
      %broadcast_in_dim3A_1274 = vector.shape_cast %slice3A_1273 : vector<1xf32> to vector<1xf32>
      %broadcast_in_dim3A_1275 = vector.broadcast %broadcast_in_dim3A_1274 : vector<1xf32> to vector<16xf32>
      %get3A_1276 = arith.constant 2384 : index
      %get3A_1277 = tpu.vector_load %arg16[%get3A_1276] {strides = array<i32>} : memref<4800xf32, #tpu.memory_space<vmem>>, vector<16xf32>,
      %get3A_1278 = vector.shape_cast %get3A_1277 : vector<16xf32> to vector<16xf32>
      %mul3A_1279 = arith.mulf %broadcast_in_dim3A_1275, %get3A_1278 : vector<16xf32>
      %add3A_1280 = arith.addf %add3A_1272, %mul3A_1279 : vector<16xf32>
      %slice3A_1281 = vector.extract_strided_slice %get3A_53 {offsets = [6], sizes = [1], strides = [1]} : vector<16xf32> to vector<1xf32>
      %broadcast_in_dim3A_1282 = vector.shape_cast %slice3A_1281 : vector<1xf32> to vector<1xf32>
      %broadcast_in_dim3A_1283 = vector.broadcast %broadcast_in_dim3A_1282 : vector<1xf32> to vector<16xf32>
      %get3A_1284 = arith.constant 2400 : index
      %get3A_1285 = tpu.vector_load %arg16[%get3A_1284] {strides = array<i32>} : memref<4800xf32, #tpu.memory_space<vmem>>, vector<16xf32>,
      %get3A_1286 = vector.shape_cast %get3A_1285 : vector<16xf32> to vector<16xf32>
      %mul3A_1287 = arith.mulf %broadcast_in_dim3A_1283, %get3A_1286 : vector<16xf32>
      %add3A_1288 = arith.addf %add3A_1280, %mul3A_1287 : vector<16xf32>
      %slice3A_1289 = vector.extract_strided_slice %get3A_53 {offsets = [7], sizes = [1], strides = [1]} : vector<16xf32> to vector<1xf32>
      %broadcast_in_dim3A_1290 = vector.shape_cast %slice3A_1289 : vector<1xf32> to vector<1xf32>
      %broadcast_in_dim3A_1291 = vector.broadcast %broadcast_in_dim3A_1290 : vector<1xf32> to vector<16xf32>
      %get3A_1292 = arith.constant 2416 : index
      %get3A_1293 = tpu.vector_load %arg16[%get3A_1292] {strides = array<i32>} : memref<4800xf32, #tpu.memory_space<vmem>>, vector<16xf32>,
      %get3A_1294 = vector.shape_cast %get3A_1293 : vector<16xf32> to vector<16xf32>
      %mul3A_1295 = arith.mulf %broadcast_in_dim3A_1291, %get3A_1294 : vector<16xf32>
      %add3A_1296 = arith.addf %add3A_1288, %mul3A_1295 : vector<16xf32>
      %slice3A_1297 = vector.extract_strided_slice %get3A_53 {offsets = [8], sizes = [1], strides = [1]} : vector<16xf32> to vector<1xf32>
      %broadcast_in_dim3A_1298 = vector.shape_cast %slice3A_1297 : vector<1xf32> to vector<1xf32>
      %broadcast_in_dim3A_1299 = vector.broadcast %broadcast_in_dim3A_1298 : vector<1xf32> to vector<16xf32>
      %get3A_1300 = arith.constant 2432 : index
      %get3A_1301 = tpu.vector_load %arg16[%get3A_1300] {strides = array<i32>} : memref<4800xf32, #tpu.memory_space<vmem>>, vector<16xf32>,
      %get3A_1302 = vector.shape_cast %get3A_1301 : vector<16xf32> to vector<16xf32>
      %mul3A_1303 = arith.mulf %broadcast_in_dim3A_1299, %get3A_1302 : vector<16xf32>
      %add3A_1304 = arith.addf %add3A_1296, %mul3A_1303 : vector<16xf32>
      %slice3A_1305 = vector.extract_strided_slice %get3A_53 {offsets = [9], sizes = [1], strides = [1]} : vector<16xf32> to vector<1xf32>
      %broadcast_in_dim3A_1306 = vector.shape_cast %slice3A_1305 : vector<1xf32> to vector<1xf32>
      %broadcast_in_dim3A_1307 = vector.broadcast %broadcast_in_dim3A_1306 : vector<1xf32> to vector<16xf32>
      %get3A_1308 = arith.constant 2448 : index
      %get3A_1309 = tpu.vector_load %arg16[%get3A_1308] {strides = array<i32>} : memref<4800xf32, #tpu.memory_space<vmem>>, vector<16xf32>,
      %get3A_1310 = vector.shape_cast %get3A_1309 : vector<16xf32> to vector<16xf32>
      %mul3A_1311 = arith.mulf %broadcast_in_dim3A_1307, %get3A_1310 : vector<16xf32>
      %add3A_1312 = arith.addf %add3A_1304, %mul3A_1311 : vector<16xf32>
      %slice3A_1313 = vector.extract_strided_slice %get3A_53 {offsets = [10], sizes = [1], strides = [1]} : vector<16xf32> to vector<1xf32>
      %broadcast_in_dim3A_1314 = vector.shape_cast %slice3A_1313 : vector<1xf32> to vector<1xf32>
      %broadcast_in_dim3A_1315 = vector.broadcast %broadcast_in_dim3A_1314 : vector<1xf32> to vector<16xf32>
      %get3A_1316 = arith.constant 2464 : index
      %get3A_1317 = tpu.vector_load %arg16[%get3A_1316] {strides = array<i32>} : memref<4800xf32, #tpu.memory_space<vmem>>, vector<16xf32>,
      %get3A_1318 = vector.shape_cast %get3A_1317 : vector<16xf32> to vector<16xf32>
      %mul3A_1319 = arith.mulf %broadcast_in_dim3A_1315, %get3A_1318 : vector<16xf32>
      %add3A_1320 = arith.addf %add3A_1312, %mul3A_1319 : vector<16xf32>
      %slice3A_1321 = vector.extract_strided_slice %get3A_53 {offsets = [11], sizes = [1], strides = [1]} : vector<16xf32> to vector<1xf32>
      %broadcast_in_dim3A_1322 = vector.shape_cast %slice3A_1321 : vector<1xf32> to vector<1xf32>
      %broadcast_in_dim3A_1323 = vector.broadcast %broadcast_in_dim3A_1322 : vector<1xf32> to vector<16xf32>
      %get3A_1324 = arith.constant 2480 : index
      %get3A_1325 = tpu.vector_load %arg16[%get3A_1324] {strides = array<i32>} : memref<4800xf32, #tpu.memory_space<vmem>>, vector<16xf32>,
      %get3A_1326 = vector.shape_cast %get3A_1325 : vector<16xf32> to vector<16xf32>
      %mul3A_1327 = arith.mulf %broadcast_in_dim3A_1323, %get3A_1326 : vector<16xf32>
      %add3A_1328 = arith.addf %add3A_1320, %mul3A_1327 : vector<16xf32>
      %slice3A_1329 = vector.extract_strided_slice %get3A_53 {offsets = [12], sizes = [1], strides = [1]} : vector<16xf32> to vector<1xf32>
      %broadcast_in_dim3A_1330 = vector.shape_cast %slice3A_1329 : vector<1xf32> to vector<1xf32>
      %broadcast_in_dim3A_1331 = vector.broadcast %broadcast_in_dim3A_1330 : vector<1xf32> to vector<16xf32>
      %get3A_1332 = arith.constant 2496 : index
      %get3A_1333 = tpu.vector_load %arg16[%get3A_1332] {strides = array<i32>} : memref<4800xf32, #tpu.memory_space<vmem>>, vector<16xf32>,
      %get3A_1334 = vector.shape_cast %get3A_1333 : vector<16xf32> to vector<16xf32>
      %mul3A_1335 = arith.mulf %broadcast_in_dim3A_1331, %get3A_1334 : vector<16xf32>
      %add3A_1336 = arith.addf %add3A_1328, %mul3A_1335 : vector<16xf32>
      %slice3A_1337 = vector.extract_strided_slice %get3A_53 {offsets = [13], sizes = [1], strides = [1]} : vector<16xf32> to vector<1xf32>
      %broadcast_in_dim3A_1338 = vector.shape_cast %slice3A_1337 : vector<1xf32> to vector<1xf32>
      %broadcast_in_dim3A_1339 = vector.broadcast %broadcast_in_dim3A_1338 : vector<1xf32> to vector<16xf32>
      %get3A_1340 = arith.constant 2512 : index
      %get3A_1341 = tpu.vector_load %arg16[%get3A_1340] {strides = array<i32>} : memref<4800xf32, #tpu.memory_space<vmem>>, vector<16xf32>,
      %get3A_1342 = vector.shape_cast %get3A_1341 : vector<16xf32> to vector<16xf32>
      %mul3A_1343 = arith.mulf %broadcast_in_dim3A_1339, %get3A_1342 : vector<16xf32>
      %add3A_1344 = arith.addf %add3A_1336, %mul3A_1343 : vector<16xf32>
      %slice3A_1345 = vector.extract_strided_slice %get3A_53 {offsets = [14], sizes = [1], strides = [1]} : vector<16xf32> to vector<1xf32>
      %broadcast_in_dim3A_1346 = vector.shape_cast %slice3A_1345 : vector<1xf32> to vector<1xf32>
      %broadcast_in_dim3A_1347 = vector.broadcast %broadcast_in_dim3A_1346 : vector<1xf32> to vector<16xf32>
      %get3A_1348 = arith.constant 2528 : index
      %get3A_1349 = tpu.vector_load %arg16[%get3A_1348] {strides = array<i32>} : memref<4800xf32, #tpu.memory_space<vmem>>, vector<16xf32>,
      %get3A_1350 = vector.shape_cast %get3A_1349 : vector<16xf32> to vector<16xf32>
      %mul3A_1351 = arith.mulf %broadcast_in_dim3A_1347, %get3A_1350 : vector<16xf32>
      %add3A_1352 = arith.addf %add3A_1344, %mul3A_1351 : vector<16xf32>
      %slice3A_1353 = vector.extract_strided_slice %get3A_53 {offsets = [15], sizes = [1], strides = [1]} : vector<16xf32> to vector<1xf32>
      %broadcast_in_dim3A_1354 = vector.shape_cast %slice3A_1353 : vector<1xf32> to vector<1xf32>
      %broadcast_in_dim3A_1355 = vector.broadcast %broadcast_in_dim3A_1354 : vector<1xf32> to vector<16xf32>
      %get3A_1356 = arith.constant 2544 : index
      %get3A_1357 = tpu.vector_load %arg16[%get3A_1356] {strides = array<i32>} : memref<4800xf32, #tpu.memory_space<vmem>>, vector<16xf32>,
      %get3A_1358 = vector.shape_cast %get3A_1357 : vector<16xf32> to vector<16xf32>
      %mul3A_1359 = arith.mulf %broadcast_in_dim3A_1355, %get3A_1358 : vector<16xf32>
      %add3A_1360 = arith.addf %add3A_1352, %mul3A_1359 : vector<16xf32>
      %slice3A_1361 = vector.extract_strided_slice %get3A_56 {offsets = [0], sizes = [1], strides = [1]} : vector<16xf32> to vector<1xf32>
      %broadcast_in_dim3A_1362 = vector.shape_cast %slice3A_1361 : vector<1xf32> to vector<1xf32>
      %broadcast_in_dim3A_1363 = vector.broadcast %broadcast_in_dim3A_1362 : vector<1xf32> to vector<16xf32>
      %get3A_1364 = arith.constant 2560 : index
      %get3A_1365 = tpu.vector_load %arg16[%get3A_1364] {strides = array<i32>} : memref<4800xf32, #tpu.memory_space<vmem>>, vector<16xf32>,
      %get3A_1366 = vector.shape_cast %get3A_1365 : vector<16xf32> to vector<16xf32>
      %mul3A_1367 = arith.mulf %broadcast_in_dim3A_1363, %get3A_1366 : vector<16xf32>
      %add3A_1368 = arith.addf %add3A_1360, %mul3A_1367 : vector<16xf32>
      %slice3A_1369 = vector.extract_strided_slice %get3A_56 {offsets = [1], sizes = [1], strides = [1]} : vector<16xf32> to vector<1xf32>
      %broadcast_in_dim3A_1370 = vector.shape_cast %slice3A_1369 : vector<1xf32> to vector<1xf32>
      %broadcast_in_dim3A_1371 = vector.broadcast %broadcast_in_dim3A_1370 : vector<1xf32> to vector<16xf32>
      %get3A_1372 = arith.constant 2576 : index
      %get3A_1373 = tpu.vector_load %arg16[%get3A_1372] {strides = array<i32>} : memref<4800xf32, #tpu.memory_space<vmem>>, vector<16xf32>,
      %get3A_1374 = vector.shape_cast %get3A_1373 : vector<16xf32> to vector<16xf32>
      %mul3A_1375 = arith.mulf %broadcast_in_dim3A_1371, %get3A_1374 : vector<16xf32>
      %add3A_1376 = arith.addf %add3A_1368, %mul3A_1375 : vector<16xf32>
      %slice3A_1377 = vector.extract_strided_slice %get3A_56 {offsets = [2], sizes = [1], strides = [1]} : vector<16xf32> to vector<1xf32>
      %broadcast_in_dim3A_1378 = vector.shape_cast %slice3A_1377 : vector<1xf32> to vector<1xf32>
      %broadcast_in_dim3A_1379 = vector.broadcast %broadcast_in_dim3A_1378 : vector<1xf32> to vector<16xf32>
      %get3A_1380 = arith.constant 2592 : index
      %get3A_1381 = tpu.vector_load %arg16[%get3A_1380] {strides = array<i32>} : memref<4800xf32, #tpu.memory_space<vmem>>, vector<16xf32>,
      %get3A_1382 = vector.shape_cast %get3A_1381 : vector<16xf32> to vector<16xf32>
      %mul3A_1383 = arith.mulf %broadcast_in_dim3A_1379, %get3A_1382 : vector<16xf32>
      %add3A_1384 = arith.addf %add3A_1376, %mul3A_1383 : vector<16xf32>
      %slice3A_1385 = vector.extract_strided_slice %get3A_56 {offsets = [3], sizes = [1], strides = [1]} : vector<16xf32> to vector<1xf32>
      %broadcast_in_dim3A_1386 = vector.shape_cast %slice3A_1385 : vector<1xf32> to vector<1xf32>
      %broadcast_in_dim3A_1387 = vector.broadcast %broadcast_in_dim3A_1386 : vector<1xf32> to vector<16xf32>
      %get3A_1388 = arith.constant 2608 : index
      %get3A_1389 = tpu.vector_load %arg16[%get3A_1388] {strides = array<i32>} : memref<4800xf32, #tpu.memory_space<vmem>>, vector<16xf32>,
      %get3A_1390 = vector.shape_cast %get3A_1389 : vector<16xf32> to vector<16xf32>
      %mul3A_1391 = arith.mulf %broadcast_in_dim3A_1387, %get3A_1390 : vector<16xf32>
      %add3A_1392 = arith.addf %add3A_1384, %mul3A_1391 : vector<16xf32>
      %slice3A_1393 = vector.extract_strided_slice %get3A_56 {offsets = [4], sizes = [1], strides = [1]} : vector<16xf32> to vector<1xf32>
      %broadcast_in_dim3A_1394 = vector.shape_cast %slice3A_1393 : vector<1xf32> to vector<1xf32>
      %broadcast_in_dim3A_1395 = vector.broadcast %broadcast_in_dim3A_1394 : vector<1xf32> to vector<16xf32>
      %get3A_1396 = arith.constant 2624 : index
      %get3A_1397 = tpu.vector_load %arg16[%get3A_1396] {strides = array<i32>} : memref<4800xf32, #tpu.memory_space<vmem>>, vector<16xf32>,
      %get3A_1398 = vector.shape_cast %get3A_1397 : vector<16xf32> to vector<16xf32>
      %mul3A_1399 = arith.mulf %broadcast_in_dim3A_1395, %get3A_1398 : vector<16xf32>
      %add3A_1400 = arith.addf %add3A_1392, %mul3A_1399 : vector<16xf32>
      %slice3A_1401 = vector.extract_strided_slice %get3A_56 {offsets = [5], sizes = [1], strides = [1]} : vector<16xf32> to vector<1xf32>
      %broadcast_in_dim3A_1402 = vector.shape_cast %slice3A_1401 : vector<1xf32> to vector<1xf32>
      %broadcast_in_dim3A_1403 = vector.broadcast %broadcast_in_dim3A_1402 : vector<1xf32> to vector<16xf32>
      %get3A_1404 = arith.constant 2640 : index
      %get3A_1405 = tpu.vector_load %arg16[%get3A_1404] {strides = array<i32>} : memref<4800xf32, #tpu.memory_space<vmem>>, vector<16xf32>,
      %get3A_1406 = vector.shape_cast %get3A_1405 : vector<16xf32> to vector<16xf32>
      %mul3A_1407 = arith.mulf %broadcast_in_dim3A_1403, %get3A_1406 : vector<16xf32>
      %add3A_1408 = arith.addf %add3A_1400, %mul3A_1407 : vector<16xf32>
      %slice3A_1409 = vector.extract_strided_slice %get3A_56 {offsets = [6], sizes = [1], strides = [1]} : vector<16xf32> to vector<1xf32>
      %broadcast_in_dim3A_1410 = vector.shape_cast %slice3A_1409 : vector<1xf32> to vector<1xf32>
      %broadcast_in_dim3A_1411 = vector.broadcast %broadcast_in_dim3A_1410 : vector<1xf32> to vector<16xf32>
      %get3A_1412 = arith.constant 2656 : index
      %get3A_1413 = tpu.vector_load %arg16[%get3A_1412] {strides = array<i32>} : memref<4800xf32, #tpu.memory_space<vmem>>, vector<16xf32>,
      %get3A_1414 = vector.shape_cast %get3A_1413 : vector<16xf32> to vector<16xf32>
      %mul3A_1415 = arith.mulf %broadcast_in_dim3A_1411, %get3A_1414 : vector<16xf32>
      %add3A_1416 = arith.addf %add3A_1408, %mul3A_1415 : vector<16xf32>
      %slice3A_1417 = vector.extract_strided_slice %get3A_56 {offsets = [7], sizes = [1], strides = [1]} : vector<16xf32> to vector<1xf32>
      %broadcast_in_dim3A_1418 = vector.shape_cast %slice3A_1417 : vector<1xf32> to vector<1xf32>
      %broadcast_in_dim3A_1419 = vector.broadcast %broadcast_in_dim3A_1418 : vector<1xf32> to vector<16xf32>
      %get3A_1420 = arith.constant 2672 : index
      %get3A_1421 = tpu.vector_load %arg16[%get3A_1420] {strides = array<i32>} : memref<4800xf32, #tpu.memory_space<vmem>>, vector<16xf32>,
      %get3A_1422 = vector.shape_cast %get3A_1421 : vector<16xf32> to vector<16xf32>
      %mul3A_1423 = arith.mulf %broadcast_in_dim3A_1419, %get3A_1422 : vector<16xf32>
      %add3A_1424 = arith.addf %add3A_1416, %mul3A_1423 : vector<16xf32>
      %slice3A_1425 = vector.extract_strided_slice %get3A_56 {offsets = [8], sizes = [1], strides = [1]} : vector<16xf32> to vector<1xf32>
      %broadcast_in_dim3A_1426 = vector.shape_cast %slice3A_1425 : vector<1xf32> to vector<1xf32>
      %broadcast_in_dim3A_1427 = vector.broadcast %broadcast_in_dim3A_1426 : vector<1xf32> to vector<16xf32>
      %get3A_1428 = arith.constant 2688 : index
      %get3A_1429 = tpu.vector_load %arg16[%get3A_1428] {strides = array<i32>} : memref<4800xf32, #tpu.memory_space<vmem>>, vector<16xf32>,
      %get3A_1430 = vector.shape_cast %get3A_1429 : vector<16xf32> to vector<16xf32>
      %mul3A_1431 = arith.mulf %broadcast_in_dim3A_1427, %get3A_1430 : vector<16xf32>
      %add3A_1432 = arith.addf %add3A_1424, %mul3A_1431 : vector<16xf32>
      %slice3A_1433 = vector.extract_strided_slice %get3A_56 {offsets = [9], sizes = [1], strides = [1]} : vector<16xf32> to vector<1xf32>
      %broadcast_in_dim3A_1434 = vector.shape_cast %slice3A_1433 : vector<1xf32> to vector<1xf32>
      %broadcast_in_dim3A_1435 = vector.broadcast %broadcast_in_dim3A_1434 : vector<1xf32> to vector<16xf32>
      %get3A_1436 = arith.constant 2704 : index
      %get3A_1437 = tpu.vector_load %arg16[%get3A_1436] {strides = array<i32>} : memref<4800xf32, #tpu.memory_space<vmem>>, vector<16xf32>,
      %get3A_1438 = vector.shape_cast %get3A_1437 : vector<16xf32> to vector<16xf32>
      %mul3A_1439 = arith.mulf %broadcast_in_dim3A_1435, %get3A_1438 : vector<16xf32>
      %add3A_1440 = arith.addf %add3A_1432, %mul3A_1439 : vector<16xf32>
      %slice3A_1441 = vector.extract_strided_slice %get3A_56 {offsets = [10], sizes = [1], strides = [1]} : vector<16xf32> to vector<1xf32>
      %broadcast_in_dim3A_1442 = vector.shape_cast %slice3A_1441 : vector<1xf32> to vector<1xf32>
      %broadcast_in_dim3A_1443 = vector.broadcast %broadcast_in_dim3A_1442 : vector<1xf32> to vector<16xf32>
      %get3A_1444 = arith.constant 2720 : index
      %get3A_1445 = tpu.vector_load %arg16[%get3A_1444] {strides = array<i32>} : memref<4800xf32, #tpu.memory_space<vmem>>, vector<16xf32>,
      %get3A_1446 = vector.shape_cast %get3A_1445 : vector<16xf32> to vector<16xf32>
      %mul3A_1447 = arith.mulf %broadcast_in_dim3A_1443, %get3A_1446 : vector<16xf32>
      %add3A_1448 = arith.addf %add3A_1440, %mul3A_1447 : vector<16xf32>
      %slice3A_1449 = vector.extract_strided_slice %get3A_56 {offsets = [11], sizes = [1], strides = [1]} : vector<16xf32> to vector<1xf32>
      %broadcast_in_dim3A_1450 = vector.shape_cast %slice3A_1449 : vector<1xf32> to vector<1xf32>
      %broadcast_in_dim3A_1451 = vector.broadcast %broadcast_in_dim3A_1450 : vector<1xf32> to vector<16xf32>
      %get3A_1452 = arith.constant 2736 : index
      %get3A_1453 = tpu.vector_load %arg16[%get3A_1452] {strides = array<i32>} : memref<4800xf32, #tpu.memory_space<vmem>>, vector<16xf32>,
      %get3A_1454 = vector.shape_cast %get3A_1453 : vector<16xf32> to vector<16xf32>
      %mul3A_1455 = arith.mulf %broadcast_in_dim3A_1451, %get3A_1454 : vector<16xf32>
      %add3A_1456 = arith.addf %add3A_1448, %mul3A_1455 : vector<16xf32>
      %slice3A_1457 = vector.extract_strided_slice %get3A_56 {offsets = [12], sizes = [1], strides = [1]} : vector<16xf32> to vector<1xf32>
      %broadcast_in_dim3A_1458 = vector.shape_cast %slice3A_1457 : vector<1xf32> to vector<1xf32>
      %broadcast_in_dim3A_1459 = vector.broadcast %broadcast_in_dim3A_1458 : vector<1xf32> to vector<16xf32>
      %get3A_1460 = arith.constant 2752 : index
      %get3A_1461 = tpu.vector_load %arg16[%get3A_1460] {strides = array<i32>} : memref<4800xf32, #tpu.memory_space<vmem>>, vector<16xf32>,
      %get3A_1462 = vector.shape_cast %get3A_1461 : vector<16xf32> to vector<16xf32>
      %mul3A_1463 = arith.mulf %broadcast_in_dim3A_1459, %get3A_1462 : vector<16xf32>
      %add3A_1464 = arith.addf %add3A_1456, %mul3A_1463 : vector<16xf32>
      %slice3A_1465 = vector.extract_strided_slice %get3A_56 {offsets = [13], sizes = [1], strides = [1]} : vector<16xf32> to vector<1xf32>
      %broadcast_in_dim3A_1466 = vector.shape_cast %slice3A_1465 : vector<1xf32> to vector<1xf32>
      %broadcast_in_dim3A_1467 = vector.broadcast %broadcast_in_dim3A_1466 : vector<1xf32> to vector<16xf32>
      %get3A_1468 = arith.constant 2768 : index
      %get3A_1469 = tpu.vector_load %arg16[%get3A_1468] {strides = array<i32>} : memref<4800xf32, #tpu.memory_space<vmem>>, vector<16xf32>,
      %get3A_1470 = vector.shape_cast %get3A_1469 : vector<16xf32> to vector<16xf32>
      %mul3A_1471 = arith.mulf %broadcast_in_dim3A_1467, %get3A_1470 : vector<16xf32>
      %add3A_1472 = arith.addf %add3A_1464, %mul3A_1471 : vector<16xf32>
      %slice3A_1473 = vector.extract_strided_slice %get3A_56 {offsets = [14], sizes = [1], strides = [1]} : vector<16xf32> to vector<1xf32>
      %broadcast_in_dim3A_1474 = vector.shape_cast %slice3A_1473 : vector<1xf32> to vector<1xf32>
      %broadcast_in_dim3A_1475 = vector.broadcast %broadcast_in_dim3A_1474 : vector<1xf32> to vector<16xf32>
      %get3A_1476 = arith.constant 2784 : index
      %get3A_1477 = tpu.vector_load %arg16[%get3A_1476] {strides = array<i32>} : memref<4800xf32, #tpu.memory_space<vmem>>, vector<16xf32>,
      %get3A_1478 = vector.shape_cast %get3A_1477 : vector<16xf32> to vector<16xf32>
      %mul3A_1479 = arith.mulf %broadcast_in_dim3A_1475, %get3A_1478 : vector<16xf32>
      %add3A_1480 = arith.addf %add3A_1472, %mul3A_1479 : vector<16xf32>
      %slice3A_1481 = vector.extract_strided_slice %get3A_56 {offsets = [15], sizes = [1], strides = [1]} : vector<16xf32> to vector<1xf32>
      %broadcast_in_dim3A_1482 = vector.shape_cast %slice3A_1481 : vector<1xf32> to vector<1xf32>
      %broadcast_in_dim3A_1483 = vector.broadcast %broadcast_in_dim3A_1482 : vector<1xf32> to vector<16xf32>
      %get3A_1484 = arith.constant 2800 : index
      %get3A_1485 = tpu.vector_load %arg16[%get3A_1484] {strides = array<i32>} : memref<4800xf32, #tpu.memory_space<vmem>>, vector<16xf32>,
      %get3A_1486 = vector.shape_cast %get3A_1485 : vector<16xf32> to vector<16xf32>
      %mul3A_1487 = arith.mulf %broadcast_in_dim3A_1483, %get3A_1486 : vector<16xf32>
      %add3A_1488 = arith.addf %add3A_1480, %mul3A_1487 : vector<16xf32>
      %slice3A_1489 = vector.extract_strided_slice %get3A_59 {offsets = [0], sizes = [1], strides = [1]} : vector<16xf32> to vector<1xf32>
      %broadcast_in_dim3A_1490 = vector.shape_cast %slice3A_1489 : vector<1xf32> to vector<1xf32>
      %broadcast_in_dim3A_1491 = vector.broadcast %broadcast_in_dim3A_1490 : vector<1xf32> to vector<16xf32>
      %get3A_1492 = arith.constant 2816 : index
      %get3A_1493 = tpu.vector_load %arg16[%get3A_1492] {strides = array<i32>} : memref<4800xf32, #tpu.memory_space<vmem>>, vector<16xf32>,
      %get3A_1494 = vector.shape_cast %get3A_1493 : vector<16xf32> to vector<16xf32>
      %mul3A_1495 = arith.mulf %broadcast_in_dim3A_1491, %get3A_1494 : vector<16xf32>
      %add3A_1496 = arith.addf %add3A_1488, %mul3A_1495 : vector<16xf32>
      %slice3A_1497 = vector.extract_strided_slice %get3A_59 {offsets = [1], sizes = [1], strides = [1]} : vector<16xf32> to vector<1xf32>
      %broadcast_in_dim3A_1498 = vector.shape_cast %slice3A_1497 : vector<1xf32> to vector<1xf32>
      %broadcast_in_dim3A_1499 = vector.broadcast %broadcast_in_dim3A_1498 : vector<1xf32> to vector<16xf32>
      %get3A_1500 = arith.constant 2832 : index
      %get3A_1501 = tpu.vector_load %arg16[%get3A_1500] {strides = array<i32>} : memref<4800xf32, #tpu.memory_space<vmem>>, vector<16xf32>,
      %get3A_1502 = vector.shape_cast %get3A_1501 : vector<16xf32> to vector<16xf32>
      %mul3A_1503 = arith.mulf %broadcast_in_dim3A_1499, %get3A_1502 : vector<16xf32>
      %add3A_1504 = arith.addf %add3A_1496, %mul3A_1503 : vector<16xf32>
      %slice3A_1505 = vector.extract_strided_slice %get3A_59 {offsets = [2], sizes = [1], strides = [1]} : vector<16xf32> to vector<1xf32>
      %broadcast_in_dim3A_1506 = vector.shape_cast %slice3A_1505 : vector<1xf32> to vector<1xf32>
      %broadcast_in_dim3A_1507 = vector.broadcast %broadcast_in_dim3A_1506 : vector<1xf32> to vector<16xf32>
      %get3A_1508 = arith.constant 2848 : index
      %get3A_1509 = tpu.vector_load %arg16[%get3A_1508] {strides = array<i32>} : memref<4800xf32, #tpu.memory_space<vmem>>, vector<16xf32>,
      %get3A_1510 = vector.shape_cast %get3A_1509 : vector<16xf32> to vector<16xf32>
      %mul3A_1511 = arith.mulf %broadcast_in_dim3A_1507, %get3A_1510 : vector<16xf32>
      %add3A_1512 = arith.addf %add3A_1504, %mul3A_1511 : vector<16xf32>
      %slice3A_1513 = vector.extract_strided_slice %get3A_59 {offsets = [3], sizes = [1], strides = [1]} : vector<16xf32> to vector<1xf32>
      %broadcast_in_dim3A_1514 = vector.shape_cast %slice3A_1513 : vector<1xf32> to vector<1xf32>
      %broadcast_in_dim3A_1515 = vector.broadcast %broadcast_in_dim3A_1514 : vector<1xf32> to vector<16xf32>
      %get3A_1516 = arith.constant 2864 : index
      %get3A_1517 = tpu.vector_load %arg16[%get3A_1516] {strides = array<i32>} : memref<4800xf32, #tpu.memory_space<vmem>>, vector<16xf32>,
      %get3A_1518 = vector.shape_cast %get3A_1517 : vector<16xf32> to vector<16xf32>
      %mul3A_1519 = arith.mulf %broadcast_in_dim3A_1515, %get3A_1518 : vector<16xf32>
      %add3A_1520 = arith.addf %add3A_1512, %mul3A_1519 : vector<16xf32>
      %slice3A_1521 = vector.extract_strided_slice %get3A_59 {offsets = [4], sizes = [1], strides = [1]} : vector<16xf32> to vector<1xf32>
      %broadcast_in_dim3A_1522 = vector.shape_cast %slice3A_1521 : vector<1xf32> to vector<1xf32>
      %broadcast_in_dim3A_1523 = vector.broadcast %broadcast_in_dim3A_1522 : vector<1xf32> to vector<16xf32>
      %get3A_1524 = arith.constant 2880 : index
      %get3A_1525 = tpu.vector_load %arg16[%get3A_1524] {strides = array<i32>} : memref<4800xf32, #tpu.memory_space<vmem>>, vector<16xf32>,
      %get3A_1526 = vector.shape_cast %get3A_1525 : vector<16xf32> to vector<16xf32>
      %mul3A_1527 = arith.mulf %broadcast_in_dim3A_1523, %get3A_1526 : vector<16xf32>
      %add3A_1528 = arith.addf %add3A_1520, %mul3A_1527 : vector<16xf32>
      %slice3A_1529 = vector.extract_strided_slice %get3A_59 {offsets = [5], sizes = [1], strides = [1]} : vector<16xf32> to vector<1xf32>
      %broadcast_in_dim3A_1530 = vector.shape_cast %slice3A_1529 : vector<1xf32> to vector<1xf32>
      %broadcast_in_dim3A_1531 = vector.broadcast %broadcast_in_dim3A_1530 : vector<1xf32> to vector<16xf32>
      %get3A_1532 = arith.constant 2896 : index
      %get3A_1533 = tpu.vector_load %arg16[%get3A_1532] {strides = array<i32>} : memref<4800xf32, #tpu.memory_space<vmem>>, vector<16xf32>,
      %get3A_1534 = vector.shape_cast %get3A_1533 : vector<16xf32> to vector<16xf32>
      %mul3A_1535 = arith.mulf %broadcast_in_dim3A_1531, %get3A_1534 : vector<16xf32>
      %add3A_1536 = arith.addf %add3A_1528, %mul3A_1535 : vector<16xf32>
      %slice3A_1537 = vector.extract_strided_slice %get3A_59 {offsets = [6], sizes = [1], strides = [1]} : vector<16xf32> to vector<1xf32>
      %broadcast_in_dim3A_1538 = vector.shape_cast %slice3A_1537 : vector<1xf32> to vector<1xf32>
      %broadcast_in_dim3A_1539 = vector.broadcast %broadcast_in_dim3A_1538 : vector<1xf32> to vector<16xf32>
      %get3A_1540 = arith.constant 2912 : index
      %get3A_1541 = tpu.vector_load %arg16[%get3A_1540] {strides = array<i32>} : memref<4800xf32, #tpu.memory_space<vmem>>, vector<16xf32>,
      %get3A_1542 = vector.shape_cast %get3A_1541 : vector<16xf32> to vector<16xf32>
      %mul3A_1543 = arith.mulf %broadcast_in_dim3A_1539, %get3A_1542 : vector<16xf32>
      %add3A_1544 = arith.addf %add3A_1536, %mul3A_1543 : vector<16xf32>
      %slice3A_1545 = vector.extract_strided_slice %get3A_59 {offsets = [7], sizes = [1], strides = [1]} : vector<16xf32> to vector<1xf32>
      %broadcast_in_dim3A_1546 = vector.shape_cast %slice3A_1545 : vector<1xf32> to vector<1xf32>
      %broadcast_in_dim3A_1547 = vector.broadcast %broadcast_in_dim3A_1546 : vector<1xf32> to vector<16xf32>
      %get3A_1548 = arith.constant 2928 : index
      %get3A_1549 = tpu.vector_load %arg16[%get3A_1548] {strides = array<i32>} : memref<4800xf32, #tpu.memory_space<vmem>>, vector<16xf32>,
      %get3A_1550 = vector.shape_cast %get3A_1549 : vector<16xf32> to vector<16xf32>
      %mul3A_1551 = arith.mulf %broadcast_in_dim3A_1547, %get3A_1550 : vector<16xf32>
      %add3A_1552 = arith.addf %add3A_1544, %mul3A_1551 : vector<16xf32>
      %slice3A_1553 = vector.extract_strided_slice %get3A_59 {offsets = [8], sizes = [1], strides = [1]} : vector<16xf32> to vector<1xf32>
      %broadcast_in_dim3A_1554 = vector.shape_cast %slice3A_1553 : vector<1xf32> to vector<1xf32>
      %broadcast_in_dim3A_1555 = vector.broadcast %broadcast_in_dim3A_1554 : vector<1xf32> to vector<16xf32>
      %get3A_1556 = arith.constant 2944 : index
      %get3A_1557 = tpu.vector_load %arg16[%get3A_1556] {strides = array<i32>} : memref<4800xf32, #tpu.memory_space<vmem>>, vector<16xf32>,
      %get3A_1558 = vector.shape_cast %get3A_1557 : vector<16xf32> to vector<16xf32>
      %mul3A_1559 = arith.mulf %broadcast_in_dim3A_1555, %get3A_1558 : vector<16xf32>
      %add3A_1560 = arith.addf %add3A_1552, %mul3A_1559 : vector<16xf32>
      %slice3A_1561 = vector.extract_strided_slice %get3A_59 {offsets = [9], sizes = [1], strides = [1]} : vector<16xf32> to vector<1xf32>
      %broadcast_in_dim3A_1562 = vector.shape_cast %slice3A_1561 : vector<1xf32> to vector<1xf32>
      %broadcast_in_dim3A_1563 = vector.broadcast %broadcast_in_dim3A_1562 : vector<1xf32> to vector<16xf32>
      %get3A_1564 = arith.constant 2960 : index
      %get3A_1565 = tpu.vector_load %arg16[%get3A_1564] {strides = array<i32>} : memref<4800xf32, #tpu.memory_space<vmem>>, vector<16xf32>,
      %get3A_1566 = vector.shape_cast %get3A_1565 : vector<16xf32> to vector<16xf32>
      %mul3A_1567 = arith.mulf %broadcast_in_dim3A_1563, %get3A_1566 : vector<16xf32>
      %add3A_1568 = arith.addf %add3A_1560, %mul3A_1567 : vector<16xf32>
      %slice3A_1569 = vector.extract_strided_slice %get3A_59 {offsets = [10], sizes = [1], strides = [1]} : vector<16xf32> to vector<1xf32>
      %broadcast_in_dim3A_1570 = vector.shape_cast %slice3A_1569 : vector<1xf32> to vector<1xf32>
      %broadcast_in_dim3A_1571 = vector.broadcast %broadcast_in_dim3A_1570 : vector<1xf32> to vector<16xf32>
      %get3A_1572 = arith.constant 2976 : index
      %get3A_1573 = tpu.vector_load %arg16[%get3A_1572] {strides = array<i32>} : memref<4800xf32, #tpu.memory_space<vmem>>, vector<16xf32>,
      %get3A_1574 = vector.shape_cast %get3A_1573 : vector<16xf32> to vector<16xf32>
      %mul3A_1575 = arith.mulf %broadcast_in_dim3A_1571, %get3A_1574 : vector<16xf32>
      %add3A_1576 = arith.addf %add3A_1568, %mul3A_1575 : vector<16xf32>
      %slice3A_1577 = vector.extract_strided_slice %get3A_59 {offsets = [11], sizes = [1], strides = [1]} : vector<16xf32> to vector<1xf32>
      %broadcast_in_dim3A_1578 = vector.shape_cast %slice3A_1577 : vector<1xf32> to vector<1xf32>
      %broadcast_in_dim3A_1579 = vector.broadcast %broadcast_in_dim3A_1578 : vector<1xf32> to vector<16xf32>
      %get3A_1580 = arith.constant 2992 : index
      %get3A_1581 = tpu.vector_load %arg16[%get3A_1580] {strides = array<i32>} : memref<4800xf32, #tpu.memory_space<vmem>>, vector<16xf32>,
      %get3A_1582 = vector.shape_cast %get3A_1581 : vector<16xf32> to vector<16xf32>
      %mul3A_1583 = arith.mulf %broadcast_in_dim3A_1579, %get3A_1582 : vector<16xf32>
      %add3A_1584 = arith.addf %add3A_1576, %mul3A_1583 : vector<16xf32>
      %slice3A_1585 = vector.extract_strided_slice %get3A_59 {offsets = [12], sizes = [1], strides = [1]} : vector<16xf32> to vector<1xf32>
      %broadcast_in_dim3A_1586 = vector.shape_cast %slice3A_1585 : vector<1xf32> to vector<1xf32>
      %broadcast_in_dim3A_1587 = vector.broadcast %broadcast_in_dim3A_1586 : vector<1xf32> to vector<16xf32>
      %get3A_1588 = arith.constant 3008 : index
      %get3A_1589 = tpu.vector_load %arg16[%get3A_1588] {strides = array<i32>} : memref<4800xf32, #tpu.memory_space<vmem>>, vector<16xf32>,
      %get3A_1590 = vector.shape_cast %get3A_1589 : vector<16xf32> to vector<16xf32>
      %mul3A_1591 = arith.mulf %broadcast_in_dim3A_1587, %get3A_1590 : vector<16xf32>
      %add3A_1592 = arith.addf %add3A_1584, %mul3A_1591 : vector<16xf32>
      %slice3A_1593 = vector.extract_strided_slice %get3A_59 {offsets = [13], sizes = [1], strides = [1]} : vector<16xf32> to vector<1xf32>
      %broadcast_in_dim3A_1594 = vector.shape_cast %slice3A_1593 : vector<1xf32> to vector<1xf32>
      %broadcast_in_dim3A_1595 = vector.broadcast %broadcast_in_dim3A_1594 : vector<1xf32> to vector<16xf32>
      %get3A_1596 = arith.constant 3024 : index
      %get3A_1597 = tpu.vector_load %arg16[%get3A_1596] {strides = array<i32>} : memref<4800xf32, #tpu.memory_space<vmem>>, vector<16xf32>,
      %get3A_1598 = vector.shape_cast %get3A_1597 : vector<16xf32> to vector<16xf32>
      %mul3A_1599 = arith.mulf %broadcast_in_dim3A_1595, %get3A_1598 : vector<16xf32>
      %add3A_1600 = arith.addf %add3A_1592, %mul3A_1599 : vector<16xf32>
      %slice3A_1601 = vector.extract_strided_slice %get3A_59 {offsets = [14], sizes = [1], strides = [1]} : vector<16xf32> to vector<1xf32>
      %broadcast_in_dim3A_1602 = vector.shape_cast %slice3A_1601 : vector<1xf32> to vector<1xf32>
      %broadcast_in_dim3A_1603 = vector.broadcast %broadcast_in_dim3A_1602 : vector<1xf32> to vector<16xf32>
      %get3A_1604 = arith.constant 3040 : index
      %get3A_1605 = tpu.vector_load %arg16[%get3A_1604] {strides = array<i32>} : memref<4800xf32, #tpu.memory_space<vmem>>, vector<16xf32>,
      %get3A_1606 = vector.shape_cast %get3A_1605 : vector<16xf32> to vector<16xf32>
      %mul3A_1607 = arith.mulf %broadcast_in_dim3A_1603, %get3A_1606 : vector<16xf32>
      %add3A_1608 = arith.addf %add3A_1600, %mul3A_1607 : vector<16xf32>
      %slice3A_1609 = vector.extract_strided_slice %get3A_59 {offsets = [15], sizes = [1], strides = [1]} : vector<16xf32> to vector<1xf32>
      %broadcast_in_dim3A_1610 = vector.shape_cast %slice3A_1609 : vector<1xf32> to vector<1xf32>
      %broadcast_in_dim3A_1611 = vector.broadcast %broadcast_in_dim3A_1610 : vector<1xf32> to vector<16xf32>
      %get3A_1612 = arith.constant 3056 : index
      %get3A_1613 = tpu.vector_load %arg16[%get3A_1612] {strides = array<i32>} : memref<4800xf32, #tpu.memory_space<vmem>>, vector<16xf32>,
      %get3A_1614 = vector.shape_cast %get3A_1613 : vector<16xf32> to vector<16xf32>
      %mul3A_1615 = arith.mulf %broadcast_in_dim3A_1611, %get3A_1614 : vector<16xf32>
      %add3A_1616 = arith.addf %add3A_1608, %mul3A_1615 : vector<16xf32>
      %slice3A_1617 = vector.extract_strided_slice %get3A_62 {offsets = [0], sizes = [1], strides = [1]} : vector<16xf32> to vector<1xf32>
      %broadcast_in_dim3A_1618 = vector.shape_cast %slice3A_1617 : vector<1xf32> to vector<1xf32>
      %broadcast_in_dim3A_1619 = vector.broadcast %broadcast_in_dim3A_1618 : vector<1xf32> to vector<16xf32>
      %get3A_1620 = arith.constant 3072 : index
      %get3A_1621 = tpu.vector_load %arg16[%get3A_1620] {strides = array<i32>} : memref<4800xf32, #tpu.memory_space<vmem>>, vector<16xf32>,
      %get3A_1622 = vector.shape_cast %get3A_1621 : vector<16xf32> to vector<16xf32>
      %mul3A_1623 = arith.mulf %broadcast_in_dim3A_1619, %get3A_1622 : vector<16xf32>
      %add3A_1624 = arith.addf %add3A_1616, %mul3A_1623 : vector<16xf32>
      %slice3A_1625 = vector.extract_strided_slice %get3A_62 {offsets = [1], sizes = [1], strides = [1]} : vector<16xf32> to vector<1xf32>
      %broadcast_in_dim3A_1626 = vector.shape_cast %slice3A_1625 : vector<1xf32> to vector<1xf32>
      %broadcast_in_dim3A_1627 = vector.broadcast %broadcast_in_dim3A_1626 : vector<1xf32> to vector<16xf32>
      %get3A_1628 = arith.constant 3088 : index
      %get3A_1629 = tpu.vector_load %arg16[%get3A_1628] {strides = array<i32>} : memref<4800xf32, #tpu.memory_space<vmem>>, vector<16xf32>,
      %get3A_1630 = vector.shape_cast %get3A_1629 : vector<16xf32> to vector<16xf32>
      %mul3A_1631 = arith.mulf %broadcast_in_dim3A_1627, %get3A_1630 : vector<16xf32>
      %add3A_1632 = arith.addf %add3A_1624, %mul3A_1631 : vector<16xf32>
      %slice3A_1633 = vector.extract_strided_slice %get3A_62 {offsets = [2], sizes = [1], strides = [1]} : vector<16xf32> to vector<1xf32>
      %broadcast_in_dim3A_1634 = vector.shape_cast %slice3A_1633 : vector<1xf32> to vector<1xf32>
      %broadcast_in_dim3A_1635 = vector.broadcast %broadcast_in_dim3A_1634 : vector<1xf32> to vector<16xf32>
      %get3A_1636 = arith.constant 3104 : index
      %get3A_1637 = tpu.vector_load %arg16[%get3A_1636] {strides = array<i32>} : memref<4800xf32, #tpu.memory_space<vmem>>, vector<16xf32>,
      %get3A_1638 = vector.shape_cast %get3A_1637 : vector<16xf32> to vector<16xf32>
      %mul3A_1639 = arith.mulf %broadcast_in_dim3A_1635, %get3A_1638 : vector<16xf32>
      %add3A_1640 = arith.addf %add3A_1632, %mul3A_1639 : vector<16xf32>
      %slice3A_1641 = vector.extract_strided_slice %get3A_62 {offsets = [3], sizes = [1], strides = [1]} : vector<16xf32> to vector<1xf32>
      %broadcast_in_dim3A_1642 = vector.shape_cast %slice3A_1641 : vector<1xf32> to vector<1xf32>
      %broadcast_in_dim3A_1643 = vector.broadcast %broadcast_in_dim3A_1642 : vector<1xf32> to vector<16xf32>
      %get3A_1644 = arith.constant 3120 : index
      %get3A_1645 = tpu.vector_load %arg16[%get3A_1644] {strides = array<i32>} : memref<4800xf32, #tpu.memory_space<vmem>>, vector<16xf32>,
      %get3A_1646 = vector.shape_cast %get3A_1645 : vector<16xf32> to vector<16xf32>
      %mul3A_1647 = arith.mulf %broadcast_in_dim3A_1643, %get3A_1646 : vector<16xf32>
      %add3A_1648 = arith.addf %add3A_1640, %mul3A_1647 : vector<16xf32>
      %slice3A_1649 = vector.extract_strided_slice %get3A_62 {offsets = [4], sizes = [1], strides = [1]} : vector<16xf32> to vector<1xf32>
      %broadcast_in_dim3A_1650 = vector.shape_cast %slice3A_1649 : vector<1xf32> to vector<1xf32>
      %broadcast_in_dim3A_1651 = vector.broadcast %broadcast_in_dim3A_1650 : vector<1xf32> to vector<16xf32>
      %get3A_1652 = arith.constant 3136 : index
      %get3A_1653 = tpu.vector_load %arg16[%get3A_1652] {strides = array<i32>} : memref<4800xf32, #tpu.memory_space<vmem>>, vector<16xf32>,
      %get3A_1654 = vector.shape_cast %get3A_1653 : vector<16xf32> to vector<16xf32>
      %mul3A_1655 = arith.mulf %broadcast_in_dim3A_1651, %get3A_1654 : vector<16xf32>
      %add3A_1656 = arith.addf %add3A_1648, %mul3A_1655 : vector<16xf32>
      %slice3A_1657 = vector.extract_strided_slice %get3A_62 {offsets = [5], sizes = [1], strides = [1]} : vector<16xf32> to vector<1xf32>
      %broadcast_in_dim3A_1658 = vector.shape_cast %slice3A_1657 : vector<1xf32> to vector<1xf32>
      %broadcast_in_dim3A_1659 = vector.broadcast %broadcast_in_dim3A_1658 : vector<1xf32> to vector<16xf32>
      %get3A_1660 = arith.constant 3152 : index
      %get3A_1661 = tpu.vector_load %arg16[%get3A_1660] {strides = array<i32>} : memref<4800xf32, #tpu.memory_space<vmem>>, vector<16xf32>,
      %get3A_1662 = vector.shape_cast %get3A_1661 : vector<16xf32> to vector<16xf32>
      %mul3A_1663 = arith.mulf %broadcast_in_dim3A_1659, %get3A_1662 : vector<16xf32>
      %add3A_1664 = arith.addf %add3A_1656, %mul3A_1663 : vector<16xf32>
      %slice3A_1665 = vector.extract_strided_slice %get3A_62 {offsets = [6], sizes = [1], strides = [1]} : vector<16xf32> to vector<1xf32>
      %broadcast_in_dim3A_1666 = vector.shape_cast %slice3A_1665 : vector<1xf32> to vector<1xf32>
      %broadcast_in_dim3A_1667 = vector.broadcast %broadcast_in_dim3A_1666 : vector<1xf32> to vector<16xf32>
      %get3A_1668 = arith.constant 3168 : index
      %get3A_1669 = tpu.vector_load %arg16[%get3A_1668] {strides = array<i32>} : memref<4800xf32, #tpu.memory_space<vmem>>, vector<16xf32>,
      %get3A_1670 = vector.shape_cast %get3A_1669 : vector<16xf32> to vector<16xf32>
      %mul3A_1671 = arith.mulf %broadcast_in_dim3A_1667, %get3A_1670 : vector<16xf32>
      %add3A_1672 = arith.addf %add3A_1664, %mul3A_1671 : vector<16xf32>
      %slice3A_1673 = vector.extract_strided_slice %get3A_62 {offsets = [7], sizes = [1], strides = [1]} : vector<16xf32> to vector<1xf32>
      %broadcast_in_dim3A_1674 = vector.shape_cast %slice3A_1673 : vector<1xf32> to vector<1xf32>
      %broadcast_in_dim3A_1675 = vector.broadcast %broadcast_in_dim3A_1674 : vector<1xf32> to vector<16xf32>
      %get3A_1676 = arith.constant 3184 : index
      %get3A_1677 = tpu.vector_load %arg16[%get3A_1676] {strides = array<i32>} : memref<4800xf32, #tpu.memory_space<vmem>>, vector<16xf32>,
      %get3A_1678 = vector.shape_cast %get3A_1677 : vector<16xf32> to vector<16xf32>
      %mul3A_1679 = arith.mulf %broadcast_in_dim3A_1675, %get3A_1678 : vector<16xf32>
      %add3A_1680 = arith.addf %add3A_1672, %mul3A_1679 : vector<16xf32>
      %slice3A_1681 = vector.extract_strided_slice %get3A_62 {offsets = [8], sizes = [1], strides = [1]} : vector<16xf32> to vector<1xf32>
      %broadcast_in_dim3A_1682 = vector.shape_cast %slice3A_1681 : vector<1xf32> to vector<1xf32>
      %broadcast_in_dim3A_1683 = vector.broadcast %broadcast_in_dim3A_1682 : vector<1xf32> to vector<16xf32>
      %get3A_1684 = arith.constant 3200 : index
      %get3A_1685 = tpu.vector_load %arg16[%get3A_1684] {strides = array<i32>} : memref<4800xf32, #tpu.memory_space<vmem>>, vector<16xf32>,
      %get3A_1686 = vector.shape_cast %get3A_1685 : vector<16xf32> to vector<16xf32>
      %mul3A_1687 = arith.mulf %broadcast_in_dim3A_1683, %get3A_1686 : vector<16xf32>
      %add3A_1688 = arith.addf %add3A_1680, %mul3A_1687 : vector<16xf32>
      %slice3A_1689 = vector.extract_strided_slice %get3A_62 {offsets = [9], sizes = [1], strides = [1]} : vector<16xf32> to vector<1xf32>
      %broadcast_in_dim3A_1690 = vector.shape_cast %slice3A_1689 : vector<1xf32> to vector<1xf32>
      %broadcast_in_dim3A_1691 = vector.broadcast %broadcast_in_dim3A_1690 : vector<1xf32> to vector<16xf32>
      %get3A_1692 = arith.constant 3216 : index
      %get3A_1693 = tpu.vector_load %arg16[%get3A_1692] {strides = array<i32>} : memref<4800xf32, #tpu.memory_space<vmem>>, vector<16xf32>,
      %get3A_1694 = vector.shape_cast %get3A_1693 : vector<16xf32> to vector<16xf32>
      %mul3A_1695 = arith.mulf %broadcast_in_dim3A_1691, %get3A_1694 : vector<16xf32>
      %add3A_1696 = arith.addf %add3A_1688, %mul3A_1695 : vector<16xf32>
      %slice3A_1697 = vector.extract_strided_slice %get3A_62 {offsets = [10], sizes = [1], strides = [1]} : vector<16xf32> to vector<1xf32>
      %broadcast_in_dim3A_1698 = vector.shape_cast %slice3A_1697 : vector<1xf32> to vector<1xf32>
      %broadcast_in_dim3A_1699 = vector.broadcast %broadcast_in_dim3A_1698 : vector<1xf32> to vector<16xf32>
      %get3A_1700 = arith.constant 3232 : index
      %get3A_1701 = tpu.vector_load %arg16[%get3A_1700] {strides = array<i32>} : memref<4800xf32, #tpu.memory_space<vmem>>, vector<16xf32>,
      %get3A_1702 = vector.shape_cast %get3A_1701 : vector<16xf32> to vector<16xf32>
      %mul3A_1703 = arith.mulf %broadcast_in_dim3A_1699, %get3A_1702 : vector<16xf32>
      %add3A_1704 = arith.addf %add3A_1696, %mul3A_1703 : vector<16xf32>
      %slice3A_1705 = vector.extract_strided_slice %get3A_62 {offsets = [11], sizes = [1], strides = [1]} : vector<16xf32> to vector<1xf32>
      %broadcast_in_dim3A_1706 = vector.shape_cast %slice3A_1705 : vector<1xf32> to vector<1xf32>
      %broadcast_in_dim3A_1707 = vector.broadcast %broadcast_in_dim3A_1706 : vector<1xf32> to vector<16xf32>
      %get3A_1708 = arith.constant 3248 : index
      %get3A_1709 = tpu.vector_load %arg16[%get3A_1708] {strides = array<i32>} : memref<4800xf32, #tpu.memory_space<vmem>>, vector<16xf32>,
      %get3A_1710 = vector.shape_cast %get3A_1709 : vector<16xf32> to vector<16xf32>
      %mul3A_1711 = arith.mulf %broadcast_in_dim3A_1707, %get3A_1710 : vector<16xf32>
      %add3A_1712 = arith.addf %add3A_1704, %mul3A_1711 : vector<16xf32>
      %slice3A_1713 = vector.extract_strided_slice %get3A_62 {offsets = [12], sizes = [1], strides = [1]} : vector<16xf32> to vector<1xf32>
      %broadcast_in_dim3A_1714 = vector.shape_cast %slice3A_1713 : vector<1xf32> to vector<1xf32>
      %broadcast_in_dim3A_1715 = vector.broadcast %broadcast_in_dim3A_1714 : vector<1xf32> to vector<16xf32>
      %get3A_1716 = arith.constant 3264 : index
      %get3A_1717 = tpu.vector_load %arg16[%get3A_1716] {strides = array<i32>} : memref<4800xf32, #tpu.memory_space<vmem>>, vector<16xf32>,
      %get3A_1718 = vector.shape_cast %get3A_1717 : vector<16xf32> to vector<16xf32>
      %mul3A_1719 = arith.mulf %broadcast_in_dim3A_1715, %get3A_1718 : vector<16xf32>
      %add3A_1720 = arith.addf %add3A_1712, %mul3A_1719 : vector<16xf32>
      %slice3A_1721 = vector.extract_strided_slice %get3A_62 {offsets = [13], sizes = [1], strides = [1]} : vector<16xf32> to vector<1xf32>
      %broadcast_in_dim3A_1722 = vector.shape_cast %slice3A_1721 : vector<1xf32> to vector<1xf32>
      %broadcast_in_dim3A_1723 = vector.broadcast %broadcast_in_dim3A_1722 : vector<1xf32> to vector<16xf32>
      %get3A_1724 = arith.constant 3280 : index
      %get3A_1725 = tpu.vector_load %arg16[%get3A_1724] {strides = array<i32>} : memref<4800xf32, #tpu.memory_space<vmem>>, vector<16xf32>,
      %get3A_1726 = vector.shape_cast %get3A_1725 : vector<16xf32> to vector<16xf32>
      %mul3A_1727 = arith.mulf %broadcast_in_dim3A_1723, %get3A_1726 : vector<16xf32>
      %add3A_1728 = arith.addf %add3A_1720, %mul3A_1727 : vector<16xf32>
      %slice3A_1729 = vector.extract_strided_slice %get3A_62 {offsets = [14], sizes = [1], strides = [1]} : vector<16xf32> to vector<1xf32>
      %broadcast_in_dim3A_1730 = vector.shape_cast %slice3A_1729 : vector<1xf32> to vector<1xf32>
      %broadcast_in_dim3A_1731 = vector.broadcast %broadcast_in_dim3A_1730 : vector<1xf32> to vector<16xf32>
      %get3A_1732 = arith.constant 3296 : index
      %get3A_1733 = tpu.vector_load %arg16[%get3A_1732] {strides = array<i32>} : memref<4800xf32, #tpu.memory_space<vmem>>, vector<16xf32>,
      %get3A_1734 = vector.shape_cast %get3A_1733 : vector<16xf32> to vector<16xf32>
      %mul3A_1735 = arith.mulf %broadcast_in_dim3A_1731, %get3A_1734 : vector<16xf32>
      %add3A_1736 = arith.addf %add3A_1728, %mul3A_1735 : vector<16xf32>
      %slice3A_1737 = vector.extract_strided_slice %get3A_62 {offsets = [15], sizes = [1], strides = [1]} : vector<16xf32> to vector<1xf32>
      %broadcast_in_dim3A_1738 = vector.shape_cast %slice3A_1737 : vector<1xf32> to vector<1xf32>
      %broadcast_in_dim3A_1739 = vector.broadcast %broadcast_in_dim3A_1738 : vector<1xf32> to vector<16xf32>
      %get3A_1740 = arith.constant 3312 : index
      %get3A_1741 = tpu.vector_load %arg16[%get3A_1740] {strides = array<i32>} : memref<4800xf32, #tpu.memory_space<vmem>>, vector<16xf32>,
      %get3A_1742 = vector.shape_cast %get3A_1741 : vector<16xf32> to vector<16xf32>
      %mul3A_1743 = arith.mulf %broadcast_in_dim3A_1739, %get3A_1742 : vector<16xf32>
      %add3A_1744 = arith.addf %add3A_1736, %mul3A_1743 : vector<16xf32>
      %slice3A_1745 = vector.extract_strided_slice %get3A_65 {offsets = [0], sizes = [1], strides = [1]} : vector<16xf32> to vector<1xf32>
      %broadcast_in_dim3A_1746 = vector.shape_cast %slice3A_1745 : vector<1xf32> to vector<1xf32>
      %broadcast_in_dim3A_1747 = vector.broadcast %broadcast_in_dim3A_1746 : vector<1xf32> to vector<16xf32>
      %get3A_1748 = arith.constant 3328 : index
      %get3A_1749 = tpu.vector_load %arg16[%get3A_1748] {strides = array<i32>} : memref<4800xf32, #tpu.memory_space<vmem>>, vector<16xf32>,
      %get3A_1750 = vector.shape_cast %get3A_1749 : vector<16xf32> to vector<16xf32>
      %mul3A_1751 = arith.mulf %broadcast_in_dim3A_1747, %get3A_1750 : vector<16xf32>
      %add3A_1752 = arith.addf %add3A_1744, %mul3A_1751 : vector<16xf32>
      %slice3A_1753 = vector.extract_strided_slice %get3A_65 {offsets = [1], sizes = [1], strides = [1]} : vector<16xf32> to vector<1xf32>
      %broadcast_in_dim3A_1754 = vector.shape_cast %slice3A_1753 : vector<1xf32> to vector<1xf32>
      %broadcast_in_dim3A_1755 = vector.broadcast %broadcast_in_dim3A_1754 : vector<1xf32> to vector<16xf32>
      %get3A_1756 = arith.constant 3344 : index
      %get3A_1757 = tpu.vector_load %arg16[%get3A_1756] {strides = array<i32>} : memref<4800xf32, #tpu.memory_space<vmem>>, vector<16xf32>,
      %get3A_1758 = vector.shape_cast %get3A_1757 : vector<16xf32> to vector<16xf32>
      %mul3A_1759 = arith.mulf %broadcast_in_dim3A_1755, %get3A_1758 : vector<16xf32>
      %add3A_1760 = arith.addf %add3A_1752, %mul3A_1759 : vector<16xf32>
      %slice3A_1761 = vector.extract_strided_slice %get3A_65 {offsets = [2], sizes = [1], strides = [1]} : vector<16xf32> to vector<1xf32>
      %broadcast_in_dim3A_1762 = vector.shape_cast %slice3A_1761 : vector<1xf32> to vector<1xf32>
      %broadcast_in_dim3A_1763 = vector.broadcast %broadcast_in_dim3A_1762 : vector<1xf32> to vector<16xf32>
      %get3A_1764 = arith.constant 3360 : index
      %get3A_1765 = tpu.vector_load %arg16[%get3A_1764] {strides = array<i32>} : memref<4800xf32, #tpu.memory_space<vmem>>, vector<16xf32>,
      %get3A_1766 = vector.shape_cast %get3A_1765 : vector<16xf32> to vector<16xf32>
      %mul3A_1767 = arith.mulf %broadcast_in_dim3A_1763, %get3A_1766 : vector<16xf32>
      %add3A_1768 = arith.addf %add3A_1760, %mul3A_1767 : vector<16xf32>
      %slice3A_1769 = vector.extract_strided_slice %get3A_65 {offsets = [3], sizes = [1], strides = [1]} : vector<16xf32> to vector<1xf32>
      %broadcast_in_dim3A_1770 = vector.shape_cast %slice3A_1769 : vector<1xf32> to vector<1xf32>
      %broadcast_in_dim3A_1771 = vector.broadcast %broadcast_in_dim3A_1770 : vector<1xf32> to vector<16xf32>
      %get3A_1772 = arith.constant 3376 : index
      %get3A_1773 = tpu.vector_load %arg16[%get3A_1772] {strides = array<i32>} : memref<4800xf32, #tpu.memory_space<vmem>>, vector<16xf32>,
      %get3A_1774 = vector.shape_cast %get3A_1773 : vector<16xf32> to vector<16xf32>
      %mul3A_1775 = arith.mulf %broadcast_in_dim3A_1771, %get3A_1774 : vector<16xf32>
      %add3A_1776 = arith.addf %add3A_1768, %mul3A_1775 : vector<16xf32>
      %slice3A_1777 = vector.extract_strided_slice %get3A_65 {offsets = [4], sizes = [1], strides = [1]} : vector<16xf32> to vector<1xf32>
      %broadcast_in_dim3A_1778 = vector.shape_cast %slice3A_1777 : vector<1xf32> to vector<1xf32>
      %broadcast_in_dim3A_1779 = vector.broadcast %broadcast_in_dim3A_1778 : vector<1xf32> to vector<16xf32>
      %get3A_1780 = arith.constant 3392 : index
      %get3A_1781 = tpu.vector_load %arg16[%get3A_1780] {strides = array<i32>} : memref<4800xf32, #tpu.memory_space<vmem>>, vector<16xf32>,
      %get3A_1782 = vector.shape_cast %get3A_1781 : vector<16xf32> to vector<16xf32>
      %mul3A_1783 = arith.mulf %broadcast_in_dim3A_1779, %get3A_1782 : vector<16xf32>
      %add3A_1784 = arith.addf %add3A_1776, %mul3A_1783 : vector<16xf32>
      %slice3A_1785 = vector.extract_strided_slice %get3A_65 {offsets = [5], sizes = [1], strides = [1]} : vector<16xf32> to vector<1xf32>
      %broadcast_in_dim3A_1786 = vector.shape_cast %slice3A_1785 : vector<1xf32> to vector<1xf32>
      %broadcast_in_dim3A_1787 = vector.broadcast %broadcast_in_dim3A_1786 : vector<1xf32> to vector<16xf32>
      %get3A_1788 = arith.constant 3408 : index
      %get3A_1789 = tpu.vector_load %arg16[%get3A_1788] {strides = array<i32>} : memref<4800xf32, #tpu.memory_space<vmem>>, vector<16xf32>,
      %get3A_1790 = vector.shape_cast %get3A_1789 : vector<16xf32> to vector<16xf32>
      %mul3A_1791 = arith.mulf %broadcast_in_dim3A_1787, %get3A_1790 : vector<16xf32>
      %add3A_1792 = arith.addf %add3A_1784, %mul3A_1791 : vector<16xf32>
      %slice3A_1793 = vector.extract_strided_slice %get3A_65 {offsets = [6], sizes = [1], strides = [1]} : vector<16xf32> to vector<1xf32>
      %broadcast_in_dim3A_1794 = vector.shape_cast %slice3A_1793 : vector<1xf32> to vector<1xf32>
      %broadcast_in_dim3A_1795 = vector.broadcast %broadcast_in_dim3A_1794 : vector<1xf32> to vector<16xf32>
      %get3A_1796 = arith.constant 3424 : index
      %get3A_1797 = tpu.vector_load %arg16[%get3A_1796] {strides = array<i32>} : memref<4800xf32, #tpu.memory_space<vmem>>, vector<16xf32>,
      %get3A_1798 = vector.shape_cast %get3A_1797 : vector<16xf32> to vector<16xf32>
      %mul3A_1799 = arith.mulf %broadcast_in_dim3A_1795, %get3A_1798 : vector<16xf32>
      %add3A_1800 = arith.addf %add3A_1792, %mul3A_1799 : vector<16xf32>
      %slice3A_1801 = vector.extract_strided_slice %get3A_65 {offsets = [7], sizes = [1], strides = [1]} : vector<16xf32> to vector<1xf32>
      %broadcast_in_dim3A_1802 = vector.shape_cast %slice3A_1801 : vector<1xf32> to vector<1xf32>
      %broadcast_in_dim3A_1803 = vector.broadcast %broadcast_in_dim3A_1802 : vector<1xf32> to vector<16xf32>
      %get3A_1804 = arith.constant 3440 : index
      %get3A_1805 = tpu.vector_load %arg16[%get3A_1804] {strides = array<i32>} : memref<4800xf32, #tpu.memory_space<vmem>>, vector<16xf32>,
      %get3A_1806 = vector.shape_cast %get3A_1805 : vector<16xf32> to vector<16xf32>
      %mul3A_1807 = arith.mulf %broadcast_in_dim3A_1803, %get3A_1806 : vector<16xf32>
      %add3A_1808 = arith.addf %add3A_1800, %mul3A_1807 : vector<16xf32>
      %slice3A_1809 = vector.extract_strided_slice %get3A_65 {offsets = [8], sizes = [1], strides = [1]} : vector<16xf32> to vector<1xf32>
      %broadcast_in_dim3A_1810 = vector.shape_cast %slice3A_1809 : vector<1xf32> to vector<1xf32>
      %broadcast_in_dim3A_1811 = vector.broadcast %broadcast_in_dim3A_1810 : vector<1xf32> to vector<16xf32>
      %get3A_1812 = arith.constant 3456 : index
      %get3A_1813 = tpu.vector_load %arg16[%get3A_1812] {strides = array<i32>} : memref<4800xf32, #tpu.memory_space<vmem>>, vector<16xf32>,
      %get3A_1814 = vector.shape_cast %get3A_1813 : vector<16xf32> to vector<16xf32>
      %mul3A_1815 = arith.mulf %broadcast_in_dim3A_1811, %get3A_1814 : vector<16xf32>
      %add3A_1816 = arith.addf %add3A_1808, %mul3A_1815 : vector<16xf32>
      %slice3A_1817 = vector.extract_strided_slice %get3A_65 {offsets = [9], sizes = [1], strides = [1]} : vector<16xf32> to vector<1xf32>
      %broadcast_in_dim3A_1818 = vector.shape_cast %slice3A_1817 : vector<1xf32> to vector<1xf32>
      %broadcast_in_dim3A_1819 = vector.broadcast %broadcast_in_dim3A_1818 : vector<1xf32> to vector<16xf32>
      %get3A_1820 = arith.constant 3472 : index
      %get3A_1821 = tpu.vector_load %arg16[%get3A_1820] {strides = array<i32>} : memref<4800xf32, #tpu.memory_space<vmem>>, vector<16xf32>,
      %get3A_1822 = vector.shape_cast %get3A_1821 : vector<16xf32> to vector<16xf32>
      %mul3A_1823 = arith.mulf %broadcast_in_dim3A_1819, %get3A_1822 : vector<16xf32>
      %add3A_1824 = arith.addf %add3A_1816, %mul3A_1823 : vector<16xf32>
      %slice3A_1825 = vector.extract_strided_slice %get3A_65 {offsets = [10], sizes = [1], strides = [1]} : vector<16xf32> to vector<1xf32>
      %broadcast_in_dim3A_1826 = vector.shape_cast %slice3A_1825 : vector<1xf32> to vector<1xf32>
      %broadcast_in_dim3A_1827 = vector.broadcast %broadcast_in_dim3A_1826 : vector<1xf32> to vector<16xf32>
      %get3A_1828 = arith.constant 3488 : index
      %get3A_1829 = tpu.vector_load %arg16[%get3A_1828] {strides = array<i32>} : memref<4800xf32, #tpu.memory_space<vmem>>, vector<16xf32>,
      %get3A_1830 = vector.shape_cast %get3A_1829 : vector<16xf32> to vector<16xf32>
      %mul3A_1831 = arith.mulf %broadcast_in_dim3A_1827, %get3A_1830 : vector<16xf32>
      %add3A_1832 = arith.addf %add3A_1824, %mul3A_1831 : vector<16xf32>
      %slice3A_1833 = vector.extract_strided_slice %get3A_65 {offsets = [11], sizes = [1], strides = [1]} : vector<16xf32> to vector<1xf32>
      %broadcast_in_dim3A_1834 = vector.shape_cast %slice3A_1833 : vector<1xf32> to vector<1xf32>
      %broadcast_in_dim3A_1835 = vector.broadcast %broadcast_in_dim3A_1834 : vector<1xf32> to vector<16xf32>
      %get3A_1836 = arith.constant 3504 : index
      %get3A_1837 = tpu.vector_load %arg16[%get3A_1836] {strides = array<i32>} : memref<4800xf32, #tpu.memory_space<vmem>>, vector<16xf32>,
      %get3A_1838 = vector.shape_cast %get3A_1837 : vector<16xf32> to vector<16xf32>
      %mul3A_1839 = arith.mulf %broadcast_in_dim3A_1835, %get3A_1838 : vector<16xf32>
      %add3A_1840 = arith.addf %add3A_1832, %mul3A_1839 : vector<16xf32>
      %slice3A_1841 = vector.extract_strided_slice %get3A_65 {offsets = [12], sizes = [1], strides = [1]} : vector<16xf32> to vector<1xf32>
      %broadcast_in_dim3A_1842 = vector.shape_cast %slice3A_1841 : vector<1xf32> to vector<1xf32>
      %broadcast_in_dim3A_1843 = vector.broadcast %broadcast_in_dim3A_1842 : vector<1xf32> to vector<16xf32>
      %get3A_1844 = arith.constant 3520 : index
      %get3A_1845 = tpu.vector_load %arg16[%get3A_1844] {strides = array<i32>} : memref<4800xf32, #tpu.memory_space<vmem>>, vector<16xf32>,
      %get3A_1846 = vector.shape_cast %get3A_1845 : vector<16xf32> to vector<16xf32>
      %mul3A_1847 = arith.mulf %broadcast_in_dim3A_1843, %get3A_1846 : vector<16xf32>
      %add3A_1848 = arith.addf %add3A_1840, %mul3A_1847 : vector<16xf32>
      %slice3A_1849 = vector.extract_strided_slice %get3A_65 {offsets = [13], sizes = [1], strides = [1]} : vector<16xf32> to vector<1xf32>
      %broadcast_in_dim3A_1850 = vector.shape_cast %slice3A_1849 : vector<1xf32> to vector<1xf32>
      %broadcast_in_dim3A_1851 = vector.broadcast %broadcast_in_dim3A_1850 : vector<1xf32> to vector<16xf32>
      %get3A_1852 = arith.constant 3536 : index
      %get3A_1853 = tpu.vector_load %arg16[%get3A_1852] {strides = array<i32>} : memref<4800xf32, #tpu.memory_space<vmem>>, vector<16xf32>,
      %get3A_1854 = vector.shape_cast %get3A_1853 : vector<16xf32> to vector<16xf32>
      %mul3A_1855 = arith.mulf %broadcast_in_dim3A_1851, %get3A_1854 : vector<16xf32>
      %add3A_1856 = arith.addf %add3A_1848, %mul3A_1855 : vector<16xf32>
      %slice3A_1857 = vector.extract_strided_slice %get3A_65 {offsets = [14], sizes = [1], strides = [1]} : vector<16xf32> to vector<1xf32>
      %broadcast_in_dim3A_1858 = vector.shape_cast %slice3A_1857 : vector<1xf32> to vector<1xf32>
      %broadcast_in_dim3A_1859 = vector.broadcast %broadcast_in_dim3A_1858 : vector<1xf32> to vector<16xf32>
      %get3A_1860 = arith.constant 3552 : index
      %get3A_1861 = tpu.vector_load %arg16[%get3A_1860] {strides = array<i32>} : memref<4800xf32, #tpu.memory_space<vmem>>, vector<16xf32>,
      %get3A_1862 = vector.shape_cast %get3A_1861 : vector<16xf32> to vector<16xf32>
      %mul3A_1863 = arith.mulf %broadcast_in_dim3A_1859, %get3A_1862 : vector<16xf32>
      %add3A_1864 = arith.addf %add3A_1856, %mul3A_1863 : vector<16xf32>
      %slice3A_1865 = vector.extract_strided_slice %get3A_65 {offsets = [15], sizes = [1], strides = [1]} : vector<16xf32> to vector<1xf32>
      %broadcast_in_dim3A_1866 = vector.shape_cast %slice3A_1865 : vector<1xf32> to vector<1xf32>
      %broadcast_in_dim3A_1867 = vector.broadcast %broadcast_in_dim3A_1866 : vector<1xf32> to vector<16xf32>
      %get3A_1868 = arith.constant 3568 : index
      %get3A_1869 = tpu.vector_load %arg16[%get3A_1868] {strides = array<i32>} : memref<4800xf32, #tpu.memory_space<vmem>>, vector<16xf32>,
      %get3A_1870 = vector.shape_cast %get3A_1869 : vector<16xf32> to vector<16xf32>
      %mul3A_1871 = arith.mulf %broadcast_in_dim3A_1867, %get3A_1870 : vector<16xf32>
      %add3A_1872 = arith.addf %add3A_1864, %mul3A_1871 : vector<16xf32>
      %slice3A_1873 = vector.extract_strided_slice %get3A_68 {offsets = [0], sizes = [1], strides = [1]} : vector<16xf32> to vector<1xf32>
      %broadcast_in_dim3A_1874 = vector.shape_cast %slice3A_1873 : vector<1xf32> to vector<1xf32>
      %broadcast_in_dim3A_1875 = vector.broadcast %broadcast_in_dim3A_1874 : vector<1xf32> to vector<16xf32>
      %get3A_1876 = arith.constant 3584 : index
      %get3A_1877 = tpu.vector_load %arg16[%get3A_1876] {strides = array<i32>} : memref<4800xf32, #tpu.memory_space<vmem>>, vector<16xf32>,
      %get3A_1878 = vector.shape_cast %get3A_1877 : vector<16xf32> to vector<16xf32>
      %mul3A_1879 = arith.mulf %broadcast_in_dim3A_1875, %get3A_1878 : vector<16xf32>
      %add3A_1880 = arith.addf %add3A_1872, %mul3A_1879 : vector<16xf32>
      %slice3A_1881 = vector.extract_strided_slice %get3A_68 {offsets = [1], sizes = [1], strides = [1]} : vector<16xf32> to vector<1xf32>
      %broadcast_in_dim3A_1882 = vector.shape_cast %slice3A_1881 : vector<1xf32> to vector<1xf32>
      %broadcast_in_dim3A_1883 = vector.broadcast %broadcast_in_dim3A_1882 : vector<1xf32> to vector<16xf32>
      %get3A_1884 = arith.constant 3600 : index
      %get3A_1885 = tpu.vector_load %arg16[%get3A_1884] {strides = array<i32>} : memref<4800xf32, #tpu.memory_space<vmem>>, vector<16xf32>,
      %get3A_1886 = vector.shape_cast %get3A_1885 : vector<16xf32> to vector<16xf32>
      %mul3A_1887 = arith.mulf %broadcast_in_dim3A_1883, %get3A_1886 : vector<16xf32>
      %add3A_1888 = arith.addf %add3A_1880, %mul3A_1887 : vector<16xf32>
      %slice3A_1889 = vector.extract_strided_slice %get3A_68 {offsets = [2], sizes = [1], strides = [1]} : vector<16xf32> to vector<1xf32>
      %broadcast_in_dim3A_1890 = vector.shape_cast %slice3A_1889 : vector<1xf32> to vector<1xf32>
      %broadcast_in_dim3A_1891 = vector.broadcast %broadcast_in_dim3A_1890 : vector<1xf32> to vector<16xf32>
      %get3A_1892 = arith.constant 3616 : index
      %get3A_1893 = tpu.vector_load %arg16[%get3A_1892] {strides = array<i32>} : memref<4800xf32, #tpu.memory_space<vmem>>, vector<16xf32>,
      %get3A_1894 = vector.shape_cast %get3A_1893 : vector<16xf32> to vector<16xf32>
      %mul3A_1895 = arith.mulf %broadcast_in_dim3A_1891, %get3A_1894 : vector<16xf32>
      %add3A_1896 = arith.addf %add3A_1888, %mul3A_1895 : vector<16xf32>
      %slice3A_1897 = vector.extract_strided_slice %get3A_68 {offsets = [3], sizes = [1], strides = [1]} : vector<16xf32> to vector<1xf32>
      %broadcast_in_dim3A_1898 = vector.shape_cast %slice3A_1897 : vector<1xf32> to vector<1xf32>
      %broadcast_in_dim3A_1899 = vector.broadcast %broadcast_in_dim3A_1898 : vector<1xf32> to vector<16xf32>
      %get3A_1900 = arith.constant 3632 : index
      %get3A_1901 = tpu.vector_load %arg16[%get3A_1900] {strides = array<i32>} : memref<4800xf32, #tpu.memory_space<vmem>>, vector<16xf32>,
      %get3A_1902 = vector.shape_cast %get3A_1901 : vector<16xf32> to vector<16xf32>
      %mul3A_1903 = arith.mulf %broadcast_in_dim3A_1899, %get3A_1902 : vector<16xf32>
      %add3A_1904 = arith.addf %add3A_1896, %mul3A_1903 : vector<16xf32>
      %slice3A_1905 = vector.extract_strided_slice %get3A_68 {offsets = [4], sizes = [1], strides = [1]} : vector<16xf32> to vector<1xf32>
      %broadcast_in_dim3A_1906 = vector.shape_cast %slice3A_1905 : vector<1xf32> to vector<1xf32>
      %broadcast_in_dim3A_1907 = vector.broadcast %broadcast_in_dim3A_1906 : vector<1xf32> to vector<16xf32>
      %get3A_1908 = arith.constant 3648 : index
      %get3A_1909 = tpu.vector_load %arg16[%get3A_1908] {strides = array<i32>} : memref<4800xf32, #tpu.memory_space<vmem>>, vector<16xf32>,
      %get3A_1910 = vector.shape_cast %get3A_1909 : vector<16xf32> to vector<16xf32>
      %mul3A_1911 = arith.mulf %broadcast_in_dim3A_1907, %get3A_1910 : vector<16xf32>
      %add3A_1912 = arith.addf %add3A_1904, %mul3A_1911 : vector<16xf32>
      %slice3A_1913 = vector.extract_strided_slice %get3A_68 {offsets = [5], sizes = [1], strides = [1]} : vector<16xf32> to vector<1xf32>
      %broadcast_in_dim3A_1914 = vector.shape_cast %slice3A_1913 : vector<1xf32> to vector<1xf32>
      %broadcast_in_dim3A_1915 = vector.broadcast %broadcast_in_dim3A_1914 : vector<1xf32> to vector<16xf32>
      %get3A_1916 = arith.constant 3664 : index
      %get3A_1917 = tpu.vector_load %arg16[%get3A_1916] {strides = array<i32>} : memref<4800xf32, #tpu.memory_space<vmem>>, vector<16xf32>,
      %get3A_1918 = vector.shape_cast %get3A_1917 : vector<16xf32> to vector<16xf32>
      %mul3A_1919 = arith.mulf %broadcast_in_dim3A_1915, %get3A_1918 : vector<16xf32>
      %add3A_1920 = arith.addf %add3A_1912, %mul3A_1919 : vector<16xf32>
      %slice3A_1921 = vector.extract_strided_slice %get3A_68 {offsets = [6], sizes = [1], strides = [1]} : vector<16xf32> to vector<1xf32>
      %broadcast_in_dim3A_1922 = vector.shape_cast %slice3A_1921 : vector<1xf32> to vector<1xf32>
      %broadcast_in_dim3A_1923 = vector.broadcast %broadcast_in_dim3A_1922 : vector<1xf32> to vector<16xf32>
      %get3A_1924 = arith.constant 3680 : index
      %get3A_1925 = tpu.vector_load %arg16[%get3A_1924] {strides = array<i32>} : memref<4800xf32, #tpu.memory_space<vmem>>, vector<16xf32>,
      %get3A_1926 = vector.shape_cast %get3A_1925 : vector<16xf32> to vector<16xf32>
      %mul3A_1927 = arith.mulf %broadcast_in_dim3A_1923, %get3A_1926 : vector<16xf32>
      %add3A_1928 = arith.addf %add3A_1920, %mul3A_1927 : vector<16xf32>
      %slice3A_1929 = vector.extract_strided_slice %get3A_68 {offsets = [7], sizes = [1], strides = [1]} : vector<16xf32> to vector<1xf32>
      %broadcast_in_dim3A_1930 = vector.shape_cast %slice3A_1929 : vector<1xf32> to vector<1xf32>
      %broadcast_in_dim3A_1931 = vector.broadcast %broadcast_in_dim3A_1930 : vector<1xf32> to vector<16xf32>
      %get3A_1932 = arith.constant 3696 : index
      %get3A_1933 = tpu.vector_load %arg16[%get3A_1932] {strides = array<i32>} : memref<4800xf32, #tpu.memory_space<vmem>>, vector<16xf32>,
      %get3A_1934 = vector.shape_cast %get3A_1933 : vector<16xf32> to vector<16xf32>
      %mul3A_1935 = arith.mulf %broadcast_in_dim3A_1931, %get3A_1934 : vector<16xf32>
      %add3A_1936 = arith.addf %add3A_1928, %mul3A_1935 : vector<16xf32>
      %slice3A_1937 = vector.extract_strided_slice %get3A_68 {offsets = [8], sizes = [1], strides = [1]} : vector<16xf32> to vector<1xf32>
      %broadcast_in_dim3A_1938 = vector.shape_cast %slice3A_1937 : vector<1xf32> to vector<1xf32>
      %broadcast_in_dim3A_1939 = vector.broadcast %broadcast_in_dim3A_1938 : vector<1xf32> to vector<16xf32>
      %get3A_1940 = arith.constant 3712 : index
      %get3A_1941 = tpu.vector_load %arg16[%get3A_1940] {strides = array<i32>} : memref<4800xf32, #tpu.memory_space<vmem>>, vector<16xf32>,
      %get3A_1942 = vector.shape_cast %get3A_1941 : vector<16xf32> to vector<16xf32>
      %mul3A_1943 = arith.mulf %broadcast_in_dim3A_1939, %get3A_1942 : vector<16xf32>
      %add3A_1944 = arith.addf %add3A_1936, %mul3A_1943 : vector<16xf32>
      %slice3A_1945 = vector.extract_strided_slice %get3A_68 {offsets = [9], sizes = [1], strides = [1]} : vector<16xf32> to vector<1xf32>
      %broadcast_in_dim3A_1946 = vector.shape_cast %slice3A_1945 : vector<1xf32> to vector<1xf32>
      %broadcast_in_dim3A_1947 = vector.broadcast %broadcast_in_dim3A_1946 : vector<1xf32> to vector<16xf32>
      %get3A_1948 = arith.constant 3728 : index
      %get3A_1949 = tpu.vector_load %arg16[%get3A_1948] {strides = array<i32>} : memref<4800xf32, #tpu.memory_space<vmem>>, vector<16xf32>,
      %get3A_1950 = vector.shape_cast %get3A_1949 : vector<16xf32> to vector<16xf32>
      %mul3A_1951 = arith.mulf %broadcast_in_dim3A_1947, %get3A_1950 : vector<16xf32>
      %add3A_1952 = arith.addf %add3A_1944, %mul3A_1951 : vector<16xf32>
      %slice3A_1953 = vector.extract_strided_slice %get3A_68 {offsets = [10], sizes = [1], strides = [1]} : vector<16xf32> to vector<1xf32>
      %broadcast_in_dim3A_1954 = vector.shape_cast %slice3A_1953 : vector<1xf32> to vector<1xf32>
      %broadcast_in_dim3A_1955 = vector.broadcast %broadcast_in_dim3A_1954 : vector<1xf32> to vector<16xf32>
      %get3A_1956 = arith.constant 3744 : index
      %get3A_1957 = tpu.vector_load %arg16[%get3A_1956] {strides = array<i32>} : memref<4800xf32, #tpu.memory_space<vmem>>, vector<16xf32>,
      %get3A_1958 = vector.shape_cast %get3A_1957 : vector<16xf32> to vector<16xf32>
      %mul3A_1959 = arith.mulf %broadcast_in_dim3A_1955, %get3A_1958 : vector<16xf32>
      %add3A_1960 = arith.addf %add3A_1952, %mul3A_1959 : vector<16xf32>
      %slice3A_1961 = vector.extract_strided_slice %get3A_68 {offsets = [11], sizes = [1], strides = [1]} : vector<16xf32> to vector<1xf32>
      %broadcast_in_dim3A_1962 = vector.shape_cast %slice3A_1961 : vector<1xf32> to vector<1xf32>
      %broadcast_in_dim3A_1963 = vector.broadcast %broadcast_in_dim3A_1962 : vector<1xf32> to vector<16xf32>
      %get3A_1964 = arith.constant 3760 : index
      %get3A_1965 = tpu.vector_load %arg16[%get3A_1964] {strides = array<i32>} : memref<4800xf32, #tpu.memory_space<vmem>>, vector<16xf32>,
      %get3A_1966 = vector.shape_cast %get3A_1965 : vector<16xf32> to vector<16xf32>
      %mul3A_1967 = arith.mulf %broadcast_in_dim3A_1963, %get3A_1966 : vector<16xf32>
      %add3A_1968 = arith.addf %add3A_1960, %mul3A_1967 : vector<16xf32>
      %slice3A_1969 = vector.extract_strided_slice %get3A_68 {offsets = [12], sizes = [1], strides = [1]} : vector<16xf32> to vector<1xf32>
      %broadcast_in_dim3A_1970 = vector.shape_cast %slice3A_1969 : vector<1xf32> to vector<1xf32>
      %broadcast_in_dim3A_1971 = vector.broadcast %broadcast_in_dim3A_1970 : vector<1xf32> to vector<16xf32>
      %get3A_1972 = arith.constant 3776 : index
      %get3A_1973 = tpu.vector_load %arg16[%get3A_1972] {strides = array<i32>} : memref<4800xf32, #tpu.memory_space<vmem>>, vector<16xf32>,
      %get3A_1974 = vector.shape_cast %get3A_1973 : vector<16xf32> to vector<16xf32>
      %mul3A_1975 = arith.mulf %broadcast_in_dim3A_1971, %get3A_1974 : vector<16xf32>
      %add3A_1976 = arith.addf %add3A_1968, %mul3A_1975 : vector<16xf32>
      %slice3A_1977 = vector.extract_strided_slice %get3A_68 {offsets = [13], sizes = [1], strides = [1]} : vector<16xf32> to vector<1xf32>
      %broadcast_in_dim3A_1978 = vector.shape_cast %slice3A_1977 : vector<1xf32> to vector<1xf32>
      %broadcast_in_dim3A_1979 = vector.broadcast %broadcast_in_dim3A_1978 : vector<1xf32> to vector<16xf32>
      %get3A_1980 = arith.constant 3792 : index
      %get3A_1981 = tpu.vector_load %arg16[%get3A_1980] {strides = array<i32>} : memref<4800xf32, #tpu.memory_space<vmem>>, vector<16xf32>,
      %get3A_1982 = vector.shape_cast %get3A_1981 : vector<16xf32> to vector<16xf32>
      %mul3A_1983 = arith.mulf %broadcast_in_dim3A_1979, %get3A_1982 : vector<16xf32>
      %add3A_1984 = arith.addf %add3A_1976, %mul3A_1983 : vector<16xf32>
      %slice3A_1985 = vector.extract_strided_slice %get3A_68 {offsets = [14], sizes = [1], strides = [1]} : vector<16xf32> to vector<1xf32>
      %broadcast_in_dim3A_1986 = vector.shape_cast %slice3A_1985 : vector<1xf32> to vector<1xf32>
      %broadcast_in_dim3A_1987 = vector.broadcast %broadcast_in_dim3A_1986 : vector<1xf32> to vector<16xf32>
      %get3A_1988 = arith.constant 3808 : index
      %get3A_1989 = tpu.vector_load %arg16[%get3A_1988] {strides = array<i32>} : memref<4800xf32, #tpu.memory_space<vmem>>, vector<16xf32>,
      %get3A_1990 = vector.shape_cast %get3A_1989 : vector<16xf32> to vector<16xf32>
      %mul3A_1991 = arith.mulf %broadcast_in_dim3A_1987, %get3A_1990 : vector<16xf32>
      %add3A_1992 = arith.addf %add3A_1984, %mul3A_1991 : vector<16xf32>
      %slice3A_1993 = vector.extract_strided_slice %get3A_68 {offsets = [15], sizes = [1], strides = [1]} : vector<16xf32> to vector<1xf32>
      %broadcast_in_dim3A_1994 = vector.shape_cast %slice3A_1993 : vector<1xf32> to vector<1xf32>
      %broadcast_in_dim3A_1995 = vector.broadcast %broadcast_in_dim3A_1994 : vector<1xf32> to vector<16xf32>
      %get3A_1996 = arith.constant 3824 : index
      %get3A_1997 = tpu.vector_load %arg16[%get3A_1996] {strides = array<i32>} : memref<4800xf32, #tpu.memory_space<vmem>>, vector<16xf32>,
      %get3A_1998 = vector.shape_cast %get3A_1997 : vector<16xf32> to vector<16xf32>
      %mul3A_1999 = arith.mulf %broadcast_in_dim3A_1995, %get3A_1998 : vector<16xf32>
      %add3A_2000 = arith.addf %add3A_1992, %mul3A_1999 : vector<16xf32>
      %slice3A_2001 = vector.extract_strided_slice %get3A_71 {offsets = [0], sizes = [1], strides = [1]} : vector<16xf32> to vector<1xf32>
      %broadcast_in_dim3A_2002 = vector.shape_cast %slice3A_2001 : vector<1xf32> to vector<1xf32>
      %broadcast_in_dim3A_2003 = vector.broadcast %broadcast_in_dim3A_2002 : vector<1xf32> to vector<16xf32>
      %get3A_2004 = arith.constant 3840 : index
      %get3A_2005 = tpu.vector_load %arg16[%get3A_2004] {strides = array<i32>} : memref<4800xf32, #tpu.memory_space<vmem>>, vector<16xf32>,
      %get3A_2006 = vector.shape_cast %get3A_2005 : vector<16xf32> to vector<16xf32>
      %mul3A_2007 = arith.mulf %broadcast_in_dim3A_2003, %get3A_2006 : vector<16xf32>
      %add3A_2008 = arith.addf %add3A_2000, %mul3A_2007 : vector<16xf32>
      %slice3A_2009 = vector.extract_strided_slice %get3A_71 {offsets = [1], sizes = [1], strides = [1]} : vector<16xf32> to vector<1xf32>
      %broadcast_in_dim3A_2010 = vector.shape_cast %slice3A_2009 : vector<1xf32> to vector<1xf32>
      %broadcast_in_dim3A_2011 = vector.broadcast %broadcast_in_dim3A_2010 : vector<1xf32> to vector<16xf32>
      %get3A_2012 = arith.constant 3856 : index
      %get3A_2013 = tpu.vector_load %arg16[%get3A_2012] {strides = array<i32>} : memref<4800xf32, #tpu.memory_space<vmem>>, vector<16xf32>,
      %get3A_2014 = vector.shape_cast %get3A_2013 : vector<16xf32> to vector<16xf32>
      %mul3A_2015 = arith.mulf %broadcast_in_dim3A_2011, %get3A_2014 : vector<16xf32>
      %add3A_2016 = arith.addf %add3A_2008, %mul3A_2015 : vector<16xf32>
      %slice3A_2017 = vector.extract_strided_slice %get3A_71 {offsets = [2], sizes = [1], strides = [1]} : vector<16xf32> to vector<1xf32>
      %broadcast_in_dim3A_2018 = vector.shape_cast %slice3A_2017 : vector<1xf32> to vector<1xf32>
      %broadcast_in_dim3A_2019 = vector.broadcast %broadcast_in_dim3A_2018 : vector<1xf32> to vector<16xf32>
      %get3A_2020 = arith.constant 3872 : index
      %get3A_2021 = tpu.vector_load %arg16[%get3A_2020] {strides = array<i32>} : memref<4800xf32, #tpu.memory_space<vmem>>, vector<16xf32>,
      %get3A_2022 = vector.shape_cast %get3A_2021 : vector<16xf32> to vector<16xf32>
      %mul3A_2023 = arith.mulf %broadcast_in_dim3A_2019, %get3A_2022 : vector<16xf32>
      %add3A_2024 = arith.addf %add3A_2016, %mul3A_2023 : vector<16xf32>
      %slice3A_2025 = vector.extract_strided_slice %get3A_71 {offsets = [3], sizes = [1], strides = [1]} : vector<16xf32> to vector<1xf32>
      %broadcast_in_dim3A_2026 = vector.shape_cast %slice3A_2025 : vector<1xf32> to vector<1xf32>
      %broadcast_in_dim3A_2027 = vector.broadcast %broadcast_in_dim3A_2026 : vector<1xf32> to vector<16xf32>
      %get3A_2028 = arith.constant 3888 : index
      %get3A_2029 = tpu.vector_load %arg16[%get3A_2028] {strides = array<i32>} : memref<4800xf32, #tpu.memory_space<vmem>>, vector<16xf32>,
      %get3A_2030 = vector.shape_cast %get3A_2029 : vector<16xf32> to vector<16xf32>
      %mul3A_2031 = arith.mulf %broadcast_in_dim3A_2027, %get3A_2030 : vector<16xf32>
      %add3A_2032 = arith.addf %add3A_2024, %mul3A_2031 : vector<16xf32>
      %slice3A_2033 = vector.extract_strided_slice %get3A_71 {offsets = [4], sizes = [1], strides = [1]} : vector<16xf32> to vector<1xf32>
      %broadcast_in_dim3A_2034 = vector.shape_cast %slice3A_2033 : vector<1xf32> to vector<1xf32>
      %broadcast_in_dim3A_2035 = vector.broadcast %broadcast_in_dim3A_2034 : vector<1xf32> to vector<16xf32>
      %get3A_2036 = arith.constant 3904 : index
      %get3A_2037 = tpu.vector_load %arg16[%get3A_2036] {strides = array<i32>} : memref<4800xf32, #tpu.memory_space<vmem>>, vector<16xf32>,
      %get3A_2038 = vector.shape_cast %get3A_2037 : vector<16xf32> to vector<16xf32>
      %mul3A_2039 = arith.mulf %broadcast_in_dim3A_2035, %get3A_2038 : vector<16xf32>
      %add3A_2040 = arith.addf %add3A_2032, %mul3A_2039 : vector<16xf32>
      %slice3A_2041 = vector.extract_strided_slice %get3A_71 {offsets = [5], sizes = [1], strides = [1]} : vector<16xf32> to vector<1xf32>
      %broadcast_in_dim3A_2042 = vector.shape_cast %slice3A_2041 : vector<1xf32> to vector<1xf32>
      %broadcast_in_dim3A_2043 = vector.broadcast %broadcast_in_dim3A_2042 : vector<1xf32> to vector<16xf32>
      %get3A_2044 = arith.constant 3920 : index
      %get3A_2045 = tpu.vector_load %arg16[%get3A_2044] {strides = array<i32>} : memref<4800xf32, #tpu.memory_space<vmem>>, vector<16xf32>,
      %get3A_2046 = vector.shape_cast %get3A_2045 : vector<16xf32> to vector<16xf32>
      %mul3A_2047 = arith.mulf %broadcast_in_dim3A_2043, %get3A_2046 : vector<16xf32>
      %add3A_2048 = arith.addf %add3A_2040, %mul3A_2047 : vector<16xf32>
      %slice3A_2049 = vector.extract_strided_slice %get3A_71 {offsets = [6], sizes = [1], strides = [1]} : vector<16xf32> to vector<1xf32>
      %broadcast_in_dim3A_2050 = vector.shape_cast %slice3A_2049 : vector<1xf32> to vector<1xf32>
      %broadcast_in_dim3A_2051 = vector.broadcast %broadcast_in_dim3A_2050 : vector<1xf32> to vector<16xf32>
      %get3A_2052 = arith.constant 3936 : index
      %get3A_2053 = tpu.vector_load %arg16[%get3A_2052] {strides = array<i32>} : memref<4800xf32, #tpu.memory_space<vmem>>, vector<16xf32>,
      %get3A_2054 = vector.shape_cast %get3A_2053 : vector<16xf32> to vector<16xf32>
      %mul3A_2055 = arith.mulf %broadcast_in_dim3A_2051, %get3A_2054 : vector<16xf32>
      %add3A_2056 = arith.addf %add3A_2048, %mul3A_2055 : vector<16xf32>
      %slice3A_2057 = vector.extract_strided_slice %get3A_71 {offsets = [7], sizes = [1], strides = [1]} : vector<16xf32> to vector<1xf32>
      %broadcast_in_dim3A_2058 = vector.shape_cast %slice3A_2057 : vector<1xf32> to vector<1xf32>
      %broadcast_in_dim3A_2059 = vector.broadcast %broadcast_in_dim3A_2058 : vector<1xf32> to vector<16xf32>
      %get3A_2060 = arith.constant 3952 : index
      %get3A_2061 = tpu.vector_load %arg16[%get3A_2060] {strides = array<i32>} : memref<4800xf32, #tpu.memory_space<vmem>>, vector<16xf32>,
      %get3A_2062 = vector.shape_cast %get3A_2061 : vector<16xf32> to vector<16xf32>
      %mul3A_2063 = arith.mulf %broadcast_in_dim3A_2059, %get3A_2062 : vector<16xf32>
      %add3A_2064 = arith.addf %add3A_2056, %mul3A_2063 : vector<16xf32>
      %slice3A_2065 = vector.extract_strided_slice %get3A_71 {offsets = [8], sizes = [1], strides = [1]} : vector<16xf32> to vector<1xf32>
      %broadcast_in_dim3A_2066 = vector.shape_cast %slice3A_2065 : vector<1xf32> to vector<1xf32>
      %broadcast_in_dim3A_2067 = vector.broadcast %broadcast_in_dim3A_2066 : vector<1xf32> to vector<16xf32>
      %get3A_2068 = arith.constant 3968 : index
      %get3A_2069 = tpu.vector_load %arg16[%get3A_2068] {strides = array<i32>} : memref<4800xf32, #tpu.memory_space<vmem>>, vector<16xf32>,
      %get3A_2070 = vector.shape_cast %get3A_2069 : vector<16xf32> to vector<16xf32>
      %mul3A_2071 = arith.mulf %broadcast_in_dim3A_2067, %get3A_2070 : vector<16xf32>
      %add3A_2072 = arith.addf %add3A_2064, %mul3A_2071 : vector<16xf32>
      %slice3A_2073 = vector.extract_strided_slice %get3A_71 {offsets = [9], sizes = [1], strides = [1]} : vector<16xf32> to vector<1xf32>
      %broadcast_in_dim3A_2074 = vector.shape_cast %slice3A_2073 : vector<1xf32> to vector<1xf32>
      %broadcast_in_dim3A_2075 = vector.broadcast %broadcast_in_dim3A_2074 : vector<1xf32> to vector<16xf32>
      %get3A_2076 = arith.constant 3984 : index
      %get3A_2077 = tpu.vector_load %arg16[%get3A_2076] {strides = array<i32>} : memref<4800xf32, #tpu.memory_space<vmem>>, vector<16xf32>,
      %get3A_2078 = vector.shape_cast %get3A_2077 : vector<16xf32> to vector<16xf32>
      %mul3A_2079 = arith.mulf %broadcast_in_dim3A_2075, %get3A_2078 : vector<16xf32>
      %add3A_2080 = arith.addf %add3A_2072, %mul3A_2079 : vector<16xf32>
      %slice3A_2081 = vector.extract_strided_slice %get3A_71 {offsets = [10], sizes = [1], strides = [1]} : vector<16xf32> to vector<1xf32>
      %broadcast_in_dim3A_2082 = vector.shape_cast %slice3A_2081 : vector<1xf32> to vector<1xf32>
      %broadcast_in_dim3A_2083 = vector.broadcast %broadcast_in_dim3A_2082 : vector<1xf32> to vector<16xf32>
      %get3A_2084 = arith.constant 4000 : index
      %get3A_2085 = tpu.vector_load %arg16[%get3A_2084] {strides = array<i32>} : memref<4800xf32, #tpu.memory_space<vmem>>, vector<16xf32>,
      %get3A_2086 = vector.shape_cast %get3A_2085 : vector<16xf32> to vector<16xf32>
      %mul3A_2087 = arith.mulf %broadcast_in_dim3A_2083, %get3A_2086 : vector<16xf32>
      %add3A_2088 = arith.addf %add3A_2080, %mul3A_2087 : vector<16xf32>
      %slice3A_2089 = vector.extract_strided_slice %get3A_71 {offsets = [11], sizes = [1], strides = [1]} : vector<16xf32> to vector<1xf32>
      %broadcast_in_dim3A_2090 = vector.shape_cast %slice3A_2089 : vector<1xf32> to vector<1xf32>
      %broadcast_in_dim3A_2091 = vector.broadcast %broadcast_in_dim3A_2090 : vector<1xf32> to vector<16xf32>
      %get3A_2092 = arith.constant 4016 : index
      %get3A_2093 = tpu.vector_load %arg16[%get3A_2092] {strides = array<i32>} : memref<4800xf32, #tpu.memory_space<vmem>>, vector<16xf32>,
      %get3A_2094 = vector.shape_cast %get3A_2093 : vector<16xf32> to vector<16xf32>
      %mul3A_2095 = arith.mulf %broadcast_in_dim3A_2091, %get3A_2094 : vector<16xf32>
      %add3A_2096 = arith.addf %add3A_2088, %mul3A_2095 : vector<16xf32>
      %slice3A_2097 = vector.extract_strided_slice %get3A_71 {offsets = [12], sizes = [1], strides = [1]} : vector<16xf32> to vector<1xf32>
      %broadcast_in_dim3A_2098 = vector.shape_cast %slice3A_2097 : vector<1xf32> to vector<1xf32>
      %broadcast_in_dim3A_2099 = vector.broadcast %broadcast_in_dim3A_2098 : vector<1xf32> to vector<16xf32>
      %get3A_2100 = arith.constant 4032 : index
      %get3A_2101 = tpu.vector_load %arg16[%get3A_2100] {strides = array<i32>} : memref<4800xf32, #tpu.memory_space<vmem>>, vector<16xf32>,
      %get3A_2102 = vector.shape_cast %get3A_2101 : vector<16xf32> to vector<16xf32>
      %mul3A_2103 = arith.mulf %broadcast_in_dim3A_2099, %get3A_2102 : vector<16xf32>
      %add3A_2104 = arith.addf %add3A_2096, %mul3A_2103 : vector<16xf32>
      %slice3A_2105 = vector.extract_strided_slice %get3A_71 {offsets = [13], sizes = [1], strides = [1]} : vector<16xf32> to vector<1xf32>
      %broadcast_in_dim3A_2106 = vector.shape_cast %slice3A_2105 : vector<1xf32> to vector<1xf32>
      %broadcast_in_dim3A_2107 = vector.broadcast %broadcast_in_dim3A_2106 : vector<1xf32> to vector<16xf32>
      %get3A_2108 = arith.constant 4048 : index
      %get3A_2109 = tpu.vector_load %arg16[%get3A_2108] {strides = array<i32>} : memref<4800xf32, #tpu.memory_space<vmem>>, vector<16xf32>,
      %get3A_2110 = vector.shape_cast %get3A_2109 : vector<16xf32> to vector<16xf32>
      %mul3A_2111 = arith.mulf %broadcast_in_dim3A_2107, %get3A_2110 : vector<16xf32>
      %add3A_2112 = arith.addf %add3A_2104, %mul3A_2111 : vector<16xf32>
      %slice3A_2113 = vector.extract_strided_slice %get3A_71 {offsets = [14], sizes = [1], strides = [1]} : vector<16xf32> to vector<1xf32>
      %broadcast_in_dim3A_2114 = vector.shape_cast %slice3A_2113 : vector<1xf32> to vector<1xf32>
      %broadcast_in_dim3A_2115 = vector.broadcast %broadcast_in_dim3A_2114 : vector<1xf32> to vector<16xf32>
      %get3A_2116 = arith.constant 4064 : index
      %get3A_2117 = tpu.vector_load %arg16[%get3A_2116] {strides = array<i32>} : memref<4800xf32, #tpu.memory_space<vmem>>, vector<16xf32>,
      %get3A_2118 = vector.shape_cast %get3A_2117 : vector<16xf32> to vector<16xf32>
      %mul3A_2119 = arith.mulf %broadcast_in_dim3A_2115, %get3A_2118 : vector<16xf32>
      %add3A_2120 = arith.addf %add3A_2112, %mul3A_2119 : vector<16xf32>
      %slice3A_2121 = vector.extract_strided_slice %get3A_71 {offsets = [15], sizes = [1], strides = [1]} : vector<16xf32> to vector<1xf32>
      %broadcast_in_dim3A_2122 = vector.shape_cast %slice3A_2121 : vector<1xf32> to vector<1xf32>
      %broadcast_in_dim3A_2123 = vector.broadcast %broadcast_in_dim3A_2122 : vector<1xf32> to vector<16xf32>
      %get3A_2124 = arith.constant 4080 : index
      %get3A_2125 = tpu.vector_load %arg16[%get3A_2124] {strides = array<i32>} : memref<4800xf32, #tpu.memory_space<vmem>>, vector<16xf32>,
      %get3A_2126 = vector.shape_cast %get3A_2125 : vector<16xf32> to vector<16xf32>
      %mul3A_2127 = arith.mulf %broadcast_in_dim3A_2123, %get3A_2126 : vector<16xf32>
      %add3A_2128 = arith.addf %add3A_2120, %mul3A_2127 : vector<16xf32>
      %slice3A_2129 = vector.extract_strided_slice %get3A_74 {offsets = [0], sizes = [1], strides = [1]} : vector<16xf32> to vector<1xf32>
      %broadcast_in_dim3A_2130 = vector.shape_cast %slice3A_2129 : vector<1xf32> to vector<1xf32>
      %broadcast_in_dim3A_2131 = vector.broadcast %broadcast_in_dim3A_2130 : vector<1xf32> to vector<16xf32>
      %get3A_2132 = arith.constant 4096 : index
      %get3A_2133 = tpu.vector_load %arg16[%get3A_2132] {strides = array<i32>} : memref<4800xf32, #tpu.memory_space<vmem>>, vector<16xf32>,
      %get3A_2134 = vector.shape_cast %get3A_2133 : vector<16xf32> to vector<16xf32>
      %mul3A_2135 = arith.mulf %broadcast_in_dim3A_2131, %get3A_2134 : vector<16xf32>
      %add3A_2136 = arith.addf %add3A_2128, %mul3A_2135 : vector<16xf32>
      %slice3A_2137 = vector.extract_strided_slice %get3A_74 {offsets = [1], sizes = [1], strides = [1]} : vector<16xf32> to vector<1xf32>
      %broadcast_in_dim3A_2138 = vector.shape_cast %slice3A_2137 : vector<1xf32> to vector<1xf32>
      %broadcast_in_dim3A_2139 = vector.broadcast %broadcast_in_dim3A_2138 : vector<1xf32> to vector<16xf32>
      %get3A_2140 = arith.constant 4112 : index
      %get3A_2141 = tpu.vector_load %arg16[%get3A_2140] {strides = array<i32>} : memref<4800xf32, #tpu.memory_space<vmem>>, vector<16xf32>,
      %get3A_2142 = vector.shape_cast %get3A_2141 : vector<16xf32> to vector<16xf32>
      %mul3A_2143 = arith.mulf %broadcast_in_dim3A_2139, %get3A_2142 : vector<16xf32>
      %add3A_2144 = arith.addf %add3A_2136, %mul3A_2143 : vector<16xf32>
      %slice3A_2145 = vector.extract_strided_slice %get3A_74 {offsets = [2], sizes = [1], strides = [1]} : vector<16xf32> to vector<1xf32>
      %broadcast_in_dim3A_2146 = vector.shape_cast %slice3A_2145 : vector<1xf32> to vector<1xf32>
      %broadcast_in_dim3A_2147 = vector.broadcast %broadcast_in_dim3A_2146 : vector<1xf32> to vector<16xf32>
      %get3A_2148 = arith.constant 4128 : index
      %get3A_2149 = tpu.vector_load %arg16[%get3A_2148] {strides = array<i32>} : memref<4800xf32, #tpu.memory_space<vmem>>, vector<16xf32>,
      %get3A_2150 = vector.shape_cast %get3A_2149 : vector<16xf32> to vector<16xf32>
      %mul3A_2151 = arith.mulf %broadcast_in_dim3A_2147, %get3A_2150 : vector<16xf32>
      %add3A_2152 = arith.addf %add3A_2144, %mul3A_2151 : vector<16xf32>
      %slice3A_2153 = vector.extract_strided_slice %get3A_74 {offsets = [3], sizes = [1], strides = [1]} : vector<16xf32> to vector<1xf32>
      %broadcast_in_dim3A_2154 = vector.shape_cast %slice3A_2153 : vector<1xf32> to vector<1xf32>
      %broadcast_in_dim3A_2155 = vector.broadcast %broadcast_in_dim3A_2154 : vector<1xf32> to vector<16xf32>
      %get3A_2156 = arith.constant 4144 : index
      %get3A_2157 = tpu.vector_load %arg16[%get3A_2156] {strides = array<i32>} : memref<4800xf32, #tpu.memory_space<vmem>>, vector<16xf32>,
      %get3A_2158 = vector.shape_cast %get3A_2157 : vector<16xf32> to vector<16xf32>
      %mul3A_2159 = arith.mulf %broadcast_in_dim3A_2155, %get3A_2158 : vector<16xf32>
      %add3A_2160 = arith.addf %add3A_2152, %mul3A_2159 : vector<16xf32>
      %slice3A_2161 = vector.extract_strided_slice %get3A_74 {offsets = [4], sizes = [1], strides = [1]} : vector<16xf32> to vector<1xf32>
      %broadcast_in_dim3A_2162 = vector.shape_cast %slice3A_2161 : vector<1xf32> to vector<1xf32>
      %broadcast_in_dim3A_2163 = vector.broadcast %broadcast_in_dim3A_2162 : vector<1xf32> to vector<16xf32>
      %get3A_2164 = arith.constant 4160 : index
      %get3A_2165 = tpu.vector_load %arg16[%get3A_2164] {strides = array<i32>} : memref<4800xf32, #tpu.memory_space<vmem>>, vector<16xf32>,
      %get3A_2166 = vector.shape_cast %get3A_2165 : vector<16xf32> to vector<16xf32>
      %mul3A_2167 = arith.mulf %broadcast_in_dim3A_2163, %get3A_2166 : vector<16xf32>
      %add3A_2168 = arith.addf %add3A_2160, %mul3A_2167 : vector<16xf32>
      %slice3A_2169 = vector.extract_strided_slice %get3A_74 {offsets = [5], sizes = [1], strides = [1]} : vector<16xf32> to vector<1xf32>
      %broadcast_in_dim3A_2170 = vector.shape_cast %slice3A_2169 : vector<1xf32> to vector<1xf32>
      %broadcast_in_dim3A_2171 = vector.broadcast %broadcast_in_dim3A_2170 : vector<1xf32> to vector<16xf32>
      %get3A_2172 = arith.constant 4176 : index
      %get3A_2173 = tpu.vector_load %arg16[%get3A_2172] {strides = array<i32>} : memref<4800xf32, #tpu.memory_space<vmem>>, vector<16xf32>,
      %get3A_2174 = vector.shape_cast %get3A_2173 : vector<16xf32> to vector<16xf32>
      %mul3A_2175 = arith.mulf %broadcast_in_dim3A_2171, %get3A_2174 : vector<16xf32>
      %add3A_2176 = arith.addf %add3A_2168, %mul3A_2175 : vector<16xf32>
      %slice3A_2177 = vector.extract_strided_slice %get3A_74 {offsets = [6], sizes = [1], strides = [1]} : vector<16xf32> to vector<1xf32>
      %broadcast_in_dim3A_2178 = vector.shape_cast %slice3A_2177 : vector<1xf32> to vector<1xf32>
      %broadcast_in_dim3A_2179 = vector.broadcast %broadcast_in_dim3A_2178 : vector<1xf32> to vector<16xf32>
      %get3A_2180 = arith.constant 4192 : index
      %get3A_2181 = tpu.vector_load %arg16[%get3A_2180] {strides = array<i32>} : memref<4800xf32, #tpu.memory_space<vmem>>, vector<16xf32>,
      %get3A_2182 = vector.shape_cast %get3A_2181 : vector<16xf32> to vector<16xf32>
      %mul3A_2183 = arith.mulf %broadcast_in_dim3A_2179, %get3A_2182 : vector<16xf32>
      %add3A_2184 = arith.addf %add3A_2176, %mul3A_2183 : vector<16xf32>
      %slice3A_2185 = vector.extract_strided_slice %get3A_74 {offsets = [7], sizes = [1], strides = [1]} : vector<16xf32> to vector<1xf32>
      %broadcast_in_dim3A_2186 = vector.shape_cast %slice3A_2185 : vector<1xf32> to vector<1xf32>
      %broadcast_in_dim3A_2187 = vector.broadcast %broadcast_in_dim3A_2186 : vector<1xf32> to vector<16xf32>
      %get3A_2188 = arith.constant 4208 : index
      %get3A_2189 = tpu.vector_load %arg16[%get3A_2188] {strides = array<i32>} : memref<4800xf32, #tpu.memory_space<vmem>>, vector<16xf32>,
      %get3A_2190 = vector.shape_cast %get3A_2189 : vector<16xf32> to vector<16xf32>
      %mul3A_2191 = arith.mulf %broadcast_in_dim3A_2187, %get3A_2190 : vector<16xf32>
      %add3A_2192 = arith.addf %add3A_2184, %mul3A_2191 : vector<16xf32>
      %slice3A_2193 = vector.extract_strided_slice %get3A_74 {offsets = [8], sizes = [1], strides = [1]} : vector<16xf32> to vector<1xf32>
      %broadcast_in_dim3A_2194 = vector.shape_cast %slice3A_2193 : vector<1xf32> to vector<1xf32>
      %broadcast_in_dim3A_2195 = vector.broadcast %broadcast_in_dim3A_2194 : vector<1xf32> to vector<16xf32>
      %get3A_2196 = arith.constant 4224 : index
      %get3A_2197 = tpu.vector_load %arg16[%get3A_2196] {strides = array<i32>} : memref<4800xf32, #tpu.memory_space<vmem>>, vector<16xf32>,
      %get3A_2198 = vector.shape_cast %get3A_2197 : vector<16xf32> to vector<16xf32>
      %mul3A_2199 = arith.mulf %broadcast_in_dim3A_2195, %get3A_2198 : vector<16xf32>
      %add3A_2200 = arith.addf %add3A_2192, %mul3A_2199 : vector<16xf32>
      %slice3A_2201 = vector.extract_strided_slice %get3A_74 {offsets = [9], sizes = [1], strides = [1]} : vector<16xf32> to vector<1xf32>
      %broadcast_in_dim3A_2202 = vector.shape_cast %slice3A_2201 : vector<1xf32> to vector<1xf32>
      %broadcast_in_dim3A_2203 = vector.broadcast %broadcast_in_dim3A_2202 : vector<1xf32> to vector<16xf32>
      %get3A_2204 = arith.constant 4240 : index
      %get3A_2205 = tpu.vector_load %arg16[%get3A_2204] {strides = array<i32>} : memref<4800xf32, #tpu.memory_space<vmem>>, vector<16xf32>,
      %get3A_2206 = vector.shape_cast %get3A_2205 : vector<16xf32> to vector<16xf32>
      %mul3A_2207 = arith.mulf %broadcast_in_dim3A_2203, %get3A_2206 : vector<16xf32>
      %add3A_2208 = arith.addf %add3A_2200, %mul3A_2207 : vector<16xf32>
      %slice3A_2209 = vector.extract_strided_slice %get3A_74 {offsets = [10], sizes = [1], strides = [1]} : vector<16xf32> to vector<1xf32>
      %broadcast_in_dim3A_2210 = vector.shape_cast %slice3A_2209 : vector<1xf32> to vector<1xf32>
      %broadcast_in_dim3A_2211 = vector.broadcast %broadcast_in_dim3A_2210 : vector<1xf32> to vector<16xf32>
      %get3A_2212 = arith.constant 4256 : index
      %get3A_2213 = tpu.vector_load %arg16[%get3A_2212] {strides = array<i32>} : memref<4800xf32, #tpu.memory_space<vmem>>, vector<16xf32>,
      %get3A_2214 = vector.shape_cast %get3A_2213 : vector<16xf32> to vector<16xf32>
      %mul3A_2215 = arith.mulf %broadcast_in_dim3A_2211, %get3A_2214 : vector<16xf32>
      %add3A_2216 = arith.addf %add3A_2208, %mul3A_2215 : vector<16xf32>
      %slice3A_2217 = vector.extract_strided_slice %get3A_74 {offsets = [11], sizes = [1], strides = [1]} : vector<16xf32> to vector<1xf32>
      %broadcast_in_dim3A_2218 = vector.shape_cast %slice3A_2217 : vector<1xf32> to vector<1xf32>
      %broadcast_in_dim3A_2219 = vector.broadcast %broadcast_in_dim3A_2218 : vector<1xf32> to vector<16xf32>
      %get3A_2220 = arith.constant 4272 : index
      %get3A_2221 = tpu.vector_load %arg16[%get3A_2220] {strides = array<i32>} : memref<4800xf32, #tpu.memory_space<vmem>>, vector<16xf32>,
      %get3A_2222 = vector.shape_cast %get3A_2221 : vector<16xf32> to vector<16xf32>
      %mul3A_2223 = arith.mulf %broadcast_in_dim3A_2219, %get3A_2222 : vector<16xf32>
      %add3A_2224 = arith.addf %add3A_2216, %mul3A_2223 : vector<16xf32>
      %slice3A_2225 = vector.extract_strided_slice %get3A_74 {offsets = [12], sizes = [1], strides = [1]} : vector<16xf32> to vector<1xf32>
      %broadcast_in_dim3A_2226 = vector.shape_cast %slice3A_2225 : vector<1xf32> to vector<1xf32>
      %broadcast_in_dim3A_2227 = vector.broadcast %broadcast_in_dim3A_2226 : vector<1xf32> to vector<16xf32>
      %get3A_2228 = arith.constant 4288 : index
      %get3A_2229 = tpu.vector_load %arg16[%get3A_2228] {strides = array<i32>} : memref<4800xf32, #tpu.memory_space<vmem>>, vector<16xf32>,
      %get3A_2230 = vector.shape_cast %get3A_2229 : vector<16xf32> to vector<16xf32>
      %mul3A_2231 = arith.mulf %broadcast_in_dim3A_2227, %get3A_2230 : vector<16xf32>
      %add3A_2232 = arith.addf %add3A_2224, %mul3A_2231 : vector<16xf32>
      %slice3A_2233 = vector.extract_strided_slice %get3A_74 {offsets = [13], sizes = [1], strides = [1]} : vector<16xf32> to vector<1xf32>
      %broadcast_in_dim3A_2234 = vector.shape_cast %slice3A_2233 : vector<1xf32> to vector<1xf32>
      %broadcast_in_dim3A_2235 = vector.broadcast %broadcast_in_dim3A_2234 : vector<1xf32> to vector<16xf32>
      %get3A_2236 = arith.constant 4304 : index
      %get3A_2237 = tpu.vector_load %arg16[%get3A_2236] {strides = array<i32>} : memref<4800xf32, #tpu.memory_space<vmem>>, vector<16xf32>,
      %get3A_2238 = vector.shape_cast %get3A_2237 : vector<16xf32> to vector<16xf32>
      %mul3A_2239 = arith.mulf %broadcast_in_dim3A_2235, %get3A_2238 : vector<16xf32>
      %add3A_2240 = arith.addf %add3A_2232, %mul3A_2239 : vector<16xf32>
      %slice3A_2241 = vector.extract_strided_slice %get3A_74 {offsets = [14], sizes = [1], strides = [1]} : vector<16xf32> to vector<1xf32>
      %broadcast_in_dim3A_2242 = vector.shape_cast %slice3A_2241 : vector<1xf32> to vector<1xf32>
      %broadcast_in_dim3A_2243 = vector.broadcast %broadcast_in_dim3A_2242 : vector<1xf32> to vector<16xf32>
      %get3A_2244 = arith.constant 4320 : index
      %get3A_2245 = tpu.vector_load %arg16[%get3A_2244] {strides = array<i32>} : memref<4800xf32, #tpu.memory_space<vmem>>, vector<16xf32>,
      %get3A_2246 = vector.shape_cast %get3A_2245 : vector<16xf32> to vector<16xf32>
      %mul3A_2247 = arith.mulf %broadcast_in_dim3A_2243, %get3A_2246 : vector<16xf32>
      %add3A_2248 = arith.addf %add3A_2240, %mul3A_2247 : vector<16xf32>
      %slice3A_2249 = vector.extract_strided_slice %get3A_74 {offsets = [15], sizes = [1], strides = [1]} : vector<16xf32> to vector<1xf32>
      %broadcast_in_dim3A_2250 = vector.shape_cast %slice3A_2249 : vector<1xf32> to vector<1xf32>
      %broadcast_in_dim3A_2251 = vector.broadcast %broadcast_in_dim3A_2250 : vector<1xf32> to vector<16xf32>
      %get3A_2252 = arith.constant 4336 : index
      %get3A_2253 = tpu.vector_load %arg16[%get3A_2252] {strides = array<i32>} : memref<4800xf32, #tpu.memory_space<vmem>>, vector<16xf32>,
      %get3A_2254 = vector.shape_cast %get3A_2253 : vector<16xf32> to vector<16xf32>
      %mul3A_2255 = arith.mulf %broadcast_in_dim3A_2251, %get3A_2254 : vector<16xf32>
      %add3A_2256 = arith.addf %add3A_2248, %mul3A_2255 : vector<16xf32>
      %slice3A_2257 = vector.extract_strided_slice %get3A_77 {offsets = [0], sizes = [1], strides = [1]} : vector<16xf32> to vector<1xf32>
      %broadcast_in_dim3A_2258 = vector.shape_cast %slice3A_2257 : vector<1xf32> to vector<1xf32>
      %broadcast_in_dim3A_2259 = vector.broadcast %broadcast_in_dim3A_2258 : vector<1xf32> to vector<16xf32>
      %get3A_2260 = arith.constant 4352 : index
      %get3A_2261 = tpu.vector_load %arg16[%get3A_2260] {strides = array<i32>} : memref<4800xf32, #tpu.memory_space<vmem>>, vector<16xf32>,
      %get3A_2262 = vector.shape_cast %get3A_2261 : vector<16xf32> to vector<16xf32>
      %mul3A_2263 = arith.mulf %broadcast_in_dim3A_2259, %get3A_2262 : vector<16xf32>
      %add3A_2264 = arith.addf %add3A_2256, %mul3A_2263 : vector<16xf32>
      %slice3A_2265 = vector.extract_strided_slice %get3A_77 {offsets = [1], sizes = [1], strides = [1]} : vector<16xf32> to vector<1xf32>
      %broadcast_in_dim3A_2266 = vector.shape_cast %slice3A_2265 : vector<1xf32> to vector<1xf32>
      %broadcast_in_dim3A_2267 = vector.broadcast %broadcast_in_dim3A_2266 : vector<1xf32> to vector<16xf32>
      %get3A_2268 = arith.constant 4368 : index
      %get3A_2269 = tpu.vector_load %arg16[%get3A_2268] {strides = array<i32>} : memref<4800xf32, #tpu.memory_space<vmem>>, vector<16xf32>,
      %get3A_2270 = vector.shape_cast %get3A_2269 : vector<16xf32> to vector<16xf32>
      %mul3A_2271 = arith.mulf %broadcast_in_dim3A_2267, %get3A_2270 : vector<16xf32>
      %add3A_2272 = arith.addf %add3A_2264, %mul3A_2271 : vector<16xf32>
      %slice3A_2273 = vector.extract_strided_slice %get3A_77 {offsets = [2], sizes = [1], strides = [1]} : vector<16xf32> to vector<1xf32>
      %broadcast_in_dim3A_2274 = vector.shape_cast %slice3A_2273 : vector<1xf32> to vector<1xf32>
      %broadcast_in_dim3A_2275 = vector.broadcast %broadcast_in_dim3A_2274 : vector<1xf32> to vector<16xf32>
      %get3A_2276 = arith.constant 4384 : index
      %get3A_2277 = tpu.vector_load %arg16[%get3A_2276] {strides = array<i32>} : memref<4800xf32, #tpu.memory_space<vmem>>, vector<16xf32>,
      %get3A_2278 = vector.shape_cast %get3A_2277 : vector<16xf32> to vector<16xf32>
      %mul3A_2279 = arith.mulf %broadcast_in_dim3A_2275, %get3A_2278 : vector<16xf32>
      %add3A_2280 = arith.addf %add3A_2272, %mul3A_2279 : vector<16xf32>
      %slice3A_2281 = vector.extract_strided_slice %get3A_77 {offsets = [3], sizes = [1], strides = [1]} : vector<16xf32> to vector<1xf32>
      %broadcast_in_dim3A_2282 = vector.shape_cast %slice3A_2281 : vector<1xf32> to vector<1xf32>
      %broadcast_in_dim3A_2283 = vector.broadcast %broadcast_in_dim3A_2282 : vector<1xf32> to vector<16xf32>
      %get3A_2284 = arith.constant 4400 : index
      %get3A_2285 = tpu.vector_load %arg16[%get3A_2284] {strides = array<i32>} : memref<4800xf32, #tpu.memory_space<vmem>>, vector<16xf32>,
      %get3A_2286 = vector.shape_cast %get3A_2285 : vector<16xf32> to vector<16xf32>
      %mul3A_2287 = arith.mulf %broadcast_in_dim3A_2283, %get3A_2286 : vector<16xf32>
      %add3A_2288 = arith.addf %add3A_2280, %mul3A_2287 : vector<16xf32>
      %slice3A_2289 = vector.extract_strided_slice %get3A_77 {offsets = [4], sizes = [1], strides = [1]} : vector<16xf32> to vector<1xf32>
      %broadcast_in_dim3A_2290 = vector.shape_cast %slice3A_2289 : vector<1xf32> to vector<1xf32>
      %broadcast_in_dim3A_2291 = vector.broadcast %broadcast_in_dim3A_2290 : vector<1xf32> to vector<16xf32>
      %get3A_2292 = arith.constant 4416 : index
      %get3A_2293 = tpu.vector_load %arg16[%get3A_2292] {strides = array<i32>} : memref<4800xf32, #tpu.memory_space<vmem>>, vector<16xf32>,
      %get3A_2294 = vector.shape_cast %get3A_2293 : vector<16xf32> to vector<16xf32>
      %mul3A_2295 = arith.mulf %broadcast_in_dim3A_2291, %get3A_2294 : vector<16xf32>
      %add3A_2296 = arith.addf %add3A_2288, %mul3A_2295 : vector<16xf32>
      %slice3A_2297 = vector.extract_strided_slice %get3A_77 {offsets = [5], sizes = [1], strides = [1]} : vector<16xf32> to vector<1xf32>
      %broadcast_in_dim3A_2298 = vector.shape_cast %slice3A_2297 : vector<1xf32> to vector<1xf32>
      %broadcast_in_dim3A_2299 = vector.broadcast %broadcast_in_dim3A_2298 : vector<1xf32> to vector<16xf32>
      %get3A_2300 = arith.constant 4432 : index
      %get3A_2301 = tpu.vector_load %arg16[%get3A_2300] {strides = array<i32>} : memref<4800xf32, #tpu.memory_space<vmem>>, vector<16xf32>,
      %get3A_2302 = vector.shape_cast %get3A_2301 : vector<16xf32> to vector<16xf32>
      %mul3A_2303 = arith.mulf %broadcast_in_dim3A_2299, %get3A_2302 : vector<16xf32>
      %add3A_2304 = arith.addf %add3A_2296, %mul3A_2303 : vector<16xf32>
      %slice3A_2305 = vector.extract_strided_slice %get3A_77 {offsets = [6], sizes = [1], strides = [1]} : vector<16xf32> to vector<1xf32>
      %broadcast_in_dim3A_2306 = vector.shape_cast %slice3A_2305 : vector<1xf32> to vector<1xf32>
      %broadcast_in_dim3A_2307 = vector.broadcast %broadcast_in_dim3A_2306 : vector<1xf32> to vector<16xf32>
      %get3A_2308 = arith.constant 4448 : index
      %get3A_2309 = tpu.vector_load %arg16[%get3A_2308] {strides = array<i32>} : memref<4800xf32, #tpu.memory_space<vmem>>, vector<16xf32>,
      %get3A_2310 = vector.shape_cast %get3A_2309 : vector<16xf32> to vector<16xf32>
      %mul3A_2311 = arith.mulf %broadcast_in_dim3A_2307, %get3A_2310 : vector<16xf32>
      %add3A_2312 = arith.addf %add3A_2304, %mul3A_2311 : vector<16xf32>
      %slice3A_2313 = vector.extract_strided_slice %get3A_77 {offsets = [7], sizes = [1], strides = [1]} : vector<16xf32> to vector<1xf32>
      %broadcast_in_dim3A_2314 = vector.shape_cast %slice3A_2313 : vector<1xf32> to vector<1xf32>
      %broadcast_in_dim3A_2315 = vector.broadcast %broadcast_in_dim3A_2314 : vector<1xf32> to vector<16xf32>
      %get3A_2316 = arith.constant 4464 : index
      %get3A_2317 = tpu.vector_load %arg16[%get3A_2316] {strides = array<i32>} : memref<4800xf32, #tpu.memory_space<vmem>>, vector<16xf32>,
      %get3A_2318 = vector.shape_cast %get3A_2317 : vector<16xf32> to vector<16xf32>
      %mul3A_2319 = arith.mulf %broadcast_in_dim3A_2315, %get3A_2318 : vector<16xf32>
      %add3A_2320 = arith.addf %add3A_2312, %mul3A_2319 : vector<16xf32>
      %slice3A_2321 = vector.extract_strided_slice %get3A_77 {offsets = [8], sizes = [1], strides = [1]} : vector<16xf32> to vector<1xf32>
      %broadcast_in_dim3A_2322 = vector.shape_cast %slice3A_2321 : vector<1xf32> to vector<1xf32>
      %broadcast_in_dim3A_2323 = vector.broadcast %broadcast_in_dim3A_2322 : vector<1xf32> to vector<16xf32>
      %get3A_2324 = arith.constant 4480 : index
      %get3A_2325 = tpu.vector_load %arg16[%get3A_2324] {strides = array<i32>} : memref<4800xf32, #tpu.memory_space<vmem>>, vector<16xf32>,
      %get3A_2326 = vector.shape_cast %get3A_2325 : vector<16xf32> to vector<16xf32>
      %mul3A_2327 = arith.mulf %broadcast_in_dim3A_2323, %get3A_2326 : vector<16xf32>
      %add3A_2328 = arith.addf %add3A_2320, %mul3A_2327 : vector<16xf32>
      %slice3A_2329 = vector.extract_strided_slice %get3A_77 {offsets = [9], sizes = [1], strides = [1]} : vector<16xf32> to vector<1xf32>
      %broadcast_in_dim3A_2330 = vector.shape_cast %slice3A_2329 : vector<1xf32> to vector<1xf32>
      %broadcast_in_dim3A_2331 = vector.broadcast %broadcast_in_dim3A_2330 : vector<1xf32> to vector<16xf32>
      %get3A_2332 = arith.constant 4496 : index
      %get3A_2333 = tpu.vector_load %arg16[%get3A_2332] {strides = array<i32>} : memref<4800xf32, #tpu.memory_space<vmem>>, vector<16xf32>,
      %get3A_2334 = vector.shape_cast %get3A_2333 : vector<16xf32> to vector<16xf32>
      %mul3A_2335 = arith.mulf %broadcast_in_dim3A_2331, %get3A_2334 : vector<16xf32>
      %add3A_2336 = arith.addf %add3A_2328, %mul3A_2335 : vector<16xf32>
      %slice3A_2337 = vector.extract_strided_slice %get3A_77 {offsets = [10], sizes = [1], strides = [1]} : vector<16xf32> to vector<1xf32>
      %broadcast_in_dim3A_2338 = vector.shape_cast %slice3A_2337 : vector<1xf32> to vector<1xf32>
      %broadcast_in_dim3A_2339 = vector.broadcast %broadcast_in_dim3A_2338 : vector<1xf32> to vector<16xf32>
      %get3A_2340 = arith.constant 4512 : index
      %get3A_2341 = tpu.vector_load %arg16[%get3A_2340] {strides = array<i32>} : memref<4800xf32, #tpu.memory_space<vmem>>, vector<16xf32>,
      %get3A_2342 = vector.shape_cast %get3A_2341 : vector<16xf32> to vector<16xf32>
      %mul3A_2343 = arith.mulf %broadcast_in_dim3A_2339, %get3A_2342 : vector<16xf32>
      %add3A_2344 = arith.addf %add3A_2336, %mul3A_2343 : vector<16xf32>
      %slice3A_2345 = vector.extract_strided_slice %get3A_77 {offsets = [11], sizes = [1], strides = [1]} : vector<16xf32> to vector<1xf32>
      %broadcast_in_dim3A_2346 = vector.shape_cast %slice3A_2345 : vector<1xf32> to vector<1xf32>
      %broadcast_in_dim3A_2347 = vector.broadcast %broadcast_in_dim3A_2346 : vector<1xf32> to vector<16xf32>
      %get3A_2348 = arith.constant 4528 : index
      %get3A_2349 = tpu.vector_load %arg16[%get3A_2348] {strides = array<i32>} : memref<4800xf32, #tpu.memory_space<vmem>>, vector<16xf32>,
      %get3A_2350 = vector.shape_cast %get3A_2349 : vector<16xf32> to vector<16xf32>
      %mul3A_2351 = arith.mulf %broadcast_in_dim3A_2347, %get3A_2350 : vector<16xf32>
      %add3A_2352 = arith.addf %add3A_2344, %mul3A_2351 : vector<16xf32>
      %slice3A_2353 = vector.extract_strided_slice %get3A_77 {offsets = [12], sizes = [1], strides = [1]} : vector<16xf32> to vector<1xf32>
      %broadcast_in_dim3A_2354 = vector.shape_cast %slice3A_2353 : vector<1xf32> to vector<1xf32>
      %broadcast_in_dim3A_2355 = vector.broadcast %broadcast_in_dim3A_2354 : vector<1xf32> to vector<16xf32>
      %get3A_2356 = arith.constant 4544 : index
      %get3A_2357 = tpu.vector_load %arg16[%get3A_2356] {strides = array<i32>} : memref<4800xf32, #tpu.memory_space<vmem>>, vector<16xf32>,
      %get3A_2358 = vector.shape_cast %get3A_2357 : vector<16xf32> to vector<16xf32>
      %mul3A_2359 = arith.mulf %broadcast_in_dim3A_2355, %get3A_2358 : vector<16xf32>
      %add3A_2360 = arith.addf %add3A_2352, %mul3A_2359 : vector<16xf32>
      %slice3A_2361 = vector.extract_strided_slice %get3A_77 {offsets = [13], sizes = [1], strides = [1]} : vector<16xf32> to vector<1xf32>
      %broadcast_in_dim3A_2362 = vector.shape_cast %slice3A_2361 : vector<1xf32> to vector<1xf32>
      %broadcast_in_dim3A_2363 = vector.broadcast %broadcast_in_dim3A_2362 : vector<1xf32> to vector<16xf32>
      %get3A_2364 = arith.constant 4560 : index
      %get3A_2365 = tpu.vector_load %arg16[%get3A_2364] {strides = array<i32>} : memref<4800xf32, #tpu.memory_space<vmem>>, vector<16xf32>,
      %get3A_2366 = vector.shape_cast %get3A_2365 : vector<16xf32> to vector<16xf32>
      %mul3A_2367 = arith.mulf %broadcast_in_dim3A_2363, %get3A_2366 : vector<16xf32>
      %add3A_2368 = arith.addf %add3A_2360, %mul3A_2367 : vector<16xf32>
      %slice3A_2369 = vector.extract_strided_slice %get3A_77 {offsets = [14], sizes = [1], strides = [1]} : vector<16xf32> to vector<1xf32>
      %broadcast_in_dim3A_2370 = vector.shape_cast %slice3A_2369 : vector<1xf32> to vector<1xf32>
      %broadcast_in_dim3A_2371 = vector.broadcast %broadcast_in_dim3A_2370 : vector<1xf32> to vector<16xf32>
      %get3A_2372 = arith.constant 4576 : index
      %get3A_2373 = tpu.vector_load %arg16[%get3A_2372] {strides = array<i32>} : memref<4800xf32, #tpu.memory_space<vmem>>, vector<16xf32>,
      %get3A_2374 = vector.shape_cast %get3A_2373 : vector<16xf32> to vector<16xf32>
      %mul3A_2375 = arith.mulf %broadcast_in_dim3A_2371, %get3A_2374 : vector<16xf32>
      %add3A_2376 = arith.addf %add3A_2368, %mul3A_2375 : vector<16xf32>
      %slice3A_2377 = vector.extract_strided_slice %get3A_77 {offsets = [15], sizes = [1], strides = [1]} : vector<16xf32> to vector<1xf32>
      %broadcast_in_dim3A_2378 = vector.shape_cast %slice3A_2377 : vector<1xf32> to vector<1xf32>
      %broadcast_in_dim3A_2379 = vector.broadcast %broadcast_in_dim3A_2378 : vector<1xf32> to vector<16xf32>
      %get3A_2380 = arith.constant 4592 : index
      %get3A_2381 = tpu.vector_load %arg16[%get3A_2380] {strides = array<i32>} : memref<4800xf32, #tpu.memory_space<vmem>>, vector<16xf32>,
      %get3A_2382 = vector.shape_cast %get3A_2381 : vector<16xf32> to vector<16xf32>
      %mul3A_2383 = arith.mulf %broadcast_in_dim3A_2379, %get3A_2382 : vector<16xf32>
      %add3A_2384 = arith.addf %add3A_2376, %mul3A_2383 : vector<16xf32>
      %slice3A_2385 = vector.extract_strided_slice %get3A_80 {offsets = [0], sizes = [1], strides = [1]} : vector<16xf32> to vector<1xf32>
      %broadcast_in_dim3A_2386 = vector.shape_cast %slice3A_2385 : vector<1xf32> to vector<1xf32>
      %broadcast_in_dim3A_2387 = vector.broadcast %broadcast_in_dim3A_2386 : vector<1xf32> to vector<16xf32>
      %get3A_2388 = arith.constant 4608 : index
      %get3A_2389 = tpu.vector_load %arg16[%get3A_2388] {strides = array<i32>} : memref<4800xf32, #tpu.memory_space<vmem>>, vector<16xf32>,
      %get3A_2390 = vector.shape_cast %get3A_2389 : vector<16xf32> to vector<16xf32>
      %mul3A_2391 = arith.mulf %broadcast_in_dim3A_2387, %get3A_2390 : vector<16xf32>
      %add3A_2392 = arith.addf %add3A_2384, %mul3A_2391 : vector<16xf32>
      %slice3A_2393 = vector.extract_strided_slice %get3A_80 {offsets = [1], sizes = [1], strides = [1]} : vector<16xf32> to vector<1xf32>
      %broadcast_in_dim3A_2394 = vector.shape_cast %slice3A_2393 : vector<1xf32> to vector<1xf32>
      %broadcast_in_dim3A_2395 = vector.broadcast %broadcast_in_dim3A_2394 : vector<1xf32> to vector<16xf32>
      %get3A_2396 = arith.constant 4624 : index
      %get3A_2397 = tpu.vector_load %arg16[%get3A_2396] {strides = array<i32>} : memref<4800xf32, #tpu.memory_space<vmem>>, vector<16xf32>,
      %get3A_2398 = vector.shape_cast %get3A_2397 : vector<16xf32> to vector<16xf32>
      %mul3A_2399 = arith.mulf %broadcast_in_dim3A_2395, %get3A_2398 : vector<16xf32>
      %add3A_2400 = arith.addf %add3A_2392, %mul3A_2399 : vector<16xf32>
      %slice3A_2401 = vector.extract_strided_slice %get3A_80 {offsets = [2], sizes = [1], strides = [1]} : vector<16xf32> to vector<1xf32>
      %broadcast_in_dim3A_2402 = vector.shape_cast %slice3A_2401 : vector<1xf32> to vector<1xf32>
      %broadcast_in_dim3A_2403 = vector.broadcast %broadcast_in_dim3A_2402 : vector<1xf32> to vector<16xf32>
      %get3A_2404 = arith.constant 4640 : index
      %get3A_2405 = tpu.vector_load %arg16[%get3A_2404] {strides = array<i32>} : memref<4800xf32, #tpu.memory_space<vmem>>, vector<16xf32>,
      %get3A_2406 = vector.shape_cast %get3A_2405 : vector<16xf32> to vector<16xf32>
      %mul3A_2407 = arith.mulf %broadcast_in_dim3A_2403, %get3A_2406 : vector<16xf32>
      %add3A_2408 = arith.addf %add3A_2400, %mul3A_2407 : vector<16xf32>
      %slice3A_2409 = vector.extract_strided_slice %get3A_80 {offsets = [3], sizes = [1], strides = [1]} : vector<16xf32> to vector<1xf32>
      %broadcast_in_dim3A_2410 = vector.shape_cast %slice3A_2409 : vector<1xf32> to vector<1xf32>
      %broadcast_in_dim3A_2411 = vector.broadcast %broadcast_in_dim3A_2410 : vector<1xf32> to vector<16xf32>
      %get3A_2412 = arith.constant 4656 : index
      %get3A_2413 = tpu.vector_load %arg16[%get3A_2412] {strides = array<i32>} : memref<4800xf32, #tpu.memory_space<vmem>>, vector<16xf32>,
      %get3A_2414 = vector.shape_cast %get3A_2413 : vector<16xf32> to vector<16xf32>
      %mul3A_2415 = arith.mulf %broadcast_in_dim3A_2411, %get3A_2414 : vector<16xf32>
      %add3A_2416 = arith.addf %add3A_2408, %mul3A_2415 : vector<16xf32>
      %slice3A_2417 = vector.extract_strided_slice %get3A_80 {offsets = [4], sizes = [1], strides = [1]} : vector<16xf32> to vector<1xf32>
      %broadcast_in_dim3A_2418 = vector.shape_cast %slice3A_2417 : vector<1xf32> to vector<1xf32>
      %broadcast_in_dim3A_2419 = vector.broadcast %broadcast_in_dim3A_2418 : vector<1xf32> to vector<16xf32>
      %get3A_2420 = arith.constant 4672 : index
      %get3A_2421 = tpu.vector_load %arg16[%get3A_2420] {strides = array<i32>} : memref<4800xf32, #tpu.memory_space<vmem>>, vector<16xf32>,
      %get3A_2422 = vector.shape_cast %get3A_2421 : vector<16xf32> to vector<16xf32>
      %mul3A_2423 = arith.mulf %broadcast_in_dim3A_2419, %get3A_2422 : vector<16xf32>
      %add3A_2424 = arith.addf %add3A_2416, %mul3A_2423 : vector<16xf32>
      %slice3A_2425 = vector.extract_strided_slice %get3A_80 {offsets = [5], sizes = [1], strides = [1]} : vector<16xf32> to vector<1xf32>
      %broadcast_in_dim3A_2426 = vector.shape_cast %slice3A_2425 : vector<1xf32> to vector<1xf32>
      %broadcast_in_dim3A_2427 = vector.broadcast %broadcast_in_dim3A_2426 : vector<1xf32> to vector<16xf32>
      %get3A_2428 = arith.constant 4688 : index
      %get3A_2429 = tpu.vector_load %arg16[%get3A_2428] {strides = array<i32>} : memref<4800xf32, #tpu.memory_space<vmem>>, vector<16xf32>,
      %get3A_2430 = vector.shape_cast %get3A_2429 : vector<16xf32> to vector<16xf32>
      %mul3A_2431 = arith.mulf %broadcast_in_dim3A_2427, %get3A_2430 : vector<16xf32>
      %add3A_2432 = arith.addf %add3A_2424, %mul3A_2431 : vector<16xf32>
      %slice3A_2433 = vector.extract_strided_slice %get3A_80 {offsets = [6], sizes = [1], strides = [1]} : vector<16xf32> to vector<1xf32>
      %broadcast_in_dim3A_2434 = vector.shape_cast %slice3A_2433 : vector<1xf32> to vector<1xf32>
      %broadcast_in_dim3A_2435 = vector.broadcast %broadcast_in_dim3A_2434 : vector<1xf32> to vector<16xf32>
      %get3A_2436 = arith.constant 4704 : index
      %get3A_2437 = tpu.vector_load %arg16[%get3A_2436] {strides = array<i32>} : memref<4800xf32, #tpu.memory_space<vmem>>, vector<16xf32>,
      %get3A_2438 = vector.shape_cast %get3A_2437 : vector<16xf32> to vector<16xf32>
      %mul3A_2439 = arith.mulf %broadcast_in_dim3A_2435, %get3A_2438 : vector<16xf32>
      %add3A_2440 = arith.addf %add3A_2432, %mul3A_2439 : vector<16xf32>
      %slice3A_2441 = vector.extract_strided_slice %get3A_80 {offsets = [7], sizes = [1], strides = [1]} : vector<16xf32> to vector<1xf32>
      %broadcast_in_dim3A_2442 = vector.shape_cast %slice3A_2441 : vector<1xf32> to vector<1xf32>
      %broadcast_in_dim3A_2443 = vector.broadcast %broadcast_in_dim3A_2442 : vector<1xf32> to vector<16xf32>
      %get3A_2444 = arith.constant 4720 : index
      %get3A_2445 = tpu.vector_load %arg16[%get3A_2444] {strides = array<i32>} : memref<4800xf32, #tpu.memory_space<vmem>>, vector<16xf32>,
      %get3A_2446 = vector.shape_cast %get3A_2445 : vector<16xf32> to vector<16xf32>
      %mul3A_2447 = arith.mulf %broadcast_in_dim3A_2443, %get3A_2446 : vector<16xf32>
      %add3A_2448 = arith.addf %add3A_2440, %mul3A_2447 : vector<16xf32>
      %slice3A_2449 = vector.extract_strided_slice %get3A_80 {offsets = [8], sizes = [1], strides = [1]} : vector<16xf32> to vector<1xf32>
      %broadcast_in_dim3A_2450 = vector.shape_cast %slice3A_2449 : vector<1xf32> to vector<1xf32>
      %broadcast_in_dim3A_2451 = vector.broadcast %broadcast_in_dim3A_2450 : vector<1xf32> to vector<16xf32>
      %get3A_2452 = arith.constant 4736 : index
      %get3A_2453 = tpu.vector_load %arg16[%get3A_2452] {strides = array<i32>} : memref<4800xf32, #tpu.memory_space<vmem>>, vector<16xf32>,
      %get3A_2454 = vector.shape_cast %get3A_2453 : vector<16xf32> to vector<16xf32>
      %mul3A_2455 = arith.mulf %broadcast_in_dim3A_2451, %get3A_2454 : vector<16xf32>
      %add3A_2456 = arith.addf %add3A_2448, %mul3A_2455 : vector<16xf32>
      %slice3A_2457 = vector.extract_strided_slice %get3A_80 {offsets = [9], sizes = [1], strides = [1]} : vector<16xf32> to vector<1xf32>
      %broadcast_in_dim3A_2458 = vector.shape_cast %slice3A_2457 : vector<1xf32> to vector<1xf32>
      %broadcast_in_dim3A_2459 = vector.broadcast %broadcast_in_dim3A_2458 : vector<1xf32> to vector<16xf32>
      %get3A_2460 = arith.constant 4752 : index
      %get3A_2461 = tpu.vector_load %arg16[%get3A_2460] {strides = array<i32>} : memref<4800xf32, #tpu.memory_space<vmem>>, vector<16xf32>,
      %get3A_2462 = vector.shape_cast %get3A_2461 : vector<16xf32> to vector<16xf32>
      %mul3A_2463 = arith.mulf %broadcast_in_dim3A_2459, %get3A_2462 : vector<16xf32>
      %add3A_2464 = arith.addf %add3A_2456, %mul3A_2463 : vector<16xf32>
      %slice3A_2465 = vector.extract_strided_slice %get3A_80 {offsets = [10], sizes = [1], strides = [1]} : vector<16xf32> to vector<1xf32>
      %broadcast_in_dim3A_2466 = vector.shape_cast %slice3A_2465 : vector<1xf32> to vector<1xf32>
      %broadcast_in_dim3A_2467 = vector.broadcast %broadcast_in_dim3A_2466 : vector<1xf32> to vector<16xf32>
      %get3A_2468 = arith.constant 4768 : index
      %get3A_2469 = tpu.vector_load %arg16[%get3A_2468] {strides = array<i32>} : memref<4800xf32, #tpu.memory_space<vmem>>, vector<16xf32>,
      %get3A_2470 = vector.shape_cast %get3A_2469 : vector<16xf32> to vector<16xf32>
      %mul3A_2471 = arith.mulf %broadcast_in_dim3A_2467, %get3A_2470 : vector<16xf32>
      %add3A_2472 = arith.addf %add3A_2464, %mul3A_2471 : vector<16xf32>
      %slice3A_2473 = vector.extract_strided_slice %get3A_80 {offsets = [11], sizes = [1], strides = [1]} : vector<16xf32> to vector<1xf32>
      %broadcast_in_dim3A_2474 = vector.shape_cast %slice3A_2473 : vector<1xf32> to vector<1xf32>
      %broadcast_in_dim3A_2475 = vector.broadcast %broadcast_in_dim3A_2474 : vector<1xf32> to vector<16xf32>
      %get3A_2476 = arith.constant 4784 : index
      %get3A_2477 = tpu.vector_load %arg16[%get3A_2476] {strides = array<i32>} : memref<4800xf32, #tpu.memory_space<vmem>>, vector<16xf32>,
      %get3A_2478 = vector.shape_cast %get3A_2477 : vector<16xf32> to vector<16xf32>
      %mul3A_2479 = arith.mulf %broadcast_in_dim3A_2475, %get3A_2478 : vector<16xf32>
      %add3A_2480 = arith.addf %add3A_2472, %mul3A_2479 : vector<16xf32>
      %swap3A = arith.constant 0 : index
      %swap3A_2481 = tpu.vector_load %arg18[%swap3A] {strides = array<i32>} : memref<16xf32, #tpu.memory_space<vmem>>, vector<16xf32>,
      %swap3A_2482 = vector.shape_cast %swap3A_2481 : vector<16xf32> to vector<16xf32>
      %swap3A_2483 = vector.shape_cast %add3A_2480 : vector<16xf32> to vector<16xf32>
      tpu.vector_store %arg18[%swap3A], %swap3A_2483 {strides = array<i32>} : memref<16xf32, #tpu.memory_space<vmem>>, vector<16xf32>,
      %mul3A_2484 = arith.constant 16 : i32
      %mul3A_2485 = arith.muli %arg1, %mul3A_2484 : i32
      "tpu.region"() ({
        %run_scoped3A = tpu.sem_alloc : memref<!tpu.dma_semaphore, #tpu.memory_space<semaphore_mem>>
        %dma_start3A = tpu.memref_slice %arg8[%mul3A_2485] : memref<240xf32, #tpu.memory_space<hbm>> -> memref<16xf32, #tpu.memory_space<hbm>>
        %dma_start3A_2486 = tpu.memref_slice %arg8[%mul3A_2485] : memref<240xf32, #tpu.memory_space<hbm>> -> memref<16xf32, #tpu.memory_space<hbm>>
        tpu.enqueue_dma source(%arg18 : memref<16xf32, #tpu.memory_space<vmem>>) target(%dma_start3A_2486 : memref<16xf32, #tpu.memory_space<hbm>>) target_semaphore(%run_scoped3A : memref<!tpu.dma_semaphore, #tpu.memory_space<semaphore_mem>>)
        %dma_wait3A_2487 = tpu.memref_slice %arg8[%mul3A_2485] : memref<240xf32, #tpu.memory_space<hbm>> -> memref<16xf32, #tpu.memory_space<hbm>>
        %dma_wait3A_2488 = tpu.memref_slice %arg8[%mul3A_2485] : memref<240xf32, #tpu.memory_space<hbm>> -> memref<16xf32, #tpu.memory_space<hbm>>
        tpu.wait_dma2 semaphore(%run_scoped3A : memref<!tpu.dma_semaphore, #tpu.memory_space<semaphore_mem>>) src(%arg18 : memref<16xf32, #tpu.memory_space<vmem>>) dst(%dma_wait3A_2488 : memref<16xf32, #tpu.memory_space<hbm>>)
        tpu.yield
      }) : () -> ()
    } else {
    }
    return
  }
}

</mosaic_0001>

<sc_bundles>
// kernel: kernel.3.cloned.1.call-start
scs
__scs_entry_jumppad:
0x0: {  	(pc) =	sbr.rel $0x88, $3  }
0x1: {  	(tag) =	ssettag $0x0;
	lr =	simm.s32 $0x1  }
0x2: {  	[smem:$0x3F9B] =	sst lr;
	_ =	strace $0xD0000000  }
0x3: {  	_ = 	snop  }
0x4: {  	_ = 	snop  }
0x5: {  	_ = 	snop  }
0x6: {  	_ = 	snop  }
0x7: {  	_ = 	snop  }
__scs_overlays_trampoline_lowered:
0x8: {  	[smem:$0x3FAA] =	sst s0  }
0x9: {  	[smem:$0x3FAB] =	sst s1  }
0xa: {  	[smem:$0x3FAC] =	sst s2  }
0xb: {  	[smem:$0x3FAD] =	sst s3  }
0xc: {  	[smem:$0x3FAE] =	sst s4  }
0xd: {  	[smem:$0x3FAF] =	sst s5  }
0xe: {  	[smem:$0x3FB0] =	sst s6  }
0xf: {  	[smem:$0x3FB1] =	sst s7  }
0x10: {  	[smem:$0x3FB2] =	sst s8  }
0x11: {  	[smem:$0x3FB3] =	sst s9;
	s0 =	simm.s32 @!p0 $0x0  }
0x12: {  	s1 =	sld [smem:$0x3F99];
	s0 =	simm.s32 @p0 $0x1  }
0x13: {  	[smem:$0x3FB4] =	sst s0;
	s0 =	simm.s32 @!p1 $0x0  }
0x14: {  	s2 =	sld [smem:$0x3F98];
	s0 =	simm.s32 @p1 $0x1  }
0x15: {  	[smem:$0x3FB5] =	sst s0;
	s0 =	simm.s32 @!p2 $0x0  }
0x16: {  	s3 =	sld [smem:$0x3FDB];
	s0 =	simm.s32 @p2 $0x1  }
0x17: {  	s4 =	simm.s32 $0x1BF5;
	[smem:$0x3FB7] =	sst s0  }
0x18: {  	s0 =	sld [smem:$0x3F9A];
	_ =	swait.ge [sflag:s4], $0x0  }
0x19: {  	s7 =	sld [smem:$0x3F9B]  }
0x1a: {  	s8 =	sadd.s32 $0xFFFFE003, lr  }
0x1b: {  	s9 =	sadd.s32 $0xFFFFFEF7, lr;
	s5 =	simm.s32 $0xFFFFFFFF;
	p2 =	slt.u32 s8, $0xFFFFF086  }
0x1c: {  	p1 =	slt.u32 s9, $0xF7A;
	s5 =	simm.s32 @!p2 $0x0  }
0x1d: {  	s5 =	simm.s32 @p1 $0x1;
	p0 =	seq.s32 s7, s2  }
0x1e: {  	s7 =	smul.u32 @!p0 $0xF7A, s2;
	p2 =	seq.s32 @!p0 s5, $0x0  }
0x1f: {  	s9 =	smul.u32 $0xF7A, s1;
	s8 =	simm.s32 @!p0 $0x1BF5;
	p2 =	por !p2, p0  }
0x20: {  	[sflag:s8] =	ssyncset.s32 @!p0 $0xFFFFF086;
	s6 =	sadd.s32 @!p0 s3, s7;
	s7 =	simm.s32 @!p0 $0x108  }
0x21: {  	s3 =	sadd.s32 s3, s9;
	s6 =	sadd.s32 @!p0 $0x88, s6;
	s7 =	simm.s32 @p2 $0x1082  }
0x22: {  	[simem:s7], [sflag:s8] =	dma.local @!p0 [hbm:s6], $0xF7A  }
0x23: {  	s9 =	sor.u32 $0xD0000000, s2;
	s6 =	simm.s32 $0x108;
	_ =	swait.ge @!p0 [sflag:s8], $0x0  }
0x24: {  	s3 =	sadd.s32 $0x88, s3;
	s6 =	simm.s32 @!p1 $0x1082;
	[sflag:s4] =	ssyncset.s32 $0xFFFFF086  }
0x25: {  	[simem:s6], [sflag:s4] =	dma.local [hbm:s3], $0xF7A  }
0x26: {  	[smem:$0x3F9B] =	sst s1;
	(tag) =	ssettag s2;
	_ =	strace s9  }
0x27: {  	s1 =	sld [smem:$0x3FAB]  }
0x28: {  	s2 =	sld [smem:$0x3FAC]  }
0x29: {  	s4 =	sld [smem:$0x3FAE]  }
0x2a: {  	p0 =	seq.s32 s5, $0x0;
	s5 =	sld [smem:$0x3FAF]  }
0x2b: {  	s6 =	sld [smem:$0x3FB0]  }
0x2c: {  	s7 =	sld [smem:$0x3FB1]  }
0x2d: {  	s3 =	simm.s32 $0x108;
	s8 =	sld [smem:$0x3FB2]  }
0x2e: {  	s3 =	simm.s32 @!p0 $0x1082;
	s9 =	sld [smem:$0x3FB3]  }
0x2f: {  	lr =	sadd.s32 s0, s3;
	s0 =	sld [smem:$0x3FAA]  }
0x30: {  	s3 =	sld [smem:$0x3FAD]  }
0x31: {  	[smem:$0x3FB6] =	sst s10  }
0x32: {  	s10 =	sld [smem:$0x3FB4];
	_ =	sdelay $0x3  }
0x33: {  	p0 =	seq.s32 s10, $0x1;
	s10 =	sld [smem:$0x3FB6];
	_ =	sdelay $0x3  }
0x34: {  	[smem:$0x3FB6] =	sst s10  }
0x35: {  	s10 =	sld [smem:$0x3FB5];
	_ =	sdelay $0x3  }
0x36: {  	p1 =	seq.s32 s10, $0x1;
	s10 =	sld [smem:$0x3FB6];
	_ =	sdelay $0x3  }
0x37: {  	[smem:$0x3FB6] =	sst s10  }
0x38: {  	s10 =	sld [smem:$0x3FB7]  }
0x39: {  	_ = 	snop;
	(pc) =	sbr.ind lr, $3  }
0x3a: {  	_ = 	snop  }
0x3b: {  	_ = 	snop  }
0x3c: {  	p2 =	seq.s32 s10, $0x1;
	s10 =	sld [smem:$0x3FB6]  }
0x3d: {  	_ =	shalt  }
0x3e: {  	_ =	shalt  }
0x3f: {  	_ =	shalt  }
0x40: {  	_ =	shalt  }
0x41: {  	_ =	shalt  }
0x42: {  	_ =	shalt  }
0x43: {  	_ =	shalt  }
0x44: {  	_ =	shalt  }
0x45: {  	_ =	shalt  }
0x46: {  	_ =	shalt  }
0x47: {  	_ =	shalt  }
0x48: {  	_ =	shalt  }
0x49: {  	_ =	shalt  }
0x4a: {  	_ =	shalt  }
0x4b: {  	_ =	shalt  }
0x4c: {  	_ =	shalt  }
0x4d: {  	_ =	shalt  }
0x4e: {  	_ =	shalt  }
0x4f: {  	_ =	shalt  }
0x50: {  	_ =	shalt  }
0x51: {  	_ =	shalt  }
0x52: {  	_ =	shalt  }
0x53: {  	_ =	shalt  }
0x54: {  	_ =	shalt  }
0x55: {  	_ =	shalt  }
0x56: {  	_ =	shalt  }
0x57: {  	_ =	shalt  }
0x58: {  	_ =	shalt  }
0x59: {  	_ =	shalt  }
0x5a: {  	_ =	shalt  }
0x5b: {  	_ =	shalt  }
0x5c: {  	_ =	shalt  }
0x5d: {  	_ =	shalt  }
0x5e: {  	_ =	shalt  }
0x5f: {  	_ =	shalt  }
0x60: {  	_ =	shalt  }
0x61: {  	_ =	shalt  }
0x62: {  	_ =	shalt  }
0x63: {  	_ =	shalt  }
0x64: {  	_ =	shalt  }
0x65: {  	_ =	shalt  }
0x66: {  	_ =	shalt  }
0x67: {  	_ =	shalt  }
0x68: {  	_ =	shalt  }
0x69: {  	_ =	shalt  }
0x6a: {  	_ =	shalt  }
0x6b: {  	_ =	shalt  }
0x6c: {  	_ =	shalt  }
0x6d: {  	_ =	shalt  }
0x6e: {  	_ =	shalt  }
0x6f: {  	_ =	shalt  }
0x70: {  	_ =	shalt  }
0x71: {  	_ =	shalt  }
0x72: {  	_ =	shalt  }
0x73: {  	_ =	shalt  }
0x74: {  	_ =	shalt  }
0x75: {  	_ =	shalt  }
0x76: {  	_ =	shalt  }
0x77: {  	_ =	shalt  }
0x78: {  	_ =	shalt  }
0x79: {  	_ =	shalt  }
0x7a: {  	_ =	shalt  }
0x7b: {  	_ =	shalt  }
0x7c: {  	_ =	shalt  }
0x7d: {  	_ =	shalt  }
0x7e: {  	_ =	shalt  }
0x7f: {  	_ =	shalt  }
0x80: {  	_ =	shalt  }
0x81: {  	_ =	shalt  }
0x82: {  	_ =	shalt  }
0x83: {  	_ =	shalt  }
0x84: {  	_ =	shalt  }
0x85: {  	_ =	shalt  }
0x86: {  	_ =	shalt  }
0x87: {  	_ =	shalt  }
.Lfunc_end0:
.L_simem_size_0:
called_computation_lowered:
.L_overlay_start_0:
0x88: {  	s2 =	sld [smem:$0x3FD9]  }
0x89: {  	s3 =	sld [smem:$0x3FFE];
	_ =	sdelay $0x1  }
0x8a: {  	s1 =	srdreg.scid  }
0x8b: {  	s0 =	sand.u32 $0x1, s1  }
0x8c: {  	s17 =	sshll.u32 s0, $0xA;
	s2 =	sadd.s32 s3, s2  }
0x8d: {  	s2 =	sadd.s32 s2, s17  }
0x8e: {  	[smem:$0x3FC2] =	sst s2  }
0x8f: {  	_ = 	snop  }
0x90: {  	s2 =	sld [smem:$0x3FC9]  }
0x91: {  	s18 =	sld [smem:$0x3FD0];
	(tm) =	ssettm $0x1  }
0x92: {  	s4 =	sld [smem:$0x3FFB];
	_ =	sdelay $0x3  }
0x93: {  	_ =	strace s4  }
0x94: {  	s4 =	sld [smem:$0x3FFC];
	_ =	sdelay $0x3  }
0x95: {  	_ =	strace s4  }
0x96: {  	s4 =	sld [smem:$0x3FFD];
	_ =	sdelay $0x3  }
0x97: {  	_ =	strace s4  }
0x98: {  	_ =	strace $0x8FFFFFFF  }
0x99: {  	s19 =	sld [smem:$0x3FDB];
	_ =	sdelay $0x1  }
0x9a: {  	s5 =	simm.s32 $_scs_section_size  }
0x9b: {  	s6 =	simm.s32 $_size__tile_overlayer_lowered;
	s7 =	simm.s32 $_tile_overlayer_lowered  }
0x9c: {  	s22 =	simm.s32 $0x1BFF;
	s21 =	sshll.u32 s7, $0x1;
	s4 =	sadd.s32 s5, s19  }
0x9d: {  	s8 =	simm.s32 $0x0;
	s20 =	sshll.u32 s6, $0x1;
	s6 =	sadd.s32 s21, s4  }
0x9e: {  	[timem:s8], [sflag:s22] =	dma.local [hbm:s6], s20  }
0x9f: {  	_ =	swait.ge [sflag:s22], s20  }
0xa0: {  	s5 =	ssub.s32 $0x0, s20;
	[sflag:s22] =	ssyncset.done $0x0  }
0xa1: {  	[sflag:s22] =	ssyncadd.s32 s5;
	_ =	sdelay $0x1  }
0xa2: {  	s23 =	simm.s32 $0x1B8B  }
0xa3: {  	_ =	swait.ge [sflag:s23], $0x1  }
0xa4: {  	[sflag:s23] =	ssyncset.done $0x0  }
0xa5: {  	s25 =	simm.s32 $0x1B8E;
	s24 =	sld [smem:$0x3FFE];
	[sflag:s23] =	ssyncadd.s32 $0xFFFFFFFF  }
0xa6: {  	s26 =	simm.s32 $execute0_lowered;
	[smem:$0x3FD2] =	sst s25  }
0xa7: {  	s6 =	sshll.u32 s26, $0x1;
	_ =	strace $0x80000046;
	[dreg:$0x1] =	wrdreg $0xFFFFFFFF  }
0xa8: {  	s28 =	simm.s32 $_size_execute0_lowered;
	s4 =	sadd.s32 s4, s6;
	[dreg:$0x0] =	wrdreg $0x0  }
0xa9: {  	s6 =	sshll.u32 s28, $0x1;
	[dreg:$0x2] =	wrdreg s4  }
0xaa: {  	[dreg:$0x3] =	wrdreg s6  }
0xab: {  	[dreg:$0x4] =	wrdreg $0xC0  }
0xac: {  	_ =	task [dreg:s8], $0x5FFFF  }
0xad: {  	[dreg:$0x1] =	wrdreg $0xFFFFFFFF  }
0xae: {  	[dreg:$0x0] =	wrdreg $0x60  }
0xaf: {  	[dreg:$0x2] =	wrdreg s2  }
0xb0: {  	[dreg:$0x3] =	wrdreg s24  }
0xb1: {  	[dreg:$0x4] =	wrdreg s18  }
0xb2: {  	[dreg:$0x5] =	wrdreg $0x22800  }
0xb3: {  	[dreg:$0x6] =	wrdreg $0x22900  }
0xb4: {  	[dreg:$0x7] =	wrdreg $0x9  }
0xb5: {  	_ =	task.clear_ibuf [dreg:s8], $0x8FFFF;
	_ =	strace $0x90000046  }
0xb6: {  	s29 =	simm.s32 $0x9;
	_ =	strace $0x80000048  }
0xb7: {  	_ =	swait.ge [sflag:s29], $0x1  }
0xb8: {  	[sflag:s29] =	ssyncadd.s32 $0xFFFFFFFF  }
0xb9: {  	_ =	strace $0x90000048  }
0xba: {  	_ =	sfence  }
0xbb: {  	s30 =	sld [smem:$0x0];
	_ =	sdelay $0x2  }
0xbc: {  	s31 =	sshll.u32 s1, $0xD;
	s1 =	sshrl.u32 s1, $0x2  }
0xbd: {  	s3 =	sand.u32 $0x4000, s31;
	s1 =	sadd.s32 s1, s30  }
0xbe: {  	s0 =	sor.u32 s3, s0;
	s1 =	sshll.u32 s1, $0x11  }
0xbf: {  	s0 =	sor.u32 s1, s0  }
0xc0: {  	s0 =	sadd.s32 $0x8F2B, s0  }
0xc1: {  	[sflag:s0] =	ssyncadd.remote.s32 $0x1  }
0xc2: {  	_ =	sfence.sel $0xFFFF  }
0xc3: {  	[dreg:$0x0] =	wrdreg $0xFFFFFFFF;
	(pc) =	sbr.abs _section_cstart, $3  }
0xc4: {  	[dreg:$0x1] =	wrdreg $0xFFFFFFFF  }
0xc5: {  	_ =	task.clear_ibuf [dreg:s8], $0x2FFFF;
	_ =	strace $0x9FFFFFFF  }
0xc6: {  	(tm) =	ssettm $0x7FFFFFFF  }
0xc7: {  	_ =	shalt  }
tec
execute0_lowered:
.L_overlay_start_1:
0x0: {  	(tag) =	ssettag $0x1  }
0x1: {  	s1 =	rddreg [dreg:$0x0]  }
0x2: {  	s7 =	rddreg [dreg:$0x1]  }
0x3: {  	s15 =	rddreg [dreg:$0x2]  }
0x4: {  	s2 =	rddreg [dreg:$0x3]  }
0x5: {  	s4 =	rddreg [dreg:$0x4]  }
0x6: {  	s0 =	rddreg [dreg:$0x5]  }
0x7: {  	s5 =	simm.s32 $0x0;
	s3 =	stileid.u32;
	s9 =	srdreg.scid  }
0x8: {  	s23 =	simm.s32 $0x2180;
	s24 =	simm.s32 $0x2;
	s25 =	simm.s32 $0x2200  }
0x9: {  	[smem:$0x7FF] =	sst s5;
	s8 =	smul.u32 $0x258, s3;
	s6 =	sadd.s32 $0x3600, s7  }
0xa: {  	s11 =	sadd.s32 $0x3000, s7;
	s12 =	sadd.s32 $0x4600, s7;
	s9 =	sand.u32 $0x1, s9  }
0xb: {  	p1 =	sne.s32 s3, $0xF;
	s16 =	sshll.u32 s3, $0x1;
	s28 =	sor.u32 $0x10, s3  }
0xc: {  	s29 =	smul.u32 $0x50, s3;
	s30 =	sshll.u32 s3, $0x4;
	p3 =	sgt.u32 s3, $0x2  }
0xd: {  	_ =	strace $0x80000047;
	s10 =	ssub.s32 $0x2, s9;
	p0 =	seq.s32 s9, $0x0  }
0xe: {  	s14 =	sadd.s32 s16, s7;
	s18 =	sor.u32 s3, s9;
	s19 =	sshll.u32 s28, $0x4  }
0xf: {  	s20 =	ssub.s32 $0x12C, s30;
	s21 =	smul.u32 $0x50, s28;
	s9 =	sadd.s32 s12, s16  }
0x10: {  	s31 =	sshll.u32 s28, $0x1;
	s15 =	sadd.s32 s15, s16;
	s8 =	sadd.s32 s8, s7  }
0x11: {  	v17 =	vlaneseq.u32;
	v1 =	vimm.s32 $0x1;
	v2 =	vimm.s32 $0x2;
	s13 =	sshrl.u32 s10, $0x1;
	p1 =	por !p0, !p1;
	s22 =	ssub.s32 $0x12C, s19  }
0x12: {  	v3 =	vimm.s32 $0x3;
	v4 =	vimm.s32 $0x4;
	v5 =	vimm.s32 $0x5;
	s12 =	sadd.s32 s12, s31;
	s14 =	sadd.s32 $0x4800, s14;
	p2 =	sne.s32 s18, $0x0  }
.Ltmp0:
0x13: {  	v6 =	vimm.s32 $0x6;
	v7 =	vimm.s32 $0x7;
	v0 =	vmov s20;
	s18 =	simm.s32 $0x3;
	s20 =	simm.s32 $0xC00;
	(pc) =	sbr.rel .LBB2_1-.Ltmp0, $4  }
0x14: {  	v8 =	vimm.s32 $0x8;
	v9 =	vimm.s32 $0x9;
	v10 =	vimm.s32 $0xA;
	s17 =	ssub.s32 s10, s13;
	p1 =	por !p1, !p1;
	s7 =	sadd.s32 $0xC00, s8  }
0x15: {  	v11 =	vimm.s32 $0xB;
	v12 =	vimm.s32 $0xC;
	v13 =	vimm.s32 $0xD;
	s8 =	sadd.s32 s11, s29;
	s10 =	sadd.s32 s30, s4;
	s11 =	sadd.s32 s11, s21  }
0x16: {  	v14 =	vimm.s32 $0xE;
	v15 =	vimm.s32 $0xF;
	v16 =	vmov s22;
	s13 =	sadd.s32 s19, s4;
	s19 =	simm.s32 $0x980;
	s21 =	simm.s32 $0xC80  }
0x17: {  	vm0 =	vgt.u32 v0, v17;
	v0 =	vimm.s32 $0x0;
	s22 =	simm.s32 $0xD00;
	s16 =	smax.u32 s17, $0x1;
	s17 =	simm.s32 $0x880;
	vm1 =	vgt.u32 v16, v17  }
.LBB2_2:
0x18: {  	[bflag:$0x0] =	sbarrier.arrive $0xFFFF  }
.LBB2_7:
0x19: {  	s16 =	sadd.s32 $0xFFFFFFFF, s16  }
0x1a: {  	p4 =	sne.s32 s16, $0x0  }
.Ltmp1:
0x1b: {  	_ = 	snop;
	(pc) =	sbr.rel @!p4 .LBB2_8-.Ltmp1, $1  }
0x1c: {  	_ =	sdelay $0x3  }
.LBB2_1:
0x1d: {  	s26 =	simm.s32 @p1 $0x0;
	s28 =	simm.s32 @p1 $0xE80  }
0x1e: {  	v16 =	vimm.s32 @!p2 $0x0;
	[tilespmem:s28], [sflag:$0x2] =	stream.linear.gather @p1 [hbm4b:s7+s26], $0x12C0, $0x38;
	[tilespmem:$0x22A8] =	vst v63  }
0x1f: {  	s26 =	simm.s32 @!p2 $0x0;
	s28 =	simm.s32 @!p2 $0x3;
	[tilespmem:$0x0] =	vst @!p2 v16  }
0x20: {  	[tilespmem:s26], [sflag:$0x3] =	stream.linear.gather @!p2 [hbm4b:s1+s26], $0x2, $0x38;
	[tilespmem:$0x22A8] =	vst v63  }
0x21: {  	_ =	swait.ge @!p2 [sflag:s28], $0x2  }
0x22: {  	[sflag:s28] =	ssyncset.done @!p2 $0x0  }
0x23: {  	s29 =	simm.s32 @!p2 $0x10;
	s30 =	simm.s32 @!p2 $0x80;
	[sflag:s28] =	ssyncadd.s32 @!p2 $0xFFFFFFFE  }
0x24: {  	[tilespmem:s30], [sflag:$0x1] =	stream.indirect.gather @!p2 [hbm4b:s6+s29], $0x80, s26, s29, $0xb8;
	[tilespmem:$0x22A8] =	vst v63  }
0x25: {  	s26 =	simm.s32 @!p2 $0x1  }
0x26: {  	_ =	swait.ge @!p2 [sflag:s26], $0x800  }
0x27: {  	[sflag:s26] =	ssyncset.done @!p2 $0x0  }
0x28: {  	[sflag:s26] =	ssyncadd.s32 @!p2 $0xFFFFF800  }
0x29: {  	[spmem:s2] =	stream.linear.scatter @!p2 [tilespmem:s30], [sflag:$0x3], $0x100, $0x38;
	[tilespmem:$0x22A8] =	vst v63  }
.Ltmp2:
0x2a: {  	_ =	swait.ge @!p2 [sflag:s28], $0x100;
	(pc) =	sbr.rel @!p0 .LBB2_2-.Ltmp2, $3  }
0x2b: {  	[sflag:s28] =	ssyncset.done @!p2 $0x0  }
0x2c: {  	[sflag:s28] =	ssyncadd.s32 @!p2 $0xFFFFFF00  }
0x2d: {  	[bflag:$0x0] =	sbarrier.arrive $0xFFFF;
	_ =	sdelay $0x1  }
0x2e: {  	[tilespmem:s17], [sflag:$0x3] =	stream.linear.gather [spmem:s2], $0x100, $0x38;
	[tilespmem:$0x22A8] =	vst v63  }
0x2f: {  	_ =	swait.ge [sflag:s18], $0x100  }
0x30: {  	[sflag:s18] =	ssyncset.done $0x0  }
0x31: {  	[sflag:s18] =	ssyncadd.s32 $0xFFFFFF00  }
0x32: {  	[tilespmem:s19], [sflag:$0x3] =	stream.linear.gather [hbm4b:s8+s5], $0x280, $0x38;
	[tilespmem:$0x22A8] =	vst v63  }
0x33: {  	_ =	swait.ge [sflag:s18], $0x280  }
0x34: {  	[sflag:s18] =	ssyncset.done $0x0  }
0x35: {  	[sflag:s18] =	ssyncadd.s32 $0xFFFFFD80  }
0x36: {  	[tilespmem:s20], [sflag:$0x3] =	stream.linear.gather [hbm4b:s9+s5], $0x10, $0x38;
	[tilespmem:$0x22A8] =	vst v63  }
0x37: {  	_ =	swait.ge [sflag:s18], $0x10  }
0x38: {  	[sflag:s18] =	ssyncset.done $0x0  }
0x39: {  	[sflag:s18] =	ssyncadd.s32 $0xFFFFFFF0  }
0x3a: {  	v16 =	vld [tilespmem:$0x880];
	_ =	sdelay $0x1  }
0x3b: {  	v17 =	vld [tilespmem:$0x980]  }
0x3c: {  	v18 =	vld [tilespmem:$0xC00]  }
0x3d: {  	v19 =	vld [tilespmem:$0x990]  }
0x3e: {  	v20 =	vperm.xlane v16, v0  }
0x3f: {  	v21 =	vld [tilespmem:$0x9A0]  }
0x40: {  	v54 =	vperm.xlane v16, v1;
	v17 =	vmul.f32 v20, v17  }
0x41: {  	v22 =	vld [tilespmem:$0x9B0]  }
0x42: {  	v56 =	vperm.xlane v16, v2;
	v55 =	vmul.f32 v54, v19;
	v17 =	vadd.f32 v17, v18  }
0x43: {  	v57 =	vld [tilespmem:$0x9C0]  }
0x44: {  	v59 =	vperm.xlane v16, v3;
	v58 =	vmul.f32 v56, v21;
	v17 =	vadd.f32 v55, v17  }
0x45: {  	v60 =	vld [tilespmem:$0x9D0]  }
0x46: {  	v62 =	vperm.xlane v16, v4;
	v61 =	vmul.f32 v59, v22;
	v17 =	vadd.f32 v58, v17  }
0x47: {  	v63 =	vld [tilespmem:$0x9E0]  }
0x48: {  	v25 =	vperm.xlane v16, v5;
	v24 =	vmul.f32 v62, v57;
	v17 =	vadd.f32 v61, v17  }
0x49: {  	v26 =	vld [tilespmem:$0x9F0]  }
0x4a: {  	v28 =	vperm.xlane v16, v6;
	v27 =	vmul.f32 v25, v60;
	v17 =	vadd.f32 v24, v17  }
0x4b: {  	v29 =	vld [tilespmem:$0xA00]  }
0x4c: {  	v31 =	vperm.xlane v16, v7;
	v30 =	vmul.f32 v28, v63;
	v17 =	vadd.f32 v27, v17  }
0x4d: {  	v32 =	vld [tilespmem:$0xA10]  }
0x4e: {  	v34 =	vperm.xlane v16, v8;
	v33 =	vmul.f32 v31, v26;
	v17 =	vadd.f32 v30, v17  }
0x4f: {  	v35 =	vld [tilespmem:$0xA20]  }
0x50: {  	v37 =	vperm.xlane v16, v9;
	v36 =	vmul.f32 v34, v29;
	v17 =	vadd.f32 v33, v17  }
0x51: {  	v38 =	vld [tilespmem:$0xA30]  }
0x52: {  	v40 =	vperm.xlane v16, v10;
	v39 =	vmul.f32 v37, v32;
	v17 =	vadd.f32 v36, v17  }
0x53: {  	v41 =	vld [tilespmem:$0xA40]  }
0x54: {  	v43 =	vperm.xlane v16, v11;
	v42 =	vmul.f32 v40, v35;
	v17 =	vadd.f32 v39, v17  }
0x55: {  	v44 =	vld [tilespmem:$0xA50]  }
0x56: {  	v46 =	vperm.xlane v16, v12;
	v45 =	vmul.f32 v43, v38;
	v17 =	vadd.f32 v42, v17  }
0x57: {  	v47 =	vld [tilespmem:$0xA60]  }
0x58: {  	v23 =	vld [tilespmem:$0x884];
	v49 =	vperm.xlane v16, v13;
	v48 =	vmul.f32 v46, v41;
	v17 =	vadd.f32 v45, v17  }
0x59: {  	v50 =	vld [tilespmem:$0xA70]  }
0x5a: {  	v52 =	vperm.xlane v16, v14;
	v51 =	vmul.f32 v49, v44;
	v17 =	vadd.f32 v48, v17  }
0x5b: {  	v53 =	vld [tilespmem:$0xA80]  }
0x5c: {  	v16 =	vperm.xlane v16, v15;
	v54 =	vmul.f32 v52, v47;
	v17 =	vadd.f32 v51, v17  }
0x5d: {  	v55 =	vld [tilespmem:$0xA90]  }
0x5e: {  	v16 =	vmul.f32 v16, v50;
	v56 =	vperm.xlane v23, v12;
	v17 =	vadd.f32 v54, v17  }
0x5f: {  	v57 =	vld [tilespmem:$0xAA0]  }
0x60: {  	v59 =	vperm.xlane v23, v13;
	v60 =	vld [tilespmem:$0xAB0];
	v16 =	vadd.f32 v16, v17;
	v17 =	vmul.f32 v56, v53  }
0x61: {  	v58 =	vld [tilespmem:$0x900]  }
0x62: {  	v61 =	vperm.xlane v23, v14;
	v16 =	vadd.f32 v17, v16;
	v17 =	vmul.f32 v59, v55  }
0x63: {  	v62 =	vld [tilespmem:$0xAC0]  }
0x64: {  	v63 =	vperm.xlane v23, v15;
	v16 =	vadd.f32 v17, v16;
	v17 =	vmul.f32 v61, v57  }
0x65: {  	v24 =	vld [tilespmem:$0xAD0]  }
0x66: {  	v25 =	vperm.xlane v58, v0;
	v16 =	vadd.f32 v17, v16;
	v17 =	vmul.f32 v63, v60  }
0x67: {  	v26 =	vld [tilespmem:$0xAE0]  }
0x68: {  	v27 =	vperm.xlane v58, v1;
	v16 =	vadd.f32 v17, v16;
	v17 =	vmul.f32 v25, v62  }
0x69: {  	v28 =	vld [tilespmem:$0xAF0]  }
0x6a: {  	v29 =	vperm.xlane v58, v2;
	v16 =	vadd.f32 v17, v16;
	v17 =	vmul.f32 v27, v24  }
0x6b: {  	v30 =	vld [tilespmem:$0xB00]  }
0x6c: {  	v31 =	vperm.xlane v58, v3;
	v16 =	vadd.f32 v17, v16;
	v17 =	vmul.f32 v29, v26  }
0x6d: {  	v32 =	vld [tilespmem:$0xB10]  }
0x6e: {  	v33 =	vperm.xlane v58, v4;
	v16 =	vadd.f32 v17, v16;
	v17 =	vmul.f32 v31, v28  }
0x6f: {  	v34 =	vld [tilespmem:$0xB20]  }
0x70: {  	v35 =	vperm.xlane v58, v5;
	v16 =	vadd.f32 v17, v16;
	v17 =	vmul.f32 v33, v30  }
0x71: {  	v36 =	vld [tilespmem:$0xB30]  }
0x72: {  	v37 =	vperm.xlane v58, v6;
	v16 =	vadd.f32 v17, v16;
	v17 =	vmul.f32 v35, v32  }
0x73: {  	v38 =	vld [tilespmem:$0xB40]  }
0x74: {  	v39 =	vperm.xlane v58, v7;
	v16 =	vadd.f32 v17, v16;
	v17 =	vmul.f32 v37, v34  }
0x75: {  	v40 =	vld [tilespmem:$0xB50]  }
0x76: {  	v41 =	vperm.xlane v58, v8;
	v16 =	vadd.f32 v17, v16;
	v17 =	vmul.f32 v39, v36  }
0x77: {  	v42 =	vld [tilespmem:$0xB60]  }
0x78: {  	v43 =	vperm.xlane v58, v9;
	v16 =	vadd.f32 v17, v16;
	v17 =	vmul.f32 v41, v38  }
0x79: {  	v44 =	vld [tilespmem:$0xB70]  }
0x7a: {  	v45 =	vperm.xlane v58, v10;
	v16 =	vadd.f32 v17, v16;
	v17 =	vmul.f32 v43, v40  }
0x7b: {  	v46 =	vld [tilespmem:$0xB80]  }
0x7c: {  	v47 =	vperm.xlane v58, v11;
	v16 =	vadd.f32 v17, v16;
	v17 =	vmul.f32 v45, v42  }
0x7d: {  	v48 =	vld [tilespmem:$0xB90]  }
0x7e: {  	v49 =	vperm.xlane v58, v12;
	v16 =	vadd.f32 v17, v16;
	v17 =	vmul.f32 v47, v44  }
0x7f: {  	v50 =	vld [tilespmem:$0xBA0]  }
0x80: {  	v52 =	vperm.xlane v58, v13;
	v51 =	vld [tilespmem:$0x904];
	v16 =	vadd.f32 v17, v16;
	v17 =	vmul.f32 v49, v46  }
0x81: {  	v53 =	vld [tilespmem:$0xBB0]  }
0x82: {  	v54 =	vperm.xlane v58, v14;
	v16 =	vadd.f32 v17, v16;
	v17 =	vmul.f32 v52, v48  }
0x83: {  	v55 =	vld [tilespmem:$0xBC0]  }
0x84: {  	v56 =	vperm.xlane v58, v15;
	v16 =	vadd.f32 v17, v16;
	v17 =	vmul.f32 v54, v50  }
0x85: {  	v57 =	vld [tilespmem:$0xBD0]  }
0x86: {  	v58 =	vperm.xlane v51, v12;
	v16 =	vadd.f32 v17, v16;
	v17 =	vmul.f32 v56, v53  }
0x87: {  	v59 =	vld [tilespmem:$0xBE0]  }
0x88: {  	v60 =	vperm.xlane v51, v13;
	v16 =	vadd.f32 v17, v16;
	v17 =	vmul.f32 v58, v55  }
0x89: {  	v61 =	vld [tilespmem:$0xBF0]  }
0x8a: {  	v62 =	vperm.xlane v51, v14;
	v16 =	vadd.f32 v17, v16;
	v17 =	vmul.f32 v60, v57;
	_ =	sdelay $0x1  }
0x8b: {  	v63 =	vperm.xlane v51, v15;
	v16 =	vadd.f32 v17, v16;
	v17 =	vmul.f32 v62, v59;
	_ =	sdelay $0x1  }
0x8c: {  	v16 =	vadd.f32 v17, v16;
	v17 =	vmul.f32 v63, v61;
	_ =	sdelay $0x1  }
0x8d: {  	v16 =	vadd.f32 v17, v16;
	_ =	sdelay $0x1  }
0x8e: {  	v16 =	vmax.f32 v16, $0.0e+00  }
0x8f: {  	v16 =	vnsel vm0, $0x0, v16  }
.Ltmp3:
0x90: {  	[tilespmem:$0xC80] =	vst v16;
	(pc) =	sbr.rel @p3 .LBB2_5-.Ltmp3, $4  }
0x91: {  	[spmem:s10] =	stream.linear.scatter [tilespmem:s21], [sflag:$0x3], $0x10, $0x38;
	[tilespmem:$0x22A8] =	vst v63  }
0x92: {  	_ =	swait.ge [sflag:s18], $0x10  }
0x93: {  	[sflag:s18] =	ssyncset.done $0x0  }
0x94: {  	[sflag:s18] =	ssyncadd.s32 $0xFFFFFFF0  }
0x95: {  	[tilespmem:s19], [sflag:$0x3] =	stream.linear.gather [hbm4b:s11+s5], $0x280, $0x38;
	[tilespmem:$0x22A8] =	vst v63  }
0x96: {  	_ =	swait.ge [sflag:s18], $0x280  }
0x97: {  	[sflag:s18] =	ssyncset.done $0x0  }
0x98: {  	[sflag:s18] =	ssyncadd.s32 $0xFFFFFD80  }
0x99: {  	[tilespmem:s20], [sflag:$0x3] =	stream.linear.gather [hbm4b:s12+s5], $0x10, $0x38;
	[tilespmem:$0x22A8] =	vst v63  }
0x9a: {  	_ =	swait.ge [sflag:s18], $0x10  }
0x9b: {  	[sflag:s18] =	ssyncset.done $0x0  }
0x9c: {  	[sflag:s18] =	ssyncadd.s32 $0xFFFFFFF0  }
0x9d: {  	v16 =	vld [tilespmem:$0x880];
	_ =	sdelay $0x1  }
0x9e: {  	v17 =	vld [tilespmem:$0x980]  }
0x9f: {  	v18 =	vld [tilespmem:$0xC00]  }
0xa0: {  	v19 =	vld [tilespmem:$0x990]  }
0xa1: {  	v20 =	vperm.xlane v16, v0  }
0xa2: {  	v21 =	vld [tilespmem:$0x9A0]  }
0xa3: {  	v54 =	vperm.xlane v16, v1;
	v17 =	vmul.f32 v20, v17  }
0xa4: {  	v22 =	vld [tilespmem:$0x9B0]  }
0xa5: {  	v56 =	vperm.xlane v16, v2;
	v55 =	vmul.f32 v54, v19;
	v17 =	vadd.f32 v17, v18  }
0xa6: {  	v57 =	vld [tilespmem:$0x9C0]  }
0xa7: {  	v59 =	vperm.xlane v16, v3;
	v58 =	vmul.f32 v56, v21;
	v17 =	vadd.f32 v55, v17  }
0xa8: {  	v60 =	vld [tilespmem:$0x9D0]  }
0xa9: {  	v62 =	vperm.xlane v16, v4;
	v61 =	vmul.f32 v59, v22;
	v17 =	vadd.f32 v58, v17  }
0xaa: {  	v63 =	vld [tilespmem:$0x9E0]  }
0xab: {  	v25 =	vperm.xlane v16, v5;
	v24 =	vmul.f32 v62, v57;
	v17 =	vadd.f32 v61, v17  }
0xac: {  	v26 =	vld [tilespmem:$0x9F0]  }
0xad: {  	v28 =	vperm.xlane v16, v6;
	v27 =	vmul.f32 v25, v60;
	v17 =	vadd.f32 v24, v17  }
0xae: {  	v29 =	vld [tilespmem:$0xA00]  }
0xaf: {  	v31 =	vperm.xlane v16, v7;
	v30 =	vmul.f32 v28, v63;
	v17 =	vadd.f32 v27, v17  }
0xb0: {  	v32 =	vld [tilespmem:$0xA10]  }
0xb1: {  	v34 =	vperm.xlane v16, v8;
	v33 =	vmul.f32 v31, v26;
	v17 =	vadd.f32 v30, v17  }
0xb2: {  	v35 =	vld [tilespmem:$0xA20]  }
0xb3: {  	v37 =	vperm.xlane v16, v9;
	v36 =	vmul.f32 v34, v29;
	v17 =	vadd.f32 v33, v17  }
0xb4: {  	v38 =	vld [tilespmem:$0xA30]  }
0xb5: {  	v40 =	vperm.xlane v16, v10;
	v39 =	vmul.f32 v37, v32;
	v17 =	vadd.f32 v36, v17  }
0xb6: {  	v41 =	vld [tilespmem:$0xA40]  }
0xb7: {  	v43 =	vperm.xlane v16, v11;
	v42 =	vmul.f32 v40, v35;
	v17 =	vadd.f32 v39, v17  }
0xb8: {  	v44 =	vld [tilespmem:$0xA50]  }
0xb9: {  	v46 =	vperm.xlane v16, v12;
	v45 =	vmul.f32 v43, v38;
	v17 =	vadd.f32 v42, v17  }
0xba: {  	v47 =	vld [tilespmem:$0xA60]  }
0xbb: {  	v23 =	vld [tilespmem:$0x884];
	v49 =	vperm.xlane v16, v13;
	v48 =	vmul.f32 v46, v41;
	v17 =	vadd.f32 v45, v17  }
0xbc: {  	v50 =	vld [tilespmem:$0xA70]  }
0xbd: {  	v52 =	vperm.xlane v16, v14;
	v51 =	vmul.f32 v49, v44;
	v17 =	vadd.f32 v48, v17  }
0xbe: {  	v53 =	vld [tilespmem:$0xA80]  }
0xbf: {  	v16 =	vperm.xlane v16, v15;
	v54 =	vmul.f32 v52, v47;
	v17 =	vadd.f32 v51, v17  }
0xc0: {  	v55 =	vld [tilespmem:$0xA90]  }
0xc1: {  	v16 =	vmul.f32 v16, v50;
	v56 =	vperm.xlane v23, v12;
	v17 =	vadd.f32 v54, v17  }
0xc2: {  	v57 =	vld [tilespmem:$0xAA0]  }
0xc3: {  	v59 =	vperm.xlane v23, v13;
	v60 =	vld [tilespmem:$0xAB0];
	v16 =	vadd.f32 v16, v17;
	v17 =	vmul.f32 v56, v53  }
0xc4: {  	v58 =	vld [tilespmem:$0x900]  }
0xc5: {  	v61 =	vperm.xlane v23, v14;
	v16 =	vadd.f32 v17, v16;
	v17 =	vmul.f32 v59, v55  }
0xc6: {  	v62 =	vld [tilespmem:$0xAC0]  }
0xc7: {  	v63 =	vperm.xlane v23, v15;
	v16 =	vadd.f32 v17, v16;
	v17 =	vmul.f32 v61, v57  }
0xc8: {  	v24 =	vld [tilespmem:$0xAD0]  }
0xc9: {  	v25 =	vperm.xlane v58, v0;
	v16 =	vadd.f32 v17, v16;
	v17 =	vmul.f32 v63, v60  }
0xca: {  	v26 =	vld [tilespmem:$0xAE0]  }
0xcb: {  	v27 =	vperm.xlane v58, v1;
	v16 =	vadd.f32 v17, v16;
	v17 =	vmul.f32 v25, v62  }
0xcc: {  	v28 =	vld [tilespmem:$0xAF0]  }
0xcd: {  	v29 =	vperm.xlane v58, v2;
	v16 =	vadd.f32 v17, v16;
	v17 =	vmul.f32 v27, v24  }
0xce: {  	v30 =	vld [tilespmem:$0xB00]  }
0xcf: {  	v31 =	vperm.xlane v58, v3;
	v16 =	vadd.f32 v17, v16;
	v17 =	vmul.f32 v29, v26  }
0xd0: {  	v32 =	vld [tilespmem:$0xB10]  }
0xd1: {  	v33 =	vperm.xlane v58, v4;
	v16 =	vadd.f32 v17, v16;
	v17 =	vmul.f32 v31, v28  }
0xd2: {  	v34 =	vld [tilespmem:$0xB20]  }
0xd3: {  	v35 =	vperm.xlane v58, v5;
	v16 =	vadd.f32 v17, v16;
	v17 =	vmul.f32 v33, v30  }
0xd4: {  	v36 =	vld [tilespmem:$0xB30]  }
0xd5: {  	v37 =	vperm.xlane v58, v6;
	v16 =	vadd.f32 v17, v16;
	v17 =	vmul.f32 v35, v32  }
0xd6: {  	v38 =	vld [tilespmem:$0xB40]  }
0xd7: {  	v39 =	vperm.xlane v58, v7;
	v16 =	vadd.f32 v17, v16;
	v17 =	vmul.f32 v37, v34  }
0xd8: {  	v40 =	vld [tilespmem:$0xB50]  }
0xd9: {  	v41 =	vperm.xlane v58, v8;
	v16 =	vadd.f32 v17, v16;
	v17 =	vmul.f32 v39, v36  }
0xda: {  	v42 =	vld [tilespmem:$0xB60]  }
0xdb: {  	v43 =	vperm.xlane v58, v9;
	v16 =	vadd.f32 v17, v16;
	v17 =	vmul.f32 v41, v38  }
0xdc: {  	v44 =	vld [tilespmem:$0xB70]  }
0xdd: {  	v45 =	vperm.xlane v58, v10;
	v16 =	vadd.f32 v17, v16;
	v17 =	vmul.f32 v43, v40  }
0xde: {  	v46 =	vld [tilespmem:$0xB80]  }
0xdf: {  	v47 =	vperm.xlane v58, v11;
	v16 =	vadd.f32 v17, v16;
	v17 =	vmul.f32 v45, v42  }
0xe0: {  	v48 =	vld [tilespmem:$0xB90]  }
0xe1: {  	v49 =	vperm.xlane v58, v12;
	v16 =	vadd.f32 v17, v16;
	v17 =	vmul.f32 v47, v44  }
0xe2: {  	v50 =	vld [tilespmem:$0xBA0]  }
0xe3: {  	v52 =	vperm.xlane v58, v13;
	v51 =	vld [tilespmem:$0x904];
	v16 =	vadd.f32 v17, v16;
	v17 =	vmul.f32 v49, v46  }
0xe4: {  	v53 =	vld [tilespmem:$0xBB0]  }
0xe5: {  	v54 =	vperm.xlane v58, v14;
	v16 =	vadd.f32 v17, v16;
	v17 =	vmul.f32 v52, v48  }
0xe6: {  	v55 =	vld [tilespmem:$0xBC0]  }
0xe7: {  	v56 =	vperm.xlane v58, v15;
	v16 =	vadd.f32 v17, v16;
	v17 =	vmul.f32 v54, v50  }
0xe8: {  	v57 =	vld [tilespmem:$0xBD0]  }
0xe9: {  	v58 =	vperm.xlane v51, v12;
	v16 =	vadd.f32 v17, v16;
	v17 =	vmul.f32 v56, v53  }
0xea: {  	v59 =	vld [tilespmem:$0xBE0]  }
0xeb: {  	v60 =	vperm.xlane v51, v13;
	v16 =	vadd.f32 v17, v16;
	v17 =	vmul.f32 v58, v55  }
0xec: {  	v61 =	vld [tilespmem:$0xBF0]  }
0xed: {  	v62 =	vperm.xlane v51, v14;
	v16 =	vadd.f32 v17, v16;
	v17 =	vmul.f32 v60, v57;
	_ =	sdelay $0x1  }
0xee: {  	v63 =	vperm.xlane v51, v15;
	v16 =	vadd.f32 v17, v16;
	v17 =	vmul.f32 v62, v59;
	_ =	sdelay $0x1  }
0xef: {  	v16 =	vadd.f32 v17, v16;
	v17 =	vmul.f32 v63, v61;
	_ =	sdelay $0x1  }
0xf0: {  	v16 =	vadd.f32 v17, v16;
	_ =	sdelay $0x1  }
0xf1: {  	v16 =	vmax.f32 v16, $0.0e+00  }
0xf2: {  	v16 =	vnsel vm1, $0x0, v16  }
0xf3: {  	[tilespmem:$0xC80] =	vst v16  }
0xf4: {  	[spmem:s13] =	stream.linear.scatter [tilespmem:s21], [sflag:$0x3], $0x10, $0x38;
	[tilespmem:$0x22A8] =	vst v63  }
0xf5: {  	_ =	swait.ge [sflag:s18], $0x10  }
0xf6: {  	[sflag:s18] =	ssyncset.done $0x0  }
0xf7: {  	[sflag:s18] =	ssyncadd.s32 $0xFFFFFFF0  }
.LBB2_5:
.Ltmp4:
0xf8: {  	(pc) =	sbr.rel @!p1 .LBB2_7-.Ltmp4, $2  }
0xf9: {  	_ =	sdelay $0x1  }
0xfa: {  	[bflag:$0x0] =	sbarrier.arrive $0xFFFF;
	_ =	sdelay $0x1  }
0xfb: {  	[tilespmem:s22], [sflag:$0x3] =	stream.linear.gather [spmem:s4], $0x180, $0x38;
	[tilespmem:$0x22A8] =	vst v63  }
0xfc: {  	_ =	swait.ge [sflag:s18], $0x180  }
0xfd: {  	[sflag:s18] =	ssyncset.done $0x0  }
0xfe: {  	[sflag:s18] =	ssyncadd.s32 $0xFFFFFE80  }
0xff: {  	[tilespmem:s23], [sflag:$0x3] =	stream.linear.gather [hbm4b:s14+s5], $0x10, $0x38;
	[tilespmem:$0x22A8] =	vst v63  }
0x100: {  	_ =	swait.ge [sflag:s18], $0x10  }
0x101: {  	[sflag:s18] =	ssyncset.done $0x0  }
0x102: {  	[sflag:s18] =	ssyncadd.s32 $0xFFFFFFF0  }
0x103: {  	_ =	swait.ge [sflag:s24], $0x12C0  }
0x104: {  	[sflag:s24] =	ssyncset.done $0x0  }
0x105: {  	[sflag:s24] =	ssyncadd.s32 $0xFFFFED40  }
0x106: {  	v16 =	vld [tilespmem:$0xD00];
	_ =	sdelay $0x1  }
0x107: {  	v17 =	vld [tilespmem:$0xE80]  }
0x108: {  	v18 =	vld [tilespmem:$0x2180]  }
0x109: {  	v19 =	vld [tilespmem:$0xE90]  }
0x10a: {  	v20 =	vperm.xlane v16, v0  }
0x10b: {  	v21 =	vld [tilespmem:$0xEA0]  }
0x10c: {  	v42 =	vperm.xlane v16, v1;
	v17 =	vmul.f32 v20, v17  }
0x10d: {  	v22 =	vld [tilespmem:$0xEB0]  }
0x10e: {  	v44 =	vperm.xlane v16, v2;
	v43 =	vmul.f32 v42, v19;
	v17 =	vadd.f32 v17, v18  }
0x10f: {  	v45 =	vld [tilespmem:$0xEC0]  }
0x110: {  	v47 =	vperm.xlane v16, v3;
	v46 =	vmul.f32 v44, v21;
	v17 =	vadd.f32 v43, v17  }
0x111: {  	v48 =	vld [tilespmem:$0xED0]  }
0x112: {  	v50 =	vperm.xlane v16, v4;
	v49 =	vmul.f32 v47, v22;
	v17 =	vadd.f32 v46, v17  }
0x113: {  	v51 =	vld [tilespmem:$0xEE0]  }
0x114: {  	v53 =	vperm.xlane v16, v5;
	v52 =	vmul.f32 v50, v45;
	v17 =	vadd.f32 v49, v17  }
0x115: {  	v54 =	vld [tilespmem:$0xEF0]  }
0x116: {  	v56 =	vperm.xlane v16, v6;
	v55 =	vmul.f32 v53, v48;
	v17 =	vadd.f32 v52, v17  }
0x117: {  	v57 =	vld [tilespmem:$0xF00]  }
0x118: {  	v59 =	vperm.xlane v16, v7;
	v58 =	vmul.f32 v56, v51;
	v17 =	vadd.f32 v55, v17  }
0x119: {  	v60 =	vld [tilespmem:$0xF10]  }
0x11a: {  	v62 =	vperm.xlane v16, v8;
	v61 =	vmul.f32 v59, v54;
	v17 =	vadd.f32 v58, v17  }
0x11b: {  	v63 =	vld [tilespmem:$0xF20]  }
0x11c: {  	v25 =	vperm.xlane v16, v9;
	v24 =	vmul.f32 v62, v57;
	v17 =	vadd.f32 v61, v17  }
0x11d: {  	v26 =	vld [tilespmem:$0xF30]  }
0x11e: {  	v28 =	vperm.xlane v16, v10;
	v27 =	vmul.f32 v25, v60;
	v17 =	vadd.f32 v24, v17  }
0x11f: {  	v29 =	vld [tilespmem:$0xF40]  }
0x120: {  	v31 =	vperm.xlane v16, v11;
	v30 =	vmul.f32 v28, v63;
	v17 =	vadd.f32 v27, v17  }
0x121: {  	v32 =	vld [tilespmem:$0xF50]  }
0x122: {  	v34 =	vperm.xlane v16, v12;
	v33 =	vmul.f32 v31, v26;
	v17 =	vadd.f32 v30, v17  }
0x123: {  	v35 =	vld [tilespmem:$0xF60]  }
0x124: {  	v23 =	vld [tilespmem:$0xD10];
	v37 =	vperm.xlane v16, v13;
	v36 =	vmul.f32 v34, v29;
	v17 =	vadd.f32 v33, v17  }
0x125: {  	v38 =	vld [tilespmem:$0xF70]  }
0x126: {  	v40 =	vperm.xlane v16, v14;
	v39 =	vmul.f32 v37, v32;
	v17 =	vadd.f32 v36, v17  }
0x127: {  	v41 =	vld [tilespmem:$0xF80]  }
0x128: {  	v16 =	vperm.xlane v16, v15;
	v42 =	vmul.f32 v40, v35;
	v17 =	vadd.f32 v39, v17  }
0x129: {  	v43 =	vld [tilespmem:$0xF90]  }
0x12a: {  	v16 =	vmul.f32 v16, v38;
	v44 =	vperm.xlane v23, v0;
	v17 =	vadd.f32 v42, v17  }
0x12b: {  	v45 =	vld [tilespmem:$0xFA0]  }
0x12c: {  	v46 =	vperm.xlane v23, v1;
	v16 =	vadd.f32 v16, v17;
	v17 =	vmul.f32 v44, v41  }
0x12d: {  	v47 =	vld [tilespmem:$0xFB0]  }
0x12e: {  	v48 =	vperm.xlane v23, v2;
	v16 =	vadd.f32 v17, v16;
	v17 =	vmul.f32 v46, v43  }
0x12f: {  	v49 =	vld [tilespmem:$0xFC0]  }
0x130: {  	v50 =	vperm.xlane v23, v3;
	v16 =	vadd.f32 v17, v16;
	v17 =	vmul.f32 v48, v45  }
0x131: {  	v51 =	vld [tilespmem:$0xFD0]  }
0x132: {  	v52 =	vperm.xlane v23, v4;
	v16 =	vadd.f32 v17, v16;
	v17 =	vmul.f32 v50, v47  }
0x133: {  	v53 =	vld [tilespmem:$0xFE0]  }
0x134: {  	v54 =	vperm.xlane v23, v5;
	v16 =	vadd.f32 v17, v16;
	v17 =	vmul.f32 v52, v49  }
0x135: {  	v55 =	vld [tilespmem:$0xFF0]  }
0x136: {  	v56 =	vperm.xlane v23, v6;
	v16 =	vadd.f32 v17, v16;
	v17 =	vmul.f32 v54, v51  }
0x137: {  	v57 =	vld [tilespmem:$0x1000]  }
0x138: {  	v58 =	vperm.xlane v23, v7;
	v16 =	vadd.f32 v17, v16;
	v17 =	vmul.f32 v56, v53  }
0x139: {  	v59 =	vld [tilespmem:$0x1010]  }
0x13a: {  	v60 =	vperm.xlane v23, v8;
	v16 =	vadd.f32 v17, v16;
	v17 =	vmul.f32 v58, v55  }
0x13b: {  	v61 =	vld [tilespmem:$0x1020]  }
0x13c: {  	v62 =	vperm.xlane v23, v9;
	v16 =	vadd.f32 v17, v16;
	v17 =	vmul.f32 v60, v57  }
0x13d: {  	v63 =	vld [tilespmem:$0x1030]  }
0x13e: {  	v24 =	vperm.xlane v23, v10;
	v16 =	vadd.f32 v17, v16;
	v17 =	vmul.f32 v62, v59  }
0x13f: {  	v25 =	vld [tilespmem:$0x1040]  }
0x140: {  	v26 =	vperm.xlane v23, v11;
	v16 =	vadd.f32 v17, v16;
	v17 =	vmul.f32 v24, v61  }
0x141: {  	v27 =	vld [tilespmem:$0x1050]  }
0x142: {  	v28 =	vperm.xlane v23, v12;
	v16 =	vadd.f32 v17, v16;
	v17 =	vmul.f32 v26, v63  }
0x143: {  	v29 =	vld [tilespmem:$0x1060]  }
0x144: {  	v31 =	vperm.xlane v23, v13;
	v32 =	vld [tilespmem:$0x1070];
	v16 =	vadd.f32 v17, v16;
	v17 =	vmul.f32 v28, v25  }
0x145: {  	v30 =	vld [tilespmem:$0xD20]  }
0x146: {  	v33 =	vperm.xlane v23, v14;
	v16 =	vadd.f32 v17, v16;
	v17 =	vmul.f32 v31, v27  }
0x147: {  	v34 =	vld [tilespmem:$0x1080]  }
0x148: {  	v35 =	vperm.xlane v23, v15;
	v16 =	vadd.f32 v17, v16;
	v17 =	vmul.f32 v33, v29  }
0x149: {  	v36 =	vld [tilespmem:$0x1090]  }
0x14a: {  	v37 =	vperm.xlane v30, v0;
	v16 =	vadd.f32 v17, v16;
	v17 =	vmul.f32 v35, v32  }
0x14b: {  	v38 =	vld [tilespmem:$0x10A0]  }
0x14c: {  	v39 =	vperm.xlane v30, v1;
	v16 =	vadd.f32 v17, v16;
	v17 =	vmul.f32 v37, v34  }
0x14d: {  	v40 =	vld [tilespmem:$0x10B0]  }
0x14e: {  	v41 =	vperm.xlane v30, v2;
	v16 =	vadd.f32 v17, v16;
	v17 =	vmul.f32 v39, v36  }
0x14f: {  	v42 =	vld [tilespmem:$0x10C0]  }
0x150: {  	v43 =	vperm.xlane v30, v3;
	v16 =	vadd.f32 v17, v16;
	v17 =	vmul.f32 v41, v38  }
0x151: {  	v44 =	vld [tilespmem:$0x10D0]  }
0x152: {  	v45 =	vperm.xlane v30, v4;
	v16 =	vadd.f32 v17, v16;
	v17 =	vmul.f32 v43, v40  }
0x153: {  	v46 =	vld [tilespmem:$0x10E0]  }
0x154: {  	v47 =	vperm.xlane v30, v5;
	v16 =	vadd.f32 v17, v16;
	v17 =	vmul.f32 v45, v42  }
0x155: {  	v48 =	vld [tilespmem:$0x10F0]  }
0x156: {  	v49 =	vperm.xlane v30, v6;
	v16 =	vadd.f32 v17, v16;
	v17 =	vmul.f32 v47, v44  }
0x157: {  	v50 =	vld [tilespmem:$0x1100]  }
0x158: {  	v51 =	vperm.xlane v30, v7;
	v16 =	vadd.f32 v17, v16;
	v17 =	vmul.f32 v49, v46  }
0x159: {  	v52 =	vld [tilespmem:$0x1110]  }
0x15a: {  	v53 =	vperm.xlane v30, v8;
	v16 =	vadd.f32 v17, v16;
	v17 =	vmul.f32 v51, v48  }
0x15b: {  	v54 =	vld [tilespmem:$0x1120]  }
0x15c: {  	v55 =	vperm.xlane v30, v9;
	v16 =	vadd.f32 v17, v16;
	v17 =	vmul.f32 v53, v50  }
0x15d: {  	v56 =	vld [tilespmem:$0x1130]  }
0x15e: {  	v57 =	vperm.xlane v30, v10;
	v16 =	vadd.f32 v17, v16;
	v17 =	vmul.f32 v55, v52  }
0x15f: {  	v58 =	vld [tilespmem:$0x1140]  }
0x160: {  	v59 =	vperm.xlane v30, v11;
	v16 =	vadd.f32 v17, v16;
	v17 =	vmul.f32 v57, v54  }
0x161: {  	v60 =	vld [tilespmem:$0x1150]  }
0x162: {  	v61 =	vperm.xlane v30, v12;
	v16 =	vadd.f32 v17, v16;
	v17 =	vmul.f32 v59, v56  }
0x163: {  	v62 =	vld [tilespmem:$0x1160]  }
0x164: {  	v24 =	vperm.xlane v30, v13;
	v63 =	vld [tilespmem:$0xD30];
	v16 =	vadd.f32 v17, v16;
	v17 =	vmul.f32 v61, v58  }
0x165: {  	v25 =	vld [tilespmem:$0x1170]  }
0x166: {  	v26 =	vperm.xlane v30, v14;
	v16 =	vadd.f32 v17, v16;
	v17 =	vmul.f32 v24, v60  }
0x167: {  	v27 =	vld [tilespmem:$0x1180]  }
0x168: {  	v28 =	vperm.xlane v30, v15;
	v16 =	vadd.f32 v17, v16;
	v17 =	vmul.f32 v26, v62  }
0x169: {  	v29 =	vld [tilespmem:$0x1190]  }
0x16a: {  	v30 =	vperm.xlane v63, v0;
	v16 =	vadd.f32 v17, v16;
	v17 =	vmul.f32 v28, v25  }
0x16b: {  	v31 =	vld [tilespmem:$0x11A0]  }
0x16c: {  	v32 =	vperm.xlane v63, v1;
	v16 =	vadd.f32 v17, v16;
	v17 =	vmul.f32 v30, v27  }
0x16d: {  	v33 =	vld [tilespmem:$0x11B0]  }
0x16e: {  	v34 =	vperm.xlane v63, v2;
	v16 =	vadd.f32 v17, v16;
	v17 =	vmul.f32 v32, v29  }
0x16f: {  	v35 =	vld [tilespmem:$0x11C0]  }
0x170: {  	v36 =	vperm.xlane v63, v3;
	v16 =	vadd.f32 v17, v16;
	v17 =	vmul.f32 v34, v31  }
0x171: {  	v37 =	vld [tilespmem:$0x11D0]  }
0x172: {  	v38 =	vperm.xlane v63, v4;
	v16 =	vadd.f32 v17, v16;
	v17 =	vmul.f32 v36, v33  }
0x173: {  	v39 =	vld [tilespmem:$0x11E0]  }
0x174: {  	v40 =	vperm.xlane v63, v5;
	v16 =	vadd.f32 v17, v16;
	v17 =	vmul.f32 v38, v35  }
0x175: {  	v41 =	vld [tilespmem:$0x11F0]  }
0x176: {  	v42 =	vperm.xlane v63, v6;
	v16 =	vadd.f32 v17, v16;
	v17 =	vmul.f32 v40, v37  }
0x177: {  	v43 =	vld [tilespmem:$0x1200]  }
0x178: {  	v44 =	vperm.xlane v63, v7;
	v16 =	vadd.f32 v17, v16;
	v17 =	vmul.f32 v42, v39  }
0x179: {  	v45 =	vld [tilespmem:$0x1210]  }
0x17a: {  	v46 =	vperm.xlane v63, v8;
	v16 =	vadd.f32 v17, v16;
	v17 =	vmul.f32 v44, v41  }
0x17b: {  	v47 =	vld [tilespmem:$0x1220]  }
0x17c: {  	v48 =	vperm.xlane v63, v9;
	v16 =	vadd.f32 v17, v16;
	v17 =	vmul.f32 v46, v43  }
0x17d: {  	v49 =	vld [tilespmem:$0x1230]  }
0x17e: {  	v50 =	vperm.xlane v63, v10;
	v16 =	vadd.f32 v17, v16;
	v17 =	vmul.f32 v48, v45  }
0x17f: {  	v51 =	vld [tilespmem:$0x1240]  }
0x180: {  	v52 =	vperm.xlane v63, v11;
	v16 =	vadd.f32 v17, v16;
	v17 =	vmul.f32 v50, v47  }
0x181: {  	v53 =	vld [tilespmem:$0x1250]  }
0x182: {  	v54 =	vperm.xlane v63, v12;
	v16 =	vadd.f32 v17, v16;
	v17 =	vmul.f32 v52, v49  }
0x183: {  	v55 =	vld [tilespmem:$0x1260]  }
0x184: {  	v57 =	vperm.xlane v63, v13;
	v56 =	vld [tilespmem:$0xD40];
	v16 =	vadd.f32 v17, v16;
	v17 =	vmul.f32 v54, v51  }
0x185: {  	v58 =	vld [tilespmem:$0x1270]  }
0x186: {  	v59 =	vperm.xlane v63, v14;
	v16 =	vadd.f32 v17, v16;
	v17 =	vmul.f32 v57, v53  }
0x187: {  	v60 =	vld [tilespmem:$0x1280]  }
0x188: {  	v61 =	vperm.xlane v63, v15;
	v16 =	vadd.f32 v17, v16;
	v17 =	vmul.f32 v59, v55  }
0x189: {  	v62 =	vld [tilespmem:$0x1290]  }
0x18a: {  	v63 =	vperm.xlane v56, v0;
	v16 =	vadd.f32 v17, v16;
	v17 =	vmul.f32 v61, v58  }
0x18b: {  	v24 =	vld [tilespmem:$0x12A0]  }
0x18c: {  	v25 =	vperm.xlane v56, v1;
	v16 =	vadd.f32 v17, v16;
	v17 =	vmul.f32 v63, v60  }
0x18d: {  	v26 =	vld [tilespmem:$0x12B0]  }
0x18e: {  	v27 =	vperm.xlane v56, v2;
	v16 =	vadd.f32 v17, v16;
	v17 =	vmul.f32 v25, v62  }
0x18f: {  	v28 =	vld [tilespmem:$0x12C0]  }
0x190: {  	v29 =	vperm.xlane v56, v3;
	v16 =	vadd.f32 v17, v16;
	v17 =	vmul.f32 v27, v24  }
0x191: {  	v30 =	vld [tilespmem:$0x12D0]  }
0x192: {  	v31 =	vperm.xlane v56, v4;
	v16 =	vadd.f32 v17, v16;
	v17 =	vmul.f32 v29, v26  }
0x193: {  	v32 =	vld [tilespmem:$0x12E0]  }
0x194: {  	v33 =	vperm.xlane v56, v5;
	v16 =	vadd.f32 v17, v16;
	v17 =	vmul.f32 v31, v28  }
0x195: {  	v34 =	vld [tilespmem:$0x12F0]  }
0x196: {  	v35 =	vperm.xlane v56, v6;
	v16 =	vadd.f32 v17, v16;
	v17 =	vmul.f32 v33, v30  }
0x197: {  	v36 =	vld [tilespmem:$0x1300]  }
0x198: {  	v37 =	vperm.xlane v56, v7;
	v16 =	vadd.f32 v17, v16;
	v17 =	vmul.f32 v35, v32  }
0x199: {  	v38 =	vld [tilespmem:$0x1310]  }
0x19a: {  	v39 =	vperm.xlane v56, v8;
	v16 =	vadd.f32 v17, v16;
	v17 =	vmul.f32 v37, v34  }
0x19b: {  	v40 =	vld [tilespmem:$0x1320]  }
0x19c: {  	v41 =	vperm.xlane v56, v9;
	v16 =	vadd.f32 v17, v16;
	v17 =	vmul.f32 v39, v36  }
0x19d: {  	v42 =	vld [tilespmem:$0x1330]  }
0x19e: {  	v43 =	vperm.xlane v56, v10;
	v16 =	vadd.f32 v17, v16;
	v17 =	vmul.f32 v41, v38  }
0x19f: {  	v44 =	vld [tilespmem:$0x1340]  }
0x1a0: {  	v45 =	vperm.xlane v56, v11;
	v16 =	vadd.f32 v17, v16;
	v17 =	vmul.f32 v43, v40  }
0x1a1: {  	v46 =	vld [tilespmem:$0x1350]  }
0x1a2: {  	v47 =	vperm.xlane v56, v12;
	v16 =	vadd.f32 v17, v16;
	v17 =	vmul.f32 v45, v42  }
0x1a3: {  	v48 =	vld [tilespmem:$0x1360]  }
0x1a4: {  	v50 =	vperm.xlane v56, v13;
	v49 =	vld [tilespmem:$0xD50];
	v16 =	vadd.f32 v17, v16;
	v17 =	vmul.f32 v47, v44  }
0x1a5: {  	v51 =	vld [tilespmem:$0x1370]  }
0x1a6: {  	v52 =	vperm.xlane v56, v14;
	v16 =	vadd.f32 v17, v16;
	v17 =	vmul.f32 v50, v46  }
0x1a7: {  	v53 =	vld [tilespmem:$0x1380]  }
0x1a8: {  	v54 =	vperm.xlane v56, v15;
	v16 =	vadd.f32 v17, v16;
	v17 =	vmul.f32 v52, v48  }
0x1a9: {  	v55 =	vld [tilespmem:$0x1390]  }
0x1aa: {  	v56 =	vperm.xlane v49, v0;
	v16 =	vadd.f32 v17, v16;
	v17 =	vmul.f32 v54, v51  }
0x1ab: {  	v57 =	vld [tilespmem:$0x13A0]  }
0x1ac: {  	v58 =	vperm.xlane v49, v1;
	v16 =	vadd.f32 v17, v16;
	v17 =	vmul.f32 v56, v53  }
0x1ad: {  	v59 =	vld [tilespmem:$0x13B0]  }
0x1ae: {  	v60 =	vperm.xlane v49, v2;
	v16 =	vadd.f32 v17, v16;
	v17 =	vmul.f32 v58, v55  }
0x1af: {  	v61 =	vld [tilespmem:$0x13C0]  }
0x1b0: {  	v62 =	vperm.xlane v49, v3;
	v16 =	vadd.f32 v17, v16;
	v17 =	vmul.f32 v60, v57  }
0x1b1: {  	v63 =	vld [tilespmem:$0x13D0]  }
0x1b2: {  	v24 =	vperm.xlane v49, v4;
	v16 =	vadd.f32 v17, v16;
	v17 =	vmul.f32 v62, v59  }
0x1b3: {  	v25 =	vld [tilespmem:$0x13E0]  }
0x1b4: {  	v26 =	vperm.xlane v49, v5;
	v16 =	vadd.f32 v17, v16;
	v17 =	vmul.f32 v24, v61  }
0x1b5: {  	v27 =	vld [tilespmem:$0x13F0]  }
0x1b6: {  	v28 =	vperm.xlane v49, v6;
	v16 =	vadd.f32 v17, v16;
	v17 =	vmul.f32 v26, v63  }
0x1b7: {  	v29 =	vld [tilespmem:$0x1400]  }
0x1b8: {  	v30 =	vperm.xlane v49, v7;
	v16 =	vadd.f32 v17, v16;
	v17 =	vmul.f32 v28, v25  }
0x1b9: {  	v31 =	vld [tilespmem:$0x1410]  }
0x1ba: {  	v32 =	vperm.xlane v49, v8;
	v16 =	vadd.f32 v17, v16;
	v17 =	vmul.f32 v30, v27  }
0x1bb: {  	v33 =	vld [tilespmem:$0x1420]  }
0x1bc: {  	v34 =	vperm.xlane v49, v9;
	v16 =	vadd.f32 v17, v16;
	v17 =	vmul.f32 v32, v29  }
0x1bd: {  	v35 =	vld [tilespmem:$0x1430]  }
0x1be: {  	v36 =	vperm.xlane v49, v10;
	v16 =	vadd.f32 v17, v16;
	v17 =	vmul.f32 v34, v31  }
0x1bf: {  	v37 =	vld [tilespmem:$0x1440]  }
0x1c0: {  	v38 =	vperm.xlane v49, v11;
	v16 =	vadd.f32 v17, v16;
	v17 =	vmul.f32 v36, v33  }
0x1c1: {  	v39 =	vld [tilespmem:$0x1450]  }
0x1c2: {  	v40 =	vperm.xlane v49, v12;
	v16 =	vadd.f32 v17, v16;
	v17 =	vmul.f32 v38, v35  }
0x1c3: {  	v41 =	vld [tilespmem:$0x1460]  }
0x1c4: {  	v43 =	vperm.xlane v49, v13;
	v42 =	vld [tilespmem:$0xD60];
	v16 =	vadd.f32 v17, v16;
	v17 =	vmul.f32 v40, v37  }
0x1c5: {  	v44 =	vld [tilespmem:$0x1470]  }
0x1c6: {  	v45 =	vperm.xlane v49, v14;
	v16 =	vadd.f32 v17, v16;
	v17 =	vmul.f32 v43, v39  }
0x1c7: {  	v46 =	vld [tilespmem:$0x1480]  }
0x1c8: {  	v47 =	vperm.xlane v49, v15;
	v16 =	vadd.f32 v17, v16;
	v17 =	vmul.f32 v45, v41  }
0x1c9: {  	v48 =	vld [tilespmem:$0x1490]  }
0x1ca: {  	v49 =	vperm.xlane v42, v0;
	v16 =	vadd.f32 v17, v16;
	v17 =	vmul.f32 v47, v44  }
0x1cb: {  	v50 =	vld [tilespmem:$0x14A0]  }
0x1cc: {  	v51 =	vperm.xlane v42, v1;
	v16 =	vadd.f32 v17, v16;
	v17 =	vmul.f32 v49, v46  }
0x1cd: {  	v52 =	vld [tilespmem:$0x14B0]  }
0x1ce: {  	v53 =	vperm.xlane v42, v2;
	v16 =	vadd.f32 v17, v16;
	v17 =	vmul.f32 v51, v48  }
0x1cf: {  	v54 =	vld [tilespmem:$0x14C0]  }
0x1d0: {  	v55 =	vperm.xlane v42, v3;
	v16 =	vadd.f32 v17, v16;
	v17 =	vmul.f32 v53, v50  }
0x1d1: {  	v56 =	vld [tilespmem:$0x14D0]  }
0x1d2: {  	v57 =	vperm.xlane v42, v4;
	v16 =	vadd.f32 v17, v16;
	v17 =	vmul.f32 v55, v52  }
0x1d3: {  	v58 =	vld [tilespmem:$0x14E0]  }
0x1d4: {  	v59 =	vperm.xlane v42, v5;
	v16 =	vadd.f32 v17, v16;
	v17 =	vmul.f32 v57, v54  }
0x1d5: {  	v60 =	vld [tilespmem:$0x14F0]  }
0x1d6: {  	v61 =	vperm.xlane v42, v6;
	v16 =	vadd.f32 v17, v16;
	v17 =	vmul.f32 v59, v56  }
0x1d7: {  	v62 =	vld [tilespmem:$0x1500]  }
0x1d8: {  	v63 =	vperm.xlane v42, v7;
	v16 =	vadd.f32 v17, v16;
	v17 =	vmul.f32 v61, v58  }
0x1d9: {  	v24 =	vld [tilespmem:$0x1510]  }
0x1da: {  	v25 =	vperm.xlane v42, v8;
	v16 =	vadd.f32 v17, v16;
	v17 =	vmul.f32 v63, v60  }
0x1db: {  	v26 =	vld [tilespmem:$0x1520]  }
0x1dc: {  	v27 =	vperm.xlane v42, v9;
	v16 =	vadd.f32 v17, v16;
	v17 =	vmul.f32 v25, v62  }
0x1dd: {  	v28 =	vld [tilespmem:$0x1530]  }
0x1de: {  	v29 =	vperm.xlane v42, v10;
	v16 =	vadd.f32 v17, v16;
	v17 =	vmul.f32 v27, v24  }
0x1df: {  	v30 =	vld [tilespmem:$0x1540]  }
0x1e0: {  	v31 =	vperm.xlane v42, v11;
	v16 =	vadd.f32 v17, v16;
	v17 =	vmul.f32 v29, v26  }
0x1e1: {  	v32 =	vld [tilespmem:$0x1550]  }
0x1e2: {  	v33 =	vperm.xlane v42, v12;
	v16 =	vadd.f32 v17, v16;
	v17 =	vmul.f32 v31, v28  }
0x1e3: {  	v34 =	vld [tilespmem:$0x1560]  }
0x1e4: {  	v36 =	vperm.xlane v42, v13;
	v35 =	vld [tilespmem:$0xD70];
	v16 =	vadd.f32 v17, v16;
	v17 =	vmul.f32 v33, v30  }
0x1e5: {  	v37 =	vld [tilespmem:$0x1570]  }
0x1e6: {  	v38 =	vperm.xlane v42, v14;
	v16 =	vadd.f32 v17, v16;
	v17 =	vmul.f32 v36, v32  }
0x1e7: {  	v39 =	vld [tilespmem:$0x1580]  }
0x1e8: {  	v40 =	vperm.xlane v42, v15;
	v16 =	vadd.f32 v17, v16;
	v17 =	vmul.f32 v38, v34  }
0x1e9: {  	v41 =	vld [tilespmem:$0x1590]  }
0x1ea: {  	v42 =	vperm.xlane v35, v0;
	v16 =	vadd.f32 v17, v16;
	v17 =	vmul.f32 v40, v37  }
0x1eb: {  	v43 =	vld [tilespmem:$0x15A0]  }
0x1ec: {  	v44 =	vperm.xlane v35, v1;
	v16 =	vadd.f32 v17, v16;
	v17 =	vmul.f32 v42, v39  }
0x1ed: {  	v45 =	vld [tilespmem:$0x15B0]  }
0x1ee: {  	v46 =	vperm.xlane v35, v2;
	v16 =	vadd.f32 v17, v16;
	v17 =	vmul.f32 v44, v41  }
0x1ef: {  	v47 =	vld [tilespmem:$0x15C0]  }
0x1f0: {  	v48 =	vperm.xlane v35, v3;
	v16 =	vadd.f32 v17, v16;
	v17 =	vmul.f32 v46, v43  }
0x1f1: {  	v49 =	vld [tilespmem:$0x15D0]  }
0x1f2: {  	v50 =	vperm.xlane v35, v4;
	v16 =	vadd.f32 v17, v16;
	v17 =	vmul.f32 v48, v45  }
0x1f3: {  	v51 =	vld [tilespmem:$0x15E0]  }
0x1f4: {  	v52 =	vperm.xlane v35, v5;
	v16 =	vadd.f32 v17, v16;
	v17 =	vmul.f32 v50, v47  }
0x1f5: {  	v53 =	vld [tilespmem:$0x15F0]  }
0x1f6: {  	v54 =	vperm.xlane v35, v6;
	v16 =	vadd.f32 v17, v16;
	v17 =	vmul.f32 v52, v49  }
0x1f7: {  	v55 =	vld [tilespmem:$0x1600]  }
0x1f8: {  	v56 =	vperm.xlane v35, v7;
	v16 =	vadd.f32 v17, v16;
	v17 =	vmul.f32 v54, v51  }
0x1f9: {  	v57 =	vld [tilespmem:$0x1610]  }
0x1fa: {  	v58 =	vperm.xlane v35, v8;
	v16 =	vadd.f32 v17, v16;
	v17 =	vmul.f32 v56, v53  }
0x1fb: {  	v59 =	vld [tilespmem:$0x1620]  }
0x1fc: {  	v60 =	vperm.xlane v35, v9;
	v16 =	vadd.f32 v17, v16;
	v17 =	vmul.f32 v58, v55  }
0x1fd: {  	v61 =	vld [tilespmem:$0x1630]  }
0x1fe: {  	v62 =	vperm.xlane v35, v10;
	v16 =	vadd.f32 v17, v16;
	v17 =	vmul.f32 v60, v57  }
0x1ff: {  	v63 =	vld [tilespmem:$0x1640]  }
0x200: {  	v22 =	vperm.xlane v35, v11;
	v16 =	vadd.f32 v17, v16;
	v17 =	vmul.f32 v62, v59  }
0x201: {  	v24 =	vld [tilespmem:$0x1650]  }
0x202: {  	v25 =	vperm.xlane v35, v12;
	v16 =	vadd.f32 v17, v16;
	v17 =	vmul.f32 v22, v61  }
0x203: {  	v26 =	vld [tilespmem:$0x1660]  }
0x204: {  	v27 =	vld [tilespmem:$0xD80];
	v28 =	vperm.xlane v35, v13;
	v16 =	vadd.f32 v17, v16;
	v17 =	vmul.f32 v25, v63  }
0x205: {  	v29 =	vld [tilespmem:$0x1670]  }
0x206: {  	v30 =	vperm.xlane v35, v14;
	v16 =	vadd.f32 v17, v16;
	v17 =	vmul.f32 v28, v24  }
0x207: {  	v31 =	vld [tilespmem:$0x1680]  }
0x208: {  	v32 =	vperm.xlane v35, v15;
	v16 =	vadd.f32 v17, v16;
	v17 =	vmul.f32 v30, v26  }
0x209: {  	v33 =	vld [tilespmem:$0x1690]  }
0x20a: {  	v34 =	vperm.xlane v27, v0;
	v16 =	vadd.f32 v17, v16;
	v17 =	vmul.f32 v32, v29  }
0x20b: {  	v35 =	vld [tilespmem:$0x16A0]  }
0x20c: {  	v36 =	vperm.xlane v27, v1;
	v16 =	vadd.f32 v17, v16;
	v17 =	vmul.f32 v34, v31  }
0x20d: {  	v37 =	vld [tilespmem:$0x16B0]  }
0x20e: {  	v38 =	vperm.xlane v27, v2;
	v16 =	vadd.f32 v17, v16;
	v17 =	vmul.f32 v36, v33  }
0x20f: {  	v39 =	vld [tilespmem:$0x16C0]  }
0x210: {  	v40 =	vperm.xlane v27, v3;
	v16 =	vadd.f32 v17, v16;
	v17 =	vmul.f32 v38, v35  }
0x211: {  	v41 =	vld [tilespmem:$0x16D0]  }
0x212: {  	v42 =	vperm.xlane v27, v4;
	v16 =	vadd.f32 v17, v16;
	v17 =	vmul.f32 v40, v37  }
0x213: {  	v43 =	vld [tilespmem:$0x16E0]  }
0x214: {  	v44 =	vperm.xlane v27, v5;
	v16 =	vadd.f32 v17, v16;
	v17 =	vmul.f32 v42, v39  }
0x215: {  	v45 =	vld [tilespmem:$0x16F0]  }
0x216: {  	v46 =	vperm.xlane v27, v6;
	v16 =	vadd.f32 v17, v16;
	v17 =	vmul.f32 v44, v41  }
0x217: {  	v47 =	vld [tilespmem:$0x1700]  }
0x218: {  	v48 =	vperm.xlane v27, v7;
	v16 =	vadd.f32 v17, v16;
	v17 =	vmul.f32 v46, v43  }
0x219: {  	v49 =	vld [tilespmem:$0x1710]  }
0x21a: {  	v50 =	vperm.xlane v27, v8;
	v16 =	vadd.f32 v17, v16;
	v17 =	vmul.f32 v48, v45  }
0x21b: {  	v51 =	vld [tilespmem:$0x1720]  }
0x21c: {  	v52 =	vperm.xlane v27, v9;
	v16 =	vadd.f32 v17, v16;
	v17 =	vmul.f32 v50, v47  }
0x21d: {  	v53 =	vld [tilespmem:$0x1730]  }
0x21e: {  	v54 =	vperm.xlane v27, v10;
	v16 =	vadd.f32 v17, v16;
	v17 =	vmul.f32 v52, v49  }
0x21f: {  	v55 =	vld [tilespmem:$0x1740]  }
0x220: {  	v56 =	vperm.xlane v27, v11;
	v16 =	vadd.f32 v17, v16;
	v17 =	vmul.f32 v54, v51  }
0x221: {  	v57 =	vld [tilespmem:$0x1750]  }
0x222: {  	v58 =	vperm.xlane v27, v12;
	v16 =	vadd.f32 v17, v16;
	v17 =	vmul.f32 v56, v53  }
0x223: {  	v59 =	vld [tilespmem:$0x1760]  }
0x224: {  	v60 =	vld [tilespmem:$0xD90];
	v61 =	vperm.xlane v27, v13;
	v16 =	vadd.f32 v17, v16;
	v17 =	vmul.f32 v58, v55  }
0x225: {  	v62 =	vld [tilespmem:$0x1770]  }
0x226: {  	v63 =	vperm.xlane v27, v14;
	v16 =	vadd.f32 v17, v16;
	v17 =	vmul.f32 v61, v57  }
0x227: {  	v24 =	vld [tilespmem:$0x1780]  }
0x228: {  	v25 =	vperm.xlane v27, v15;
	v16 =	vadd.f32 v17, v16;
	v17 =	vmul.f32 v63, v59  }
0x229: {  	v26 =	vld [tilespmem:$0x1790]  }
0x22a: {  	v27 =	vperm.xlane v60, v0;
	v16 =	vadd.f32 v17, v16;
	v17 =	vmul.f32 v25, v62  }
0x22b: {  	v28 =	vld [tilespmem:$0x17A0]  }
0x22c: {  	v29 =	vperm.xlane v60, v1;
	v16 =	vadd.f32 v17, v16;
	v17 =	vmul.f32 v27, v24  }
0x22d: {  	v30 =	vld [tilespmem:$0x17B0]  }
0x22e: {  	v31 =	vperm.xlane v60, v2;
	v16 =	vadd.f32 v17, v16;
	v17 =	vmul.f32 v29, v26  }
0x22f: {  	v32 =	vld [tilespmem:$0x17C0]  }
0x230: {  	v33 =	vperm.xlane v60, v3;
	v16 =	vadd.f32 v17, v16;
	v17 =	vmul.f32 v31, v28  }
0x231: {  	v34 =	vld [tilespmem:$0x17D0]  }
0x232: {  	v35 =	vperm.xlane v60, v4;
	v16 =	vadd.f32 v17, v16;
	v17 =	vmul.f32 v33, v30  }
0x233: {  	v36 =	vld [tilespmem:$0x17E0]  }
0x234: {  	v37 =	vperm.xlane v60, v5;
	v16 =	vadd.f32 v17, v16;
	v17 =	vmul.f32 v35, v32  }
0x235: {  	v38 =	vld [tilespmem:$0x17F0]  }
0x236: {  	v39 =	vperm.xlane v60, v6;
	v16 =	vadd.f32 v17, v16;
	v17 =	vmul.f32 v37, v34  }
0x237: {  	v40 =	vld [tilespmem:$0x1800]  }
0x238: {  	v41 =	vperm.xlane v60, v7;
	v16 =	vadd.f32 v17, v16;
	v17 =	vmul.f32 v39, v36  }
0x239: {  	v42 =	vld [tilespmem:$0x1810]  }
0x23a: {  	v43 =	vperm.xlane v60, v8;
	v16 =	vadd.f32 v17, v16;
	v17 =	vmul.f32 v41, v38  }
0x23b: {  	v44 =	vld [tilespmem:$0x1820]  }
0x23c: {  	v45 =	vperm.xlane v60, v9;
	v16 =	vadd.f32 v17, v16;
	v17 =	vmul.f32 v43, v40  }
0x23d: {  	v46 =	vld [tilespmem:$0x1830]  }
0x23e: {  	v47 =	vperm.xlane v60, v10;
	v16 =	vadd.f32 v17, v16;
	v17 =	vmul.f32 v45, v42  }
0x23f: {  	v48 =	vld [tilespmem:$0x1840]  }
0x240: {  	v49 =	vperm.xlane v60, v11;
	v16 =	vadd.f32 v17, v16;
	v17 =	vmul.f32 v47, v44  }
0x241: {  	v50 =	vld [tilespmem:$0x1850]  }
0x242: {  	v51 =	vperm.xlane v60, v12;
	v16 =	vadd.f32 v17, v16;
	v17 =	vmul.f32 v49, v46  }
0x243: {  	v52 =	vld [tilespmem:$0x1860]  }
0x244: {  	v54 =	vperm.xlane v60, v13;
	v53 =	vld [tilespmem:$0xDA0];
	v16 =	vadd.f32 v17, v16;
	v17 =	vmul.f32 v51, v48  }
0x245: {  	v55 =	vld [tilespmem:$0x1870]  }
0x246: {  	v56 =	vperm.xlane v60, v14;
	v16 =	vadd.f32 v17, v16;
	v17 =	vmul.f32 v54, v50  }
0x247: {  	v57 =	vld [tilespmem:$0x1880]  }
0x248: {  	v58 =	vperm.xlane v60, v15;
	v16 =	vadd.f32 v17, v16;
	v17 =	vmul.f32 v56, v52  }
0x249: {  	v59 =	vld [tilespmem:$0x1890]  }
0x24a: {  	v60 =	vperm.xlane v53, v0;
	v16 =	vadd.f32 v17, v16;
	v17 =	vmul.f32 v58, v55  }
0x24b: {  	v61 =	vld [tilespmem:$0x18A0]  }
0x24c: {  	v62 =	vperm.xlane v53, v1;
	v16 =	vadd.f32 v17, v16;
	v17 =	vmul.f32 v60, v57  }
0x24d: {  	v63 =	vld [tilespmem:$0x18B0]  }
0x24e: {  	v24 =	vperm.xlane v53, v2;
	v16 =	vadd.f32 v17, v16;
	v17 =	vmul.f32 v62, v59  }
0x24f: {  	v25 =	vld [tilespmem:$0x18C0]  }
0x250: {  	v26 =	vperm.xlane v53, v3;
	v16 =	vadd.f32 v17, v16;
	v17 =	vmul.f32 v24, v61  }
0x251: {  	v27 =	vld [tilespmem:$0x18D0]  }
0x252: {  	v28 =	vperm.xlane v53, v4;
	v16 =	vadd.f32 v17, v16;
	v17 =	vmul.f32 v26, v63  }
0x253: {  	v29 =	vld [tilespmem:$0x18E0]  }
0x254: {  	v30 =	vperm.xlane v53, v5;
	v16 =	vadd.f32 v17, v16;
	v17 =	vmul.f32 v28, v25  }
0x255: {  	v31 =	vld [tilespmem:$0x18F0]  }
0x256: {  	v32 =	vperm.xlane v53, v6;
	v16 =	vadd.f32 v17, v16;
	v17 =	vmul.f32 v30, v27  }
0x257: {  	v33 =	vld [tilespmem:$0x1900]  }
0x258: {  	v34 =	vperm.xlane v53, v7;
	v16 =	vadd.f32 v17, v16;
	v17 =	vmul.f32 v32, v29  }
0x259: {  	v35 =	vld [tilespmem:$0x1910]  }
0x25a: {  	v36 =	vperm.xlane v53, v8;
	v16 =	vadd.f32 v17, v16;
	v17 =	vmul.f32 v34, v31  }
0x25b: {  	v37 =	vld [tilespmem:$0x1920]  }
0x25c: {  	v38 =	vperm.xlane v53, v9;
	v16 =	vadd.f32 v17, v16;
	v17 =	vmul.f32 v36, v33  }
0x25d: {  	v39 =	vld [tilespmem:$0x1930]  }
0x25e: {  	v40 =	vperm.xlane v53, v10;
	v16 =	vadd.f32 v17, v16;
	v17 =	vmul.f32 v38, v35  }
0x25f: {  	v41 =	vld [tilespmem:$0x1940]  }
0x260: {  	v42 =	vperm.xlane v53, v11;
	v16 =	vadd.f32 v17, v16;
	v17 =	vmul.f32 v40, v37  }
0x261: {  	v43 =	vld [tilespmem:$0x1950]  }
0x262: {  	v44 =	vperm.xlane v53, v12;
	v16 =	vadd.f32 v17, v16;
	v17 =	vmul.f32 v42, v39  }
0x263: {  	v45 =	vld [tilespmem:$0x1960]  }
0x264: {  	v47 =	vperm.xlane v53, v13;
	v46 =	vld [tilespmem:$0xDB0];
	v16 =	vadd.f32 v17, v16;
	v17 =	vmul.f32 v44, v41  }
0x265: {  	v48 =	vld [tilespmem:$0x1970]  }
0x266: {  	v49 =	vperm.xlane v53, v14;
	v16 =	vadd.f32 v17, v16;
	v17 =	vmul.f32 v47, v43  }
0x267: {  	v50 =	vld [tilespmem:$0x1980]  }
0x268: {  	v51 =	vperm.xlane v53, v15;
	v16 =	vadd.f32 v17, v16;
	v17 =	vmul.f32 v49, v45  }
0x269: {  	v52 =	vld [tilespmem:$0x1990]  }
0x26a: {  	v53 =	vperm.xlane v46, v0;
	v16 =	vadd.f32 v17, v16;
	v17 =	vmul.f32 v51, v48  }
0x26b: {  	v54 =	vld [tilespmem:$0x19A0]  }
0x26c: {  	v55 =	vperm.xlane v46, v1;
	v16 =	vadd.f32 v17, v16;
	v17 =	vmul.f32 v53, v50  }
0x26d: {  	v56 =	vld [tilespmem:$0x19B0]  }
0x26e: {  	v57 =	vperm.xlane v46, v2;
	v16 =	vadd.f32 v17, v16;
	v17 =	vmul.f32 v55, v52  }
0x26f: {  	v58 =	vld [tilespmem:$0x19C0]  }
0x270: {  	v59 =	vperm.xlane v46, v3;
	v16 =	vadd.f32 v17, v16;
	v17 =	vmul.f32 v57, v54  }
0x271: {  	v60 =	vld [tilespmem:$0x19D0]  }
0x272: {  	v61 =	vperm.xlane v46, v4;
	v16 =	vadd.f32 v17, v16;
	v17 =	vmul.f32 v59, v56  }
0x273: {  	v62 =	vld [tilespmem:$0x19E0]  }
0x274: {  	v63 =	vperm.xlane v46, v5;
	v16 =	vadd.f32 v17, v16;
	v17 =	vmul.f32 v61, v58  }
0x275: {  	v24 =	vld [tilespmem:$0x19F0]  }
0x276: {  	v25 =	vperm.xlane v46, v6;
	v16 =	vadd.f32 v17, v16;
	v17 =	vmul.f32 v63, v60  }
0x277: {  	v26 =	vld [tilespmem:$0x1A00]  }
0x278: {  	v27 =	vperm.xlane v46, v7;
	v16 =	vadd.f32 v17, v16;
	v17 =	vmul.f32 v25, v62  }
0x279: {  	v28 =	vld [tilespmem:$0x1A10]  }
0x27a: {  	v29 =	vperm.xlane v46, v8;
	v16 =	vadd.f32 v17, v16;
	v17 =	vmul.f32 v27, v24  }
0x27b: {  	v30 =	vld [tilespmem:$0x1A20]  }
0x27c: {  	v31 =	vperm.xlane v46, v9;
	v16 =	vadd.f32 v17, v16;
	v17 =	vmul.f32 v29, v26  }
0x27d: {  	v32 =	vld [tilespmem:$0x1A30]  }
0x27e: {  	v33 =	vperm.xlane v46, v10;
	v16 =	vadd.f32 v17, v16;
	v17 =	vmul.f32 v31, v28  }
0x27f: {  	v34 =	vld [tilespmem:$0x1A40]  }
0x280: {  	v35 =	vperm.xlane v46, v11;
	v16 =	vadd.f32 v17, v16;
	v17 =	vmul.f32 v33, v30  }
0x281: {  	v36 =	vld [tilespmem:$0x1A50]  }
0x282: {  	v37 =	vperm.xlane v46, v12;
	v16 =	vadd.f32 v17, v16;
	v17 =	vmul.f32 v35, v32  }
0x283: {  	v38 =	vld [tilespmem:$0x1A60]  }
0x284: {  	v40 =	vperm.xlane v46, v13;
	v39 =	vld [tilespmem:$0xDC0];
	v16 =	vadd.f32 v17, v16;
	v17 =	vmul.f32 v37, v34  }
0x285: {  	v41 =	vld [tilespmem:$0x1A70]  }
0x286: {  	v42 =	vperm.xlane v46, v14;
	v16 =	vadd.f32 v17, v16;
	v17 =	vmul.f32 v40, v36  }
0x287: {  	v43 =	vld [tilespmem:$0x1A80]  }
0x288: {  	v44 =	vperm.xlane v46, v15;
	v16 =	vadd.f32 v17, v16;
	v17 =	vmul.f32 v42, v38  }
0x289: {  	v45 =	vld [tilespmem:$0x1A90]  }
0x28a: {  	v46 =	vperm.xlane v39, v0;
	v16 =	vadd.f32 v17, v16;
	v17 =	vmul.f32 v44, v41  }
0x28b: {  	v47 =	vld [tilespmem:$0x1AA0]  }
0x28c: {  	v48 =	vperm.xlane v39, v1;
	v16 =	vadd.f32 v17, v16;
	v17 =	vmul.f32 v46, v43  }
0x28d: {  	v49 =	vld [tilespmem:$0x1AB0]  }
0x28e: {  	v50 =	vperm.xlane v39, v2;
	v16 =	vadd.f32 v17, v16;
	v17 =	vmul.f32 v48, v45  }
0x28f: {  	v51 =	vld [tilespmem:$0x1AC0]  }
0x290: {  	v52 =	vperm.xlane v39, v3;
	v16 =	vadd.f32 v17, v16;
	v17 =	vmul.f32 v50, v47  }
0x291: {  	v53 =	vld [tilespmem:$0x1AD0]  }
0x292: {  	v54 =	vperm.xlane v39, v4;
	v16 =	vadd.f32 v17, v16;
	v17 =	vmul.f32 v52, v49  }
0x293: {  	v55 =	vld [tilespmem:$0x1AE0]  }
0x294: {  	v56 =	vperm.xlane v39, v5;
	v16 =	vadd.f32 v17, v16;
	v17 =	vmul.f32 v54, v51  }
0x295: {  	v57 =	vld [tilespmem:$0x1AF0]  }
0x296: {  	v58 =	vperm.xlane v39, v6;
	v16 =	vadd.f32 v17, v16;
	v17 =	vmul.f32 v56, v53  }
0x297: {  	v59 =	vld [tilespmem:$0x1B00]  }
0x298: {  	v60 =	vperm.xlane v39, v7;
	v16 =	vadd.f32 v17, v16;
	v17 =	vmul.f32 v58, v55  }
0x299: {  	v61 =	vld [tilespmem:$0x1B10]  }
0x29a: {  	v62 =	vperm.xlane v39, v8;
	v16 =	vadd.f32 v17, v16;
	v17 =	vmul.f32 v60, v57  }
0x29b: {  	v63 =	vld [tilespmem:$0x1B20]  }
0x29c: {  	v23 =	vperm.xlane v39, v9;
	v16 =	vadd.f32 v17, v16;
	v17 =	vmul.f32 v62, v59  }
0x29d: {  	v24 =	vld [tilespmem:$0x1B30]  }
0x29e: {  	v25 =	vperm.xlane v39, v10;
	v16 =	vadd.f32 v17, v16;
	v17 =	vmul.f32 v23, v61  }
0x29f: {  	v26 =	vld [tilespmem:$0x1B40]  }
0x2a0: {  	v27 =	vperm.xlane v39, v11;
	v16 =	vadd.f32 v17, v16;
	v17 =	vmul.f32 v25, v63  }
0x2a1: {  	v28 =	vld [tilespmem:$0x1B50]  }
0x2a2: {  	v29 =	vperm.xlane v39, v12;
	v16 =	vadd.f32 v17, v16;
	v17 =	vmul.f32 v27, v24  }
0x2a3: {  	v30 =	vld [tilespmem:$0x1B60]  }
0x2a4: {  	v31 =	vld [tilespmem:$0xDD0];
	v32 =	vperm.xlane v39, v13;
	v16 =	vadd.f32 v17, v16;
	v17 =	vmul.f32 v29, v26  }
0x2a5: {  	v33 =	vld [tilespmem:$0x1B70]  }
0x2a6: {  	v34 =	vperm.xlane v39, v14;
	v16 =	vadd.f32 v17, v16;
	v17 =	vmul.f32 v32, v28  }
0x2a7: {  	v35 =	vld [tilespmem:$0x1B80]  }
0x2a8: {  	v36 =	vperm.xlane v39, v15;
	v16 =	vadd.f32 v17, v16;
	v17 =	vmul.f32 v34, v30  }
0x2a9: {  	v37 =	vld [tilespmem:$0x1B90]  }
0x2aa: {  	v38 =	vperm.xlane v31, v0;
	v16 =	vadd.f32 v17, v16;
	v17 =	vmul.f32 v36, v33  }
0x2ab: {  	v39 =	vld [tilespmem:$0x1BA0]  }
0x2ac: {  	v40 =	vperm.xlane v31, v1;
	v16 =	vadd.f32 v17, v16;
	v17 =	vmul.f32 v38, v35  }
0x2ad: {  	v41 =	vld [tilespmem:$0x1BB0]  }
0x2ae: {  	v42 =	vperm.xlane v31, v2;
	v16 =	vadd.f32 v17, v16;
	v17 =	vmul.f32 v40, v37  }
0x2af: {  	v43 =	vld [tilespmem:$0x1BC0]  }
0x2b0: {  	v44 =	vperm.xlane v31, v3;
	v16 =	vadd.f32 v17, v16;
	v17 =	vmul.f32 v42, v39  }
0x2b1: {  	v45 =	vld [tilespmem:$0x1BD0]  }
0x2b2: {  	v46 =	vperm.xlane v31, v4;
	v16 =	vadd.f32 v17, v16;
	v17 =	vmul.f32 v44, v41  }
0x2b3: {  	v47 =	vld [tilespmem:$0x1BE0]  }
0x2b4: {  	v48 =	vperm.xlane v31, v5;
	v16 =	vadd.f32 v17, v16;
	v17 =	vmul.f32 v46, v43  }
0x2b5: {  	v49 =	vld [tilespmem:$0x1BF0]  }
0x2b6: {  	v50 =	vperm.xlane v31, v6;
	v16 =	vadd.f32 v17, v16;
	v17 =	vmul.f32 v48, v45  }
0x2b7: {  	v51 =	vld [tilespmem:$0x1C00]  }
0x2b8: {  	v52 =	vperm.xlane v31, v7;
	v16 =	vadd.f32 v17, v16;
	v17 =	vmul.f32 v50, v47  }
0x2b9: {  	v53 =	vld [tilespmem:$0x1C10]  }
0x2ba: {  	v54 =	vperm.xlane v31, v8;
	v16 =	vadd.f32 v17, v16;
	v17 =	vmul.f32 v52, v49  }
0x2bb: {  	v55 =	vld [tilespmem:$0x1C20]  }
0x2bc: {  	v56 =	vperm.xlane v31, v9;
	v16 =	vadd.f32 v17, v16;
	v17 =	vmul.f32 v54, v51  }
0x2bd: {  	v57 =	vld [tilespmem:$0x1C30]  }
0x2be: {  	v58 =	vperm.xlane v31, v10;
	v16 =	vadd.f32 v17, v16;
	v17 =	vmul.f32 v56, v53  }
0x2bf: {  	v59 =	vld [tilespmem:$0x1C40]  }
0x2c0: {  	v60 =	vperm.xlane v31, v11;
	v16 =	vadd.f32 v17, v16;
	v17 =	vmul.f32 v58, v55  }
0x2c1: {  	v61 =	vld [tilespmem:$0x1C50]  }
0x2c2: {  	v62 =	vperm.xlane v31, v12;
	v16 =	vadd.f32 v17, v16;
	v17 =	vmul.f32 v60, v57  }
0x2c3: {  	v63 =	vld [tilespmem:$0x1C60]  }
0x2c4: {  	v25 =	vperm.xlane v31, v13;
	v24 =	vld [tilespmem:$0xDE0];
	v16 =	vadd.f32 v17, v16;
	v17 =	vmul.f32 v62, v59  }
0x2c5: {  	v26 =	vld [tilespmem:$0x1C70]  }
0x2c6: {  	v27 =	vperm.xlane v31, v14;
	v16 =	vadd.f32 v17, v16;
	v17 =	vmul.f32 v25, v61  }
0x2c7: {  	v28 =	vld [tilespmem:$0x1C80]  }
0x2c8: {  	v29 =	vperm.xlane v31, v15;
	v16 =	vadd.f32 v17, v16;
	v17 =	vmul.f32 v27, v63  }
0x2c9: {  	v30 =	vld [tilespmem:$0x1C90]  }
0x2ca: {  	v31 =	vperm.xlane v24, v0;
	v16 =	vadd.f32 v17, v16;
	v17 =	vmul.f32 v29, v26  }
0x2cb: {  	v32 =	vld [tilespmem:$0x1CA0]  }
0x2cc: {  	v33 =	vperm.xlane v24, v1;
	v16 =	vadd.f32 v17, v16;
	v17 =	vmul.f32 v31, v28  }
0x2cd: {  	v34 =	vld [tilespmem:$0x1CB0]  }
0x2ce: {  	v35 =	vperm.xlane v24, v2;
	v16 =	vadd.f32 v17, v16;
	v17 =	vmul.f32 v33, v30  }
0x2cf: {  	v36 =	vld [tilespmem:$0x1CC0]  }
0x2d0: {  	v37 =	vperm.xlane v24, v3;
	v16 =	vadd.f32 v17, v16;
	v17 =	vmul.f32 v35, v32  }
0x2d1: {  	v38 =	vld [tilespmem:$0x1CD0]  }
0x2d2: {  	v39 =	vperm.xlane v24, v4;
	v16 =	vadd.f32 v17, v16;
	v17 =	vmul.f32 v37, v34  }
0x2d3: {  	v40 =	vld [tilespmem:$0x1CE0]  }
0x2d4: {  	v41 =	vperm.xlane v24, v5;
	v16 =	vadd.f32 v17, v16;
	v17 =	vmul.f32 v39, v36  }
0x2d5: {  	v42 =	vld [tilespmem:$0x1CF0]  }
0x2d6: {  	v43 =	vperm.xlane v24, v6;
	v16 =	vadd.f32 v17, v16;
	v17 =	vmul.f32 v41, v38  }
0x2d7: {  	v44 =	vld [tilespmem:$0x1D00]  }
0x2d8: {  	v45 =	vperm.xlane v24, v7;
	v16 =	vadd.f32 v17, v16;
	v17 =	vmul.f32 v43, v40  }
0x2d9: {  	v46 =	vld [tilespmem:$0x1D10]  }
0x2da: {  	v47 =	vperm.xlane v24, v8;
	v16 =	vadd.f32 v17, v16;
	v17 =	vmul.f32 v45, v42  }
0x2db: {  	v48 =	vld [tilespmem:$0x1D20]  }
0x2dc: {  	v49 =	vperm.xlane v24, v9;
	v16 =	vadd.f32 v17, v16;
	v17 =	vmul.f32 v47, v44  }
0x2dd: {  	v50 =	vld [tilespmem:$0x1D30]  }
0x2de: {  	v51 =	vperm.xlane v24, v10;
	v16 =	vadd.f32 v17, v16;
	v17 =	vmul.f32 v49, v46  }
0x2df: {  	v52 =	vld [tilespmem:$0x1D40]  }
0x2e0: {  	v53 =	vperm.xlane v24, v11;
	v16 =	vadd.f32 v17, v16;
	v17 =	vmul.f32 v51, v48  }
0x2e1: {  	v54 =	vld [tilespmem:$0x1D50]  }
0x2e2: {  	v55 =	vperm.xlane v24, v12;
	v16 =	vadd.f32 v17, v16;
	v17 =	vmul.f32 v53, v50  }
0x2e3: {  	v56 =	vld [tilespmem:$0x1D60]  }
0x2e4: {  	v58 =	vperm.xlane v24, v13;
	v57 =	vld [tilespmem:$0xDF0];
	v16 =	vadd.f32 v17, v16;
	v17 =	vmul.f32 v55, v52  }
0x2e5: {  	v59 =	vld [tilespmem:$0x1D70]  }
0x2e6: {  	v60 =	vperm.xlane v24, v14;
	v16 =	vadd.f32 v17, v16;
	v17 =	vmul.f32 v58, v54  }
0x2e7: {  	v61 =	vld [tilespmem:$0x1D80]  }
0x2e8: {  	v62 =	vperm.xlane v24, v15;
	v16 =	vadd.f32 v17, v16;
	v17 =	vmul.f32 v60, v56  }
0x2e9: {  	v63 =	vld [tilespmem:$0x1D90]  }
0x2ea: {  	v24 =	vperm.xlane v57, v0;
	v16 =	vadd.f32 v17, v16;
	v17 =	vmul.f32 v62, v59  }
0x2eb: {  	v25 =	vld [tilespmem:$0x1DA0]  }
0x2ec: {  	v26 =	vperm.xlane v57, v1;
	v16 =	vadd.f32 v17, v16;
	v17 =	vmul.f32 v24, v61  }
0x2ed: {  	v27 =	vld [tilespmem:$0x1DB0]  }
0x2ee: {  	v28 =	vperm.xlane v57, v2;
	v16 =	vadd.f32 v17, v16;
	v17 =	vmul.f32 v26, v63  }
0x2ef: {  	v29 =	vld [tilespmem:$0x1DC0]  }
0x2f0: {  	v30 =	vperm.xlane v57, v3;
	v16 =	vadd.f32 v17, v16;
	v17 =	vmul.f32 v28, v25  }
0x2f1: {  	v31 =	vld [tilespmem:$0x1DD0]  }
0x2f2: {  	v32 =	vperm.xlane v57, v4;
	v16 =	vadd.f32 v17, v16;
	v17 =	vmul.f32 v30, v27  }
0x2f3: {  	v33 =	vld [tilespmem:$0x1DE0]  }
0x2f4: {  	v34 =	vperm.xlane v57, v5;
	v16 =	vadd.f32 v17, v16;
	v17 =	vmul.f32 v32, v29  }
0x2f5: {  	v35 =	vld [tilespmem:$0x1DF0]  }
0x2f6: {  	v36 =	vperm.xlane v57, v6;
	v16 =	vadd.f32 v17, v16;
	v17 =	vmul.f32 v34, v31  }
0x2f7: {  	v37 =	vld [tilespmem:$0x1E00]  }
0x2f8: {  	v38 =	vperm.xlane v57, v7;
	v16 =	vadd.f32 v17, v16;
	v17 =	vmul.f32 v36, v33  }
0x2f9: {  	v39 =	vld [tilespmem:$0x1E10]  }
0x2fa: {  	v40 =	vperm.xlane v57, v8;
	v16 =	vadd.f32 v17, v16;
	v17 =	vmul.f32 v38, v35  }
0x2fb: {  	v41 =	vld [tilespmem:$0x1E20]  }
0x2fc: {  	v42 =	vperm.xlane v57, v9;
	v16 =	vadd.f32 v17, v16;
	v17 =	vmul.f32 v40, v37  }
0x2fd: {  	v43 =	vld [tilespmem:$0x1E30]  }
0x2fe: {  	v44 =	vperm.xlane v57, v10;
	v16 =	vadd.f32 v17, v16;
	v17 =	vmul.f32 v42, v39  }
0x2ff: {  	v45 =	vld [tilespmem:$0x1E40]  }
0x300: {  	v46 =	vperm.xlane v57, v11;
	v16 =	vadd.f32 v17, v16;
	v17 =	vmul.f32 v44, v41  }
0x301: {  	v47 =	vld [tilespmem:$0x1E50]  }
0x302: {  	v48 =	vperm.xlane v57, v12;
	v16 =	vadd.f32 v17, v16;
	v17 =	vmul.f32 v46, v43  }
0x303: {  	v49 =	vld [tilespmem:$0x1E60]  }
0x304: {  	v51 =	vperm.xlane v57, v13;
	v50 =	vld [tilespmem:$0xE00];
	v16 =	vadd.f32 v17, v16;
	v17 =	vmul.f32 v48, v45  }
0x305: {  	v52 =	vld [tilespmem:$0x1E70]  }
0x306: {  	v53 =	vperm.xlane v57, v14;
	v16 =	vadd.f32 v17, v16;
	v17 =	vmul.f32 v51, v47  }
0x307: {  	v54 =	vld [tilespmem:$0x1E80]  }
0x308: {  	v55 =	vperm.xlane v57, v15;
	v16 =	vadd.f32 v17, v16;
	v17 =	vmul.f32 v53, v49  }
0x309: {  	v56 =	vld [tilespmem:$0x1E90]  }
0x30a: {  	v57 =	vperm.xlane v50, v0;
	v16 =	vadd.f32 v17, v16;
	v17 =	vmul.f32 v55, v52  }
0x30b: {  	v58 =	vld [tilespmem:$0x1EA0]  }
0x30c: {  	v59 =	vperm.xlane v50, v1;
	v16 =	vadd.f32 v17, v16;
	v17 =	vmul.f32 v57, v54  }
0x30d: {  	v60 =	vld [tilespmem:$0x1EB0]  }
0x30e: {  	v61 =	vperm.xlane v50, v2;
	v16 =	vadd.f32 v17, v16;
	v17 =	vmul.f32 v59, v56  }
0x30f: {  	v62 =	vld [tilespmem:$0x1EC0]  }
0x310: {  	v63 =	vperm.xlane v50, v3;
	v16 =	vadd.f32 v17, v16;
	v17 =	vmul.f32 v61, v58  }
0x311: {  	v24 =	vld [tilespmem:$0x1ED0]  }
0x312: {  	v25 =	vperm.xlane v50, v4;
	v16 =	vadd.f32 v17, v16;
	v17 =	vmul.f32 v63, v60  }
0x313: {  	v26 =	vld [tilespmem:$0x1EE0]  }
0x314: {  	v27 =	vperm.xlane v50, v5;
	v16 =	vadd.f32 v17, v16;
	v17 =	vmul.f32 v25, v62  }
0x315: {  	v28 =	vld [tilespmem:$0x1EF0]  }
0x316: {  	v29 =	vperm.xlane v50, v6;
	v16 =	vadd.f32 v17, v16;
	v17 =	vmul.f32 v27, v24  }
0x317: {  	v30 =	vld [tilespmem:$0x1F00]  }
0x318: {  	v31 =	vperm.xlane v50, v7;
	v16 =	vadd.f32 v17, v16;
	v17 =	vmul.f32 v29, v26  }
0x319: {  	v32 =	vld [tilespmem:$0x1F10]  }
0x31a: {  	v33 =	vperm.xlane v50, v8;
	v16 =	vadd.f32 v17, v16;
	v17 =	vmul.f32 v31, v28  }
0x31b: {  	v34 =	vld [tilespmem:$0x1F20]  }
0x31c: {  	v35 =	vperm.xlane v50, v9;
	v16 =	vadd.f32 v17, v16;
	v17 =	vmul.f32 v33, v30  }
0x31d: {  	v36 =	vld [tilespmem:$0x1F30]  }
0x31e: {  	v37 =	vperm.xlane v50, v10;
	v16 =	vadd.f32 v17, v16;
	v17 =	vmul.f32 v35, v32  }
0x31f: {  	v38 =	vld [tilespmem:$0x1F40]  }
0x320: {  	v39 =	vperm.xlane v50, v11;
	v16 =	vadd.f32 v17, v16;
	v17 =	vmul.f32 v37, v34  }
0x321: {  	v40 =	vld [tilespmem:$0x1F50]  }
0x322: {  	v41 =	vperm.xlane v50, v12;
	v16 =	vadd.f32 v17, v16;
	v17 =	vmul.f32 v39, v36  }
0x323: {  	v42 =	vld [tilespmem:$0x1F60]  }
0x324: {  	v44 =	vperm.xlane v50, v13;
	v43 =	vld [tilespmem:$0xE10];
	v16 =	vadd.f32 v17, v16;
	v17 =	vmul.f32 v41, v38  }
0x325: {  	v45 =	vld [tilespmem:$0x1F70]  }
0x326: {  	v46 =	vperm.xlane v50, v14;
	v16 =	vadd.f32 v17, v16;
	v17 =	vmul.f32 v44, v40  }
0x327: {  	v47 =	vld [tilespmem:$0x1F80]  }
0x328: {  	v48 =	vperm.xlane v50, v15;
	v16 =	vadd.f32 v17, v16;
	v17 =	vmul.f32 v46, v42  }
0x329: {  	v49 =	vld [tilespmem:$0x1F90]  }
0x32a: {  	v50 =	vperm.xlane v43, v0;
	v16 =	vadd.f32 v17, v16;
	v17 =	vmul.f32 v48, v45  }
0x32b: {  	v51 =	vld [tilespmem:$0x1FA0]  }
0x32c: {  	v52 =	vperm.xlane v43, v1;
	v16 =	vadd.f32 v17, v16;
	v17 =	vmul.f32 v50, v47  }
0x32d: {  	v53 =	vld [tilespmem:$0x1FB0]  }
0x32e: {  	v54 =	vperm.xlane v43, v2;
	v16 =	vadd.f32 v17, v16;
	v17 =	vmul.f32 v52, v49  }
0x32f: {  	v55 =	vld [tilespmem:$0x1FC0]  }
0x330: {  	v56 =	vperm.xlane v43, v3;
	v16 =	vadd.f32 v17, v16;
	v17 =	vmul.f32 v54, v51  }
0x331: {  	v57 =	vld [tilespmem:$0x1FD0]  }
0x332: {  	v58 =	vperm.xlane v43, v4;
	v16 =	vadd.f32 v17, v16;
	v17 =	vmul.f32 v56, v53  }
0x333: {  	v59 =	vld [tilespmem:$0x1FE0]  }
0x334: {  	v60 =	vperm.xlane v43, v5;
	v16 =	vadd.f32 v17, v16;
	v17 =	vmul.f32 v58, v55  }
0x335: {  	v61 =	vld [tilespmem:$0x1FF0]  }
0x336: {  	v62 =	vperm.xlane v43, v6;
	v16 =	vadd.f32 v17, v16;
	v17 =	vmul.f32 v60, v57  }
0x337: {  	v63 =	vld [tilespmem:$0x2000]  }
0x338: {  	v22 =	vperm.xlane v43, v7;
	v16 =	vadd.f32 v17, v16;
	v17 =	vmul.f32 v62, v59  }
0x339: {  	v24 =	vld [tilespmem:$0x2010]  }
0x33a: {  	v25 =	vperm.xlane v43, v8;
	v16 =	vadd.f32 v17, v16;
	v17 =	vmul.f32 v22, v61  }
0x33b: {  	v26 =	vld [tilespmem:$0x2020]  }
0x33c: {  	v27 =	vperm.xlane v43, v9;
	v16 =	vadd.f32 v17, v16;
	v17 =	vmul.f32 v25, v63  }
0x33d: {  	v28 =	vld [tilespmem:$0x2030]  }
0x33e: {  	v29 =	vperm.xlane v43, v10;
	v16 =	vadd.f32 v17, v16;
	v17 =	vmul.f32 v27, v24  }
0x33f: {  	v30 =	vld [tilespmem:$0x2040]  }
0x340: {  	v31 =	vperm.xlane v43, v11;
	v16 =	vadd.f32 v17, v16;
	v17 =	vmul.f32 v29, v26  }
0x341: {  	v32 =	vld [tilespmem:$0x2050]  }
0x342: {  	v33 =	vperm.xlane v43, v12;
	v16 =	vadd.f32 v17, v16;
	v17 =	vmul.f32 v31, v28  }
0x343: {  	v34 =	vld [tilespmem:$0x2060]  }
0x344: {  	v35 =	vld [tilespmem:$0xE20];
	v36 =	vperm.xlane v43, v13;
	v16 =	vadd.f32 v17, v16;
	v17 =	vmul.f32 v33, v30  }
0x345: {  	v37 =	vld [tilespmem:$0x2070]  }
0x346: {  	v38 =	vperm.xlane v43, v14;
	v16 =	vadd.f32 v17, v16;
	v17 =	vmul.f32 v36, v32  }
0x347: {  	v39 =	vld [tilespmem:$0x2080]  }
0x348: {  	v40 =	vperm.xlane v43, v15;
	v16 =	vadd.f32 v17, v16;
	v17 =	vmul.f32 v38, v34  }
0x349: {  	v41 =	vld [tilespmem:$0x2090]  }
0x34a: {  	v42 =	vperm.xlane v35, v0;
	v16 =	vadd.f32 v17, v16;
	v17 =	vmul.f32 v40, v37  }
0x34b: {  	v43 =	vld [tilespmem:$0x20A0]  }
0x34c: {  	v44 =	vperm.xlane v35, v1;
	v16 =	vadd.f32 v17, v16;
	v17 =	vmul.f32 v42, v39  }
0x34d: {  	v45 =	vld [tilespmem:$0x20B0]  }
0x34e: {  	v46 =	vperm.xlane v35, v2;
	v16 =	vadd.f32 v17, v16;
	v17 =	vmul.f32 v44, v41  }
0x34f: {  	v47 =	vld [tilespmem:$0x20C0]  }
0x350: {  	v48 =	vperm.xlane v35, v3;
	v16 =	vadd.f32 v17, v16;
	v17 =	vmul.f32 v46, v43  }
0x351: {  	v49 =	vld [tilespmem:$0x20D0]  }
0x352: {  	v50 =	vperm.xlane v35, v4;
	v16 =	vadd.f32 v17, v16;
	v17 =	vmul.f32 v48, v45  }
0x353: {  	v51 =	vld [tilespmem:$0x20E0]  }
0x354: {  	v52 =	vperm.xlane v35, v5;
	v16 =	vadd.f32 v17, v16;
	v17 =	vmul.f32 v50, v47  }
0x355: {  	v53 =	vld [tilespmem:$0x20F0]  }
0x356: {  	v54 =	vperm.xlane v35, v6;
	v16 =	vadd.f32 v17, v16;
	v17 =	vmul.f32 v52, v49  }
0x357: {  	v55 =	vld [tilespmem:$0x2100]  }
0x358: {  	v56 =	vperm.xlane v35, v7;
	v16 =	vadd.f32 v17, v16;
	v17 =	vmul.f32 v54, v51  }
0x359: {  	v57 =	vld [tilespmem:$0x2110]  }
0x35a: {  	v58 =	vperm.xlane v35, v8;
	v16 =	vadd.f32 v17, v16;
	v17 =	vmul.f32 v56, v53  }
0x35b: {  	v59 =	vld [tilespmem:$0x2120]  }
0x35c: {  	v60 =	vperm.xlane v35, v9;
	v16 =	vadd.f32 v17, v16;
	v17 =	vmul.f32 v58, v55  }
0x35d: {  	v61 =	vld [tilespmem:$0x2130]  }
0x35e: {  	v62 =	vperm.xlane v35, v10;
	v16 =	vadd.f32 v17, v16;
	v17 =	vmul.f32 v60, v57;
	_ =	sdelay $0x1  }
0x35f: {  	v63 =	vperm.xlane v35, v11;
	v16 =	vadd.f32 v17, v16;
	v17 =	vmul.f32 v62, v59;
	_ =	sdelay $0x1  }
0x360: {  	v16 =	vadd.f32 v17, v16;
	v17 =	vmul.f32 v63, v61;
	_ =	sdelay $0x1  }
0x361: {  	v16 =	vadd.f32 v17, v16;
	_ =	sdelay $0x1  }
.Ltmp5:
0x362: {  	[tilespmem:$0x2200] =	vst v16;
	(pc) =	sbr.rel .LBB2_7-.Ltmp5, $4  }
0x363: {  	[hbm4b:s15+s5] =	stream.linear.scatter [tilespmem:s25], [sflag:$0x3], $0x10, $0x38;
	[tilespmem:$0x22A8] =	vst v63  }
0x364: {  	_ =	swait.ge [sflag:s18], $0x10  }
0x365: {  	[sflag:s18] =	ssyncset.done $0x0  }
0x366: {  	[sflag:s18] =	ssyncadd.s32 $0xFFFFFFF0  }
.LBB2_8:
0x367: {  	_ =	sfence.sel $0x180000  }
0x368: {  	[bflag:$0x0] =	sbarrier.arrive $0xFFFF  }
0x369: {  	p0 =	sne.s32 s3, $0x0;
	_ =	strace $0x90000047  }
0x36a: {  	s0 =	sadd.s32 @!p0 $0x100000, s0;
	[bflag:$0x2] =	sbarrier.arrive $0xFFFF  }
0x36b: {  	[sflag:s0] =	ssyncadd.tile.s32 @!p0 $0x1;
	_ =	shalt  }
.Lfunc_end2:
_tile_overlayer_lowered:
.L_overlay_start_2:
0x36c: {  	(tag) =	ssettag $0x2  }
0x36d: {  	s0 =	rddreg [dreg:$0x0];
	s2 =	stileid.u32  }
0x36e: {  	s1 =	rddreg [dreg:$0x1];
	p0 =	sne.s32 s2, $0x0  }
0x36f: {  	s3 =	rddreg [dreg:$0x2];
	[bflag:$0x3] =	sbarrier.arrive $0xFFFF;
	s2 =	simm.s32 @!p0 $0x1C03  }
0x370: {  	[timem:s3], [sflag:s2] =	dma.local @!p0 [hbm:s0], s1  }
0x371: {  	s0 =	simm.s32 @!p0 $0x3  }
0x372: {  	_ =	swait.ge @!p0 [sflag:s0], s1  }
0x373: {  	s1 =	ssub.s32 @!p0 $0x0, s1;
	[sflag:s0] =	ssyncset.done @!p0 $0x0  }
0x374: {  	[sflag:s0] =	ssyncadd.s32 @!p0 s1  }
0x375: {  	[bflag:$0x3] =	sbarrier.arrive $0xFFFF  }
0x376: {  	_ =	shalt  }

</sc_bundles>
